<compile_context>
chip_gen: v7x
topology: tpu7x:2x2x1
jax: 0.10.2.dev20260603
libtpu: 0.0.44.dev20260713+nightly
codegen_flags: <defaults>
</compile_context>

<pallas_src>
import jax
import jax.numpy as jnp
from jax.experimental import pallas as pl
from jax.experimental.pallas import tpu as pltpu
from jax.experimental.pallas import tpu_sc as plsc

EPS = 1e-12
GR = 64
ROWS = 1024
SIZES = (10, 10, 10, 10, 10)


def _sc_gather(table, idx):
    m = idx.shape[1]
    dim = table.shape[1]

    @pl.kernel(
        out_type=jax.ShapeDtypeStruct((m, dim), table.dtype),
        mesh=plsc.VectorSubcoreMesh(core_axis_name="core",
                                    subcore_axis_name="subcore"),
    )
    def k(tab_hbm, i_hbm, o_hbm):
        def body(indices, i_vmem, o_vmem):
            (step,) = indices
            base = (step % 2) * GR
            pltpu.sync_copy(tab_hbm.at[i_vmem.at[0, pl.ds(base, GR)]], o_vmem)

        pltpu.emit_pipeline(
            body,
            grid=(m // GR,),
            in_specs=[pl.BlockSpec((1, 2 * GR), index_map=lambda i: (0, i // 2))],
            out_specs=[pl.BlockSpec((GR, dim), index_map=lambda i: (i, 0))],
            core_axis_name=("core", "subcore"),
            dimension_semantics=(pltpu.PARALLEL,),
            _explicit_indices=True,
        )(i_hbm, o_hbm)

    return k(table, idx)


def _tc_layernorm_chunk(x, pos, gamma, beta, carry, b, sig, sig_chunk, dim,
                        s_off):
    nblocks = (sig_chunk * b) // ROWS
    per_band = b // ROWS

    def body(x_ref, p_ref, g_ref, bt_ref, *rest):
        o_ref = rest[-1]
        v = x_ref[...] + p_ref[0]
        s1 = jnp.sum(v, axis=-1, keepdims=True)
        s2 = jnp.sum(v * v, axis=-1, keepdims=True)
        mean = s1 * (1.0 / dim)
        var = s2 * (1.0 / dim) - mean * mean
        inv = jax.lax.rsqrt(var + EPS)
        y = (v - mean) * inv * g_ref[...] + bt_ref[...]
        o_ref[...] = y.reshape(1, ROWS, dim)

    in_specs = [
        pl.BlockSpec((ROWS, dim), lambda i: (i, 0)),
        pl.BlockSpec((1, 1, dim), lambda i: (s_off + i // per_band, 0, 0)),
        pl.BlockSpec((1, dim), lambda i: (0, 0)),
        pl.BlockSpec((1, dim), lambda i: (0, 0)),
    ]
    args = [x, pos, gamma, beta]
    aliases = {}
    if carry is not None:
        in_specs.append(pl.BlockSpec(memory_space=pltpu.MemorySpace.HBM))
        args.append(carry)
        aliases = {4: 0}

    return pl.pallas_call(
        body,
        grid=(nblocks,),
        in_specs=in_specs,
        out_specs=pl.BlockSpec(
            (1, ROWS, dim),
            lambda i: (s_off + i // per_band, i % per_band, 0)),
        out_shape=jax.ShapeDtypeStruct((sig, b, dim), jnp.float32),
        input_output_aliases=aliases,
    )(*args)


def kernel(news_batch, word_embeddings, pos_embedding, gamma, beta):
    b, sig = news_batch.shape
    vocab, dim = word_embeddings.shape
    pos2 = pos_embedding.reshape(sig, 1, dim)
    g2 = gamma.reshape(1, dim)
    b2 = beta.reshape(1, dim)

    idx_t = news_batch.T.astype(jnp.int32)
    offs = [sum(SIZES[:c]) for c in range(len(SIZES))]
    gathers = []
    for c, sz in enumerate(SIZES):
        idx = idx_t[offs[c]:offs[c] + sz].reshape(1, sz * b)
        gathers.append(_sc_gather(word_embeddings, idx))

    out = None
    for c, sz in enumerate(SIZES):
        out = _tc_layernorm_chunk(gathers[c], pos2, g2, b2, out,
                                  b, sig, sz, dim, offs[c])
    return out.transpose(1, 0, 2)

# --- scband reference (transcript-rebuilt; emitter-appended) ---
"""Pipeline reference for scband-bert-embedding-12652973654394 (READ-ONLY COPY).

The authoritative reference and input builder live on the scoring server;
editing this copy changes nothing except your own understanding.
"""

import jax, jax.numpy as jnp
import numpy as np

VOCAB = 30522
DIM = 768
SIG = 50
B = 1024
EPS = 1e-12


def setup_inputs(seed: int = 0) -> dict:
    key = jax.random.key(seed)
    k1, k2, k3, k4, k5 = jax.random.split(key, 5)
    news_batch = jax.random.randint(k1, (B, SIG), 0, VOCAB)
    word_embeddings = jax.random.normal(k2, (VOCAB, DIM), dtype=jnp.float32) * 0.02
    pos_embedding = jax.random.normal(k3, (1, SIG, DIM), dtype=jnp.float32) * 0.02
    gamma = jnp.ones((DIM,), dtype=jnp.float32)
    beta = jnp.zeros((DIM,), dtype=jnp.float32)
    return {
        "news_batch": news_batch,
        "word_embeddings": word_embeddings,
        "pos_embedding": pos_embedding,
        "gamma": gamma,
        "beta": beta,
    }


def reference(news_batch, word_embeddings, pos_embedding, gamma, beta):
    # word embedding lookup (gather)
    word_embeds = jnp.take(word_embeddings, news_batch, axis=0)  # [B, SIG, DIM]
    # add position embedding (broadcast over batch)
    x = pos_embedding + word_embeds
    # LayerNorm over last dim (BERT eps = 1e-12)
    mean = jnp.mean(x, axis=-1, keepdims=True)
    var = jnp.mean(jnp.square(x - mean), axis=-1, keepdims=True)
    y = (x - mean) / jnp.sqrt(var + EPS)
    y = y * gamma + beta
    # dropout is identity in eval mode
    return y

if __name__ == "__main__":
    import jax
    _d = setup_inputs()
    print(jax.jit(kernel)(*tuple(_d.values())))

</pallas_src>

<mosaic_0001>
#map = affine_map<(d0, d1) -> (0, 0)>
module attributes {stable_mosaic.version = 14 : i64} {
  func.func @k(%arg0: i32, %arg1: i32, %arg2: memref<30522x768xf32, #tpu.memory_space<hbm>>, %arg3: memref<1x10240xi32, #tpu.memory_space<hbm>>, %arg4: memref<10240x768xf32, #tpu.memory_space<hbm>>) attributes {dimension_semantics = [#tpu.dimension_semantics<core_parallel>, #tpu.dimension_semantics<subcore_parallel>], iteration_bounds = array<i64: 2, 16>, scalar_prefetch = 0 : i64, scratch_operands = 0 : i64, tpu.core_type = #tpu.core_type<sc_vector_subcore>, window_params = [{transform_indices = #map}, {transform_indices = #map}, {transform_indices = #map}]} {
    %mul3A = arith.constant 1 : i32
    %mul3A_0 = arith.muli %arg1, %mul3A : i32
    %add3A = arith.constant 0 : i32
    %add3A_1 = arith.addi %add3A, %mul3A_0 : i32
    %mul3A_2 = arith.constant 16 : i32
    %mul3A_3 = arith.muli %arg0, %mul3A_2 : i32
    %add3A_4 = arith.addi %add3A_1, %mul3A_3 : i32
    %mul3A_5 = arith.constant 5 : i32
    %mul3A_6 = arith.muli %add3A_4, %mul3A_5 : i32
    "tpu.region"() ({
      %run_scoped3A = memref.alloca() : memref<2x1x128xi32, #tpu.memory_space<vmem>>
      %run_scoped3A_7 = tpu.sem_alloc : memref<2x!tpu.dma_semaphore, #tpu.memory_space<semaphore_mem>>
      %run_scoped3A_8 = memref.alloca() : memref<2x64x768xf32, #tpu.memory_space<vmem>>
      %run_scoped3A_9 = tpu.sem_alloc : memref<2x!tpu.dma_semaphore, #tpu.memory_space<semaphore_mem>>
      %add3A_10 = arith.constant 0 : i32
      %add3A_11 = arith.addi %add3A_10, %mul3A_6 : i32
      %select_n3A = arith.constant true
      %select_n3A_12 = arith.constant 0 : i32
      %select_n3A_13 = arith.constant -1 : i32
      %select_n3A_14 = arith.select %select_n3A, %select_n3A_13, %select_n3A_12 : i32
      %eq3A = arith.constant -1 : i32
      %eq3A_15 = arith.cmpi eq, %select_n3A_14, %eq3A : i32
      %select_n3A_16 = arith.constant 4 : i32
      %select_n3A_17 = arith.select %eq3A_15, %select_n3A_16, %select_n3A_14 : i32
      %add3A_18 = arith.addi %select_n3A_17, %mul3A_6 : i32
      %select_n3A_19 = arith.constant true
      %select_n3A_20 = arith.constant 0 : i32
      %select_n3A_21 = arith.constant 1 : i32
      %select_n3A_22 = arith.select %select_n3A_19, %select_n3A_21, %select_n3A_20 : i32
      %eq3A_23 = arith.constant 5 : i32
      %eq3A_24 = arith.cmpi eq, %select_n3A_22, %eq3A_23 : i32
      %select_n3A_25 = arith.constant 0 : i32
      %select_n3A_26 = arith.select %eq3A_24, %select_n3A_25, %select_n3A_22 : i32
      %add3A_27 = arith.addi %select_n3A_26, %mul3A_6 : i32
      %add3A_28 = arith.constant 1 : i32
      %add3A_29 = arith.addi %select_n3A_26, %add3A_28 : i32
      %select_n3A_30 = arith.constant true
      %select_n3A_31 = arith.select %select_n3A_30, %add3A_29, %select_n3A_26 : i32
      %eq3A_32 = arith.constant 5 : i32
      %eq3A_33 = arith.cmpi eq, %select_n3A_31, %eq3A_32 : i32
      %select_n3A_34 = arith.constant 0 : i32
      %select_n3A_35 = arith.select %eq3A_33, %select_n3A_34, %select_n3A_31 : i32
      %add3A_36 = arith.addi %select_n3A_35, %mul3A_6 : i32
      "tpu.trace_start"() <{level = 10 : i32, message = "ep_initialize_0"}> : () -> ()
      %rem3A = arith.constant 0 : i32
      %rem3A_37 = arith.constant 2 : i32
      %rem3A_38 = arith.remui %rem3A, %rem3A_37 : i32
      %jit3A = arith.constant 2 : i32
      %div3A = arith.divsi %add3A_11, %jit3A : i32
      %sign3A = arith.constant 0 : i32
      %sign3A_39 = arith.cmpi sgt, %add3A_11, %sign3A : i32
      %sign3A_40 = arith.extui %sign3A_39 : i1 to i32
      %sign3A_41 = arith.constant 0 : i32
      %sign3A_42 = arith.cmpi slt, %add3A_11, %sign3A_41 : i32
      %sign3A_43 = arith.extui %sign3A_42 : i1 to i32
      %sign3A_44 = arith.subi %sign3A_40, %sign3A_43 : i32
      %sign3A_45 = arith.constant 0 : i32
      %sign3A_46 = arith.cmpi sgt, %jit3A, %sign3A_45 : i32
      %sign3A_47 = arith.extui %sign3A_46 : i1 to i32
      %sign3A_48 = arith.constant 0 : i32
      %sign3A_49 = arith.cmpi slt, %jit3A, %sign3A_48 : i32
      %sign3A_50 = arith.extui %sign3A_49 : i1 to i32
      %sign3A_51 = arith.subi %sign3A_47, %sign3A_50 : i32
      %ne3A = arith.cmpi ne, %sign3A_44, %sign3A_51 : i32
      %rem3A_52 = arith.remsi %add3A_11, %jit3A : i32
      %ne3A_53 = arith.constant 0 : i32
      %ne3A_54 = arith.cmpi ne, %rem3A_52, %ne3A_53 : i32
      %and3A = arith.andi %ne3A, %ne3A_54 : i1
      %sub3A = arith.constant 1 : i32
      %sub3A_55 = arith.subi %div3A, %sub3A : i32
      %select_n3A_56 = arith.select %and3A, %sub3A_55, %div3A : i32
      %mul3A_57 = arith.constant 128 : i32
      %mul3A_58 = arith.muli %mul3A_57, %select_n3A_56 : i32
      %dma_start3A = arith.constant 0 : i32
      %dma_start3A_59 = arith.constant 0 : i32
      %dma_start3A_60 = tpu.memref_slice %run_scoped3A[%rem3A_38, %dma_start3A, %dma_start3A_59] : memref<2x1x128xi32, #tpu.memory_space<vmem>> -> memref<1x1x128xi32, #tpu.memory_space<vmem>>
      %dma_start3A_61 = tpu.memref_squeeze %dma_start3A_60 : memref<1x1x128xi32, #tpu.memory_space<vmem>> -> memref<1x128xi32, #tpu.memory_space<vmem>>
      %dma_start3A_62 = arith.constant 0 : i32
      %dma_start3A_63 = tpu.memref_slice %arg3[%dma_start3A_62, %mul3A_58] : memref<1x10240xi32, #tpu.memory_space<hbm>> -> memref<1x128xi32, #tpu.memory_space<hbm>>
      %dma_start3A_64 = tpu.memref_slice %run_scoped3A_7[%rem3A_38] : memref<2x!tpu.dma_semaphore, #tpu.memory_space<semaphore_mem>> -> memref<1x!tpu.dma_semaphore, #tpu.memory_space<semaphore_mem>>
      %dma_start3A_65 = tpu.memref_squeeze %dma_start3A_64 : memref<1x!tpu.dma_semaphore, #tpu.memory_space<semaphore_mem>> -> memref<!tpu.dma_semaphore, #tpu.memory_space<semaphore_mem>>
      %dma_start3A_66 = arith.constant 0 : i32
      %dma_start3A_67 = arith.constant 0 : i32
      %dma_start3A_68 = tpu.memref_slice %run_scoped3A[%rem3A_38, %dma_start3A_66, %dma_start3A_67] : memref<2x1x128xi32, #tpu.memory_space<vmem>> -> memref<1x1x128xi32, #tpu.memory_space<vmem>>
      %dma_start3A_69 = tpu.memref_squeeze %dma_start3A_68 : memref<1x1x128xi32, #tpu.memory_space<vmem>> -> memref<1x128xi32, #tpu.memory_space<vmem>>
      %dma_start3A_70 = arith.constant 0 : i32
      %dma_start3A_71 = tpu.memref_slice %arg3[%dma_start3A_70, %mul3A_58] : memref<1x10240xi32, #tpu.memory_space<hbm>> -> memref<1x128xi32, #tpu.memory_space<hbm>>
      tpu.enqueue_dma source(%dma_start3A_71 : memref<1x128xi32, #tpu.memory_space<hbm>>) target(%dma_start3A_69 : memref<1x128xi32, #tpu.memory_space<vmem>>) target_semaphore(%dma_start3A_65 : memref<!tpu.dma_semaphore, #tpu.memory_space<semaphore_mem>>)
      %add3A_72 = arith.constant 0 : i32
      %add3A_73 = arith.constant 1 : i32
      %add3A_74 = arith.addi %add3A_72, %add3A_73 : i32
      %select_n3A_75 = arith.constant true
      %select_n3A_76 = arith.constant 0 : i32
      %select_n3A_77 = arith.select %select_n3A_75, %add3A_74, %select_n3A_76 : i32
      "tpu.trace_stop"() : () -> ()
      %scan3A = arith.constant 0 : i32
      %scan3A_78 = arith.constant 0 : i32
      %scan3A_79 = arith.constant 0 : i32
      %scan3A_80 = arith.constant 0 : i32
      %scan3A_81 = arith.constant 0 : i32
      %scan3A_82 = arith.constant 5 : i32
      %scan3A_83 = arith.addi %scan3A_81, %scan3A_82 : i32
      %scan3A_84 = arith.constant 1 : i32
      %scan3A_85:5 = scf.for %scan3A_140 = %scan3A_81 to %scan3A_83 step %scan3A_84 iter_args(%scan3A_141 = %select_n3A_77, %scan3A_142 = %scan3A, %scan3A_143 = %scan3A_78, %scan3A_144 = %scan3A_79, %scan3A_145 = %scan3A_80) -> (i32, i32, i32, i32, i32)  : i32 {
        %eq3A_146 = arith.constant 0 : i32
        %eq3A_147 = arith.cmpi eq, %scan3A_140, %eq3A_146 : i32
        %eq3A_148 = arith.constant 4 : i32
        %eq3A_149 = arith.cmpi eq, %scan3A_140, %eq3A_148 : i32
        %add3A_150 = arith.addi %scan3A_145, %mul3A_6 : i32
        %sub3A_151 = arith.constant 1 : i32
        %sub3A_152 = arith.subi %scan3A_145, %sub3A_151 : i32
        %select_n3A_153 = arith.constant true
        %select_n3A_154 = arith.select %select_n3A_153, %sub3A_152, %scan3A_145 : i32
        %eq3A_155 = arith.constant -1 : i32
        %eq3A_156 = arith.cmpi eq, %select_n3A_154, %eq3A_155 : i32
        %select_n3A_157 = arith.constant 4 : i32
        %select_n3A_158 = arith.select %eq3A_156, %select_n3A_157, %select_n3A_154 : i32
        %add3A_159 = arith.addi %select_n3A_158, %mul3A_6 : i32
        %add3A_160 = arith.constant 1 : i32
        %add3A_161 = arith.addi %scan3A_145, %add3A_160 : i32
        %select_n3A_162 = arith.constant true
        %select_n3A_163 = arith.select %select_n3A_162, %add3A_161, %scan3A_145 : i32
        %eq3A_164 = arith.constant 5 : i32
        %eq3A_165 = arith.cmpi eq, %select_n3A_163, %eq3A_164 : i32
        %select_n3A_166 = arith.constant 0 : i32
        %select_n3A_167 = arith.select %eq3A_165, %select_n3A_166, %select_n3A_163 : i32
        %add3A_168 = arith.addi %select_n3A_167, %mul3A_6 : i32
        %add3A_169 = arith.constant 1 : i32
        %add3A_170 = arith.addi %select_n3A_167, %add3A_169 : i32
        %select_n3A_171 = arith.constant true
        %select_n3A_172 = arith.select %select_n3A_171, %add3A_170, %select_n3A_167 : i32
        %eq3A_173 = arith.constant 5 : i32
        %eq3A_174 = arith.cmpi eq, %select_n3A_172, %eq3A_173 : i32
        %select_n3A_175 = arith.constant 0 : i32
        %select_n3A_176 = arith.select %eq3A_174, %select_n3A_175, %select_n3A_172 : i32
        %add3A_177 = arith.addi %select_n3A_176, %mul3A_6 : i32
        %jit3A_178 = arith.constant 2 : i32
        %div3A_179 = arith.divsi %add3A_150, %jit3A_178 : i32
        %sign3A_180 = arith.constant 0 : i32
        %sign3A_181 = arith.cmpi sgt, %add3A_150, %sign3A_180 : i32
        %sign3A_182 = arith.extui %sign3A_181 : i1 to i32
        %sign3A_183 = arith.constant 0 : i32
        %sign3A_184 = arith.cmpi slt, %add3A_150, %sign3A_183 : i32
        %sign3A_185 = arith.extui %sign3A_184 : i1 to i32
        %sign3A_186 = arith.subi %sign3A_182, %sign3A_185 : i32
        %sign3A_187 = arith.constant 0 : i32
        %sign3A_188 = arith.cmpi sgt, %jit3A_178, %sign3A_187 : i32
        %sign3A_189 = arith.extui %sign3A_188 : i1 to i32
        %sign3A_190 = arith.constant 0 : i32
        %sign3A_191 = arith.cmpi slt, %jit3A_178, %sign3A_190 : i32
        %sign3A_192 = arith.extui %sign3A_191 : i1 to i32
        %sign3A_193 = arith.subi %sign3A_189, %sign3A_192 : i32
        %ne3A_194 = arith.cmpi ne, %sign3A_186, %sign3A_193 : i32
        %rem3A_195 = arith.remsi %add3A_150, %jit3A_178 : i32
        %ne3A_196 = arith.constant 0 : i32
        %ne3A_197 = arith.cmpi ne, %rem3A_195, %ne3A_196 : i32
        %and3A_198 = arith.andi %ne3A_194, %ne3A_197 : i1
        %sub3A_199 = arith.constant 1 : i32
        %sub3A_200 = arith.subi %div3A_179, %sub3A_199 : i32
        %select_n3A_201 = arith.select %and3A_198, %sub3A_200, %div3A_179 : i32
        %jit3A_202 = arith.constant 2 : i32
        %div3A_203 = arith.divsi %add3A_168, %jit3A_202 : i32
        %sign3A_204 = arith.constant 0 : i32
        %sign3A_205 = arith.cmpi sgt, %add3A_168, %sign3A_204 : i32
        %sign3A_206 = arith.extui %sign3A_205 : i1 to i32
        %sign3A_207 = arith.constant 0 : i32
        %sign3A_208 = arith.cmpi slt, %add3A_168, %sign3A_207 : i32
        %sign3A_209 = arith.extui %sign3A_208 : i1 to i32
        %sign3A_210 = arith.subi %sign3A_206, %sign3A_209 : i32
        %sign3A_211 = arith.constant 0 : i32
        %sign3A_212 = arith.cmpi sgt, %jit3A_202, %sign3A_211 : i32
        %sign3A_213 = arith.extui %sign3A_212 : i1 to i32
        %sign3A_214 = arith.constant 0 : i32
        %sign3A_215 = arith.cmpi slt, %jit3A_202, %sign3A_214 : i32
        %sign3A_216 = arith.extui %sign3A_215 : i1 to i32
        %sign3A_217 = arith.subi %sign3A_213, %sign3A_216 : i32
        %ne3A_218 = arith.cmpi ne, %sign3A_210, %sign3A_217 : i32
        %rem3A_219 = arith.remsi %add3A_168, %jit3A_202 : i32
        %ne3A_220 = arith.constant 0 : i32
        %ne3A_221 = arith.cmpi ne, %rem3A_219, %ne3A_220 : i32
        %and3A_222 = arith.andi %ne3A_218, %ne3A_221 : i1
        %sub3A_223 = arith.constant 1 : i32
        %sub3A_224 = arith.subi %div3A_203, %sub3A_223 : i32
        %select_n3A_225 = arith.select %and3A_222, %sub3A_224, %div3A_203 : i32
        %ne3A_226 = arith.cmpi ne, %select_n3A_201, %select_n3A_225 : i32
        %or3A = arith.constant false
        %or3A_227 = arith.ori %or3A, %ne3A_226 : i1
        %ge3A = arith.constant 4 : i32
        %ge3A_228 = arith.cmpi sge, %scan3A_140, %ge3A : i32
        %not3A = arith.constant true
        %not3A_229 = arith.xori %ge3A_228, %not3A : i1
        %and3A_230 = arith.andi %or3A_227, %not3A_229 : i1
        %convert_element_type3A = arith.extui %and3A_230 : i1 to i32
        %cond3A = arith.constant 0 : i32
        %cond3A_231 = arith.cmpi ne, %convert_element_type3A, %cond3A : i32
        scf.if %cond3A_231 {
          "tpu.trace_start"() <{level = 10 : i32, message = "ep_copy_in"}> : () -> ()
          %rem3A_542 = arith.constant 2 : i32
          %rem3A_543 = arith.remui %scan3A_141, %rem3A_542 : i32
          %jit3A_544 = arith.constant 2 : i32
          %div3A_545 = arith.divsi %add3A_168, %jit3A_544 : i32
          %sign3A_546 = arith.constant 0 : i32
          %sign3A_547 = arith.cmpi sgt, %add3A_168, %sign3A_546 : i32
          %sign3A_548 = arith.extui %sign3A_547 : i1 to i32
          %sign3A_549 = arith.constant 0 : i32
          %sign3A_550 = arith.cmpi slt, %add3A_168, %sign3A_549 : i32
          %sign3A_551 = arith.extui %sign3A_550 : i1 to i32
          %sign3A_552 = arith.subi %sign3A_548, %sign3A_551 : i32
          %sign3A_553 = arith.constant 0 : i32
          %sign3A_554 = arith.cmpi sgt, %jit3A_544, %sign3A_553 : i32
          %sign3A_555 = arith.extui %sign3A_554 : i1 to i32
          %sign3A_556 = arith.constant 0 : i32
          %sign3A_557 = arith.cmpi slt, %jit3A_544, %sign3A_556 : i32
          %sign3A_558 = arith.extui %sign3A_557 : i1 to i32
          %sign3A_559 = arith.subi %sign3A_555, %sign3A_558 : i32
          %ne3A_560 = arith.cmpi ne, %sign3A_552, %sign3A_559 : i32
          %rem3A_561 = arith.remsi %add3A_168, %jit3A_544 : i32
          %ne3A_562 = arith.constant 0 : i32
          %ne3A_563 = arith.cmpi ne, %rem3A_561, %ne3A_562 : i32
          %and3A_564 = arith.andi %ne3A_560, %ne3A_563 : i1
          %sub3A_565 = arith.constant 1 : i32
          %sub3A_566 = arith.subi %div3A_545, %sub3A_565 : i32
          %select_n3A_567 = arith.select %and3A_564, %sub3A_566, %div3A_545 : i32
          %mul3A_568 = arith.constant 128 : i32
          %mul3A_569 = arith.muli %mul3A_568, %select_n3A_567 : i32
          %dma_start3A_570 = arith.constant 0 : i32
          %dma_start3A_571 = arith.constant 0 : i32
          %dma_start3A_572 = tpu.memref_slice %run_scoped3A[%rem3A_543, %dma_start3A_570, %dma_start3A_571] : memref<2x1x128xi32, #tpu.memory_space<vmem>> -> memref<1x1x128xi32, #tpu.memory_space<vmem>>
          %dma_start3A_573 = tpu.memref_squeeze %dma_start3A_572 : memref<1x1x128xi32, #tpu.memory_space<vmem>> -> memref<1x128xi32, #tpu.memory_space<vmem>>
          %dma_start3A_574 = arith.constant 0 : i32
          %dma_start3A_575 = tpu.memref_slice %arg3[%dma_start3A_574, %mul3A_569] : memref<1x10240xi32, #tpu.memory_space<hbm>> -> memref<1x128xi32, #tpu.memory_space<hbm>>
          %dma_start3A_576 = tpu.memref_slice %run_scoped3A_7[%rem3A_543] : memref<2x!tpu.dma_semaphore, #tpu.memory_space<semaphore_mem>> -> memref<1x!tpu.dma_semaphore, #tpu.memory_space<semaphore_mem>>
          %dma_start3A_577 = tpu.memref_squeeze %dma_start3A_576 : memref<1x!tpu.dma_semaphore, #tpu.memory_space<semaphore_mem>> -> memref<!tpu.dma_semaphore, #tpu.memory_space<semaphore_mem>>
          %dma_start3A_578 = arith.constant 0 : i32
          %dma_start3A_579 = arith.constant 0 : i32
          %dma_start3A_580 = tpu.memref_slice %run_scoped3A[%rem3A_543, %dma_start3A_578, %dma_start3A_579] : memref<2x1x128xi32, #tpu.memory_space<vmem>> -> memref<1x1x128xi32, #tpu.memory_space<vmem>>
          %dma_start3A_581 = tpu.memref_squeeze %dma_start3A_580 : memref<1x1x128xi32, #tpu.memory_space<vmem>> -> memref<1x128xi32, #tpu.memory_space<vmem>>
          %dma_start3A_582 = arith.constant 0 : i32
          %dma_start3A_583 = tpu.memref_slice %arg3[%dma_start3A_582, %mul3A_569] : memref<1x10240xi32, #tpu.memory_space<hbm>> -> memref<1x128xi32, #tpu.memory_space<hbm>>
          tpu.enqueue_dma source(%dma_start3A_583 : memref<1x128xi32, #tpu.memory_space<hbm>>) target(%dma_start3A_581 : memref<1x128xi32, #tpu.memory_space<vmem>>) target_semaphore(%dma_start3A_577 : memref<!tpu.dma_semaphore, #tpu.memory_space<semaphore_mem>>)
          "tpu.trace_stop"() : () -> ()
        } else {
        }
        %and3A_232 = arith.constant true
        %and3A_233 = arith.andi %and3A_230, %and3A_232 : i1
        %add3A_234 = arith.constant 1 : i32
        %add3A_235 = arith.addi %scan3A_141, %add3A_234 : i32
        %select_n3A_236 = arith.select %and3A_233, %add3A_235, %scan3A_141 : i32
        %ne3A_237 = arith.cmpi ne, %add3A_150, %add3A_168 : i32
        %or3A_238 = arith.constant false
        %or3A_239 = arith.ori %or3A_238, %ne3A_237 : i1
        %or3A_240 = arith.constant false
        %or3A_241 = arith.ori %or3A_239, %or3A_240 : i1
        %ge3A_242 = arith.constant 4 : i32
        %ge3A_243 = arith.cmpi sge, %scan3A_140, %ge3A_242 : i32
        %not3A_244 = arith.constant true
        %not3A_245 = arith.xori %ge3A_243, %not3A_244 : i1
        %and3A_246 = arith.andi %or3A_241, %not3A_245 : i1
        %jit3A_247 = arith.constant 2 : i32
        %div3A_248 = arith.divsi %add3A_150, %jit3A_247 : i32
        %sign3A_249 = arith.constant 0 : i32
        %sign3A_250 = arith.cmpi sgt, %add3A_150, %sign3A_249 : i32
        %sign3A_251 = arith.extui %sign3A_250 : i1 to i32
        %sign3A_252 = arith.constant 0 : i32
        %sign3A_253 = arith.cmpi slt, %add3A_150, %sign3A_252 : i32
        %sign3A_254 = arith.extui %sign3A_253 : i1 to i32
        %sign3A_255 = arith.subi %sign3A_251, %sign3A_254 : i32
        %sign3A_256 = arith.constant 0 : i32
        %sign3A_257 = arith.cmpi sgt, %jit3A_247, %sign3A_256 : i32
        %sign3A_258 = arith.extui %sign3A_257 : i1 to i32
        %sign3A_259 = arith.constant 0 : i32
        %sign3A_260 = arith.cmpi slt, %jit3A_247, %sign3A_259 : i32
        %sign3A_261 = arith.extui %sign3A_260 : i1 to i32
        %sign3A_262 = arith.subi %sign3A_258, %sign3A_261 : i32
        %ne3A_263 = arith.cmpi ne, %sign3A_255, %sign3A_262 : i32
        %rem3A_264 = arith.remsi %add3A_150, %jit3A_247 : i32
        %ne3A_265 = arith.constant 0 : i32
        %ne3A_266 = arith.cmpi ne, %rem3A_264, %ne3A_265 : i32
        %and3A_267 = arith.andi %ne3A_263, %ne3A_266 : i1
        %sub3A_268 = arith.constant 1 : i32
        %sub3A_269 = arith.subi %div3A_248, %sub3A_268 : i32
        %select_n3A_270 = arith.select %and3A_267, %sub3A_269, %div3A_248 : i32
        %jit3A_271 = arith.constant 2 : i32
        %div3A_272 = arith.divsi %add3A_159, %jit3A_271 : i32
        %sign3A_273 = arith.constant 0 : i32
        %sign3A_274 = arith.cmpi sgt, %add3A_159, %sign3A_273 : i32
        %sign3A_275 = arith.extui %sign3A_274 : i1 to i32
        %sign3A_276 = arith.constant 0 : i32
        %sign3A_277 = arith.cmpi slt, %add3A_159, %sign3A_276 : i32
        %sign3A_278 = arith.extui %sign3A_277 : i1 to i32
        %sign3A_279 = arith.subi %sign3A_275, %sign3A_278 : i32
        %sign3A_280 = arith.constant 0 : i32
        %sign3A_281 = arith.cmpi sgt, %jit3A_271, %sign3A_280 : i32
        %sign3A_282 = arith.extui %sign3A_281 : i1 to i32
        %sign3A_283 = arith.constant 0 : i32
        %sign3A_284 = arith.cmpi slt, %jit3A_271, %sign3A_283 : i32
        %sign3A_285 = arith.extui %sign3A_284 : i1 to i32
        %sign3A_286 = arith.subi %sign3A_282, %sign3A_285 : i32
        %ne3A_287 = arith.cmpi ne, %sign3A_279, %sign3A_286 : i32
        %rem3A_288 = arith.remsi %add3A_159, %jit3A_271 : i32
        %ne3A_289 = arith.constant 0 : i32
        %ne3A_290 = arith.cmpi ne, %rem3A_288, %ne3A_289 : i32
        %and3A_291 = arith.andi %ne3A_287, %ne3A_290 : i1
        %sub3A_292 = arith.constant 1 : i32
        %sub3A_293 = arith.subi %div3A_272, %sub3A_292 : i32
        %select_n3A_294 = arith.select %and3A_291, %sub3A_293, %div3A_272 : i32
        %ne3A_295 = arith.cmpi ne, %select_n3A_270, %select_n3A_294 : i32
        %or3A_296 = arith.constant false
        %or3A_297 = arith.ori %or3A_296, %ne3A_295 : i1
        %or3A_298 = arith.ori %or3A_297, %eq3A_147 : i1
        %convert_element_type3A_299 = arith.extui %or3A_298 : i1 to i32
        %cond3A_300 = arith.constant 0 : i32
        %cond3A_301 = arith.cmpi ne, %convert_element_type3A_299, %cond3A_300 : i32
        scf.if %cond3A_301 {
          %jit3A_542 = arith.constant 2 : i32
          "tpu.trace_start"() <{level = 10 : i32, message = "ep_wait_in"}> : () -> ()
          %div3A_543 = arith.divsi %add3A_150, %jit3A_542 : i32
          %sign3A_544 = arith.constant 0 : i32
          %sign3A_545 = arith.cmpi sgt, %add3A_150, %sign3A_544 : i32
          %sign3A_546 = arith.extui %sign3A_545 : i1 to i32
          %sign3A_547 = arith.constant 0 : i32
          %sign3A_548 = arith.cmpi slt, %add3A_150, %sign3A_547 : i32
          %sign3A_549 = arith.extui %sign3A_548 : i1 to i32
          %sign3A_550 = arith.subi %sign3A_546, %sign3A_549 : i32
          %sign3A_551 = arith.constant 0 : i32
          %sign3A_552 = arith.cmpi sgt, %jit3A_542, %sign3A_551 : i32
          %sign3A_553 = arith.extui %sign3A_552 : i1 to i32
          %sign3A_554 = arith.constant 0 : i32
          %sign3A_555 = arith.cmpi slt, %jit3A_542, %sign3A_554 : i32
          %sign3A_556 = arith.extui %sign3A_555 : i1 to i32
          %sign3A_557 = arith.subi %sign3A_553, %sign3A_556 : i32
          %ne3A_558 = arith.cmpi ne, %sign3A_550, %sign3A_557 : i32
          %rem3A_559 = arith.remsi %add3A_150, %jit3A_542 : i32
          %ne3A_560 = arith.constant 0 : i32
          %ne3A_561 = arith.cmpi ne, %rem3A_559, %ne3A_560 : i32
          %and3A_562 = arith.andi %ne3A_558, %ne3A_561 : i1
          %sub3A_563 = arith.constant 1 : i32
          %sub3A_564 = arith.subi %div3A_543, %sub3A_563 : i32
          %select_n3A_565 = arith.select %and3A_562, %sub3A_564, %div3A_543 : i32
          %mul3A_566 = arith.constant 128 : i32
          %mul3A_567 = arith.muli %mul3A_566, %select_n3A_565 : i32
          %rem3A_568 = arith.constant 2 : i32
          %rem3A_569 = arith.remui %scan3A_142, %rem3A_568 : i32
          %dma_wait3A_570 = arith.constant 0 : i32
          %dma_wait3A_571 = arith.constant 0 : i32
          %dma_wait3A_572 = tpu.memref_slice %run_scoped3A[%rem3A_569, %dma_wait3A_570, %dma_wait3A_571] : memref<2x1x128xi32, #tpu.memory_space<vmem>> -> memref<1x1x128xi32, #tpu.memory_space<vmem>>
          %dma_wait3A_573 = tpu.memref_squeeze %dma_wait3A_572 : memref<1x1x128xi32, #tpu.memory_space<vmem>> -> memref<1x128xi32, #tpu.memory_space<vmem>>
          %dma_wait3A_574 = arith.constant 0 : i32
          %dma_wait3A_575 = tpu.memref_slice %arg3[%dma_wait3A_574, %mul3A_567] : memref<1x10240xi32, #tpu.memory_space<hbm>> -> memref<1x128xi32, #tpu.memory_space<hbm>>
          %dma_wait3A_576 = tpu.memref_slice %run_scoped3A_7[%rem3A_569] : memref<2x!tpu.dma_semaphore, #tpu.memory_space<semaphore_mem>> -> memref<1x!tpu.dma_semaphore, #tpu.memory_space<semaphore_mem>>
          %dma_wait3A_577 = tpu.memref_squeeze %dma_wait3A_576 : memref<1x!tpu.dma_semaphore, #tpu.memory_space<semaphore_mem>> -> memref<!tpu.dma_semaphore, #tpu.memory_space<semaphore_mem>>
          %dma_wait3A_578 = arith.constant 0 : i32
          %dma_wait3A_579 = arith.constant 0 : i32
          %dma_wait3A_580 = tpu.memref_slice %run_scoped3A[%rem3A_569, %dma_wait3A_578, %dma_wait3A_579] : memref<2x1x128xi32, #tpu.memory_space<vmem>> -> memref<1x1x128xi32, #tpu.memory_space<vmem>>
          %dma_wait3A_581 = tpu.memref_squeeze %dma_wait3A_580 : memref<1x1x128xi32, #tpu.memory_space<vmem>> -> memref<1x128xi32, #tpu.memory_space<vmem>>
          %dma_wait3A_582 = arith.constant 0 : i32
          %dma_wait3A_583 = tpu.memref_slice %arg3[%dma_wait3A_582, %mul3A_567] : memref<1x10240xi32, #tpu.memory_space<hbm>> -> memref<1x128xi32, #tpu.memory_space<hbm>>
          tpu.wait_dma2 semaphore(%dma_wait3A_577 : memref<!tpu.dma_semaphore, #tpu.memory_space<semaphore_mem>>) src(%dma_wait3A_583 : memref<1x128xi32, #tpu.memory_space<hbm>>) dst(%dma_wait3A_581 : memref<1x128xi32, #tpu.memory_space<vmem>>)
          "tpu.trace_stop"() : () -> ()
        } else {
        }
        %ne3A_302 = arith.cmpi ne, %add3A_150, %add3A_159 : i32
        %or3A_303 = arith.constant false
        %or3A_304 = arith.ori %or3A_303, %ne3A_302 : i1
        %or3A_305 = arith.constant false
        %or3A_306 = arith.ori %or3A_304, %or3A_305 : i1
        %or3A_307 = arith.ori %or3A_306, %eq3A_147 : i1
        %convert_element_type3A_308 = arith.extui %or3A_307 : i1 to i32
        %cond3A_309 = arith.constant 0 : i32
        %cond3A_310 = arith.cmpi ne, %convert_element_type3A_308, %cond3A_309 : i32
        scf.if %cond3A_310 {
        } else {
        }
        %rem3A_311 = arith.constant 2 : i32
        %rem3A_312 = arith.remui %scan3A_142, %rem3A_311 : i32
        %rem3A_313 = arith.constant 2 : i32
        %rem3A_314 = arith.remui %scan3A_143, %rem3A_313 : i32
        %jit3A_315 = arith.constant 2 : i32
        "tpu.trace_start"() <{level = 10 : i32, message = "ep_run_kernel"}> : () -> ()
        %eq3A_316 = arith.constant 0 : i32
        %eq3A_317 = arith.cmpi eq, %jit3A_315, %eq3A_316 : i32
        %jit3A_318 = arith.constant 1 : i32
        %select_n3A_319 = arith.select %eq3A_317, %jit3A_318, %jit3A_315 : i32
        %rem3A_320 = arith.remsi %add3A_150, %select_n3A_319 : i32
        %ne3A_321 = arith.constant 0 : i32
        %ne3A_322 = arith.cmpi ne, %rem3A_320, %ne3A_321 : i32
        %lt3A = arith.constant 0 : i32
        %lt3A_323 = arith.cmpi slt, %rem3A_320, %lt3A : i32
        %lt3A_324 = arith.constant 0 : i32
        %lt3A_325 = arith.cmpi slt, %select_n3A_319, %lt3A_324 : i32
        %ne3A_326 = arith.xori %lt3A_323, %lt3A_325 : i1
        %and3A_327 = arith.andi %ne3A_326, %ne3A_322 : i1
        %add3A_328 = arith.addi %rem3A_320, %select_n3A_319 : i32
        %select_n3A_329 = arith.select %and3A_327, %add3A_328, %rem3A_320 : i32
        %mul3A_330 = arith.constant 64 : i32
        %mul3A_331 = arith.muli %select_n3A_329, %mul3A_330 : i32
        %run_scoped3A_332 = arith.constant 0 : i32
        "tpu.region"() ({
          %run_scoped3A_542 = tpu.sem_alloc : memref<!tpu.dma_semaphore, #tpu.memory_space<semaphore_mem>>
          %dma_start3A_543 = arith.constant 0 : i32
          %dma_start3A_544 = arith.constant 0 : i32
          %dma_start3A_545 = tpu.memref_slice %run_scoped3A_8[%rem3A_314, %dma_start3A_543, %dma_start3A_544] : memref<2x64x768xf32, #tpu.memory_space<vmem>> -> memref<1x64x768xf32, #tpu.memory_space<vmem>>
          %dma_start3A_546 = tpu.memref_squeeze %dma_start3A_545 : memref<1x64x768xf32, #tpu.memory_space<vmem>> -> memref<64x768xf32, #tpu.memory_space<vmem>>
          %dma_start3A_547 = arith.constant 0 : i32
          %dma_start3A_548 = arith.constant 0 : i32
          %dma_start3A_549 = tpu.memref_slice %run_scoped3A[%rem3A_312, %dma_start3A_547, %dma_start3A_548] : memref<2x1x128xi32, #tpu.memory_space<vmem>> -> memref<1x1x128xi32, #tpu.memory_space<vmem>>
          %dma_start3A_550 = tpu.memref_squeeze %dma_start3A_549 : memref<1x1x128xi32, #tpu.memory_space<vmem>> -> memref<1x128xi32, #tpu.memory_space<vmem>>
          %dma_start3A_551 = tpu.memref_slice %dma_start3A_550[%run_scoped3A_332, %mul3A_331] : memref<1x128xi32, #tpu.memory_space<vmem>> -> memref<1x64xi32, #tpu.memory_space<vmem>>
          %dma_start3A_552 = tpu.memref_squeeze %dma_start3A_551 : memref<1x64xi32, #tpu.memory_space<vmem>> -> memref<64xi32, #tpu.memory_space<vmem>>
          %dma_start3A_553 = arith.constant 0 : i32
          %dma_start3A_554 = arith.constant 0 : i32
          %dma_start3A_555 = tpu.memref_slice %arg2[%dma_start3A_553, %dma_start3A_554] : memref<30522x768xf32, #tpu.memory_space<hbm>> -> memref<30522x768xf32, #tpu.memory_space<hbm>>
          tpu.enqueue_indirect_dma source(%dma_start3A_555 : memref<30522x768xf32, #tpu.memory_space<hbm>>) target(%dma_start3A_546 : memref<64x768xf32, #tpu.memory_space<vmem>>) offsets(%dma_start3A_552 : memref<64xi32, #tpu.memory_space<vmem>>) semaphore(%run_scoped3A_542 : memref<!tpu.dma_semaphore, #tpu.memory_space<semaphore_mem>>)
          %dma_wait3A_556 = arith.constant 0 : i32
          %dma_wait3A_557 = arith.constant 0 : i32
          %dma_wait3A_558 = tpu.memref_slice %run_scoped3A_8[%rem3A_314, %dma_wait3A_556, %dma_wait3A_557] : memref<2x64x768xf32, #tpu.memory_space<vmem>> -> memref<1x64x768xf32, #tpu.memory_space<vmem>>
          %dma_wait3A_559 = tpu.memref_squeeze %dma_wait3A_558 : memref<1x64x768xf32, #tpu.memory_space<vmem>> -> memref<64x768xf32, #tpu.memory_space<vmem>>
          %dma_wait3A_560 = arith.constant 0 : i32
          %dma_wait3A_561 = arith.constant 0 : i32
          %dma_wait3A_562 = tpu.memref_slice %run_scoped3A[%rem3A_312, %dma_wait3A_560, %dma_wait3A_561] : memref<2x1x128xi32, #tpu.memory_space<vmem>> -> memref<1x1x128xi32, #tpu.memory_space<vmem>>
          %dma_wait3A_563 = tpu.memref_squeeze %dma_wait3A_562 : memref<1x1x128xi32, #tpu.memory_space<vmem>> -> memref<1x128xi32, #tpu.memory_space<vmem>>
          %dma_wait3A_564 = tpu.memref_slice %dma_wait3A_563[%run_scoped3A_332, %mul3A_331] : memref<1x128xi32, #tpu.memory_space<vmem>> -> memref<1x64xi32, #tpu.memory_space<vmem>>
          %dma_wait3A_565 = tpu.memref_squeeze %dma_wait3A_564 : memref<1x64xi32, #tpu.memory_space<vmem>> -> memref<64xi32, #tpu.memory_space<vmem>>
          %dma_wait3A_566 = arith.constant 0 : i32
          %dma_wait3A_567 = arith.constant 0 : i32
          %dma_wait3A_568 = tpu.memref_slice %arg2[%dma_wait3A_566, %dma_wait3A_567] : memref<30522x768xf32, #tpu.memory_space<hbm>> -> memref<30522x768xf32, #tpu.memory_space<hbm>>
          tpu.wait_indirect_dma semaphore(%run_scoped3A_542 : memref<!tpu.dma_semaphore, #tpu.memory_space<semaphore_mem>>) src(%dma_wait3A_568 : memref<30522x768xf32, #tpu.memory_space<hbm>>) dst(%dma_wait3A_559 : memref<64x768xf32, #tpu.memory_space<vmem>>)
          tpu.yield
        }) : () -> ()
        %jit3A_333 = arith.constant 2 : i32
        "tpu.trace_stop"() : () -> ()
        %div3A_334 = arith.divsi %add3A_150, %jit3A_333 : i32
        %sign3A_335 = arith.constant 0 : i32
        %sign3A_336 = arith.cmpi sgt, %add3A_150, %sign3A_335 : i32
        %sign3A_337 = arith.extui %sign3A_336 : i1 to i32
        %sign3A_338 = arith.constant 0 : i32
        %sign3A_339 = arith.cmpi slt, %add3A_150, %sign3A_338 : i32
        %sign3A_340 = arith.extui %sign3A_339 : i1 to i32
        %sign3A_341 = arith.subi %sign3A_337, %sign3A_340 : i32
        %sign3A_342 = arith.constant 0 : i32
        %sign3A_343 = arith.cmpi sgt, %jit3A_333, %sign3A_342 : i32
        %sign3A_344 = arith.extui %sign3A_343 : i1 to i32
        %sign3A_345 = arith.constant 0 : i32
        %sign3A_346 = arith.cmpi slt, %jit3A_333, %sign3A_345 : i32
        %sign3A_347 = arith.extui %sign3A_346 : i1 to i32
        %sign3A_348 = arith.subi %sign3A_344, %sign3A_347 : i32
        %ne3A_349 = arith.cmpi ne, %sign3A_341, %sign3A_348 : i32
        %rem3A_350 = arith.remsi %add3A_150, %jit3A_333 : i32
        %ne3A_351 = arith.constant 0 : i32
        %ne3A_352 = arith.cmpi ne, %rem3A_350, %ne3A_351 : i32
        %and3A_353 = arith.andi %ne3A_349, %ne3A_352 : i1
        %sub3A_354 = arith.constant 1 : i32
        %sub3A_355 = arith.subi %div3A_334, %sub3A_354 : i32
        %select_n3A_356 = arith.select %and3A_353, %sub3A_355, %div3A_334 : i32
        %jit3A_357 = arith.constant 2 : i32
        %div3A_358 = arith.divsi %add3A_168, %jit3A_357 : i32
        %sign3A_359 = arith.constant 0 : i32
        %sign3A_360 = arith.cmpi sgt, %add3A_168, %sign3A_359 : i32
        %sign3A_361 = arith.extui %sign3A_360 : i1 to i32
        %sign3A_362 = arith.constant 0 : i32
        %sign3A_363 = arith.cmpi slt, %add3A_168, %sign3A_362 : i32
        %sign3A_364 = arith.extui %sign3A_363 : i1 to i32
        %sign3A_365 = arith.subi %sign3A_361, %sign3A_364 : i32
        %sign3A_366 = arith.constant 0 : i32
        %sign3A_367 = arith.cmpi sgt, %jit3A_357, %sign3A_366 : i32
        %sign3A_368 = arith.extui %sign3A_367 : i1 to i32
        %sign3A_369 = arith.constant 0 : i32
        %sign3A_370 = arith.cmpi slt, %jit3A_357, %sign3A_369 : i32
        %sign3A_371 = arith.extui %sign3A_370 : i1 to i32
        %sign3A_372 = arith.subi %sign3A_368, %sign3A_371 : i32
        %ne3A_373 = arith.cmpi ne, %sign3A_365, %sign3A_372 : i32
        %rem3A_374 = arith.remsi %add3A_168, %jit3A_357 : i32
        %ne3A_375 = arith.constant 0 : i32
        %ne3A_376 = arith.cmpi ne, %rem3A_374, %ne3A_375 : i32
        %and3A_377 = arith.andi %ne3A_373, %ne3A_376 : i1
        %sub3A_378 = arith.constant 1 : i32
        %sub3A_379 = arith.subi %div3A_358, %sub3A_378 : i32
        %select_n3A_380 = arith.select %and3A_377, %sub3A_379, %div3A_358 : i32
        %ne3A_381 = arith.cmpi ne, %select_n3A_356, %select_n3A_380 : i32
        %or3A_382 = arith.constant false
        %or3A_383 = arith.ori %or3A_382, %ne3A_381 : i1
        %or3A_384 = arith.ori %or3A_383, %eq3A_149 : i1
        %convert_element_type3A_385 = arith.extui %or3A_384 : i1 to i32
        %cond3A_386 = arith.constant 0 : i32
        %cond3A_387 = arith.cmpi ne, %convert_element_type3A_385, %cond3A_386 : i32
        scf.if %cond3A_387 {
        } else {
        }
        %and3A_388 = arith.constant false
        %and3A_389 = arith.andi %or3A_384, %and3A_388 : i1
        %ne3A_390 = arith.cmpi ne, %add3A_150, %add3A_168 : i32
        %or3A_391 = arith.constant false
        %or3A_392 = arith.ori %or3A_391, %ne3A_390 : i1
        %or3A_393 = arith.constant false
        %or3A_394 = arith.ori %or3A_392, %or3A_393 : i1
        %or3A_395 = arith.ori %or3A_394, %eq3A_149 : i1
        %convert_element_type3A_396 = arith.extui %or3A_395 : i1 to i32
        %cond3A_397 = arith.constant 0 : i32
        %cond3A_398 = arith.cmpi ne, %convert_element_type3A_396, %cond3A_397 : i32
        scf.if %cond3A_398 {
          "tpu.trace_start"() <{level = 10 : i32, message = "ep_copy_out"}> : () -> ()
          %rem3A_542 = arith.constant 2 : i32
          %rem3A_543 = arith.remui %scan3A_143, %rem3A_542 : i32
          %mul3A_544 = arith.constant 64 : i32
          %mul3A_545 = arith.muli %mul3A_544, %add3A_150 : i32
          %dma_start3A_546 = arith.constant 0 : i32
          %dma_start3A_547 = arith.constant 0 : i32
          %dma_start3A_548 = tpu.memref_slice %run_scoped3A_8[%rem3A_543, %dma_start3A_546, %dma_start3A_547] : memref<2x64x768xf32, #tpu.memory_space<vmem>> -> memref<1x64x768xf32, #tpu.memory_space<vmem>>
          %dma_start3A_549 = tpu.memref_squeeze %dma_start3A_548 : memref<1x64x768xf32, #tpu.memory_space<vmem>> -> memref<64x768xf32, #tpu.memory_space<vmem>>
          %dma_start3A_550 = arith.constant 0 : i32
          %dma_start3A_551 = tpu.memref_slice %arg4[%mul3A_545, %dma_start3A_550] : memref<10240x768xf32, #tpu.memory_space<hbm>> -> memref<64x768xf32, #tpu.memory_space<hbm>>
          %dma_start3A_552 = tpu.memref_slice %run_scoped3A_9[%rem3A_543] : memref<2x!tpu.dma_semaphore, #tpu.memory_space<semaphore_mem>> -> memref<1x!tpu.dma_semaphore, #tpu.memory_space<semaphore_mem>>
          %dma_start3A_553 = tpu.memref_squeeze %dma_start3A_552 : memref<1x!tpu.dma_semaphore, #tpu.memory_space<semaphore_mem>> -> memref<!tpu.dma_semaphore, #tpu.memory_space<semaphore_mem>>
          %dma_start3A_554 = arith.constant 0 : i32
          %dma_start3A_555 = tpu.memref_slice %arg4[%mul3A_545, %dma_start3A_554] : memref<10240x768xf32, #tpu.memory_space<hbm>> -> memref<64x768xf32, #tpu.memory_space<hbm>>
          %dma_start3A_556 = arith.constant 0 : i32
          %dma_start3A_557 = arith.constant 0 : i32
          %dma_start3A_558 = tpu.memref_slice %run_scoped3A_8[%rem3A_543, %dma_start3A_556, %dma_start3A_557] : memref<2x64x768xf32, #tpu.memory_space<vmem>> -> memref<1x64x768xf32, #tpu.memory_space<vmem>>
          %dma_start3A_559 = tpu.memref_squeeze %dma_start3A_558 : memref<1x64x768xf32, #tpu.memory_space<vmem>> -> memref<64x768xf32, #tpu.memory_space<vmem>>
          tpu.enqueue_dma source(%dma_start3A_559 : memref<64x768xf32, #tpu.memory_space<vmem>>) target(%dma_start3A_555 : memref<64x768xf32, #tpu.memory_space<hbm>>) target_semaphore(%dma_start3A_553 : memref<!tpu.dma_semaphore, #tpu.memory_space<semaphore_mem>>)
          "tpu.trace_stop"() : () -> ()
        } else {
        }
        %and3A_399 = arith.constant true
        %and3A_400 = arith.andi %or3A_395, %and3A_399 : i1
        %add3A_401 = arith.constant 1 : i32
        %add3A_402 = arith.addi %scan3A_143, %add3A_401 : i32
        %select_n3A_403 = arith.select %and3A_400, %add3A_402, %scan3A_143 : i32
        %jit3A_404 = arith.constant 2 : i32
        %div3A_405 = arith.divsi %add3A_150, %jit3A_404 : i32
        %sign3A_406 = arith.constant 0 : i32
        %sign3A_407 = arith.cmpi sgt, %add3A_150, %sign3A_406 : i32
        %sign3A_408 = arith.extui %sign3A_407 : i1 to i32
        %sign3A_409 = arith.constant 0 : i32
        %sign3A_410 = arith.cmpi slt, %add3A_150, %sign3A_409 : i32
        %sign3A_411 = arith.extui %sign3A_410 : i1 to i32
        %sign3A_412 = arith.subi %sign3A_408, %sign3A_411 : i32
        %sign3A_413 = arith.constant 0 : i32
        %sign3A_414 = arith.cmpi sgt, %jit3A_404, %sign3A_413 : i32
        %sign3A_415 = arith.extui %sign3A_414 : i1 to i32
        %sign3A_416 = arith.constant 0 : i32
        %sign3A_417 = arith.cmpi slt, %jit3A_404, %sign3A_416 : i32
        %sign3A_418 = arith.extui %sign3A_417 : i1 to i32
        %sign3A_419 = arith.subi %sign3A_415, %sign3A_418 : i32
        %ne3A_420 = arith.cmpi ne, %sign3A_412, %sign3A_419 : i32
        %rem3A_421 = arith.remsi %add3A_150, %jit3A_404 : i32
        %ne3A_422 = arith.constant 0 : i32
        %ne3A_423 = arith.cmpi ne, %rem3A_421, %ne3A_422 : i32
        %and3A_424 = arith.andi %ne3A_420, %ne3A_423 : i1
        %sub3A_425 = arith.constant 1 : i32
        %sub3A_426 = arith.subi %div3A_405, %sub3A_425 : i32
        %select_n3A_427 = arith.select %and3A_424, %sub3A_426, %div3A_405 : i32
        %jit3A_428 = arith.constant 2 : i32
        %div3A_429 = arith.divsi %add3A_159, %jit3A_428 : i32
        %sign3A_430 = arith.constant 0 : i32
        %sign3A_431 = arith.cmpi sgt, %add3A_159, %sign3A_430 : i32
        %sign3A_432 = arith.extui %sign3A_431 : i1 to i32
        %sign3A_433 = arith.constant 0 : i32
        %sign3A_434 = arith.cmpi slt, %add3A_159, %sign3A_433 : i32
        %sign3A_435 = arith.extui %sign3A_434 : i1 to i32
        %sign3A_436 = arith.subi %sign3A_432, %sign3A_435 : i32
        %sign3A_437 = arith.constant 0 : i32
        %sign3A_438 = arith.cmpi sgt, %jit3A_428, %sign3A_437 : i32
        %sign3A_439 = arith.extui %sign3A_438 : i1 to i32
        %sign3A_440 = arith.constant 0 : i32
        %sign3A_441 = arith.cmpi slt, %jit3A_428, %sign3A_440 : i32
        %sign3A_442 = arith.extui %sign3A_441 : i1 to i32
        %sign3A_443 = arith.subi %sign3A_439, %sign3A_442 : i32
        %ne3A_444 = arith.cmpi ne, %sign3A_436, %sign3A_443 : i32
        %rem3A_445 = arith.remsi %add3A_159, %jit3A_428 : i32
        %ne3A_446 = arith.constant 0 : i32
        %ne3A_447 = arith.cmpi ne, %rem3A_445, %ne3A_446 : i32
        %and3A_448 = arith.andi %ne3A_444, %ne3A_447 : i1
        %sub3A_449 = arith.constant 1 : i32
        %sub3A_450 = arith.subi %div3A_429, %sub3A_449 : i32
        %select_n3A_451 = arith.select %and3A_448, %sub3A_450, %div3A_429 : i32
        %ne3A_452 = arith.cmpi ne, %select_n3A_427, %select_n3A_451 : i32
        %or3A_453 = arith.constant false
        %or3A_454 = arith.ori %or3A_453, %ne3A_452 : i1
        %not3A_455 = arith.constant true
        %not3A_456 = arith.xori %eq3A_147, %not3A_455 : i1
        %and3A_457 = arith.andi %or3A_454, %not3A_456 : i1
        %convert_element_type3A_458 = arith.extui %and3A_457 : i1 to i32
        %cond3A_459 = arith.constant 0 : i32
        %cond3A_460 = arith.cmpi ne, %convert_element_type3A_458, %cond3A_459 : i32
        scf.if %cond3A_460 {
        } else {
        }
        %and3A_461 = arith.constant false
        %and3A_462 = arith.andi %and3A_457, %and3A_461 : i1
        %ne3A_463 = arith.cmpi ne, %add3A_150, %add3A_159 : i32
        %or3A_464 = arith.constant false
        %or3A_465 = arith.ori %or3A_464, %ne3A_463 : i1
        %or3A_466 = arith.constant false
        %or3A_467 = arith.ori %or3A_465, %or3A_466 : i1
        %not3A_468 = arith.constant true
        %not3A_469 = arith.xori %eq3A_147, %not3A_468 : i1
        %and3A_470 = arith.andi %or3A_467, %not3A_469 : i1
        %convert_element_type3A_471 = arith.extui %and3A_470 : i1 to i32
        %cond3A_472 = arith.constant 0 : i32
        %cond3A_473 = arith.cmpi ne, %convert_element_type3A_471, %cond3A_472 : i32
        scf.if %cond3A_473 {
          "tpu.trace_start"() <{level = 10 : i32, message = "ep_wait_out"}> : () -> ()
          %rem3A_542 = arith.constant 2 : i32
          %rem3A_543 = arith.remui %scan3A_144, %rem3A_542 : i32
          %mul3A_544 = arith.constant 64 : i32
          %mul3A_545 = arith.muli %mul3A_544, %add3A_159 : i32
          %dma_wait3A_546 = arith.constant 0 : i32
          %dma_wait3A_547 = arith.constant 0 : i32
          %dma_wait3A_548 = tpu.memref_slice %run_scoped3A_8[%rem3A_543, %dma_wait3A_546, %dma_wait3A_547] : memref<2x64x768xf32, #tpu.memory_space<vmem>> -> memref<1x64x768xf32, #tpu.memory_space<vmem>>
          %dma_wait3A_549 = tpu.memref_squeeze %dma_wait3A_548 : memref<1x64x768xf32, #tpu.memory_space<vmem>> -> memref<64x768xf32, #tpu.memory_space<vmem>>
          %dma_wait3A_550 = arith.constant 0 : i32
          %dma_wait3A_551 = tpu.memref_slice %arg4[%mul3A_545, %dma_wait3A_550] : memref<10240x768xf32, #tpu.memory_space<hbm>> -> memref<64x768xf32, #tpu.memory_space<hbm>>
          %dma_wait3A_552 = tpu.memref_slice %run_scoped3A_9[%rem3A_543] : memref<2x!tpu.dma_semaphore, #tpu.memory_space<semaphore_mem>> -> memref<1x!tpu.dma_semaphore, #tpu.memory_space<semaphore_mem>>
          %dma_wait3A_553 = tpu.memref_squeeze %dma_wait3A_552 : memref<1x!tpu.dma_semaphore, #tpu.memory_space<semaphore_mem>> -> memref<!tpu.dma_semaphore, #tpu.memory_space<semaphore_mem>>
          %dma_wait3A_554 = arith.constant 0 : i32
          %dma_wait3A_555 = tpu.memref_slice %arg4[%mul3A_545, %dma_wait3A_554] : memref<10240x768xf32, #tpu.memory_space<hbm>> -> memref<64x768xf32, #tpu.memory_space<hbm>>
          %dma_wait3A_556 = arith.constant 0 : i32
          %dma_wait3A_557 = arith.constant 0 : i32
          %dma_wait3A_558 = tpu.memref_slice %run_scoped3A_8[%rem3A_543, %dma_wait3A_556, %dma_wait3A_557] : memref<2x64x768xf32, #tpu.memory_space<vmem>> -> memref<1x64x768xf32, #tpu.memory_space<vmem>>
          %dma_wait3A_559 = tpu.memref_squeeze %dma_wait3A_558 : memref<1x64x768xf32, #tpu.memory_space<vmem>> -> memref<64x768xf32, #tpu.memory_space<vmem>>
          tpu.wait_dma2 semaphore(%dma_wait3A_553 : memref<!tpu.dma_semaphore, #tpu.memory_space<semaphore_mem>>) src(%dma_wait3A_559 : memref<64x768xf32, #tpu.memory_space<vmem>>) dst(%dma_wait3A_555 : memref<64x768xf32, #tpu.memory_space<hbm>>)
          "tpu.trace_stop"() : () -> ()
        } else {
        }
        %and3A_474 = arith.constant true
        %and3A_475 = arith.andi %and3A_470, %and3A_474 : i1
        %add3A_476 = arith.constant 1 : i32
        %add3A_477 = arith.addi %scan3A_144, %add3A_476 : i32
        %select_n3A_478 = arith.select %and3A_475, %add3A_477, %scan3A_144 : i32
        %jit3A_479 = arith.constant 2 : i32
        %div3A_480 = arith.divsi %add3A_150, %jit3A_479 : i32
        %sign3A_481 = arith.constant 0 : i32
        %sign3A_482 = arith.cmpi sgt, %add3A_150, %sign3A_481 : i32
        %sign3A_483 = arith.extui %sign3A_482 : i1 to i32
        %sign3A_484 = arith.constant 0 : i32
        %sign3A_485 = arith.cmpi slt, %add3A_150, %sign3A_484 : i32
        %sign3A_486 = arith.extui %sign3A_485 : i1 to i32
        %sign3A_487 = arith.subi %sign3A_483, %sign3A_486 : i32
        %sign3A_488 = arith.constant 0 : i32
        %sign3A_489 = arith.cmpi sgt, %jit3A_479, %sign3A_488 : i32
        %sign3A_490 = arith.extui %sign3A_489 : i1 to i32
        %sign3A_491 = arith.constant 0 : i32
        %sign3A_492 = arith.cmpi slt, %jit3A_479, %sign3A_491 : i32
        %sign3A_493 = arith.extui %sign3A_492 : i1 to i32
        %sign3A_494 = arith.subi %sign3A_490, %sign3A_493 : i32
        %ne3A_495 = arith.cmpi ne, %sign3A_487, %sign3A_494 : i32
        %rem3A_496 = arith.remsi %add3A_150, %jit3A_479 : i32
        %ne3A_497 = arith.constant 0 : i32
        %ne3A_498 = arith.cmpi ne, %rem3A_496, %ne3A_497 : i32
        %and3A_499 = arith.andi %ne3A_495, %ne3A_498 : i1
        %sub3A_500 = arith.constant 1 : i32
        %sub3A_501 = arith.subi %div3A_480, %sub3A_500 : i32
        %select_n3A_502 = arith.select %and3A_499, %sub3A_501, %div3A_480 : i32
        %jit3A_503 = arith.constant 2 : i32
        %div3A_504 = arith.divsi %add3A_168, %jit3A_503 : i32
        %sign3A_505 = arith.constant 0 : i32
        %sign3A_506 = arith.cmpi sgt, %add3A_168, %sign3A_505 : i32
        %sign3A_507 = arith.extui %sign3A_506 : i1 to i32
        %sign3A_508 = arith.constant 0 : i32
        %sign3A_509 = arith.cmpi slt, %add3A_168, %sign3A_508 : i32
        %sign3A_510 = arith.extui %sign3A_509 : i1 to i32
        %sign3A_511 = arith.subi %sign3A_507, %sign3A_510 : i32
        %sign3A_512 = arith.constant 0 : i32
        %sign3A_513 = arith.cmpi sgt, %jit3A_503, %sign3A_512 : i32
        %sign3A_514 = arith.extui %sign3A_513 : i1 to i32
        %sign3A_515 = arith.constant 0 : i32
        %sign3A_516 = arith.cmpi slt, %jit3A_503, %sign3A_515 : i32
        %sign3A_517 = arith.extui %sign3A_516 : i1 to i32
        %sign3A_518 = arith.subi %sign3A_514, %sign3A_517 : i32
        %ne3A_519 = arith.cmpi ne, %sign3A_511, %sign3A_518 : i32
        %rem3A_520 = arith.remsi %add3A_168, %jit3A_503 : i32
        %ne3A_521 = arith.constant 0 : i32
        %ne3A_522 = arith.cmpi ne, %rem3A_520, %ne3A_521 : i32
        %and3A_523 = arith.andi %ne3A_519, %ne3A_522 : i1
        %sub3A_524 = arith.constant 1 : i32
        %sub3A_525 = arith.subi %div3A_504, %sub3A_524 : i32
        %select_n3A_526 = arith.select %and3A_523, %sub3A_525, %div3A_504 : i32
        %ne3A_527 = arith.cmpi ne, %select_n3A_502, %select_n3A_526 : i32
        %or3A_528 = arith.constant false
        %or3A_529 = arith.ori %or3A_528, %ne3A_527 : i1
        %or3A_530 = arith.ori %or3A_529, %eq3A_149 : i1
        %add3A_531 = arith.constant 1 : i32
        %add3A_532 = arith.addi %scan3A_142, %add3A_531 : i32
        %select_n3A_533 = arith.select %or3A_530, %add3A_532, %scan3A_142 : i32
        %add3A_534 = arith.constant 1 : i32
        %add3A_535 = arith.addi %scan3A_145, %add3A_534 : i32
        %select_n3A_536 = arith.constant true
        %select_n3A_537 = arith.select %select_n3A_536, %add3A_535, %scan3A_145 : i32
        %eq3A_538 = arith.constant 5 : i32
        %eq3A_539 = arith.cmpi eq, %select_n3A_537, %eq3A_538 : i32
        %select_n3A_540 = arith.constant 0 : i32
        %select_n3A_541 = arith.select %eq3A_539, %select_n3A_540, %select_n3A_537 : i32
        scf.yield %select_n3A_236, %select_n3A_533, %select_n3A_403, %select_n3A_478, %select_n3A_541 : i32, i32, i32, i32, i32
      }
      %scan3A_86 = arith.constant 5 : i32
      %sub3A_87 = arith.constant 1 : i32
      %sub3A_88 = arith.subi %scan3A_85#4, %sub3A_87 : i32
      %select_n3A_89 = arith.constant true
      %select_n3A_90 = arith.select %select_n3A_89, %sub3A_88, %scan3A_85#4 : i32
      %eq3A_91 = arith.constant -1 : i32
      %eq3A_92 = arith.cmpi eq, %select_n3A_90, %eq3A_91 : i32
      %select_n3A_93 = arith.constant 4 : i32
      %select_n3A_94 = arith.select %eq3A_92, %select_n3A_93, %select_n3A_90 : i32
      %add3A_95 = arith.addi %select_n3A_94, %mul3A_6 : i32
      %sub3A_96 = arith.constant 1 : i32
      %sub3A_97 = arith.subi %select_n3A_94, %sub3A_96 : i32
      %select_n3A_98 = arith.constant true
      %select_n3A_99 = arith.select %select_n3A_98, %sub3A_97, %select_n3A_94 : i32
      %eq3A_100 = arith.constant -1 : i32
      %eq3A_101 = arith.cmpi eq, %select_n3A_99, %eq3A_100 : i32
      %select_n3A_102 = arith.constant 4 : i32
      %select_n3A_103 = arith.select %eq3A_101, %select_n3A_102, %select_n3A_99 : i32
      %add3A_104 = arith.addi %select_n3A_103, %mul3A_6 : i32
      %add3A_105 = arith.constant 1 : i32
      %add3A_106 = arith.addi %select_n3A_94, %add3A_105 : i32
      %select_n3A_107 = arith.constant true
      %select_n3A_108 = arith.select %select_n3A_107, %add3A_106, %select_n3A_94 : i32
      %eq3A_109 = arith.constant 5 : i32
      %eq3A_110 = arith.cmpi eq, %select_n3A_108, %eq3A_109 : i32
      %select_n3A_111 = arith.constant 0 : i32
      %select_n3A_112 = arith.select %eq3A_110, %select_n3A_111, %select_n3A_108 : i32
      %add3A_113 = arith.addi %select_n3A_112, %mul3A_6 : i32
      %add3A_114 = arith.constant 1 : i32
      %add3A_115 = arith.addi %select_n3A_112, %add3A_114 : i32
      %select_n3A_116 = arith.constant true
      %select_n3A_117 = arith.select %select_n3A_116, %add3A_115, %select_n3A_112 : i32
      %eq3A_118 = arith.constant 5 : i32
      %eq3A_119 = arith.cmpi eq, %select_n3A_117, %eq3A_118 : i32
      %select_n3A_120 = arith.constant 0 : i32
      %select_n3A_121 = arith.select %eq3A_119, %select_n3A_120, %select_n3A_117 : i32
      %add3A_122 = arith.addi %select_n3A_121, %mul3A_6 : i32
      "tpu.trace_start"() <{level = 10 : i32, message = "ep_finalize"}> : () -> ()
      %rem3A_123 = arith.constant 2 : i32
      %rem3A_124 = arith.remui %scan3A_85#3, %rem3A_123 : i32
      %mul3A_125 = arith.constant 64 : i32
      %mul3A_126 = arith.muli %mul3A_125, %add3A_95 : i32
      %dma_wait3A = arith.constant 0 : i32
      %dma_wait3A_127 = arith.constant 0 : i32
      %dma_wait3A_128 = tpu.memref_slice %run_scoped3A_8[%rem3A_124, %dma_wait3A, %dma_wait3A_127] : memref<2x64x768xf32, #tpu.memory_space<vmem>> -> memref<1x64x768xf32, #tpu.memory_space<vmem>>
      %dma_wait3A_129 = tpu.memref_squeeze %dma_wait3A_128 : memref<1x64x768xf32, #tpu.memory_space<vmem>> -> memref<64x768xf32, #tpu.memory_space<vmem>>
      %dma_wait3A_130 = arith.constant 0 : i32
      %dma_wait3A_131 = tpu.memref_slice %arg4[%mul3A_126, %dma_wait3A_130] : memref<10240x768xf32, #tpu.memory_space<hbm>> -> memref<64x768xf32, #tpu.memory_space<hbm>>
      %dma_wait3A_132 = tpu.memref_slice %run_scoped3A_9[%rem3A_124] : memref<2x!tpu.dma_semaphore, #tpu.memory_space<semaphore_mem>> -> memref<1x!tpu.dma_semaphore, #tpu.memory_space<semaphore_mem>>
      %dma_wait3A_133 = tpu.memref_squeeze %dma_wait3A_132 : memref<1x!tpu.dma_semaphore, #tpu.memory_space<semaphore_mem>> -> memref<!tpu.dma_semaphore, #tpu.memory_space<semaphore_mem>>
      %dma_wait3A_134 = arith.constant 0 : i32
      %dma_wait3A_135 = tpu.memref_slice %arg4[%mul3A_126, %dma_wait3A_134] : memref<10240x768xf32, #tpu.memory_space<hbm>> -> memref<64x768xf32, #tpu.memory_space<hbm>>
      %dma_wait3A_136 = arith.constant 0 : i32
      %dma_wait3A_137 = arith.constant 0 : i32
      %dma_wait3A_138 = tpu.memref_slice %run_scoped3A_8[%rem3A_124, %dma_wait3A_136, %dma_wait3A_137] : memref<2x64x768xf32, #tpu.memory_space<vmem>> -> memref<1x64x768xf32, #tpu.memory_space<vmem>>
      %dma_wait3A_139 = tpu.memref_squeeze %dma_wait3A_138 : memref<1x64x768xf32, #tpu.memory_space<vmem>> -> memref<64x768xf32, #tpu.memory_space<vmem>>
      tpu.wait_dma2 semaphore(%dma_wait3A_133 : memref<!tpu.dma_semaphore, #tpu.memory_space<semaphore_mem>>) src(%dma_wait3A_139 : memref<64x768xf32, #tpu.memory_space<vmem>>) dst(%dma_wait3A_135 : memref<64x768xf32, #tpu.memory_space<hbm>>)
      "tpu.trace_stop"() : () -> ()
      tpu.yield
    }) : () -> ()
    return
  }
}

#map = affine_map<(d0, d1) -> (0, 0)>
module attributes {stable_mosaic.version = 14 : i64} {
  func.func @k(%arg0: i32, %arg1: i32, %arg2: memref<30522x768xf32, #tpu.memory_space<hbm>>, %arg3: memref<1x10240xi32, #tpu.memory_space<hbm>>, %arg4: memref<10240x768xf32, #tpu.memory_space<hbm>>) attributes {dimension_semantics = [#tpu.dimension_semantics<core_parallel>, #tpu.dimension_semantics<subcore_parallel>], iteration_bounds = array<i64: 2, 16>, scalar_prefetch = 0 : i64, scratch_operands = 0 : i64, tpu.core_type = #tpu.core_type<sc_vector_subcore>, window_params = [{transform_indices = #map}, {transform_indices = #map}, {transform_indices = #map}]} {
    %mul3A = arith.constant 1 : i32
    %mul3A_0 = arith.muli %arg1, %mul3A : i32
    %add3A = arith.constant 0 : i32
    %add3A_1 = arith.addi %add3A, %mul3A_0 : i32
    %mul3A_2 = arith.constant 16 : i32
    %mul3A_3 = arith.muli %arg0, %mul3A_2 : i32
    %add3A_4 = arith.addi %add3A_1, %mul3A_3 : i32
    %mul3A_5 = arith.constant 5 : i32
    %mul3A_6 = arith.muli %add3A_4, %mul3A_5 : i32
    "tpu.region"() ({
      %run_scoped3A = memref.alloca() : memref<2x1x128xi32, #tpu.memory_space<vmem>>
      %run_scoped3A_7 = tpu.sem_alloc : memref<2x!tpu.dma_semaphore, #tpu.memory_space<semaphore_mem>>
      %run_scoped3A_8 = memref.alloca() : memref<2x64x768xf32, #tpu.memory_space<vmem>>
      %run_scoped3A_9 = tpu.sem_alloc : memref<2x!tpu.dma_semaphore, #tpu.memory_space<semaphore_mem>>
      %add3A_10 = arith.constant 0 : i32
      %add3A_11 = arith.addi %add3A_10, %mul3A_6 : i32
      %select_n3A = arith.constant true
      %select_n3A_12 = arith.constant 0 : i32
      %select_n3A_13 = arith.constant -1 : i32
      %select_n3A_14 = arith.select %select_n3A, %select_n3A_13, %select_n3A_12 : i32
      %eq3A = arith.constant -1 : i32
      %eq3A_15 = arith.cmpi eq, %select_n3A_14, %eq3A : i32
      %select_n3A_16 = arith.constant 4 : i32
      %select_n3A_17 = arith.select %eq3A_15, %select_n3A_16, %select_n3A_14 : i32
      %add3A_18 = arith.addi %select_n3A_17, %mul3A_6 : i32
      %select_n3A_19 = arith.constant true
      %select_n3A_20 = arith.constant 0 : i32
      %select_n3A_21 = arith.constant 1 : i32
      %select_n3A_22 = arith.select %select_n3A_19, %select_n3A_21, %select_n3A_20 : i32
      %eq3A_23 = arith.constant 5 : i32
      %eq3A_24 = arith.cmpi eq, %select_n3A_22, %eq3A_23 : i32
      %select_n3A_25 = arith.constant 0 : i32
      %select_n3A_26 = arith.select %eq3A_24, %select_n3A_25, %select_n3A_22 : i32
      %add3A_27 = arith.addi %select_n3A_26, %mul3A_6 : i32
      %add3A_28 = arith.constant 1 : i32
      %add3A_29 = arith.addi %select_n3A_26, %add3A_28 : i32
      %select_n3A_30 = arith.constant true
      %select_n3A_31 = arith.select %select_n3A_30, %add3A_29, %select_n3A_26 : i32
      %eq3A_32 = arith.constant 5 : i32
      %eq3A_33 = arith.cmpi eq, %select_n3A_31, %eq3A_32 : i32
      %select_n3A_34 = arith.constant 0 : i32
      %select_n3A_35 = arith.select %eq3A_33, %select_n3A_34, %select_n3A_31 : i32
      %add3A_36 = arith.addi %select_n3A_35, %mul3A_6 : i32
      "tpu.trace_start"() <{level = 10 : i32, message = "ep_initialize_0"}> : () -> ()
      %rem3A = arith.constant 0 : i32
      %rem3A_37 = arith.constant 2 : i32
      %rem3A_38 = arith.remui %rem3A, %rem3A_37 : i32
      %jit3A = arith.constant 2 : i32
      %div3A = arith.divsi %add3A_11, %jit3A : i32
      %sign3A = arith.constant 0 : i32
      %sign3A_39 = arith.cmpi sgt, %add3A_11, %sign3A : i32
      %sign3A_40 = arith.extui %sign3A_39 : i1 to i32
      %sign3A_41 = arith.constant 0 : i32
      %sign3A_42 = arith.cmpi slt, %add3A_11, %sign3A_41 : i32
      %sign3A_43 = arith.extui %sign3A_42 : i1 to i32
      %sign3A_44 = arith.subi %sign3A_40, %sign3A_43 : i32
      %sign3A_45 = arith.constant 0 : i32
      %sign3A_46 = arith.cmpi sgt, %jit3A, %sign3A_45 : i32
      %sign3A_47 = arith.extui %sign3A_46 : i1 to i32
      %sign3A_48 = arith.constant 0 : i32
      %sign3A_49 = arith.cmpi slt, %jit3A, %sign3A_48 : i32
      %sign3A_50 = arith.extui %sign3A_49 : i1 to i32
      %sign3A_51 = arith.subi %sign3A_47, %sign3A_50 : i32
      %ne3A = arith.cmpi ne, %sign3A_44, %sign3A_51 : i32
      %rem3A_52 = arith.remsi %add3A_11, %jit3A : i32
      %ne3A_53 = arith.constant 0 : i32
      %ne3A_54 = arith.cmpi ne, %rem3A_52, %ne3A_53 : i32
      %and3A = arith.andi %ne3A, %ne3A_54 : i1
      %sub3A = arith.constant 1 : i32
      %sub3A_55 = arith.subi %div3A, %sub3A : i32
      %select_n3A_56 = arith.select %and3A, %sub3A_55, %div3A : i32
      %mul3A_57 = arith.constant 128 : i32
      %mul3A_58 = arith.muli %mul3A_57, %select_n3A_56 : i32
      %dma_start3A = arith.constant 0 : i32
      %dma_start3A_59 = arith.constant 0 : i32
      %dma_start3A_60 = tpu.memref_slice %run_scoped3A[%rem3A_38, %dma_start3A, %dma_start3A_59] : memref<2x1x128xi32, #tpu.memory_space<vmem>> -> memref<1x1x128xi32, #tpu.memory_space<vmem>>
      %dma_start3A_61 = tpu.memref_squeeze %dma_start3A_60 : memref<1x1x128xi32, #tpu.memory_space<vmem>> -> memref<1x128xi32, #tpu.memory_space<vmem>>
      %dma_start3A_62 = arith.constant 0 : i32
      %dma_start3A_63 = tpu.memref_slice %arg3[%dma_start3A_62, %mul3A_58] : memref<1x10240xi32, #tpu.memory_space<hbm>> -> memref<1x128xi32, #tpu.memory_space<hbm>>
      %dma_start3A_64 = tpu.memref_slice %run_scoped3A_7[%rem3A_38] : memref<2x!tpu.dma_semaphore, #tpu.memory_space<semaphore_mem>> -> memref<1x!tpu.dma_semaphore, #tpu.memory_space<semaphore_mem>>
      %dma_start3A_65 = tpu.memref_squeeze %dma_start3A_64 : memref<1x!tpu.dma_semaphore, #tpu.memory_space<semaphore_mem>> -> memref<!tpu.dma_semaphore, #tpu.memory_space<semaphore_mem>>
      %dma_start3A_66 = arith.constant 0 : i32
      %dma_start3A_67 = arith.constant 0 : i32
      %dma_start3A_68 = tpu.memref_slice %run_scoped3A[%rem3A_38, %dma_start3A_66, %dma_start3A_67] : memref<2x1x128xi32, #tpu.memory_space<vmem>> -> memref<1x1x128xi32, #tpu.memory_space<vmem>>
      %dma_start3A_69 = tpu.memref_squeeze %dma_start3A_68 : memref<1x1x128xi32, #tpu.memory_space<vmem>> -> memref<1x128xi32, #tpu.memory_space<vmem>>
      %dma_start3A_70 = arith.constant 0 : i32
      %dma_start3A_71 = tpu.memref_slice %arg3[%dma_start3A_70, %mul3A_58] : memref<1x10240xi32, #tpu.memory_space<hbm>> -> memref<1x128xi32, #tpu.memory_space<hbm>>
      tpu.enqueue_dma source(%dma_start3A_71 : memref<1x128xi32, #tpu.memory_space<hbm>>) target(%dma_start3A_69 : memref<1x128xi32, #tpu.memory_space<vmem>>) target_semaphore(%dma_start3A_65 : memref<!tpu.dma_semaphore, #tpu.memory_space<semaphore_mem>>)
      %add3A_72 = arith.constant 0 : i32
      %add3A_73 = arith.constant 1 : i32
      %add3A_74 = arith.addi %add3A_72, %add3A_73 : i32
      %select_n3A_75 = arith.constant true
      %select_n3A_76 = arith.constant 0 : i32
      %select_n3A_77 = arith.select %select_n3A_75, %add3A_74, %select_n3A_76 : i32
      "tpu.trace_stop"() : () -> ()
      %scan3A = arith.constant 0 : i32
      %scan3A_78 = arith.constant 0 : i32
      %scan3A_79 = arith.constant 0 : i32
      %scan3A_80 = arith.constant 0 : i32
      %scan3A_81 = arith.constant 0 : i32
      %scan3A_82 = arith.constant 5 : i32
      %scan3A_83 = arith.addi %scan3A_81, %scan3A_82 : i32
      %scan3A_84 = arith.constant 1 : i32
      %scan3A_85:5 = scf.for %scan3A_140 = %scan3A_81 to %scan3A_83 step %scan3A_84 iter_args(%scan3A_141 = %select_n3A_77, %scan3A_142 = %scan3A, %scan3A_143 = %scan3A_78, %scan3A_144 = %scan3A_79, %scan3A_145 = %scan3A_80) -> (i32, i32, i32, i32, i32)  : i32 {
        %eq3A_146 = arith.constant 0 : i32
        %eq3A_147 = arith.cmpi eq, %scan3A_140, %eq3A_146 : i32
        %eq3A_148 = arith.constant 4 : i32
        %eq3A_149 = arith.cmpi eq, %scan3A_140, %eq3A_148 : i32
        %add3A_150 = arith.addi %scan3A_145, %mul3A_6 : i32
        %sub3A_151 = arith.constant 1 : i32
        %sub3A_152 = arith.subi %scan3A_145, %sub3A_151 : i32
        %select_n3A_153 = arith.constant true
        %select_n3A_154 = arith.select %select_n3A_153, %sub3A_152, %scan3A_145 : i32
        %eq3A_155 = arith.constant -1 : i32
        %eq3A_156 = arith.cmpi eq, %select_n3A_154, %eq3A_155 : i32
        %select_n3A_157 = arith.constant 4 : i32
        %select_n3A_158 = arith.select %eq3A_156, %select_n3A_157, %select_n3A_154 : i32
        %add3A_159 = arith.addi %select_n3A_158, %mul3A_6 : i32
        %add3A_160 = arith.constant 1 : i32
        %add3A_161 = arith.addi %scan3A_145, %add3A_160 : i32
        %select_n3A_162 = arith.constant true
        %select_n3A_163 = arith.select %select_n3A_162, %add3A_161, %scan3A_145 : i32
        %eq3A_164 = arith.constant 5 : i32
        %eq3A_165 = arith.cmpi eq, %select_n3A_163, %eq3A_164 : i32
        %select_n3A_166 = arith.constant 0 : i32
        %select_n3A_167 = arith.select %eq3A_165, %select_n3A_166, %select_n3A_163 : i32
        %add3A_168 = arith.addi %select_n3A_167, %mul3A_6 : i32
        %add3A_169 = arith.constant 1 : i32
        %add3A_170 = arith.addi %select_n3A_167, %add3A_169 : i32
        %select_n3A_171 = arith.constant true
        %select_n3A_172 = arith.select %select_n3A_171, %add3A_170, %select_n3A_167 : i32
        %eq3A_173 = arith.constant 5 : i32
        %eq3A_174 = arith.cmpi eq, %select_n3A_172, %eq3A_173 : i32
        %select_n3A_175 = arith.constant 0 : i32
        %select_n3A_176 = arith.select %eq3A_174, %select_n3A_175, %select_n3A_172 : i32
        %add3A_177 = arith.addi %select_n3A_176, %mul3A_6 : i32
        %jit3A_178 = arith.constant 2 : i32
        %div3A_179 = arith.divsi %add3A_150, %jit3A_178 : i32
        %sign3A_180 = arith.constant 0 : i32
        %sign3A_181 = arith.cmpi sgt, %add3A_150, %sign3A_180 : i32
        %sign3A_182 = arith.extui %sign3A_181 : i1 to i32
        %sign3A_183 = arith.constant 0 : i32
        %sign3A_184 = arith.cmpi slt, %add3A_150, %sign3A_183 : i32
        %sign3A_185 = arith.extui %sign3A_184 : i1 to i32
        %sign3A_186 = arith.subi %sign3A_182, %sign3A_185 : i32
        %sign3A_187 = arith.constant 0 : i32
        %sign3A_188 = arith.cmpi sgt, %jit3A_178, %sign3A_187 : i32
        %sign3A_189 = arith.extui %sign3A_188 : i1 to i32
        %sign3A_190 = arith.constant 0 : i32
        %sign3A_191 = arith.cmpi slt, %jit3A_178, %sign3A_190 : i32
        %sign3A_192 = arith.extui %sign3A_191 : i1 to i32
        %sign3A_193 = arith.subi %sign3A_189, %sign3A_192 : i32
        %ne3A_194 = arith.cmpi ne, %sign3A_186, %sign3A_193 : i32
        %rem3A_195 = arith.remsi %add3A_150, %jit3A_178 : i32
        %ne3A_196 = arith.constant 0 : i32
        %ne3A_197 = arith.cmpi ne, %rem3A_195, %ne3A_196 : i32
        %and3A_198 = arith.andi %ne3A_194, %ne3A_197 : i1
        %sub3A_199 = arith.constant 1 : i32
        %sub3A_200 = arith.subi %div3A_179, %sub3A_199 : i32
        %select_n3A_201 = arith.select %and3A_198, %sub3A_200, %div3A_179 : i32
        %jit3A_202 = arith.constant 2 : i32
        %div3A_203 = arith.divsi %add3A_168, %jit3A_202 : i32
        %sign3A_204 = arith.constant 0 : i32
        %sign3A_205 = arith.cmpi sgt, %add3A_168, %sign3A_204 : i32
        %sign3A_206 = arith.extui %sign3A_205 : i1 to i32
        %sign3A_207 = arith.constant 0 : i32
        %sign3A_208 = arith.cmpi slt, %add3A_168, %sign3A_207 : i32
        %sign3A_209 = arith.extui %sign3A_208 : i1 to i32
        %sign3A_210 = arith.subi %sign3A_206, %sign3A_209 : i32
        %sign3A_211 = arith.constant 0 : i32
        %sign3A_212 = arith.cmpi sgt, %jit3A_202, %sign3A_211 : i32
        %sign3A_213 = arith.extui %sign3A_212 : i1 to i32
        %sign3A_214 = arith.constant 0 : i32
        %sign3A_215 = arith.cmpi slt, %jit3A_202, %sign3A_214 : i32
        %sign3A_216 = arith.extui %sign3A_215 : i1 to i32
        %sign3A_217 = arith.subi %sign3A_213, %sign3A_216 : i32
        %ne3A_218 = arith.cmpi ne, %sign3A_210, %sign3A_217 : i32
        %rem3A_219 = arith.remsi %add3A_168, %jit3A_202 : i32
        %ne3A_220 = arith.constant 0 : i32
        %ne3A_221 = arith.cmpi ne, %rem3A_219, %ne3A_220 : i32
        %and3A_222 = arith.andi %ne3A_218, %ne3A_221 : i1
        %sub3A_223 = arith.constant 1 : i32
        %sub3A_224 = arith.subi %div3A_203, %sub3A_223 : i32
        %select_n3A_225 = arith.select %and3A_222, %sub3A_224, %div3A_203 : i32
        %ne3A_226 = arith.cmpi ne, %select_n3A_201, %select_n3A_225 : i32
        %or3A = arith.constant false
        %or3A_227 = arith.ori %or3A, %ne3A_226 : i1
        %ge3A = arith.constant 4 : i32
        %ge3A_228 = arith.cmpi sge, %scan3A_140, %ge3A : i32
        %not3A = arith.constant true
        %not3A_229 = arith.xori %ge3A_228, %not3A : i1
        %and3A_230 = arith.andi %or3A_227, %not3A_229 : i1
        %convert_element_type3A = arith.extui %and3A_230 : i1 to i32
        %cond3A = arith.constant 0 : i32
        %cond3A_231 = arith.cmpi ne, %convert_element_type3A, %cond3A : i32
        scf.if %cond3A_231 {
          "tpu.trace_start"() <{level = 10 : i32, message = "ep_copy_in"}> : () -> ()
          %rem3A_542 = arith.constant 2 : i32
          %rem3A_543 = arith.remui %scan3A_141, %rem3A_542 : i32
          %jit3A_544 = arith.constant 2 : i32
          %div3A_545 = arith.divsi %add3A_168, %jit3A_544 : i32
          %sign3A_546 = arith.constant 0 : i32
          %sign3A_547 = arith.cmpi sgt, %add3A_168, %sign3A_546 : i32
          %sign3A_548 = arith.extui %sign3A_547 : i1 to i32
          %sign3A_549 = arith.constant 0 : i32
          %sign3A_550 = arith.cmpi slt, %add3A_168, %sign3A_549 : i32
          %sign3A_551 = arith.extui %sign3A_550 : i1 to i32
          %sign3A_552 = arith.subi %sign3A_548, %sign3A_551 : i32
          %sign3A_553 = arith.constant 0 : i32
          %sign3A_554 = arith.cmpi sgt, %jit3A_544, %sign3A_553 : i32
          %sign3A_555 = arith.extui %sign3A_554 : i1 to i32
          %sign3A_556 = arith.constant 0 : i32
          %sign3A_557 = arith.cmpi slt, %jit3A_544, %sign3A_556 : i32
          %sign3A_558 = arith.extui %sign3A_557 : i1 to i32
          %sign3A_559 = arith.subi %sign3A_555, %sign3A_558 : i32
          %ne3A_560 = arith.cmpi ne, %sign3A_552, %sign3A_559 : i32
          %rem3A_561 = arith.remsi %add3A_168, %jit3A_544 : i32
          %ne3A_562 = arith.constant 0 : i32
          %ne3A_563 = arith.cmpi ne, %rem3A_561, %ne3A_562 : i32
          %and3A_564 = arith.andi %ne3A_560, %ne3A_563 : i1
          %sub3A_565 = arith.constant 1 : i32
          %sub3A_566 = arith.subi %div3A_545, %sub3A_565 : i32
          %select_n3A_567 = arith.select %and3A_564, %sub3A_566, %div3A_545 : i32
          %mul3A_568 = arith.constant 128 : i32
          %mul3A_569 = arith.muli %mul3A_568, %select_n3A_567 : i32
          %dma_start3A_570 = arith.constant 0 : i32
          %dma_start3A_571 = arith.constant 0 : i32
          %dma_start3A_572 = tpu.memref_slice %run_scoped3A[%rem3A_543, %dma_start3A_570, %dma_start3A_571] : memref<2x1x128xi32, #tpu.memory_space<vmem>> -> memref<1x1x128xi32, #tpu.memory_space<vmem>>
          %dma_start3A_573 = tpu.memref_squeeze %dma_start3A_572 : memref<1x1x128xi32, #tpu.memory_space<vmem>> -> memref<1x128xi32, #tpu.memory_space<vmem>>
          %dma_start3A_574 = arith.constant 0 : i32
          %dma_start3A_575 = tpu.memref_slice %arg3[%dma_start3A_574, %mul3A_569] : memref<1x10240xi32, #tpu.memory_space<hbm>> -> memref<1x128xi32, #tpu.memory_space<hbm>>
          %dma_start3A_576 = tpu.memref_slice %run_scoped3A_7[%rem3A_543] : memref<2x!tpu.dma_semaphore, #tpu.memory_space<semaphore_mem>> -> memref<1x!tpu.dma_semaphore, #tpu.memory_space<semaphore_mem>>
          %dma_start3A_577 = tpu.memref_squeeze %dma_start3A_576 : memref<1x!tpu.dma_semaphore, #tpu.memory_space<semaphore_mem>> -> memref<!tpu.dma_semaphore, #tpu.memory_space<semaphore_mem>>
          %dma_start3A_578 = arith.constant 0 : i32
          %dma_start3A_579 = arith.constant 0 : i32
          %dma_start3A_580 = tpu.memref_slice %run_scoped3A[%rem3A_543, %dma_start3A_578, %dma_start3A_579] : memref<2x1x128xi32, #tpu.memory_space<vmem>> -> memref<1x1x128xi32, #tpu.memory_space<vmem>>
          %dma_start3A_581 = tpu.memref_squeeze %dma_start3A_580 : memref<1x1x128xi32, #tpu.memory_space<vmem>> -> memref<1x128xi32, #tpu.memory_space<vmem>>
          %dma_start3A_582 = arith.constant 0 : i32
          %dma_start3A_583 = tpu.memref_slice %arg3[%dma_start3A_582, %mul3A_569] : memref<1x10240xi32, #tpu.memory_space<hbm>> -> memref<1x128xi32, #tpu.memory_space<hbm>>
          tpu.enqueue_dma source(%dma_start3A_583 : memref<1x128xi32, #tpu.memory_space<hbm>>) target(%dma_start3A_581 : memref<1x128xi32, #tpu.memory_space<vmem>>) target_semaphore(%dma_start3A_577 : memref<!tpu.dma_semaphore, #tpu.memory_space<semaphore_mem>>)
          "tpu.trace_stop"() : () -> ()
        } else {
        }
        %and3A_232 = arith.constant true
        %and3A_233 = arith.andi %and3A_230, %and3A_232 : i1
        %add3A_234 = arith.constant 1 : i32
        %add3A_235 = arith.addi %scan3A_141, %add3A_234 : i32
        %select_n3A_236 = arith.select %and3A_233, %add3A_235, %scan3A_141 : i32
        %ne3A_237 = arith.cmpi ne, %add3A_150, %add3A_168 : i32
        %or3A_238 = arith.constant false
        %or3A_239 = arith.ori %or3A_238, %ne3A_237 : i1
        %or3A_240 = arith.constant false
        %or3A_241 = arith.ori %or3A_239, %or3A_240 : i1
        %ge3A_242 = arith.constant 4 : i32
        %ge3A_243 = arith.cmpi sge, %scan3A_140, %ge3A_242 : i32
        %not3A_244 = arith.constant true
        %not3A_245 = arith.xori %ge3A_243, %not3A_244 : i1
        %and3A_246 = arith.andi %or3A_241, %not3A_245 : i1
        %jit3A_247 = arith.constant 2 : i32
        %div3A_248 = arith.divsi %add3A_150, %jit3A_247 : i32
        %sign3A_249 = arith.constant 0 : i32
        %sign3A_250 = arith.cmpi sgt, %add3A_150, %sign3A_249 : i32
        %sign3A_251 = arith.extui %sign3A_250 : i1 to i32
        %sign3A_252 = arith.constant 0 : i32
        %sign3A_253 = arith.cmpi slt, %add3A_150, %sign3A_252 : i32
        %sign3A_254 = arith.extui %sign3A_253 : i1 to i32
        %sign3A_255 = arith.subi %sign3A_251, %sign3A_254 : i32
        %sign3A_256 = arith.constant 0 : i32
        %sign3A_257 = arith.cmpi sgt, %jit3A_247, %sign3A_256 : i32
        %sign3A_258 = arith.extui %sign3A_257 : i1 to i32
        %sign3A_259 = arith.constant 0 : i32
        %sign3A_260 = arith.cmpi slt, %jit3A_247, %sign3A_259 : i32
        %sign3A_261 = arith.extui %sign3A_260 : i1 to i32
        %sign3A_262 = arith.subi %sign3A_258, %sign3A_261 : i32
        %ne3A_263 = arith.cmpi ne, %sign3A_255, %sign3A_262 : i32
        %rem3A_264 = arith.remsi %add3A_150, %jit3A_247 : i32
        %ne3A_265 = arith.constant 0 : i32
        %ne3A_266 = arith.cmpi ne, %rem3A_264, %ne3A_265 : i32
        %and3A_267 = arith.andi %ne3A_263, %ne3A_266 : i1
        %sub3A_268 = arith.constant 1 : i32
        %sub3A_269 = arith.subi %div3A_248, %sub3A_268 : i32
        %select_n3A_270 = arith.select %and3A_267, %sub3A_269, %div3A_248 : i32
        %jit3A_271 = arith.constant 2 : i32
        %div3A_272 = arith.divsi %add3A_159, %jit3A_271 : i32
        %sign3A_273 = arith.constant 0 : i32
        %sign3A_274 = arith.cmpi sgt, %add3A_159, %sign3A_273 : i32
        %sign3A_275 = arith.extui %sign3A_274 : i1 to i32
        %sign3A_276 = arith.constant 0 : i32
        %sign3A_277 = arith.cmpi slt, %add3A_159, %sign3A_276 : i32
        %sign3A_278 = arith.extui %sign3A_277 : i1 to i32
        %sign3A_279 = arith.subi %sign3A_275, %sign3A_278 : i32
        %sign3A_280 = arith.constant 0 : i32
        %sign3A_281 = arith.cmpi sgt, %jit3A_271, %sign3A_280 : i32
        %sign3A_282 = arith.extui %sign3A_281 : i1 to i32
        %sign3A_283 = arith.constant 0 : i32
        %sign3A_284 = arith.cmpi slt, %jit3A_271, %sign3A_283 : i32
        %sign3A_285 = arith.extui %sign3A_284 : i1 to i32
        %sign3A_286 = arith.subi %sign3A_282, %sign3A_285 : i32
        %ne3A_287 = arith.cmpi ne, %sign3A_279, %sign3A_286 : i32
        %rem3A_288 = arith.remsi %add3A_159, %jit3A_271 : i32
        %ne3A_289 = arith.constant 0 : i32
        %ne3A_290 = arith.cmpi ne, %rem3A_288, %ne3A_289 : i32
        %and3A_291 = arith.andi %ne3A_287, %ne3A_290 : i1
        %sub3A_292 = arith.constant 1 : i32
        %sub3A_293 = arith.subi %div3A_272, %sub3A_292 : i32
        %select_n3A_294 = arith.select %and3A_291, %sub3A_293, %div3A_272 : i32
        %ne3A_295 = arith.cmpi ne, %select_n3A_270, %select_n3A_294 : i32
        %or3A_296 = arith.constant false
        %or3A_297 = arith.ori %or3A_296, %ne3A_295 : i1
        %or3A_298 = arith.ori %or3A_297, %eq3A_147 : i1
        %convert_element_type3A_299 = arith.extui %or3A_298 : i1 to i32
        %cond3A_300 = arith.constant 0 : i32
        %cond3A_301 = arith.cmpi ne, %convert_element_type3A_299, %cond3A_300 : i32
        scf.if %cond3A_301 {
          %jit3A_542 = arith.constant 2 : i32
          "tpu.trace_start"() <{level = 10 : i32, message = "ep_wait_in"}> : () -> ()
          %div3A_543 = arith.divsi %add3A_150, %jit3A_542 : i32
          %sign3A_544 = arith.constant 0 : i32
          %sign3A_545 = arith.cmpi sgt, %add3A_150, %sign3A_544 : i32
          %sign3A_546 = arith.extui %sign3A_545 : i1 to i32
          %sign3A_547 = arith.constant 0 : i32
          %sign3A_548 = arith.cmpi slt, %add3A_150, %sign3A_547 : i32
          %sign3A_549 = arith.extui %sign3A_548 : i1 to i32
          %sign3A_550 = arith.subi %sign3A_546, %sign3A_549 : i32
          %sign3A_551 = arith.constant 0 : i32
          %sign3A_552 = arith.cmpi sgt, %jit3A_542, %sign3A_551 : i32
          %sign3A_553 = arith.extui %sign3A_552 : i1 to i32
          %sign3A_554 = arith.constant 0 : i32
          %sign3A_555 = arith.cmpi slt, %jit3A_542, %sign3A_554 : i32
          %sign3A_556 = arith.extui %sign3A_555 : i1 to i32
          %sign3A_557 = arith.subi %sign3A_553, %sign3A_556 : i32
          %ne3A_558 = arith.cmpi ne, %sign3A_550, %sign3A_557 : i32
          %rem3A_559 = arith.remsi %add3A_150, %jit3A_542 : i32
          %ne3A_560 = arith.constant 0 : i32
          %ne3A_561 = arith.cmpi ne, %rem3A_559, %ne3A_560 : i32
          %and3A_562 = arith.andi %ne3A_558, %ne3A_561 : i1
          %sub3A_563 = arith.constant 1 : i32
          %sub3A_564 = arith.subi %div3A_543, %sub3A_563 : i32
          %select_n3A_565 = arith.select %and3A_562, %sub3A_564, %div3A_543 : i32
          %mul3A_566 = arith.constant 128 : i32
          %mul3A_567 = arith.muli %mul3A_566, %select_n3A_565 : i32
          %rem3A_568 = arith.constant 2 : i32
          %rem3A_569 = arith.remui %scan3A_142, %rem3A_568 : i32
          %dma_wait3A_570 = arith.constant 0 : i32
          %dma_wait3A_571 = arith.constant 0 : i32
          %dma_wait3A_572 = tpu.memref_slice %run_scoped3A[%rem3A_569, %dma_wait3A_570, %dma_wait3A_571] : memref<2x1x128xi32, #tpu.memory_space<vmem>> -> memref<1x1x128xi32, #tpu.memory_space<vmem>>
          %dma_wait3A_573 = tpu.memref_squeeze %dma_wait3A_572 : memref<1x1x128xi32, #tpu.memory_space<vmem>> -> memref<1x128xi32, #tpu.memory_space<vmem>>
          %dma_wait3A_574 = arith.constant 0 : i32
          %dma_wait3A_575 = tpu.memref_slice %arg3[%dma_wait3A_574, %mul3A_567] : memref<1x10240xi32, #tpu.memory_space<hbm>> -> memref<1x128xi32, #tpu.memory_space<hbm>>
          %dma_wait3A_576 = tpu.memref_slice %run_scoped3A_7[%rem3A_569] : memref<2x!tpu.dma_semaphore, #tpu.memory_space<semaphore_mem>> -> memref<1x!tpu.dma_semaphore, #tpu.memory_space<semaphore_mem>>
          %dma_wait3A_577 = tpu.memref_squeeze %dma_wait3A_576 : memref<1x!tpu.dma_semaphore, #tpu.memory_space<semaphore_mem>> -> memref<!tpu.dma_semaphore, #tpu.memory_space<semaphore_mem>>
          %dma_wait3A_578 = arith.constant 0 : i32
          %dma_wait3A_579 = arith.constant 0 : i32
          %dma_wait3A_580 = tpu.memref_slice %run_scoped3A[%rem3A_569, %dma_wait3A_578, %dma_wait3A_579] : memref<2x1x128xi32, #tpu.memory_space<vmem>> -> memref<1x1x128xi32, #tpu.memory_space<vmem>>
          %dma_wait3A_581 = tpu.memref_squeeze %dma_wait3A_580 : memref<1x1x128xi32, #tpu.memory_space<vmem>> -> memref<1x128xi32, #tpu.memory_space<vmem>>
          %dma_wait3A_582 = arith.constant 0 : i32
          %dma_wait3A_583 = tpu.memref_slice %arg3[%dma_wait3A_582, %mul3A_567] : memref<1x10240xi32, #tpu.memory_space<hbm>> -> memref<1x128xi32, #tpu.memory_space<hbm>>
          tpu.wait_dma2 semaphore(%dma_wait3A_577 : memref<!tpu.dma_semaphore, #tpu.memory_space<semaphore_mem>>) src(%dma_wait3A_583 : memref<1x128xi32, #tpu.memory_space<hbm>>) dst(%dma_wait3A_581 : memref<1x128xi32, #tpu.memory_space<vmem>>)
          "tpu.trace_stop"() : () -> ()
        } else {
        }
        %ne3A_302 = arith.cmpi ne, %add3A_150, %add3A_159 : i32
        %or3A_303 = arith.constant false
        %or3A_304 = arith.ori %or3A_303, %ne3A_302 : i1
        %or3A_305 = arith.constant false
        %or3A_306 = arith.ori %or3A_304, %or3A_305 : i1
        %or3A_307 = arith.ori %or3A_306, %eq3A_147 : i1
        %convert_element_type3A_308 = arith.extui %or3A_307 : i1 to i32
        %cond3A_309 = arith.constant 0 : i32
        %cond3A_310 = arith.cmpi ne, %convert_element_type3A_308, %cond3A_309 : i32
        scf.if %cond3A_310 {
        } else {
        }
        %rem3A_311 = arith.constant 2 : i32
        %rem3A_312 = arith.remui %scan3A_142, %rem3A_311 : i32
        %rem3A_313 = arith.constant 2 : i32
        %rem3A_314 = arith.remui %scan3A_143, %rem3A_313 : i32
        %jit3A_315 = arith.constant 2 : i32
        "tpu.trace_start"() <{level = 10 : i32, message = "ep_run_kernel"}> : () -> ()
        %eq3A_316 = arith.constant 0 : i32
        %eq3A_317 = arith.cmpi eq, %jit3A_315, %eq3A_316 : i32
        %jit3A_318 = arith.constant 1 : i32
        %select_n3A_319 = arith.select %eq3A_317, %jit3A_318, %jit3A_315 : i32
        %rem3A_320 = arith.remsi %add3A_150, %select_n3A_319 : i32
        %ne3A_321 = arith.constant 0 : i32
        %ne3A_322 = arith.cmpi ne, %rem3A_320, %ne3A_321 : i32
        %lt3A = arith.constant 0 : i32
        %lt3A_323 = arith.cmpi slt, %rem3A_320, %lt3A : i32
        %lt3A_324 = arith.constant 0 : i32
        %lt3A_325 = arith.cmpi slt, %select_n3A_319, %lt3A_324 : i32
        %ne3A_326 = arith.xori %lt3A_323, %lt3A_325 : i1
        %and3A_327 = arith.andi %ne3A_326, %ne3A_322 : i1
        %add3A_328 = arith.addi %rem3A_320, %select_n3A_319 : i32
        %select_n3A_329 = arith.select %and3A_327, %add3A_328, %rem3A_320 : i32
        %mul3A_330 = arith.constant 64 : i32
        %mul3A_331 = arith.muli %select_n3A_329, %mul3A_330 : i32
        %run_scoped3A_332 = arith.constant 0 : i32
        "tpu.region"() ({
          %run_scoped3A_542 = tpu.sem_alloc : memref<!tpu.dma_semaphore, #tpu.memory_space<semaphore_mem>>
          %dma_start3A_543 = arith.constant 0 : i32
          %dma_start3A_544 = arith.constant 0 : i32
          %dma_start3A_545 = tpu.memref_slice %run_scoped3A_8[%rem3A_314, %dma_start3A_543, %dma_start3A_544] : memref<2x64x768xf32, #tpu.memory_space<vmem>> -> memref<1x64x768xf32, #tpu.memory_space<vmem>>
          %dma_start3A_546 = tpu.memref_squeeze %dma_start3A_545 : memref<1x64x768xf32, #tpu.memory_space<vmem>> -> memref<64x768xf32, #tpu.memory_space<vmem>>
          %dma_start3A_547 = arith.constant 0 : i32
          %dma_start3A_548 = arith.constant 0 : i32
          %dma_start3A_549 = tpu.memref_slice %run_scoped3A[%rem3A_312, %dma_start3A_547, %dma_start3A_548] : memref<2x1x128xi32, #tpu.memory_space<vmem>> -> memref<1x1x128xi32, #tpu.memory_space<vmem>>
          %dma_start3A_550 = tpu.memref_squeeze %dma_start3A_549 : memref<1x1x128xi32, #tpu.memory_space<vmem>> -> memref<1x128xi32, #tpu.memory_space<vmem>>
          %dma_start3A_551 = tpu.memref_slice %dma_start3A_550[%run_scoped3A_332, %mul3A_331] : memref<1x128xi32, #tpu.memory_space<vmem>> -> memref<1x64xi32, #tpu.memory_space<vmem>>
          %dma_start3A_552 = tpu.memref_squeeze %dma_start3A_551 : memref<1x64xi32, #tpu.memory_space<vmem>> -> memref<64xi32, #tpu.memory_space<vmem>>
          %dma_start3A_553 = arith.constant 0 : i32
          %dma_start3A_554 = arith.constant 0 : i32
          %dma_start3A_555 = tpu.memref_slice %arg2[%dma_start3A_553, %dma_start3A_554] : memref<30522x768xf32, #tpu.memory_space<hbm>> -> memref<30522x768xf32, #tpu.memory_space<hbm>>
          tpu.enqueue_indirect_dma source(%dma_start3A_555 : memref<30522x768xf32, #tpu.memory_space<hbm>>) target(%dma_start3A_546 : memref<64x768xf32, #tpu.memory_space<vmem>>) offsets(%dma_start3A_552 : memref<64xi32, #tpu.memory_space<vmem>>) semaphore(%run_scoped3A_542 : memref<!tpu.dma_semaphore, #tpu.memory_space<semaphore_mem>>)
          %dma_wait3A_556 = arith.constant 0 : i32
          %dma_wait3A_557 = arith.constant 0 : i32
          %dma_wait3A_558 = tpu.memref_slice %run_scoped3A_8[%rem3A_314, %dma_wait3A_556, %dma_wait3A_557] : memref<2x64x768xf32, #tpu.memory_space<vmem>> -> memref<1x64x768xf32, #tpu.memory_space<vmem>>
          %dma_wait3A_559 = tpu.memref_squeeze %dma_wait3A_558 : memref<1x64x768xf32, #tpu.memory_space<vmem>> -> memref<64x768xf32, #tpu.memory_space<vmem>>
          %dma_wait3A_560 = arith.constant 0 : i32
          %dma_wait3A_561 = arith.constant 0 : i32
          %dma_wait3A_562 = tpu.memref_slice %run_scoped3A[%rem3A_312, %dma_wait3A_560, %dma_wait3A_561] : memref<2x1x128xi32, #tpu.memory_space<vmem>> -> memref<1x1x128xi32, #tpu.memory_space<vmem>>
          %dma_wait3A_563 = tpu.memref_squeeze %dma_wait3A_562 : memref<1x1x128xi32, #tpu.memory_space<vmem>> -> memref<1x128xi32, #tpu.memory_space<vmem>>
          %dma_wait3A_564 = tpu.memref_slice %dma_wait3A_563[%run_scoped3A_332, %mul3A_331] : memref<1x128xi32, #tpu.memory_space<vmem>> -> memref<1x64xi32, #tpu.memory_space<vmem>>
          %dma_wait3A_565 = tpu.memref_squeeze %dma_wait3A_564 : memref<1x64xi32, #tpu.memory_space<vmem>> -> memref<64xi32, #tpu.memory_space<vmem>>
          %dma_wait3A_566 = arith.constant 0 : i32
          %dma_wait3A_567 = arith.constant 0 : i32
          %dma_wait3A_568 = tpu.memref_slice %arg2[%dma_wait3A_566, %dma_wait3A_567] : memref<30522x768xf32, #tpu.memory_space<hbm>> -> memref<30522x768xf32, #tpu.memory_space<hbm>>
          tpu.wait_indirect_dma semaphore(%run_scoped3A_542 : memref<!tpu.dma_semaphore, #tpu.memory_space<semaphore_mem>>) src(%dma_wait3A_568 : memref<30522x768xf32, #tpu.memory_space<hbm>>) dst(%dma_wait3A_559 : memref<64x768xf32, #tpu.memory_space<vmem>>)
          tpu.yield
        }) : () -> ()
        %jit3A_333 = arith.constant 2 : i32
        "tpu.trace_stop"() : () -> ()
        %div3A_334 = arith.divsi %add3A_150, %jit3A_333 : i32
        %sign3A_335 = arith.constant 0 : i32
        %sign3A_336 = arith.cmpi sgt, %add3A_150, %sign3A_335 : i32
        %sign3A_337 = arith.extui %sign3A_336 : i1 to i32
        %sign3A_338 = arith.constant 0 : i32
        %sign3A_339 = arith.cmpi slt, %add3A_150, %sign3A_338 : i32
        %sign3A_340 = arith.extui %sign3A_339 : i1 to i32
        %sign3A_341 = arith.subi %sign3A_337, %sign3A_340 : i32
        %sign3A_342 = arith.constant 0 : i32
        %sign3A_343 = arith.cmpi sgt, %jit3A_333, %sign3A_342 : i32
        %sign3A_344 = arith.extui %sign3A_343 : i1 to i32
        %sign3A_345 = arith.constant 0 : i32
        %sign3A_346 = arith.cmpi slt, %jit3A_333, %sign3A_345 : i32
        %sign3A_347 = arith.extui %sign3A_346 : i1 to i32
        %sign3A_348 = arith.subi %sign3A_344, %sign3A_347 : i32
        %ne3A_349 = arith.cmpi ne, %sign3A_341, %sign3A_348 : i32
        %rem3A_350 = arith.remsi %add3A_150, %jit3A_333 : i32
        %ne3A_351 = arith.constant 0 : i32
        %ne3A_352 = arith.cmpi ne, %rem3A_350, %ne3A_351 : i32
        %and3A_353 = arith.andi %ne3A_349, %ne3A_352 : i1
        %sub3A_354 = arith.constant 1 : i32
        %sub3A_355 = arith.subi %div3A_334, %sub3A_354 : i32
        %select_n3A_356 = arith.select %and3A_353, %sub3A_355, %div3A_334 : i32
        %jit3A_357 = arith.constant 2 : i32
        %div3A_358 = arith.divsi %add3A_168, %jit3A_357 : i32
        %sign3A_359 = arith.constant 0 : i32
        %sign3A_360 = arith.cmpi sgt, %add3A_168, %sign3A_359 : i32
        %sign3A_361 = arith.extui %sign3A_360 : i1 to i32
        %sign3A_362 = arith.constant 0 : i32
        %sign3A_363 = arith.cmpi slt, %add3A_168, %sign3A_362 : i32
        %sign3A_364 = arith.extui %sign3A_363 : i1 to i32
        %sign3A_365 = arith.subi %sign3A_361, %sign3A_364 : i32
        %sign3A_366 = arith.constant 0 : i32
        %sign3A_367 = arith.cmpi sgt, %jit3A_357, %sign3A_366 : i32
        %sign3A_368 = arith.extui %sign3A_367 : i1 to i32
        %sign3A_369 = arith.constant 0 : i32
        %sign3A_370 = arith.cmpi slt, %jit3A_357, %sign3A_369 : i32
        %sign3A_371 = arith.extui %sign3A_370 : i1 to i32
        %sign3A_372 = arith.subi %sign3A_368, %sign3A_371 : i32
        %ne3A_373 = arith.cmpi ne, %sign3A_365, %sign3A_372 : i32
        %rem3A_374 = arith.remsi %add3A_168, %jit3A_357 : i32
        %ne3A_375 = arith.constant 0 : i32
        %ne3A_376 = arith.cmpi ne, %rem3A_374, %ne3A_375 : i32
        %and3A_377 = arith.andi %ne3A_373, %ne3A_376 : i1
        %sub3A_378 = arith.constant 1 : i32
        %sub3A_379 = arith.subi %div3A_358, %sub3A_378 : i32
        %select_n3A_380 = arith.select %and3A_377, %sub3A_379, %div3A_358 : i32
        %ne3A_381 = arith.cmpi ne, %select_n3A_356, %select_n3A_380 : i32
        %or3A_382 = arith.constant false
        %or3A_383 = arith.ori %or3A_382, %ne3A_381 : i1
        %or3A_384 = arith.ori %or3A_383, %eq3A_149 : i1
        %convert_element_type3A_385 = arith.extui %or3A_384 : i1 to i32
        %cond3A_386 = arith.constant 0 : i32
        %cond3A_387 = arith.cmpi ne, %convert_element_type3A_385, %cond3A_386 : i32
        scf.if %cond3A_387 {
        } else {
        }
        %and3A_388 = arith.constant false
        %and3A_389 = arith.andi %or3A_384, %and3A_388 : i1
        %ne3A_390 = arith.cmpi ne, %add3A_150, %add3A_168 : i32
        %or3A_391 = arith.constant false
        %or3A_392 = arith.ori %or3A_391, %ne3A_390 : i1
        %or3A_393 = arith.constant false
        %or3A_394 = arith.ori %or3A_392, %or3A_393 : i1
        %or3A_395 = arith.ori %or3A_394, %eq3A_149 : i1
        %convert_element_type3A_396 = arith.extui %or3A_395 : i1 to i32
        %cond3A_397 = arith.constant 0 : i32
        %cond3A_398 = arith.cmpi ne, %convert_element_type3A_396, %cond3A_397 : i32
        scf.if %cond3A_398 {
          "tpu.trace_start"() <{level = 10 : i32, message = "ep_copy_out"}> : () -> ()
          %rem3A_542 = arith.constant 2 : i32
          %rem3A_543 = arith.remui %scan3A_143, %rem3A_542 : i32
          %mul3A_544 = arith.constant 64 : i32
          %mul3A_545 = arith.muli %mul3A_544, %add3A_150 : i32
          %dma_start3A_546 = arith.constant 0 : i32
          %dma_start3A_547 = arith.constant 0 : i32
          %dma_start3A_548 = tpu.memref_slice %run_scoped3A_8[%rem3A_543, %dma_start3A_546, %dma_start3A_547] : memref<2x64x768xf32, #tpu.memory_space<vmem>> -> memref<1x64x768xf32, #tpu.memory_space<vmem>>
          %dma_start3A_549 = tpu.memref_squeeze %dma_start3A_548 : memref<1x64x768xf32, #tpu.memory_space<vmem>> -> memref<64x768xf32, #tpu.memory_space<vmem>>
          %dma_start3A_550 = arith.constant 0 : i32
          %dma_start3A_551 = tpu.memref_slice %arg4[%mul3A_545, %dma_start3A_550] : memref<10240x768xf32, #tpu.memory_space<hbm>> -> memref<64x768xf32, #tpu.memory_space<hbm>>
          %dma_start3A_552 = tpu.memref_slice %run_scoped3A_9[%rem3A_543] : memref<2x!tpu.dma_semaphore, #tpu.memory_space<semaphore_mem>> -> memref<1x!tpu.dma_semaphore, #tpu.memory_space<semaphore_mem>>
          %dma_start3A_553 = tpu.memref_squeeze %dma_start3A_552 : memref<1x!tpu.dma_semaphore, #tpu.memory_space<semaphore_mem>> -> memref<!tpu.dma_semaphore, #tpu.memory_space<semaphore_mem>>
          %dma_start3A_554 = arith.constant 0 : i32
          %dma_start3A_555 = tpu.memref_slice %arg4[%mul3A_545, %dma_start3A_554] : memref<10240x768xf32, #tpu.memory_space<hbm>> -> memref<64x768xf32, #tpu.memory_space<hbm>>
          %dma_start3A_556 = arith.constant 0 : i32
          %dma_start3A_557 = arith.constant 0 : i32
          %dma_start3A_558 = tpu.memref_slice %run_scoped3A_8[%rem3A_543, %dma_start3A_556, %dma_start3A_557] : memref<2x64x768xf32, #tpu.memory_space<vmem>> -> memref<1x64x768xf32, #tpu.memory_space<vmem>>
          %dma_start3A_559 = tpu.memref_squeeze %dma_start3A_558 : memref<1x64x768xf32, #tpu.memory_space<vmem>> -> memref<64x768xf32, #tpu.memory_space<vmem>>
          tpu.enqueue_dma source(%dma_start3A_559 : memref<64x768xf32, #tpu.memory_space<vmem>>) target(%dma_start3A_555 : memref<64x768xf32, #tpu.memory_space<hbm>>) target_semaphore(%dma_start3A_553 : memref<!tpu.dma_semaphore, #tpu.memory_space<semaphore_mem>>)
          "tpu.trace_stop"() : () -> ()
        } else {
        }
        %and3A_399 = arith.constant true
        %and3A_400 = arith.andi %or3A_395, %and3A_399 : i1
        %add3A_401 = arith.constant 1 : i32
        %add3A_402 = arith.addi %scan3A_143, %add3A_401 : i32
        %select_n3A_403 = arith.select %and3A_400, %add3A_402, %scan3A_143 : i32
        %jit3A_404 = arith.constant 2 : i32
        %div3A_405 = arith.divsi %add3A_150, %jit3A_404 : i32
        %sign3A_406 = arith.constant 0 : i32
        %sign3A_407 = arith.cmpi sgt, %add3A_150, %sign3A_406 : i32
        %sign3A_408 = arith.extui %sign3A_407 : i1 to i32
        %sign3A_409 = arith.constant 0 : i32
        %sign3A_410 = arith.cmpi slt, %add3A_150, %sign3A_409 : i32
        %sign3A_411 = arith.extui %sign3A_410 : i1 to i32
        %sign3A_412 = arith.subi %sign3A_408, %sign3A_411 : i32
        %sign3A_413 = arith.constant 0 : i32
        %sign3A_414 = arith.cmpi sgt, %jit3A_404, %sign3A_413 : i32
        %sign3A_415 = arith.extui %sign3A_414 : i1 to i32
        %sign3A_416 = arith.constant 0 : i32
        %sign3A_417 = arith.cmpi slt, %jit3A_404, %sign3A_416 : i32
        %sign3A_418 = arith.extui %sign3A_417 : i1 to i32
        %sign3A_419 = arith.subi %sign3A_415, %sign3A_418 : i32
        %ne3A_420 = arith.cmpi ne, %sign3A_412, %sign3A_419 : i32
        %rem3A_421 = arith.remsi %add3A_150, %jit3A_404 : i32
        %ne3A_422 = arith.constant 0 : i32
        %ne3A_423 = arith.cmpi ne, %rem3A_421, %ne3A_422 : i32
        %and3A_424 = arith.andi %ne3A_420, %ne3A_423 : i1
        %sub3A_425 = arith.constant 1 : i32
        %sub3A_426 = arith.subi %div3A_405, %sub3A_425 : i32
        %select_n3A_427 = arith.select %and3A_424, %sub3A_426, %div3A_405 : i32
        %jit3A_428 = arith.constant 2 : i32
        %div3A_429 = arith.divsi %add3A_159, %jit3A_428 : i32
        %sign3A_430 = arith.constant 0 : i32
        %sign3A_431 = arith.cmpi sgt, %add3A_159, %sign3A_430 : i32
        %sign3A_432 = arith.extui %sign3A_431 : i1 to i32
        %sign3A_433 = arith.constant 0 : i32
        %sign3A_434 = arith.cmpi slt, %add3A_159, %sign3A_433 : i32
        %sign3A_435 = arith.extui %sign3A_434 : i1 to i32
        %sign3A_436 = arith.subi %sign3A_432, %sign3A_435 : i32
        %sign3A_437 = arith.constant 0 : i32
        %sign3A_438 = arith.cmpi sgt, %jit3A_428, %sign3A_437 : i32
        %sign3A_439 = arith.extui %sign3A_438 : i1 to i32
        %sign3A_440 = arith.constant 0 : i32
        %sign3A_441 = arith.cmpi slt, %jit3A_428, %sign3A_440 : i32
        %sign3A_442 = arith.extui %sign3A_441 : i1 to i32
        %sign3A_443 = arith.subi %sign3A_439, %sign3A_442 : i32
        %ne3A_444 = arith.cmpi ne, %sign3A_436, %sign3A_443 : i32
        %rem3A_445 = arith.remsi %add3A_159, %jit3A_428 : i32
        %ne3A_446 = arith.constant 0 : i32
        %ne3A_447 = arith.cmpi ne, %rem3A_445, %ne3A_446 : i32
        %and3A_448 = arith.andi %ne3A_444, %ne3A_447 : i1
        %sub3A_449 = arith.constant 1 : i32
        %sub3A_450 = arith.subi %div3A_429, %sub3A_449 : i32
        %select_n3A_451 = arith.select %and3A_448, %sub3A_450, %div3A_429 : i32
        %ne3A_452 = arith.cmpi ne, %select_n3A_427, %select_n3A_451 : i32
        %or3A_453 = arith.constant false
        %or3A_454 = arith.ori %or3A_453, %ne3A_452 : i1
        %not3A_455 = arith.constant true
        %not3A_456 = arith.xori %eq3A_147, %not3A_455 : i1
        %and3A_457 = arith.andi %or3A_454, %not3A_456 : i1
        %convert_element_type3A_458 = arith.extui %and3A_457 : i1 to i32
        %cond3A_459 = arith.constant 0 : i32
        %cond3A_460 = arith.cmpi ne, %convert_element_type3A_458, %cond3A_459 : i32
        scf.if %cond3A_460 {
        } else {
        }
        %and3A_461 = arith.constant false
        %and3A_462 = arith.andi %and3A_457, %and3A_461 : i1
        %ne3A_463 = arith.cmpi ne, %add3A_150, %add3A_159 : i32
        %or3A_464 = arith.constant false
        %or3A_465 = arith.ori %or3A_464, %ne3A_463 : i1
        %or3A_466 = arith.constant false
        %or3A_467 = arith.ori %or3A_465, %or3A_466 : i1
        %not3A_468 = arith.constant true
        %not3A_469 = arith.xori %eq3A_147, %not3A_468 : i1
        %and3A_470 = arith.andi %or3A_467, %not3A_469 : i1
        %convert_element_type3A_471 = arith.extui %and3A_470 : i1 to i32
        %cond3A_472 = arith.constant 0 : i32
        %cond3A_473 = arith.cmpi ne, %convert_element_type3A_471, %cond3A_472 : i32
        scf.if %cond3A_473 {
          "tpu.trace_start"() <{level = 10 : i32, message = "ep_wait_out"}> : () -> ()
          %rem3A_542 = arith.constant 2 : i32
          %rem3A_543 = arith.remui %scan3A_144, %rem3A_542 : i32
          %mul3A_544 = arith.constant 64 : i32
          %mul3A_545 = arith.muli %mul3A_544, %add3A_159 : i32
          %dma_wait3A_546 = arith.constant 0 : i32
          %dma_wait3A_547 = arith.constant 0 : i32
          %dma_wait3A_548 = tpu.memref_slice %run_scoped3A_8[%rem3A_543, %dma_wait3A_546, %dma_wait3A_547] : memref<2x64x768xf32, #tpu.memory_space<vmem>> -> memref<1x64x768xf32, #tpu.memory_space<vmem>>
          %dma_wait3A_549 = tpu.memref_squeeze %dma_wait3A_548 : memref<1x64x768xf32, #tpu.memory_space<vmem>> -> memref<64x768xf32, #tpu.memory_space<vmem>>
          %dma_wait3A_550 = arith.constant 0 : i32
          %dma_wait3A_551 = tpu.memref_slice %arg4[%mul3A_545, %dma_wait3A_550] : memref<10240x768xf32, #tpu.memory_space<hbm>> -> memref<64x768xf32, #tpu.memory_space<hbm>>
          %dma_wait3A_552 = tpu.memref_slice %run_scoped3A_9[%rem3A_543] : memref<2x!tpu.dma_semaphore, #tpu.memory_space<semaphore_mem>> -> memref<1x!tpu.dma_semaphore, #tpu.memory_space<semaphore_mem>>
          %dma_wait3A_553 = tpu.memref_squeeze %dma_wait3A_552 : memref<1x!tpu.dma_semaphore, #tpu.memory_space<semaphore_mem>> -> memref<!tpu.dma_semaphore, #tpu.memory_space<semaphore_mem>>
          %dma_wait3A_554 = arith.constant 0 : i32
          %dma_wait3A_555 = tpu.memref_slice %arg4[%mul3A_545, %dma_wait3A_554] : memref<10240x768xf32, #tpu.memory_space<hbm>> -> memref<64x768xf32, #tpu.memory_space<hbm>>
          %dma_wait3A_556 = arith.constant 0 : i32
          %dma_wait3A_557 = arith.constant 0 : i32
          %dma_wait3A_558 = tpu.memref_slice %run_scoped3A_8[%rem3A_543, %dma_wait3A_556, %dma_wait3A_557] : memref<2x64x768xf32, #tpu.memory_space<vmem>> -> memref<1x64x768xf32, #tpu.memory_space<vmem>>
          %dma_wait3A_559 = tpu.memref_squeeze %dma_wait3A_558 : memref<1x64x768xf32, #tpu.memory_space<vmem>> -> memref<64x768xf32, #tpu.memory_space<vmem>>
          tpu.wait_dma2 semaphore(%dma_wait3A_553 : memref<!tpu.dma_semaphore, #tpu.memory_space<semaphore_mem>>) src(%dma_wait3A_559 : memref<64x768xf32, #tpu.memory_space<vmem>>) dst(%dma_wait3A_555 : memref<64x768xf32, #tpu.memory_space<hbm>>)
          "tpu.trace_stop"() : () -> ()
        } else {
        }
        %and3A_474 = arith.constant true
        %and3A_475 = arith.andi %and3A_470, %and3A_474 : i1
        %add3A_476 = arith.constant 1 : i32
        %add3A_477 = arith.addi %scan3A_144, %add3A_476 : i32
        %select_n3A_478 = arith.select %and3A_475, %add3A_477, %scan3A_144 : i32
        %jit3A_479 = arith.constant 2 : i32
        %div3A_480 = arith.divsi %add3A_150, %jit3A_479 : i32
        %sign3A_481 = arith.constant 0 : i32
        %sign3A_482 = arith.cmpi sgt, %add3A_150, %sign3A_481 : i32
        %sign3A_483 = arith.extui %sign3A_482 : i1 to i32
        %sign3A_484 = arith.constant 0 : i32
        %sign3A_485 = arith.cmpi slt, %add3A_150, %sign3A_484 : i32
        %sign3A_486 = arith.extui %sign3A_485 : i1 to i32
        %sign3A_487 = arith.subi %sign3A_483, %sign3A_486 : i32
        %sign3A_488 = arith.constant 0 : i32
        %sign3A_489 = arith.cmpi sgt, %jit3A_479, %sign3A_488 : i32
        %sign3A_490 = arith.extui %sign3A_489 : i1 to i32
        %sign3A_491 = arith.constant 0 : i32
        %sign3A_492 = arith.cmpi slt, %jit3A_479, %sign3A_491 : i32
        %sign3A_493 = arith.extui %sign3A_492 : i1 to i32
        %sign3A_494 = arith.subi %sign3A_490, %sign3A_493 : i32
        %ne3A_495 = arith.cmpi ne, %sign3A_487, %sign3A_494 : i32
        %rem3A_496 = arith.remsi %add3A_150, %jit3A_479 : i32
        %ne3A_497 = arith.constant 0 : i32
        %ne3A_498 = arith.cmpi ne, %rem3A_496, %ne3A_497 : i32
        %and3A_499 = arith.andi %ne3A_495, %ne3A_498 : i1
        %sub3A_500 = arith.constant 1 : i32
        %sub3A_501 = arith.subi %div3A_480, %sub3A_500 : i32
        %select_n3A_502 = arith.select %and3A_499, %sub3A_501, %div3A_480 : i32
        %jit3A_503 = arith.constant 2 : i32
        %div3A_504 = arith.divsi %add3A_168, %jit3A_503 : i32
        %sign3A_505 = arith.constant 0 : i32
        %sign3A_506 = arith.cmpi sgt, %add3A_168, %sign3A_505 : i32
        %sign3A_507 = arith.extui %sign3A_506 : i1 to i32
        %sign3A_508 = arith.constant 0 : i32
        %sign3A_509 = arith.cmpi slt, %add3A_168, %sign3A_508 : i32
        %sign3A_510 = arith.extui %sign3A_509 : i1 to i32
        %sign3A_511 = arith.subi %sign3A_507, %sign3A_510 : i32
        %sign3A_512 = arith.constant 0 : i32
        %sign3A_513 = arith.cmpi sgt, %jit3A_503, %sign3A_512 : i32
        %sign3A_514 = arith.extui %sign3A_513 : i1 to i32
        %sign3A_515 = arith.constant 0 : i32
        %sign3A_516 = arith.cmpi slt, %jit3A_503, %sign3A_515 : i32
        %sign3A_517 = arith.extui %sign3A_516 : i1 to i32
        %sign3A_518 = arith.subi %sign3A_514, %sign3A_517 : i32
        %ne3A_519 = arith.cmpi ne, %sign3A_511, %sign3A_518 : i32
        %rem3A_520 = arith.remsi %add3A_168, %jit3A_503 : i32
        %ne3A_521 = arith.constant 0 : i32
        %ne3A_522 = arith.cmpi ne, %rem3A_520, %ne3A_521 : i32
        %and3A_523 = arith.andi %ne3A_519, %ne3A_522 : i1
        %sub3A_524 = arith.constant 1 : i32
        %sub3A_525 = arith.subi %div3A_504, %sub3A_524 : i32
        %select_n3A_526 = arith.select %and3A_523, %sub3A_525, %div3A_504 : i32
        %ne3A_527 = arith.cmpi ne, %select_n3A_502, %select_n3A_526 : i32
        %or3A_528 = arith.constant false
        %or3A_529 = arith.ori %or3A_528, %ne3A_527 : i1
        %or3A_530 = arith.ori %or3A_529, %eq3A_149 : i1
        %add3A_531 = arith.constant 1 : i32
        %add3A_532 = arith.addi %scan3A_142, %add3A_531 : i32
        %select_n3A_533 = arith.select %or3A_530, %add3A_532, %scan3A_142 : i32
        %add3A_534 = arith.constant 1 : i32
        %add3A_535 = arith.addi %scan3A_145, %add3A_534 : i32
        %select_n3A_536 = arith.constant true
        %select_n3A_537 = arith.select %select_n3A_536, %add3A_535, %scan3A_145 : i32
        %eq3A_538 = arith.constant 5 : i32
        %eq3A_539 = arith.cmpi eq, %select_n3A_537, %eq3A_538 : i32
        %select_n3A_540 = arith.constant 0 : i32
        %select_n3A_541 = arith.select %eq3A_539, %select_n3A_540, %select_n3A_537 : i32
        scf.yield %select_n3A_236, %select_n3A_533, %select_n3A_403, %select_n3A_478, %select_n3A_541 : i32, i32, i32, i32, i32
      }
      %scan3A_86 = arith.constant 5 : i32
      %sub3A_87 = arith.constant 1 : i32
      %sub3A_88 = arith.subi %scan3A_85#4, %sub3A_87 : i32
      %select_n3A_89 = arith.constant true
      %select_n3A_90 = arith.select %select_n3A_89, %sub3A_88, %scan3A_85#4 : i32
      %eq3A_91 = arith.constant -1 : i32
      %eq3A_92 = arith.cmpi eq, %select_n3A_90, %eq3A_91 : i32
      %select_n3A_93 = arith.constant 4 : i32
      %select_n3A_94 = arith.select %eq3A_92, %select_n3A_93, %select_n3A_90 : i32
      %add3A_95 = arith.addi %select_n3A_94, %mul3A_6 : i32
      %sub3A_96 = arith.constant 1 : i32
      %sub3A_97 = arith.subi %select_n3A_94, %sub3A_96 : i32
      %select_n3A_98 = arith.constant true
      %select_n3A_99 = arith.select %select_n3A_98, %sub3A_97, %select_n3A_94 : i32
      %eq3A_100 = arith.constant -1 : i32
      %eq3A_101 = arith.cmpi eq, %select_n3A_99, %eq3A_100 : i32
      %select_n3A_102 = arith.constant 4 : i32
      %select_n3A_103 = arith.select %eq3A_101, %select_n3A_102, %select_n3A_99 : i32
      %add3A_104 = arith.addi %select_n3A_103, %mul3A_6 : i32
      %add3A_105 = arith.constant 1 : i32
      %add3A_106 = arith.addi %select_n3A_94, %add3A_105 : i32
      %select_n3A_107 = arith.constant true
      %select_n3A_108 = arith.select %select_n3A_107, %add3A_106, %select_n3A_94 : i32
      %eq3A_109 = arith.constant 5 : i32
      %eq3A_110 = arith.cmpi eq, %select_n3A_108, %eq3A_109 : i32
      %select_n3A_111 = arith.constant 0 : i32
      %select_n3A_112 = arith.select %eq3A_110, %select_n3A_111, %select_n3A_108 : i32
      %add3A_113 = arith.addi %select_n3A_112, %mul3A_6 : i32
      %add3A_114 = arith.constant 1 : i32
      %add3A_115 = arith.addi %select_n3A_112, %add3A_114 : i32
      %select_n3A_116 = arith.constant true
      %select_n3A_117 = arith.select %select_n3A_116, %add3A_115, %select_n3A_112 : i32
      %eq3A_118 = arith.constant 5 : i32
      %eq3A_119 = arith.cmpi eq, %select_n3A_117, %eq3A_118 : i32
      %select_n3A_120 = arith.constant 0 : i32
      %select_n3A_121 = arith.select %eq3A_119, %select_n3A_120, %select_n3A_117 : i32
      %add3A_122 = arith.addi %select_n3A_121, %mul3A_6 : i32
      "tpu.trace_start"() <{level = 10 : i32, message = "ep_finalize"}> : () -> ()
      %rem3A_123 = arith.constant 2 : i32
      %rem3A_124 = arith.remui %scan3A_85#3, %rem3A_123 : i32
      %mul3A_125 = arith.constant 64 : i32
      %mul3A_126 = arith.muli %mul3A_125, %add3A_95 : i32
      %dma_wait3A = arith.constant 0 : i32
      %dma_wait3A_127 = arith.constant 0 : i32
      %dma_wait3A_128 = tpu.memref_slice %run_scoped3A_8[%rem3A_124, %dma_wait3A, %dma_wait3A_127] : memref<2x64x768xf32, #tpu.memory_space<vmem>> -> memref<1x64x768xf32, #tpu.memory_space<vmem>>
      %dma_wait3A_129 = tpu.memref_squeeze %dma_wait3A_128 : memref<1x64x768xf32, #tpu.memory_space<vmem>> -> memref<64x768xf32, #tpu.memory_space<vmem>>
      %dma_wait3A_130 = arith.constant 0 : i32
      %dma_wait3A_131 = tpu.memref_slice %arg4[%mul3A_126, %dma_wait3A_130] : memref<10240x768xf32, #tpu.memory_space<hbm>> -> memref<64x768xf32, #tpu.memory_space<hbm>>
      %dma_wait3A_132 = tpu.memref_slice %run_scoped3A_9[%rem3A_124] : memref<2x!tpu.dma_semaphore, #tpu.memory_space<semaphore_mem>> -> memref<1x!tpu.dma_semaphore, #tpu.memory_space<semaphore_mem>>
      %dma_wait3A_133 = tpu.memref_squeeze %dma_wait3A_132 : memref<1x!tpu.dma_semaphore, #tpu.memory_space<semaphore_mem>> -> memref<!tpu.dma_semaphore, #tpu.memory_space<semaphore_mem>>
      %dma_wait3A_134 = arith.constant 0 : i32
      %dma_wait3A_135 = tpu.memref_slice %arg4[%mul3A_126, %dma_wait3A_134] : memref<10240x768xf32, #tpu.memory_space<hbm>> -> memref<64x768xf32, #tpu.memory_space<hbm>>
      %dma_wait3A_136 = arith.constant 0 : i32
      %dma_wait3A_137 = arith.constant 0 : i32
      %dma_wait3A_138 = tpu.memref_slice %run_scoped3A_8[%rem3A_124, %dma_wait3A_136, %dma_wait3A_137] : memref<2x64x768xf32, #tpu.memory_space<vmem>> -> memref<1x64x768xf32, #tpu.memory_space<vmem>>
      %dma_wait3A_139 = tpu.memref_squeeze %dma_wait3A_138 : memref<1x64x768xf32, #tpu.memory_space<vmem>> -> memref<64x768xf32, #tpu.memory_space<vmem>>
      tpu.wait_dma2 semaphore(%dma_wait3A_133 : memref<!tpu.dma_semaphore, #tpu.memory_space<semaphore_mem>>) src(%dma_wait3A_139 : memref<64x768xf32, #tpu.memory_space<vmem>>) dst(%dma_wait3A_135 : memref<64x768xf32, #tpu.memory_space<hbm>>)
      "tpu.trace_stop"() : () -> ()
      tpu.yield
    }) : () -> ()
    return
  }
}

#map = affine_map<(d0, d1) -> (0, 0)>
module attributes {stable_mosaic.version = 14 : i64} {
  func.func @k(%arg0: i32, %arg1: i32, %arg2: memref<30522x768xf32, #tpu.memory_space<hbm>>, %arg3: memref<1x10240xi32, #tpu.memory_space<hbm>>, %arg4: memref<10240x768xf32, #tpu.memory_space<hbm>>) attributes {dimension_semantics = [#tpu.dimension_semantics<core_parallel>, #tpu.dimension_semantics<subcore_parallel>], iteration_bounds = array<i64: 2, 16>, scalar_prefetch = 0 : i64, scratch_operands = 0 : i64, tpu.core_type = #tpu.core_type<sc_vector_subcore>, window_params = [{transform_indices = #map}, {transform_indices = #map}, {transform_indices = #map}]} {
    %mul3A = arith.constant 1 : i32
    %mul3A_0 = arith.muli %arg1, %mul3A : i32
    %add3A = arith.constant 0 : i32
    %add3A_1 = arith.addi %add3A, %mul3A_0 : i32
    %mul3A_2 = arith.constant 16 : i32
    %mul3A_3 = arith.muli %arg0, %mul3A_2 : i32
    %add3A_4 = arith.addi %add3A_1, %mul3A_3 : i32
    %mul3A_5 = arith.constant 5 : i32
    %mul3A_6 = arith.muli %add3A_4, %mul3A_5 : i32
    "tpu.region"() ({
      %run_scoped3A = memref.alloca() : memref<2x1x128xi32, #tpu.memory_space<vmem>>
      %run_scoped3A_7 = tpu.sem_alloc : memref<2x!tpu.dma_semaphore, #tpu.memory_space<semaphore_mem>>
      %run_scoped3A_8 = memref.alloca() : memref<2x64x768xf32, #tpu.memory_space<vmem>>
      %run_scoped3A_9 = tpu.sem_alloc : memref<2x!tpu.dma_semaphore, #tpu.memory_space<semaphore_mem>>
      %add3A_10 = arith.constant 0 : i32
      %add3A_11 = arith.addi %add3A_10, %mul3A_6 : i32
      %select_n3A = arith.constant true
      %select_n3A_12 = arith.constant 0 : i32
      %select_n3A_13 = arith.constant -1 : i32
      %select_n3A_14 = arith.select %select_n3A, %select_n3A_13, %select_n3A_12 : i32
      %eq3A = arith.constant -1 : i32
      %eq3A_15 = arith.cmpi eq, %select_n3A_14, %eq3A : i32
      %select_n3A_16 = arith.constant 4 : i32
      %select_n3A_17 = arith.select %eq3A_15, %select_n3A_16, %select_n3A_14 : i32
      %add3A_18 = arith.addi %select_n3A_17, %mul3A_6 : i32
      %select_n3A_19 = arith.constant true
      %select_n3A_20 = arith.constant 0 : i32
      %select_n3A_21 = arith.constant 1 : i32
      %select_n3A_22 = arith.select %select_n3A_19, %select_n3A_21, %select_n3A_20 : i32
      %eq3A_23 = arith.constant 5 : i32
      %eq3A_24 = arith.cmpi eq, %select_n3A_22, %eq3A_23 : i32
      %select_n3A_25 = arith.constant 0 : i32
      %select_n3A_26 = arith.select %eq3A_24, %select_n3A_25, %select_n3A_22 : i32
      %add3A_27 = arith.addi %select_n3A_26, %mul3A_6 : i32
      %add3A_28 = arith.constant 1 : i32
      %add3A_29 = arith.addi %select_n3A_26, %add3A_28 : i32
      %select_n3A_30 = arith.constant true
      %select_n3A_31 = arith.select %select_n3A_30, %add3A_29, %select_n3A_26 : i32
      %eq3A_32 = arith.constant 5 : i32
      %eq3A_33 = arith.cmpi eq, %select_n3A_31, %eq3A_32 : i32
      %select_n3A_34 = arith.constant 0 : i32
      %select_n3A_35 = arith.select %eq3A_33, %select_n3A_34, %select_n3A_31 : i32
      %add3A_36 = arith.addi %select_n3A_35, %mul3A_6 : i32
      "tpu.trace_start"() <{level = 10 : i32, message = "ep_initialize_0"}> : () -> ()
      %rem3A = arith.constant 0 : i32
      %rem3A_37 = arith.constant 2 : i32
      %rem3A_38 = arith.remui %rem3A, %rem3A_37 : i32
      %jit3A = arith.constant 2 : i32
      %div3A = arith.divsi %add3A_11, %jit3A : i32
      %sign3A = arith.constant 0 : i32
      %sign3A_39 = arith.cmpi sgt, %add3A_11, %sign3A : i32
      %sign3A_40 = arith.extui %sign3A_39 : i1 to i32
      %sign3A_41 = arith.constant 0 : i32
      %sign3A_42 = arith.cmpi slt, %add3A_11, %sign3A_41 : i32
      %sign3A_43 = arith.extui %sign3A_42 : i1 to i32
      %sign3A_44 = arith.subi %sign3A_40, %sign3A_43 : i32
      %sign3A_45 = arith.constant 0 : i32
      %sign3A_46 = arith.cmpi sgt, %jit3A, %sign3A_45 : i32
      %sign3A_47 = arith.extui %sign3A_46 : i1 to i32
      %sign3A_48 = arith.constant 0 : i32
      %sign3A_49 = arith.cmpi slt, %jit3A, %sign3A_48 : i32
      %sign3A_50 = arith.extui %sign3A_49 : i1 to i32
      %sign3A_51 = arith.subi %sign3A_47, %sign3A_50 : i32
      %ne3A = arith.cmpi ne, %sign3A_44, %sign3A_51 : i32
      %rem3A_52 = arith.remsi %add3A_11, %jit3A : i32
      %ne3A_53 = arith.constant 0 : i32
      %ne3A_54 = arith.cmpi ne, %rem3A_52, %ne3A_53 : i32
      %and3A = arith.andi %ne3A, %ne3A_54 : i1
      %sub3A = arith.constant 1 : i32
      %sub3A_55 = arith.subi %div3A, %sub3A : i32
      %select_n3A_56 = arith.select %and3A, %sub3A_55, %div3A : i32
      %mul3A_57 = arith.constant 128 : i32
      %mul3A_58 = arith.muli %mul3A_57, %select_n3A_56 : i32
      %dma_start3A = arith.constant 0 : i32
      %dma_start3A_59 = arith.constant 0 : i32
      %dma_start3A_60 = tpu.memref_slice %run_scoped3A[%rem3A_38, %dma_start3A, %dma_start3A_59] : memref<2x1x128xi32, #tpu.memory_space<vmem>> -> memref<1x1x128xi32, #tpu.memory_space<vmem>>
      %dma_start3A_61 = tpu.memref_squeeze %dma_start3A_60 : memref<1x1x128xi32, #tpu.memory_space<vmem>> -> memref<1x128xi32, #tpu.memory_space<vmem>>
      %dma_start3A_62 = arith.constant 0 : i32
      %dma_start3A_63 = tpu.memref_slice %arg3[%dma_start3A_62, %mul3A_58] : memref<1x10240xi32, #tpu.memory_space<hbm>> -> memref<1x128xi32, #tpu.memory_space<hbm>>
      %dma_start3A_64 = tpu.memref_slice %run_scoped3A_7[%rem3A_38] : memref<2x!tpu.dma_semaphore, #tpu.memory_space<semaphore_mem>> -> memref<1x!tpu.dma_semaphore, #tpu.memory_space<semaphore_mem>>
      %dma_start3A_65 = tpu.memref_squeeze %dma_start3A_64 : memref<1x!tpu.dma_semaphore, #tpu.memory_space<semaphore_mem>> -> memref<!tpu.dma_semaphore, #tpu.memory_space<semaphore_mem>>
      %dma_start3A_66 = arith.constant 0 : i32
      %dma_start3A_67 = arith.constant 0 : i32
      %dma_start3A_68 = tpu.memref_slice %run_scoped3A[%rem3A_38, %dma_start3A_66, %dma_start3A_67] : memref<2x1x128xi32, #tpu.memory_space<vmem>> -> memref<1x1x128xi32, #tpu.memory_space<vmem>>
      %dma_start3A_69 = tpu.memref_squeeze %dma_start3A_68 : memref<1x1x128xi32, #tpu.memory_space<vmem>> -> memref<1x128xi32, #tpu.memory_space<vmem>>
      %dma_start3A_70 = arith.constant 0 : i32
      %dma_start3A_71 = tpu.memref_slice %arg3[%dma_start3A_70, %mul3A_58] : memref<1x10240xi32, #tpu.memory_space<hbm>> -> memref<1x128xi32, #tpu.memory_space<hbm>>
      tpu.enqueue_dma source(%dma_start3A_71 : memref<1x128xi32, #tpu.memory_space<hbm>>) target(%dma_start3A_69 : memref<1x128xi32, #tpu.memory_space<vmem>>) target_semaphore(%dma_start3A_65 : memref<!tpu.dma_semaphore, #tpu.memory_space<semaphore_mem>>)
      %add3A_72 = arith.constant 0 : i32
      %add3A_73 = arith.constant 1 : i32
      %add3A_74 = arith.addi %add3A_72, %add3A_73 : i32
      %select_n3A_75 = arith.constant true
      %select_n3A_76 = arith.constant 0 : i32
      %select_n3A_77 = arith.select %select_n3A_75, %add3A_74, %select_n3A_76 : i32
      "tpu.trace_stop"() : () -> ()
      %scan3A = arith.constant 0 : i32
      %scan3A_78 = arith.constant 0 : i32
      %scan3A_79 = arith.constant 0 : i32
      %scan3A_80 = arith.constant 0 : i32
      %scan3A_81 = arith.constant 0 : i32
      %scan3A_82 = arith.constant 5 : i32
      %scan3A_83 = arith.addi %scan3A_81, %scan3A_82 : i32
      %scan3A_84 = arith.constant 1 : i32
      %scan3A_85:5 = scf.for %scan3A_140 = %scan3A_81 to %scan3A_83 step %scan3A_84 iter_args(%scan3A_141 = %select_n3A_77, %scan3A_142 = %scan3A, %scan3A_143 = %scan3A_78, %scan3A_144 = %scan3A_79, %scan3A_145 = %scan3A_80) -> (i32, i32, i32, i32, i32)  : i32 {
        %eq3A_146 = arith.constant 0 : i32
        %eq3A_147 = arith.cmpi eq, %scan3A_140, %eq3A_146 : i32
        %eq3A_148 = arith.constant 4 : i32
        %eq3A_149 = arith.cmpi eq, %scan3A_140, %eq3A_148 : i32
        %add3A_150 = arith.addi %scan3A_145, %mul3A_6 : i32
        %sub3A_151 = arith.constant 1 : i32
        %sub3A_152 = arith.subi %scan3A_145, %sub3A_151 : i32
        %select_n3A_153 = arith.constant true
        %select_n3A_154 = arith.select %select_n3A_153, %sub3A_152, %scan3A_145 : i32
        %eq3A_155 = arith.constant -1 : i32
        %eq3A_156 = arith.cmpi eq, %select_n3A_154, %eq3A_155 : i32
        %select_n3A_157 = arith.constant 4 : i32
        %select_n3A_158 = arith.select %eq3A_156, %select_n3A_157, %select_n3A_154 : i32
        %add3A_159 = arith.addi %select_n3A_158, %mul3A_6 : i32
        %add3A_160 = arith.constant 1 : i32
        %add3A_161 = arith.addi %scan3A_145, %add3A_160 : i32
        %select_n3A_162 = arith.constant true
        %select_n3A_163 = arith.select %select_n3A_162, %add3A_161, %scan3A_145 : i32
        %eq3A_164 = arith.constant 5 : i32
        %eq3A_165 = arith.cmpi eq, %select_n3A_163, %eq3A_164 : i32
        %select_n3A_166 = arith.constant 0 : i32
        %select_n3A_167 = arith.select %eq3A_165, %select_n3A_166, %select_n3A_163 : i32
        %add3A_168 = arith.addi %select_n3A_167, %mul3A_6 : i32
        %add3A_169 = arith.constant 1 : i32
        %add3A_170 = arith.addi %select_n3A_167, %add3A_169 : i32
        %select_n3A_171 = arith.constant true
        %select_n3A_172 = arith.select %select_n3A_171, %add3A_170, %select_n3A_167 : i32
        %eq3A_173 = arith.constant 5 : i32
        %eq3A_174 = arith.cmpi eq, %select_n3A_172, %eq3A_173 : i32
        %select_n3A_175 = arith.constant 0 : i32
        %select_n3A_176 = arith.select %eq3A_174, %select_n3A_175, %select_n3A_172 : i32
        %add3A_177 = arith.addi %select_n3A_176, %mul3A_6 : i32
        %jit3A_178 = arith.constant 2 : i32
        %div3A_179 = arith.divsi %add3A_150, %jit3A_178 : i32
        %sign3A_180 = arith.constant 0 : i32
        %sign3A_181 = arith.cmpi sgt, %add3A_150, %sign3A_180 : i32
        %sign3A_182 = arith.extui %sign3A_181 : i1 to i32
        %sign3A_183 = arith.constant 0 : i32
        %sign3A_184 = arith.cmpi slt, %add3A_150, %sign3A_183 : i32
        %sign3A_185 = arith.extui %sign3A_184 : i1 to i32
        %sign3A_186 = arith.subi %sign3A_182, %sign3A_185 : i32
        %sign3A_187 = arith.constant 0 : i32
        %sign3A_188 = arith.cmpi sgt, %jit3A_178, %sign3A_187 : i32
        %sign3A_189 = arith.extui %sign3A_188 : i1 to i32
        %sign3A_190 = arith.constant 0 : i32
        %sign3A_191 = arith.cmpi slt, %jit3A_178, %sign3A_190 : i32
        %sign3A_192 = arith.extui %sign3A_191 : i1 to i32
        %sign3A_193 = arith.subi %sign3A_189, %sign3A_192 : i32
        %ne3A_194 = arith.cmpi ne, %sign3A_186, %sign3A_193 : i32
        %rem3A_195 = arith.remsi %add3A_150, %jit3A_178 : i32
        %ne3A_196 = arith.constant 0 : i32
        %ne3A_197 = arith.cmpi ne, %rem3A_195, %ne3A_196 : i32
        %and3A_198 = arith.andi %ne3A_194, %ne3A_197 : i1
        %sub3A_199 = arith.constant 1 : i32
        %sub3A_200 = arith.subi %div3A_179, %sub3A_199 : i32
        %select_n3A_201 = arith.select %and3A_198, %sub3A_200, %div3A_179 : i32
        %jit3A_202 = arith.constant 2 : i32
        %div3A_203 = arith.divsi %add3A_168, %jit3A_202 : i32
        %sign3A_204 = arith.constant 0 : i32
        %sign3A_205 = arith.cmpi sgt, %add3A_168, %sign3A_204 : i32
        %sign3A_206 = arith.extui %sign3A_205 : i1 to i32
        %sign3A_207 = arith.constant 0 : i32
        %sign3A_208 = arith.cmpi slt, %add3A_168, %sign3A_207 : i32
        %sign3A_209 = arith.extui %sign3A_208 : i1 to i32
        %sign3A_210 = arith.subi %sign3A_206, %sign3A_209 : i32
        %sign3A_211 = arith.constant 0 : i32
        %sign3A_212 = arith.cmpi sgt, %jit3A_202, %sign3A_211 : i32
        %sign3A_213 = arith.extui %sign3A_212 : i1 to i32
        %sign3A_214 = arith.constant 0 : i32
        %sign3A_215 = arith.cmpi slt, %jit3A_202, %sign3A_214 : i32
        %sign3A_216 = arith.extui %sign3A_215 : i1 to i32
        %sign3A_217 = arith.subi %sign3A_213, %sign3A_216 : i32
        %ne3A_218 = arith.cmpi ne, %sign3A_210, %sign3A_217 : i32
        %rem3A_219 = arith.remsi %add3A_168, %jit3A_202 : i32
        %ne3A_220 = arith.constant 0 : i32
        %ne3A_221 = arith.cmpi ne, %rem3A_219, %ne3A_220 : i32
        %and3A_222 = arith.andi %ne3A_218, %ne3A_221 : i1
        %sub3A_223 = arith.constant 1 : i32
        %sub3A_224 = arith.subi %div3A_203, %sub3A_223 : i32
        %select_n3A_225 = arith.select %and3A_222, %sub3A_224, %div3A_203 : i32
        %ne3A_226 = arith.cmpi ne, %select_n3A_201, %select_n3A_225 : i32
        %or3A = arith.constant false
        %or3A_227 = arith.ori %or3A, %ne3A_226 : i1
        %ge3A = arith.constant 4 : i32
        %ge3A_228 = arith.cmpi sge, %scan3A_140, %ge3A : i32
        %not3A = arith.constant true
        %not3A_229 = arith.xori %ge3A_228, %not3A : i1
        %and3A_230 = arith.andi %or3A_227, %not3A_229 : i1
        %convert_element_type3A = arith.extui %and3A_230 : i1 to i32
        %cond3A = arith.constant 0 : i32
        %cond3A_231 = arith.cmpi ne, %convert_element_type3A, %cond3A : i32
        scf.if %cond3A_231 {
          "tpu.trace_start"() <{level = 10 : i32, message = "ep_copy_in"}> : () -> ()
          %rem3A_542 = arith.constant 2 : i32
          %rem3A_543 = arith.remui %scan3A_141, %rem3A_542 : i32
          %jit3A_544 = arith.constant 2 : i32
          %div3A_545 = arith.divsi %add3A_168, %jit3A_544 : i32
          %sign3A_546 = arith.constant 0 : i32
          %sign3A_547 = arith.cmpi sgt, %add3A_168, %sign3A_546 : i32
          %sign3A_548 = arith.extui %sign3A_547 : i1 to i32
          %sign3A_549 = arith.constant 0 : i32
          %sign3A_550 = arith.cmpi slt, %add3A_168, %sign3A_549 : i32
          %sign3A_551 = arith.extui %sign3A_550 : i1 to i32
          %sign3A_552 = arith.subi %sign3A_548, %sign3A_551 : i32
          %sign3A_553 = arith.constant 0 : i32
          %sign3A_554 = arith.cmpi sgt, %jit3A_544, %sign3A_553 : i32
          %sign3A_555 = arith.extui %sign3A_554 : i1 to i32
          %sign3A_556 = arith.constant 0 : i32
          %sign3A_557 = arith.cmpi slt, %jit3A_544, %sign3A_556 : i32
          %sign3A_558 = arith.extui %sign3A_557 : i1 to i32
          %sign3A_559 = arith.subi %sign3A_555, %sign3A_558 : i32
          %ne3A_560 = arith.cmpi ne, %sign3A_552, %sign3A_559 : i32
          %rem3A_561 = arith.remsi %add3A_168, %jit3A_544 : i32
          %ne3A_562 = arith.constant 0 : i32
          %ne3A_563 = arith.cmpi ne, %rem3A_561, %ne3A_562 : i32
          %and3A_564 = arith.andi %ne3A_560, %ne3A_563 : i1
          %sub3A_565 = arith.constant 1 : i32
          %sub3A_566 = arith.subi %div3A_545, %sub3A_565 : i32
          %select_n3A_567 = arith.select %and3A_564, %sub3A_566, %div3A_545 : i32
          %mul3A_568 = arith.constant 128 : i32
          %mul3A_569 = arith.muli %mul3A_568, %select_n3A_567 : i32
          %dma_start3A_570 = arith.constant 0 : i32
          %dma_start3A_571 = arith.constant 0 : i32
          %dma_start3A_572 = tpu.memref_slice %run_scoped3A[%rem3A_543, %dma_start3A_570, %dma_start3A_571] : memref<2x1x128xi32, #tpu.memory_space<vmem>> -> memref<1x1x128xi32, #tpu.memory_space<vmem>>
          %dma_start3A_573 = tpu.memref_squeeze %dma_start3A_572 : memref<1x1x128xi32, #tpu.memory_space<vmem>> -> memref<1x128xi32, #tpu.memory_space<vmem>>
          %dma_start3A_574 = arith.constant 0 : i32
          %dma_start3A_575 = tpu.memref_slice %arg3[%dma_start3A_574, %mul3A_569] : memref<1x10240xi32, #tpu.memory_space<hbm>> -> memref<1x128xi32, #tpu.memory_space<hbm>>
          %dma_start3A_576 = tpu.memref_slice %run_scoped3A_7[%rem3A_543] : memref<2x!tpu.dma_semaphore, #tpu.memory_space<semaphore_mem>> -> memref<1x!tpu.dma_semaphore, #tpu.memory_space<semaphore_mem>>
          %dma_start3A_577 = tpu.memref_squeeze %dma_start3A_576 : memref<1x!tpu.dma_semaphore, #tpu.memory_space<semaphore_mem>> -> memref<!tpu.dma_semaphore, #tpu.memory_space<semaphore_mem>>
          %dma_start3A_578 = arith.constant 0 : i32
          %dma_start3A_579 = arith.constant 0 : i32
          %dma_start3A_580 = tpu.memref_slice %run_scoped3A[%rem3A_543, %dma_start3A_578, %dma_start3A_579] : memref<2x1x128xi32, #tpu.memory_space<vmem>> -> memref<1x1x128xi32, #tpu.memory_space<vmem>>
          %dma_start3A_581 = tpu.memref_squeeze %dma_start3A_580 : memref<1x1x128xi32, #tpu.memory_space<vmem>> -> memref<1x128xi32, #tpu.memory_space<vmem>>
          %dma_start3A_582 = arith.constant 0 : i32
          %dma_start3A_583 = tpu.memref_slice %arg3[%dma_start3A_582, %mul3A_569] : memref<1x10240xi32, #tpu.memory_space<hbm>> -> memref<1x128xi32, #tpu.memory_space<hbm>>
          tpu.enqueue_dma source(%dma_start3A_583 : memref<1x128xi32, #tpu.memory_space<hbm>>) target(%dma_start3A_581 : memref<1x128xi32, #tpu.memory_space<vmem>>) target_semaphore(%dma_start3A_577 : memref<!tpu.dma_semaphore, #tpu.memory_space<semaphore_mem>>)
          "tpu.trace_stop"() : () -> ()
        } else {
        }
        %and3A_232 = arith.constant true
        %and3A_233 = arith.andi %and3A_230, %and3A_232 : i1
        %add3A_234 = arith.constant 1 : i32
        %add3A_235 = arith.addi %scan3A_141, %add3A_234 : i32
        %select_n3A_236 = arith.select %and3A_233, %add3A_235, %scan3A_141 : i32
        %ne3A_237 = arith.cmpi ne, %add3A_150, %add3A_168 : i32
        %or3A_238 = arith.constant false
        %or3A_239 = arith.ori %or3A_238, %ne3A_237 : i1
        %or3A_240 = arith.constant false
        %or3A_241 = arith.ori %or3A_239, %or3A_240 : i1
        %ge3A_242 = arith.constant 4 : i32
        %ge3A_243 = arith.cmpi sge, %scan3A_140, %ge3A_242 : i32
        %not3A_244 = arith.constant true
        %not3A_245 = arith.xori %ge3A_243, %not3A_244 : i1
        %and3A_246 = arith.andi %or3A_241, %not3A_245 : i1
        %jit3A_247 = arith.constant 2 : i32
        %div3A_248 = arith.divsi %add3A_150, %jit3A_247 : i32
        %sign3A_249 = arith.constant 0 : i32
        %sign3A_250 = arith.cmpi sgt, %add3A_150, %sign3A_249 : i32
        %sign3A_251 = arith.extui %sign3A_250 : i1 to i32
        %sign3A_252 = arith.constant 0 : i32
        %sign3A_253 = arith.cmpi slt, %add3A_150, %sign3A_252 : i32
        %sign3A_254 = arith.extui %sign3A_253 : i1 to i32
        %sign3A_255 = arith.subi %sign3A_251, %sign3A_254 : i32
        %sign3A_256 = arith.constant 0 : i32
        %sign3A_257 = arith.cmpi sgt, %jit3A_247, %sign3A_256 : i32
        %sign3A_258 = arith.extui %sign3A_257 : i1 to i32
        %sign3A_259 = arith.constant 0 : i32
        %sign3A_260 = arith.cmpi slt, %jit3A_247, %sign3A_259 : i32
        %sign3A_261 = arith.extui %sign3A_260 : i1 to i32
        %sign3A_262 = arith.subi %sign3A_258, %sign3A_261 : i32
        %ne3A_263 = arith.cmpi ne, %sign3A_255, %sign3A_262 : i32
        %rem3A_264 = arith.remsi %add3A_150, %jit3A_247 : i32
        %ne3A_265 = arith.constant 0 : i32
        %ne3A_266 = arith.cmpi ne, %rem3A_264, %ne3A_265 : i32
        %and3A_267 = arith.andi %ne3A_263, %ne3A_266 : i1
        %sub3A_268 = arith.constant 1 : i32
        %sub3A_269 = arith.subi %div3A_248, %sub3A_268 : i32
        %select_n3A_270 = arith.select %and3A_267, %sub3A_269, %div3A_248 : i32
        %jit3A_271 = arith.constant 2 : i32
        %div3A_272 = arith.divsi %add3A_159, %jit3A_271 : i32
        %sign3A_273 = arith.constant 0 : i32
        %sign3A_274 = arith.cmpi sgt, %add3A_159, %sign3A_273 : i32
        %sign3A_275 = arith.extui %sign3A_274 : i1 to i32
        %sign3A_276 = arith.constant 0 : i32
        %sign3A_277 = arith.cmpi slt, %add3A_159, %sign3A_276 : i32
        %sign3A_278 = arith.extui %sign3A_277 : i1 to i32
        %sign3A_279 = arith.subi %sign3A_275, %sign3A_278 : i32
        %sign3A_280 = arith.constant 0 : i32
        %sign3A_281 = arith.cmpi sgt, %jit3A_271, %sign3A_280 : i32
        %sign3A_282 = arith.extui %sign3A_281 : i1 to i32
        %sign3A_283 = arith.constant 0 : i32
        %sign3A_284 = arith.cmpi slt, %jit3A_271, %sign3A_283 : i32
        %sign3A_285 = arith.extui %sign3A_284 : i1 to i32
        %sign3A_286 = arith.subi %sign3A_282, %sign3A_285 : i32
        %ne3A_287 = arith.cmpi ne, %sign3A_279, %sign3A_286 : i32
        %rem3A_288 = arith.remsi %add3A_159, %jit3A_271 : i32
        %ne3A_289 = arith.constant 0 : i32
        %ne3A_290 = arith.cmpi ne, %rem3A_288, %ne3A_289 : i32
        %and3A_291 = arith.andi %ne3A_287, %ne3A_290 : i1
        %sub3A_292 = arith.constant 1 : i32
        %sub3A_293 = arith.subi %div3A_272, %sub3A_292 : i32
        %select_n3A_294 = arith.select %and3A_291, %sub3A_293, %div3A_272 : i32
        %ne3A_295 = arith.cmpi ne, %select_n3A_270, %select_n3A_294 : i32
        %or3A_296 = arith.constant false
        %or3A_297 = arith.ori %or3A_296, %ne3A_295 : i1
        %or3A_298 = arith.ori %or3A_297, %eq3A_147 : i1
        %convert_element_type3A_299 = arith.extui %or3A_298 : i1 to i32
        %cond3A_300 = arith.constant 0 : i32
        %cond3A_301 = arith.cmpi ne, %convert_element_type3A_299, %cond3A_300 : i32
        scf.if %cond3A_301 {
          %jit3A_542 = arith.constant 2 : i32
          "tpu.trace_start"() <{level = 10 : i32, message = "ep_wait_in"}> : () -> ()
          %div3A_543 = arith.divsi %add3A_150, %jit3A_542 : i32
          %sign3A_544 = arith.constant 0 : i32
          %sign3A_545 = arith.cmpi sgt, %add3A_150, %sign3A_544 : i32
          %sign3A_546 = arith.extui %sign3A_545 : i1 to i32
          %sign3A_547 = arith.constant 0 : i32
          %sign3A_548 = arith.cmpi slt, %add3A_150, %sign3A_547 : i32
          %sign3A_549 = arith.extui %sign3A_548 : i1 to i32
          %sign3A_550 = arith.subi %sign3A_546, %sign3A_549 : i32
          %sign3A_551 = arith.constant 0 : i32
          %sign3A_552 = arith.cmpi sgt, %jit3A_542, %sign3A_551 : i32
          %sign3A_553 = arith.extui %sign3A_552 : i1 to i32
          %sign3A_554 = arith.constant 0 : i32
          %sign3A_555 = arith.cmpi slt, %jit3A_542, %sign3A_554 : i32
          %sign3A_556 = arith.extui %sign3A_555 : i1 to i32
          %sign3A_557 = arith.subi %sign3A_553, %sign3A_556 : i32
          %ne3A_558 = arith.cmpi ne, %sign3A_550, %sign3A_557 : i32
          %rem3A_559 = arith.remsi %add3A_150, %jit3A_542 : i32
          %ne3A_560 = arith.constant 0 : i32
          %ne3A_561 = arith.cmpi ne, %rem3A_559, %ne3A_560 : i32
          %and3A_562 = arith.andi %ne3A_558, %ne3A_561 : i1
          %sub3A_563 = arith.constant 1 : i32
          %sub3A_564 = arith.subi %div3A_543, %sub3A_563 : i32
          %select_n3A_565 = arith.select %and3A_562, %sub3A_564, %div3A_543 : i32
          %mul3A_566 = arith.constant 128 : i32
          %mul3A_567 = arith.muli %mul3A_566, %select_n3A_565 : i32
          %rem3A_568 = arith.constant 2 : i32
          %rem3A_569 = arith.remui %scan3A_142, %rem3A_568 : i32
          %dma_wait3A_570 = arith.constant 0 : i32
          %dma_wait3A_571 = arith.constant 0 : i32
          %dma_wait3A_572 = tpu.memref_slice %run_scoped3A[%rem3A_569, %dma_wait3A_570, %dma_wait3A_571] : memref<2x1x128xi32, #tpu.memory_space<vmem>> -> memref<1x1x128xi32, #tpu.memory_space<vmem>>
          %dma_wait3A_573 = tpu.memref_squeeze %dma_wait3A_572 : memref<1x1x128xi32, #tpu.memory_space<vmem>> -> memref<1x128xi32, #tpu.memory_space<vmem>>
          %dma_wait3A_574 = arith.constant 0 : i32
          %dma_wait3A_575 = tpu.memref_slice %arg3[%dma_wait3A_574, %mul3A_567] : memref<1x10240xi32, #tpu.memory_space<hbm>> -> memref<1x128xi32, #tpu.memory_space<hbm>>
          %dma_wait3A_576 = tpu.memref_slice %run_scoped3A_7[%rem3A_569] : memref<2x!tpu.dma_semaphore, #tpu.memory_space<semaphore_mem>> -> memref<1x!tpu.dma_semaphore, #tpu.memory_space<semaphore_mem>>
          %dma_wait3A_577 = tpu.memref_squeeze %dma_wait3A_576 : memref<1x!tpu.dma_semaphore, #tpu.memory_space<semaphore_mem>> -> memref<!tpu.dma_semaphore, #tpu.memory_space<semaphore_mem>>
          %dma_wait3A_578 = arith.constant 0 : i32
          %dma_wait3A_579 = arith.constant 0 : i32
          %dma_wait3A_580 = tpu.memref_slice %run_scoped3A[%rem3A_569, %dma_wait3A_578, %dma_wait3A_579] : memref<2x1x128xi32, #tpu.memory_space<vmem>> -> memref<1x1x128xi32, #tpu.memory_space<vmem>>
          %dma_wait3A_581 = tpu.memref_squeeze %dma_wait3A_580 : memref<1x1x128xi32, #tpu.memory_space<vmem>> -> memref<1x128xi32, #tpu.memory_space<vmem>>
          %dma_wait3A_582 = arith.constant 0 : i32
          %dma_wait3A_583 = tpu.memref_slice %arg3[%dma_wait3A_582, %mul3A_567] : memref<1x10240xi32, #tpu.memory_space<hbm>> -> memref<1x128xi32, #tpu.memory_space<hbm>>
          tpu.wait_dma2 semaphore(%dma_wait3A_577 : memref<!tpu.dma_semaphore, #tpu.memory_space<semaphore_mem>>) src(%dma_wait3A_583 : memref<1x128xi32, #tpu.memory_space<hbm>>) dst(%dma_wait3A_581 : memref<1x128xi32, #tpu.memory_space<vmem>>)
          "tpu.trace_stop"() : () -> ()
        } else {
        }
        %ne3A_302 = arith.cmpi ne, %add3A_150, %add3A_159 : i32
        %or3A_303 = arith.constant false
        %or3A_304 = arith.ori %or3A_303, %ne3A_302 : i1
        %or3A_305 = arith.constant false
        %or3A_306 = arith.ori %or3A_304, %or3A_305 : i1
        %or3A_307 = arith.ori %or3A_306, %eq3A_147 : i1
        %convert_element_type3A_308 = arith.extui %or3A_307 : i1 to i32
        %cond3A_309 = arith.constant 0 : i32
        %cond3A_310 = arith.cmpi ne, %convert_element_type3A_308, %cond3A_309 : i32
        scf.if %cond3A_310 {
        } else {
        }
        %rem3A_311 = arith.constant 2 : i32
        %rem3A_312 = arith.remui %scan3A_142, %rem3A_311 : i32
        %rem3A_313 = arith.constant 2 : i32
        %rem3A_314 = arith.remui %scan3A_143, %rem3A_313 : i32
        %jit3A_315 = arith.constant 2 : i32
        "tpu.trace_start"() <{level = 10 : i32, message = "ep_run_kernel"}> : () -> ()
        %eq3A_316 = arith.constant 0 : i32
        %eq3A_317 = arith.cmpi eq, %jit3A_315, %eq3A_316 : i32
        %jit3A_318 = arith.constant 1 : i32
        %select_n3A_319 = arith.select %eq3A_317, %jit3A_318, %jit3A_315 : i32
        %rem3A_320 = arith.remsi %add3A_150, %select_n3A_319 : i32
        %ne3A_321 = arith.constant 0 : i32
        %ne3A_322 = arith.cmpi ne, %rem3A_320, %ne3A_321 : i32
        %lt3A = arith.constant 0 : i32
        %lt3A_323 = arith.cmpi slt, %rem3A_320, %lt3A : i32
        %lt3A_324 = arith.constant 0 : i32
        %lt3A_325 = arith.cmpi slt, %select_n3A_319, %lt3A_324 : i32
        %ne3A_326 = arith.xori %lt3A_323, %lt3A_325 : i1
        %and3A_327 = arith.andi %ne3A_326, %ne3A_322 : i1
        %add3A_328 = arith.addi %rem3A_320, %select_n3A_319 : i32
        %select_n3A_329 = arith.select %and3A_327, %add3A_328, %rem3A_320 : i32
        %mul3A_330 = arith.constant 64 : i32
        %mul3A_331 = arith.muli %select_n3A_329, %mul3A_330 : i32
        %run_scoped3A_332 = arith.constant 0 : i32
        "tpu.region"() ({
          %run_scoped3A_542 = tpu.sem_alloc : memref<!tpu.dma_semaphore, #tpu.memory_space<semaphore_mem>>
          %dma_start3A_543 = arith.constant 0 : i32
          %dma_start3A_544 = arith.constant 0 : i32
          %dma_start3A_545 = tpu.memref_slice %run_scoped3A_8[%rem3A_314, %dma_start3A_543, %dma_start3A_544] : memref<2x64x768xf32, #tpu.memory_space<vmem>> -> memref<1x64x768xf32, #tpu.memory_space<vmem>>
          %dma_start3A_546 = tpu.memref_squeeze %dma_start3A_545 : memref<1x64x768xf32, #tpu.memory_space<vmem>> -> memref<64x768xf32, #tpu.memory_space<vmem>>
          %dma_start3A_547 = arith.constant 0 : i32
          %dma_start3A_548 = arith.constant 0 : i32
          %dma_start3A_549 = tpu.memref_slice %run_scoped3A[%rem3A_312, %dma_start3A_547, %dma_start3A_548] : memref<2x1x128xi32, #tpu.memory_space<vmem>> -> memref<1x1x128xi32, #tpu.memory_space<vmem>>
          %dma_start3A_550 = tpu.memref_squeeze %dma_start3A_549 : memref<1x1x128xi32, #tpu.memory_space<vmem>> -> memref<1x128xi32, #tpu.memory_space<vmem>>
          %dma_start3A_551 = tpu.memref_slice %dma_start3A_550[%run_scoped3A_332, %mul3A_331] : memref<1x128xi32, #tpu.memory_space<vmem>> -> memref<1x64xi32, #tpu.memory_space<vmem>>
          %dma_start3A_552 = tpu.memref_squeeze %dma_start3A_551 : memref<1x64xi32, #tpu.memory_space<vmem>> -> memref<64xi32, #tpu.memory_space<vmem>>
          %dma_start3A_553 = arith.constant 0 : i32
          %dma_start3A_554 = arith.constant 0 : i32
          %dma_start3A_555 = tpu.memref_slice %arg2[%dma_start3A_553, %dma_start3A_554] : memref<30522x768xf32, #tpu.memory_space<hbm>> -> memref<30522x768xf32, #tpu.memory_space<hbm>>
          tpu.enqueue_indirect_dma source(%dma_start3A_555 : memref<30522x768xf32, #tpu.memory_space<hbm>>) target(%dma_start3A_546 : memref<64x768xf32, #tpu.memory_space<vmem>>) offsets(%dma_start3A_552 : memref<64xi32, #tpu.memory_space<vmem>>) semaphore(%run_scoped3A_542 : memref<!tpu.dma_semaphore, #tpu.memory_space<semaphore_mem>>)
          %dma_wait3A_556 = arith.constant 0 : i32
          %dma_wait3A_557 = arith.constant 0 : i32
          %dma_wait3A_558 = tpu.memref_slice %run_scoped3A_8[%rem3A_314, %dma_wait3A_556, %dma_wait3A_557] : memref<2x64x768xf32, #tpu.memory_space<vmem>> -> memref<1x64x768xf32, #tpu.memory_space<vmem>>
          %dma_wait3A_559 = tpu.memref_squeeze %dma_wait3A_558 : memref<1x64x768xf32, #tpu.memory_space<vmem>> -> memref<64x768xf32, #tpu.memory_space<vmem>>
          %dma_wait3A_560 = arith.constant 0 : i32
          %dma_wait3A_561 = arith.constant 0 : i32
          %dma_wait3A_562 = tpu.memref_slice %run_scoped3A[%rem3A_312, %dma_wait3A_560, %dma_wait3A_561] : memref<2x1x128xi32, #tpu.memory_space<vmem>> -> memref<1x1x128xi32, #tpu.memory_space<vmem>>
          %dma_wait3A_563 = tpu.memref_squeeze %dma_wait3A_562 : memref<1x1x128xi32, #tpu.memory_space<vmem>> -> memref<1x128xi32, #tpu.memory_space<vmem>>
          %dma_wait3A_564 = tpu.memref_slice %dma_wait3A_563[%run_scoped3A_332, %mul3A_331] : memref<1x128xi32, #tpu.memory_space<vmem>> -> memref<1x64xi32, #tpu.memory_space<vmem>>
          %dma_wait3A_565 = tpu.memref_squeeze %dma_wait3A_564 : memref<1x64xi32, #tpu.memory_space<vmem>> -> memref<64xi32, #tpu.memory_space<vmem>>
          %dma_wait3A_566 = arith.constant 0 : i32
          %dma_wait3A_567 = arith.constant 0 : i32
          %dma_wait3A_568 = tpu.memref_slice %arg2[%dma_wait3A_566, %dma_wait3A_567] : memref<30522x768xf32, #tpu.memory_space<hbm>> -> memref<30522x768xf32, #tpu.memory_space<hbm>>
          tpu.wait_indirect_dma semaphore(%run_scoped3A_542 : memref<!tpu.dma_semaphore, #tpu.memory_space<semaphore_mem>>) src(%dma_wait3A_568 : memref<30522x768xf32, #tpu.memory_space<hbm>>) dst(%dma_wait3A_559 : memref<64x768xf32, #tpu.memory_space<vmem>>)
          tpu.yield
        }) : () -> ()
        %jit3A_333 = arith.constant 2 : i32
        "tpu.trace_stop"() : () -> ()
        %div3A_334 = arith.divsi %add3A_150, %jit3A_333 : i32
        %sign3A_335 = arith.constant 0 : i32
        %sign3A_336 = arith.cmpi sgt, %add3A_150, %sign3A_335 : i32
        %sign3A_337 = arith.extui %sign3A_336 : i1 to i32
        %sign3A_338 = arith.constant 0 : i32
        %sign3A_339 = arith.cmpi slt, %add3A_150, %sign3A_338 : i32
        %sign3A_340 = arith.extui %sign3A_339 : i1 to i32
        %sign3A_341 = arith.subi %sign3A_337, %sign3A_340 : i32
        %sign3A_342 = arith.constant 0 : i32
        %sign3A_343 = arith.cmpi sgt, %jit3A_333, %sign3A_342 : i32
        %sign3A_344 = arith.extui %sign3A_343 : i1 to i32
        %sign3A_345 = arith.constant 0 : i32
        %sign3A_346 = arith.cmpi slt, %jit3A_333, %sign3A_345 : i32
        %sign3A_347 = arith.extui %sign3A_346 : i1 to i32
        %sign3A_348 = arith.subi %sign3A_344, %sign3A_347 : i32
        %ne3A_349 = arith.cmpi ne, %sign3A_341, %sign3A_348 : i32
        %rem3A_350 = arith.remsi %add3A_150, %jit3A_333 : i32
        %ne3A_351 = arith.constant 0 : i32
        %ne3A_352 = arith.cmpi ne, %rem3A_350, %ne3A_351 : i32
        %and3A_353 = arith.andi %ne3A_349, %ne3A_352 : i1
        %sub3A_354 = arith.constant 1 : i32
        %sub3A_355 = arith.subi %div3A_334, %sub3A_354 : i32
        %select_n3A_356 = arith.select %and3A_353, %sub3A_355, %div3A_334 : i32
        %jit3A_357 = arith.constant 2 : i32
        %div3A_358 = arith.divsi %add3A_168, %jit3A_357 : i32
        %sign3A_359 = arith.constant 0 : i32
        %sign3A_360 = arith.cmpi sgt, %add3A_168, %sign3A_359 : i32
        %sign3A_361 = arith.extui %sign3A_360 : i1 to i32
        %sign3A_362 = arith.constant 0 : i32
        %sign3A_363 = arith.cmpi slt, %add3A_168, %sign3A_362 : i32
        %sign3A_364 = arith.extui %sign3A_363 : i1 to i32
        %sign3A_365 = arith.subi %sign3A_361, %sign3A_364 : i32
        %sign3A_366 = arith.constant 0 : i32
        %sign3A_367 = arith.cmpi sgt, %jit3A_357, %sign3A_366 : i32
        %sign3A_368 = arith.extui %sign3A_367 : i1 to i32
        %sign3A_369 = arith.constant 0 : i32
        %sign3A_370 = arith.cmpi slt, %jit3A_357, %sign3A_369 : i32
        %sign3A_371 = arith.extui %sign3A_370 : i1 to i32
        %sign3A_372 = arith.subi %sign3A_368, %sign3A_371 : i32
        %ne3A_373 = arith.cmpi ne, %sign3A_365, %sign3A_372 : i32
        %rem3A_374 = arith.remsi %add3A_168, %jit3A_357 : i32
        %ne3A_375 = arith.constant 0 : i32
        %ne3A_376 = arith.cmpi ne, %rem3A_374, %ne3A_375 : i32
        %and3A_377 = arith.andi %ne3A_373, %ne3A_376 : i1
        %sub3A_378 = arith.constant 1 : i32
        %sub3A_379 = arith.subi %div3A_358, %sub3A_378 : i32
        %select_n3A_380 = arith.select %and3A_377, %sub3A_379, %div3A_358 : i32
        %ne3A_381 = arith.cmpi ne, %select_n3A_356, %select_n3A_380 : i32
        %or3A_382 = arith.constant false
        %or3A_383 = arith.ori %or3A_382, %ne3A_381 : i1
        %or3A_384 = arith.ori %or3A_383, %eq3A_149 : i1
        %convert_element_type3A_385 = arith.extui %or3A_384 : i1 to i32
        %cond3A_386 = arith.constant 0 : i32
        %cond3A_387 = arith.cmpi ne, %convert_element_type3A_385, %cond3A_386 : i32
        scf.if %cond3A_387 {
        } else {
        }
        %and3A_388 = arith.constant false
        %and3A_389 = arith.andi %or3A_384, %and3A_388 : i1
        %ne3A_390 = arith.cmpi ne, %add3A_150, %add3A_168 : i32
        %or3A_391 = arith.constant false
        %or3A_392 = arith.ori %or3A_391, %ne3A_390 : i1
        %or3A_393 = arith.constant false
        %or3A_394 = arith.ori %or3A_392, %or3A_393 : i1
        %or3A_395 = arith.ori %or3A_394, %eq3A_149 : i1
        %convert_element_type3A_396 = arith.extui %or3A_395 : i1 to i32
        %cond3A_397 = arith.constant 0 : i32
        %cond3A_398 = arith.cmpi ne, %convert_element_type3A_396, %cond3A_397 : i32
        scf.if %cond3A_398 {
          "tpu.trace_start"() <{level = 10 : i32, message = "ep_copy_out"}> : () -> ()
          %rem3A_542 = arith.constant 2 : i32
          %rem3A_543 = arith.remui %scan3A_143, %rem3A_542 : i32
          %mul3A_544 = arith.constant 64 : i32
          %mul3A_545 = arith.muli %mul3A_544, %add3A_150 : i32
          %dma_start3A_546 = arith.constant 0 : i32
          %dma_start3A_547 = arith.constant 0 : i32
          %dma_start3A_548 = tpu.memref_slice %run_scoped3A_8[%rem3A_543, %dma_start3A_546, %dma_start3A_547] : memref<2x64x768xf32, #tpu.memory_space<vmem>> -> memref<1x64x768xf32, #tpu.memory_space<vmem>>
          %dma_start3A_549 = tpu.memref_squeeze %dma_start3A_548 : memref<1x64x768xf32, #tpu.memory_space<vmem>> -> memref<64x768xf32, #tpu.memory_space<vmem>>
          %dma_start3A_550 = arith.constant 0 : i32
          %dma_start3A_551 = tpu.memref_slice %arg4[%mul3A_545, %dma_start3A_550] : memref<10240x768xf32, #tpu.memory_space<hbm>> -> memref<64x768xf32, #tpu.memory_space<hbm>>
          %dma_start3A_552 = tpu.memref_slice %run_scoped3A_9[%rem3A_543] : memref<2x!tpu.dma_semaphore, #tpu.memory_space<semaphore_mem>> -> memref<1x!tpu.dma_semaphore, #tpu.memory_space<semaphore_mem>>
          %dma_start3A_553 = tpu.memref_squeeze %dma_start3A_552 : memref<1x!tpu.dma_semaphore, #tpu.memory_space<semaphore_mem>> -> memref<!tpu.dma_semaphore, #tpu.memory_space<semaphore_mem>>
          %dma_start3A_554 = arith.constant 0 : i32
          %dma_start3A_555 = tpu.memref_slice %arg4[%mul3A_545, %dma_start3A_554] : memref<10240x768xf32, #tpu.memory_space<hbm>> -> memref<64x768xf32, #tpu.memory_space<hbm>>
          %dma_start3A_556 = arith.constant 0 : i32
          %dma_start3A_557 = arith.constant 0 : i32
          %dma_start3A_558 = tpu.memref_slice %run_scoped3A_8[%rem3A_543, %dma_start3A_556, %dma_start3A_557] : memref<2x64x768xf32, #tpu.memory_space<vmem>> -> memref<1x64x768xf32, #tpu.memory_space<vmem>>
          %dma_start3A_559 = tpu.memref_squeeze %dma_start3A_558 : memref<1x64x768xf32, #tpu.memory_space<vmem>> -> memref<64x768xf32, #tpu.memory_space<vmem>>
          tpu.enqueue_dma source(%dma_start3A_559 : memref<64x768xf32, #tpu.memory_space<vmem>>) target(%dma_start3A_555 : memref<64x768xf32, #tpu.memory_space<hbm>>) target_semaphore(%dma_start3A_553 : memref<!tpu.dma_semaphore, #tpu.memory_space<semaphore_mem>>)
          "tpu.trace_stop"() : () -> ()
        } else {
        }
        %and3A_399 = arith.constant true
        %and3A_400 = arith.andi %or3A_395, %and3A_399 : i1
        %add3A_401 = arith.constant 1 : i32
        %add3A_402 = arith.addi %scan3A_143, %add3A_401 : i32
        %select_n3A_403 = arith.select %and3A_400, %add3A_402, %scan3A_143 : i32
        %jit3A_404 = arith.constant 2 : i32
        %div3A_405 = arith.divsi %add3A_150, %jit3A_404 : i32
        %sign3A_406 = arith.constant 0 : i32
        %sign3A_407 = arith.cmpi sgt, %add3A_150, %sign3A_406 : i32
        %sign3A_408 = arith.extui %sign3A_407 : i1 to i32
        %sign3A_409 = arith.constant 0 : i32
        %sign3A_410 = arith.cmpi slt, %add3A_150, %sign3A_409 : i32
        %sign3A_411 = arith.extui %sign3A_410 : i1 to i32
        %sign3A_412 = arith.subi %sign3A_408, %sign3A_411 : i32
        %sign3A_413 = arith.constant 0 : i32
        %sign3A_414 = arith.cmpi sgt, %jit3A_404, %sign3A_413 : i32
        %sign3A_415 = arith.extui %sign3A_414 : i1 to i32
        %sign3A_416 = arith.constant 0 : i32
        %sign3A_417 = arith.cmpi slt, %jit3A_404, %sign3A_416 : i32
        %sign3A_418 = arith.extui %sign3A_417 : i1 to i32
        %sign3A_419 = arith.subi %sign3A_415, %sign3A_418 : i32
        %ne3A_420 = arith.cmpi ne, %sign3A_412, %sign3A_419 : i32
        %rem3A_421 = arith.remsi %add3A_150, %jit3A_404 : i32
        %ne3A_422 = arith.constant 0 : i32
        %ne3A_423 = arith.cmpi ne, %rem3A_421, %ne3A_422 : i32
        %and3A_424 = arith.andi %ne3A_420, %ne3A_423 : i1
        %sub3A_425 = arith.constant 1 : i32
        %sub3A_426 = arith.subi %div3A_405, %sub3A_425 : i32
        %select_n3A_427 = arith.select %and3A_424, %sub3A_426, %div3A_405 : i32
        %jit3A_428 = arith.constant 2 : i32
        %div3A_429 = arith.divsi %add3A_159, %jit3A_428 : i32
        %sign3A_430 = arith.constant 0 : i32
        %sign3A_431 = arith.cmpi sgt, %add3A_159, %sign3A_430 : i32
        %sign3A_432 = arith.extui %sign3A_431 : i1 to i32
        %sign3A_433 = arith.constant 0 : i32
        %sign3A_434 = arith.cmpi slt, %add3A_159, %sign3A_433 : i32
        %sign3A_435 = arith.extui %sign3A_434 : i1 to i32
        %sign3A_436 = arith.subi %sign3A_432, %sign3A_435 : i32
        %sign3A_437 = arith.constant 0 : i32
        %sign3A_438 = arith.cmpi sgt, %jit3A_428, %sign3A_437 : i32
        %sign3A_439 = arith.extui %sign3A_438 : i1 to i32
        %sign3A_440 = arith.constant 0 : i32
        %sign3A_441 = arith.cmpi slt, %jit3A_428, %sign3A_440 : i32
        %sign3A_442 = arith.extui %sign3A_441 : i1 to i32
        %sign3A_443 = arith.subi %sign3A_439, %sign3A_442 : i32
        %ne3A_444 = arith.cmpi ne, %sign3A_436, %sign3A_443 : i32
        %rem3A_445 = arith.remsi %add3A_159, %jit3A_428 : i32
        %ne3A_446 = arith.constant 0 : i32
        %ne3A_447 = arith.cmpi ne, %rem3A_445, %ne3A_446 : i32
        %and3A_448 = arith.andi %ne3A_444, %ne3A_447 : i1
        %sub3A_449 = arith.constant 1 : i32
        %sub3A_450 = arith.subi %div3A_429, %sub3A_449 : i32
        %select_n3A_451 = arith.select %and3A_448, %sub3A_450, %div3A_429 : i32
        %ne3A_452 = arith.cmpi ne, %select_n3A_427, %select_n3A_451 : i32
        %or3A_453 = arith.constant false
        %or3A_454 = arith.ori %or3A_453, %ne3A_452 : i1
        %not3A_455 = arith.constant true
        %not3A_456 = arith.xori %eq3A_147, %not3A_455 : i1
        %and3A_457 = arith.andi %or3A_454, %not3A_456 : i1
        %convert_element_type3A_458 = arith.extui %and3A_457 : i1 to i32
        %cond3A_459 = arith.constant 0 : i32
        %cond3A_460 = arith.cmpi ne, %convert_element_type3A_458, %cond3A_459 : i32
        scf.if %cond3A_460 {
        } else {
        }
        %and3A_461 = arith.constant false
        %and3A_462 = arith.andi %and3A_457, %and3A_461 : i1
        %ne3A_463 = arith.cmpi ne, %add3A_150, %add3A_159 : i32
        %or3A_464 = arith.constant false
        %or3A_465 = arith.ori %or3A_464, %ne3A_463 : i1
        %or3A_466 = arith.constant false
        %or3A_467 = arith.ori %or3A_465, %or3A_466 : i1
        %not3A_468 = arith.constant true
        %not3A_469 = arith.xori %eq3A_147, %not3A_468 : i1
        %and3A_470 = arith.andi %or3A_467, %not3A_469 : i1
        %convert_element_type3A_471 = arith.extui %and3A_470 : i1 to i32
        %cond3A_472 = arith.constant 0 : i32
        %cond3A_473 = arith.cmpi ne, %convert_element_type3A_471, %cond3A_472 : i32
        scf.if %cond3A_473 {
          "tpu.trace_start"() <{level = 10 : i32, message = "ep_wait_out"}> : () -> ()
          %rem3A_542 = arith.constant 2 : i32
          %rem3A_543 = arith.remui %scan3A_144, %rem3A_542 : i32
          %mul3A_544 = arith.constant 64 : i32
          %mul3A_545 = arith.muli %mul3A_544, %add3A_159 : i32
          %dma_wait3A_546 = arith.constant 0 : i32
          %dma_wait3A_547 = arith.constant 0 : i32
          %dma_wait3A_548 = tpu.memref_slice %run_scoped3A_8[%rem3A_543, %dma_wait3A_546, %dma_wait3A_547] : memref<2x64x768xf32, #tpu.memory_space<vmem>> -> memref<1x64x768xf32, #tpu.memory_space<vmem>>
          %dma_wait3A_549 = tpu.memref_squeeze %dma_wait3A_548 : memref<1x64x768xf32, #tpu.memory_space<vmem>> -> memref<64x768xf32, #tpu.memory_space<vmem>>
          %dma_wait3A_550 = arith.constant 0 : i32
          %dma_wait3A_551 = tpu.memref_slice %arg4[%mul3A_545, %dma_wait3A_550] : memref<10240x768xf32, #tpu.memory_space<hbm>> -> memref<64x768xf32, #tpu.memory_space<hbm>>
          %dma_wait3A_552 = tpu.memref_slice %run_scoped3A_9[%rem3A_543] : memref<2x!tpu.dma_semaphore, #tpu.memory_space<semaphore_mem>> -> memref<1x!tpu.dma_semaphore, #tpu.memory_space<semaphore_mem>>
          %dma_wait3A_553 = tpu.memref_squeeze %dma_wait3A_552 : memref<1x!tpu.dma_semaphore, #tpu.memory_space<semaphore_mem>> -> memref<!tpu.dma_semaphore, #tpu.memory_space<semaphore_mem>>
          %dma_wait3A_554 = arith.constant 0 : i32
          %dma_wait3A_555 = tpu.memref_slice %arg4[%mul3A_545, %dma_wait3A_554] : memref<10240x768xf32, #tpu.memory_space<hbm>> -> memref<64x768xf32, #tpu.memory_space<hbm>>
          %dma_wait3A_556 = arith.constant 0 : i32
          %dma_wait3A_557 = arith.constant 0 : i32
          %dma_wait3A_558 = tpu.memref_slice %run_scoped3A_8[%rem3A_543, %dma_wait3A_556, %dma_wait3A_557] : memref<2x64x768xf32, #tpu.memory_space<vmem>> -> memref<1x64x768xf32, #tpu.memory_space<vmem>>
          %dma_wait3A_559 = tpu.memref_squeeze %dma_wait3A_558 : memref<1x64x768xf32, #tpu.memory_space<vmem>> -> memref<64x768xf32, #tpu.memory_space<vmem>>
          tpu.wait_dma2 semaphore(%dma_wait3A_553 : memref<!tpu.dma_semaphore, #tpu.memory_space<semaphore_mem>>) src(%dma_wait3A_559 : memref<64x768xf32, #tpu.memory_space<vmem>>) dst(%dma_wait3A_555 : memref<64x768xf32, #tpu.memory_space<hbm>>)
          "tpu.trace_stop"() : () -> ()
        } else {
        }
        %and3A_474 = arith.constant true
        %and3A_475 = arith.andi %and3A_470, %and3A_474 : i1
        %add3A_476 = arith.constant 1 : i32
        %add3A_477 = arith.addi %scan3A_144, %add3A_476 : i32
        %select_n3A_478 = arith.select %and3A_475, %add3A_477, %scan3A_144 : i32
        %jit3A_479 = arith.constant 2 : i32
        %div3A_480 = arith.divsi %add3A_150, %jit3A_479 : i32
        %sign3A_481 = arith.constant 0 : i32
        %sign3A_482 = arith.cmpi sgt, %add3A_150, %sign3A_481 : i32
        %sign3A_483 = arith.extui %sign3A_482 : i1 to i32
        %sign3A_484 = arith.constant 0 : i32
        %sign3A_485 = arith.cmpi slt, %add3A_150, %sign3A_484 : i32
        %sign3A_486 = arith.extui %sign3A_485 : i1 to i32
        %sign3A_487 = arith.subi %sign3A_483, %sign3A_486 : i32
        %sign3A_488 = arith.constant 0 : i32
        %sign3A_489 = arith.cmpi sgt, %jit3A_479, %sign3A_488 : i32
        %sign3A_490 = arith.extui %sign3A_489 : i1 to i32
        %sign3A_491 = arith.constant 0 : i32
        %sign3A_492 = arith.cmpi slt, %jit3A_479, %sign3A_491 : i32
        %sign3A_493 = arith.extui %sign3A_492 : i1 to i32
        %sign3A_494 = arith.subi %sign3A_490, %sign3A_493 : i32
        %ne3A_495 = arith.cmpi ne, %sign3A_487, %sign3A_494 : i32
        %rem3A_496 = arith.remsi %add3A_150, %jit3A_479 : i32
        %ne3A_497 = arith.constant 0 : i32
        %ne3A_498 = arith.cmpi ne, %rem3A_496, %ne3A_497 : i32
        %and3A_499 = arith.andi %ne3A_495, %ne3A_498 : i1
        %sub3A_500 = arith.constant 1 : i32
        %sub3A_501 = arith.subi %div3A_480, %sub3A_500 : i32
        %select_n3A_502 = arith.select %and3A_499, %sub3A_501, %div3A_480 : i32
        %jit3A_503 = arith.constant 2 : i32
        %div3A_504 = arith.divsi %add3A_168, %jit3A_503 : i32
        %sign3A_505 = arith.constant 0 : i32
        %sign3A_506 = arith.cmpi sgt, %add3A_168, %sign3A_505 : i32
        %sign3A_507 = arith.extui %sign3A_506 : i1 to i32
        %sign3A_508 = arith.constant 0 : i32
        %sign3A_509 = arith.cmpi slt, %add3A_168, %sign3A_508 : i32
        %sign3A_510 = arith.extui %sign3A_509 : i1 to i32
        %sign3A_511 = arith.subi %sign3A_507, %sign3A_510 : i32
        %sign3A_512 = arith.constant 0 : i32
        %sign3A_513 = arith.cmpi sgt, %jit3A_503, %sign3A_512 : i32
        %sign3A_514 = arith.extui %sign3A_513 : i1 to i32
        %sign3A_515 = arith.constant 0 : i32
        %sign3A_516 = arith.cmpi slt, %jit3A_503, %sign3A_515 : i32
        %sign3A_517 = arith.extui %sign3A_516 : i1 to i32
        %sign3A_518 = arith.subi %sign3A_514, %sign3A_517 : i32
        %ne3A_519 = arith.cmpi ne, %sign3A_511, %sign3A_518 : i32
        %rem3A_520 = arith.remsi %add3A_168, %jit3A_503 : i32
        %ne3A_521 = arith.constant 0 : i32
        %ne3A_522 = arith.cmpi ne, %rem3A_520, %ne3A_521 : i32
        %and3A_523 = arith.andi %ne3A_519, %ne3A_522 : i1
        %sub3A_524 = arith.constant 1 : i32
        %sub3A_525 = arith.subi %div3A_504, %sub3A_524 : i32
        %select_n3A_526 = arith.select %and3A_523, %sub3A_525, %div3A_504 : i32
        %ne3A_527 = arith.cmpi ne, %select_n3A_502, %select_n3A_526 : i32
        %or3A_528 = arith.constant false
        %or3A_529 = arith.ori %or3A_528, %ne3A_527 : i1
        %or3A_530 = arith.ori %or3A_529, %eq3A_149 : i1
        %add3A_531 = arith.constant 1 : i32
        %add3A_532 = arith.addi %scan3A_142, %add3A_531 : i32
        %select_n3A_533 = arith.select %or3A_530, %add3A_532, %scan3A_142 : i32
        %add3A_534 = arith.constant 1 : i32
        %add3A_535 = arith.addi %scan3A_145, %add3A_534 : i32
        %select_n3A_536 = arith.constant true
        %select_n3A_537 = arith.select %select_n3A_536, %add3A_535, %scan3A_145 : i32
        %eq3A_538 = arith.constant 5 : i32
        %eq3A_539 = arith.cmpi eq, %select_n3A_537, %eq3A_538 : i32
        %select_n3A_540 = arith.constant 0 : i32
        %select_n3A_541 = arith.select %eq3A_539, %select_n3A_540, %select_n3A_537 : i32
        scf.yield %select_n3A_236, %select_n3A_533, %select_n3A_403, %select_n3A_478, %select_n3A_541 : i32, i32, i32, i32, i32
      }
      %scan3A_86 = arith.constant 5 : i32
      %sub3A_87 = arith.constant 1 : i32
      %sub3A_88 = arith.subi %scan3A_85#4, %sub3A_87 : i32
      %select_n3A_89 = arith.constant true
      %select_n3A_90 = arith.select %select_n3A_89, %sub3A_88, %scan3A_85#4 : i32
      %eq3A_91 = arith.constant -1 : i32
      %eq3A_92 = arith.cmpi eq, %select_n3A_90, %eq3A_91 : i32
      %select_n3A_93 = arith.constant 4 : i32
      %select_n3A_94 = arith.select %eq3A_92, %select_n3A_93, %select_n3A_90 : i32
      %add3A_95 = arith.addi %select_n3A_94, %mul3A_6 : i32
      %sub3A_96 = arith.constant 1 : i32
      %sub3A_97 = arith.subi %select_n3A_94, %sub3A_96 : i32
      %select_n3A_98 = arith.constant true
      %select_n3A_99 = arith.select %select_n3A_98, %sub3A_97, %select_n3A_94 : i32
      %eq3A_100 = arith.constant -1 : i32
      %eq3A_101 = arith.cmpi eq, %select_n3A_99, %eq3A_100 : i32
      %select_n3A_102 = arith.constant 4 : i32
      %select_n3A_103 = arith.select %eq3A_101, %select_n3A_102, %select_n3A_99 : i32
      %add3A_104 = arith.addi %select_n3A_103, %mul3A_6 : i32
      %add3A_105 = arith.constant 1 : i32
      %add3A_106 = arith.addi %select_n3A_94, %add3A_105 : i32
      %select_n3A_107 = arith.constant true
      %select_n3A_108 = arith.select %select_n3A_107, %add3A_106, %select_n3A_94 : i32
      %eq3A_109 = arith.constant 5 : i32
      %eq3A_110 = arith.cmpi eq, %select_n3A_108, %eq3A_109 : i32
      %select_n3A_111 = arith.constant 0 : i32
      %select_n3A_112 = arith.select %eq3A_110, %select_n3A_111, %select_n3A_108 : i32
      %add3A_113 = arith.addi %select_n3A_112, %mul3A_6 : i32
      %add3A_114 = arith.constant 1 : i32
      %add3A_115 = arith.addi %select_n3A_112, %add3A_114 : i32
      %select_n3A_116 = arith.constant true
      %select_n3A_117 = arith.select %select_n3A_116, %add3A_115, %select_n3A_112 : i32
      %eq3A_118 = arith.constant 5 : i32
      %eq3A_119 = arith.cmpi eq, %select_n3A_117, %eq3A_118 : i32
      %select_n3A_120 = arith.constant 0 : i32
      %select_n3A_121 = arith.select %eq3A_119, %select_n3A_120, %select_n3A_117 : i32
      %add3A_122 = arith.addi %select_n3A_121, %mul3A_6 : i32
      "tpu.trace_start"() <{level = 10 : i32, message = "ep_finalize"}> : () -> ()
      %rem3A_123 = arith.constant 2 : i32
      %rem3A_124 = arith.remui %scan3A_85#3, %rem3A_123 : i32
      %mul3A_125 = arith.constant 64 : i32
      %mul3A_126 = arith.muli %mul3A_125, %add3A_95 : i32
      %dma_wait3A = arith.constant 0 : i32
      %dma_wait3A_127 = arith.constant 0 : i32
      %dma_wait3A_128 = tpu.memref_slice %run_scoped3A_8[%rem3A_124, %dma_wait3A, %dma_wait3A_127] : memref<2x64x768xf32, #tpu.memory_space<vmem>> -> memref<1x64x768xf32, #tpu.memory_space<vmem>>
      %dma_wait3A_129 = tpu.memref_squeeze %dma_wait3A_128 : memref<1x64x768xf32, #tpu.memory_space<vmem>> -> memref<64x768xf32, #tpu.memory_space<vmem>>
      %dma_wait3A_130 = arith.constant 0 : i32
      %dma_wait3A_131 = tpu.memref_slice %arg4[%mul3A_126, %dma_wait3A_130] : memref<10240x768xf32, #tpu.memory_space<hbm>> -> memref<64x768xf32, #tpu.memory_space<hbm>>
      %dma_wait3A_132 = tpu.memref_slice %run_scoped3A_9[%rem3A_124] : memref<2x!tpu.dma_semaphore, #tpu.memory_space<semaphore_mem>> -> memref<1x!tpu.dma_semaphore, #tpu.memory_space<semaphore_mem>>
      %dma_wait3A_133 = tpu.memref_squeeze %dma_wait3A_132 : memref<1x!tpu.dma_semaphore, #tpu.memory_space<semaphore_mem>> -> memref<!tpu.dma_semaphore, #tpu.memory_space<semaphore_mem>>
      %dma_wait3A_134 = arith.constant 0 : i32
      %dma_wait3A_135 = tpu.memref_slice %arg4[%mul3A_126, %dma_wait3A_134] : memref<10240x768xf32, #tpu.memory_space<hbm>> -> memref<64x768xf32, #tpu.memory_space<hbm>>
      %dma_wait3A_136 = arith.constant 0 : i32
      %dma_wait3A_137 = arith.constant 0 : i32
      %dma_wait3A_138 = tpu.memref_slice %run_scoped3A_8[%rem3A_124, %dma_wait3A_136, %dma_wait3A_137] : memref<2x64x768xf32, #tpu.memory_space<vmem>> -> memref<1x64x768xf32, #tpu.memory_space<vmem>>
      %dma_wait3A_139 = tpu.memref_squeeze %dma_wait3A_138 : memref<1x64x768xf32, #tpu.memory_space<vmem>> -> memref<64x768xf32, #tpu.memory_space<vmem>>
      tpu.wait_dma2 semaphore(%dma_wait3A_133 : memref<!tpu.dma_semaphore, #tpu.memory_space<semaphore_mem>>) src(%dma_wait3A_139 : memref<64x768xf32, #tpu.memory_space<vmem>>) dst(%dma_wait3A_135 : memref<64x768xf32, #tpu.memory_space<hbm>>)
      "tpu.trace_stop"() : () -> ()
      tpu.yield
    }) : () -> ()
    return
  }
}

#map = affine_map<(d0, d1) -> (0, 0)>
module attributes {stable_mosaic.version = 14 : i64} {
  func.func @k(%arg0: i32, %arg1: i32, %arg2: memref<30522x768xf32, #tpu.memory_space<hbm>>, %arg3: memref<1x10240xi32, #tpu.memory_space<hbm>>, %arg4: memref<10240x768xf32, #tpu.memory_space<hbm>>) attributes {dimension_semantics = [#tpu.dimension_semantics<core_parallel>, #tpu.dimension_semantics<subcore_parallel>], iteration_bounds = array<i64: 2, 16>, scalar_prefetch = 0 : i64, scratch_operands = 0 : i64, tpu.core_type = #tpu.core_type<sc_vector_subcore>, window_params = [{transform_indices = #map}, {transform_indices = #map}, {transform_indices = #map}]} {
    %mul3A = arith.constant 1 : i32
    %mul3A_0 = arith.muli %arg1, %mul3A : i32
    %add3A = arith.constant 0 : i32
    %add3A_1 = arith.addi %add3A, %mul3A_0 : i32
    %mul3A_2 = arith.constant 16 : i32
    %mul3A_3 = arith.muli %arg0, %mul3A_2 : i32
    %add3A_4 = arith.addi %add3A_1, %mul3A_3 : i32
    %mul3A_5 = arith.constant 5 : i32
    %mul3A_6 = arith.muli %add3A_4, %mul3A_5 : i32
    "tpu.region"() ({
      %run_scoped3A = memref.alloca() : memref<2x1x128xi32, #tpu.memory_space<vmem>>
      %run_scoped3A_7 = tpu.sem_alloc : memref<2x!tpu.dma_semaphore, #tpu.memory_space<semaphore_mem>>
      %run_scoped3A_8 = memref.alloca() : memref<2x64x768xf32, #tpu.memory_space<vmem>>
      %run_scoped3A_9 = tpu.sem_alloc : memref<2x!tpu.dma_semaphore, #tpu.memory_space<semaphore_mem>>
      %add3A_10 = arith.constant 0 : i32
      %add3A_11 = arith.addi %add3A_10, %mul3A_6 : i32
      %select_n3A = arith.constant true
      %select_n3A_12 = arith.constant 0 : i32
      %select_n3A_13 = arith.constant -1 : i32
      %select_n3A_14 = arith.select %select_n3A, %select_n3A_13, %select_n3A_12 : i32
      %eq3A = arith.constant -1 : i32
      %eq3A_15 = arith.cmpi eq, %select_n3A_14, %eq3A : i32
      %select_n3A_16 = arith.constant 4 : i32
      %select_n3A_17 = arith.select %eq3A_15, %select_n3A_16, %select_n3A_14 : i32
      %add3A_18 = arith.addi %select_n3A_17, %mul3A_6 : i32
      %select_n3A_19 = arith.constant true
      %select_n3A_20 = arith.constant 0 : i32
      %select_n3A_21 = arith.constant 1 : i32
      %select_n3A_22 = arith.select %select_n3A_19, %select_n3A_21, %select_n3A_20 : i32
      %eq3A_23 = arith.constant 5 : i32
      %eq3A_24 = arith.cmpi eq, %select_n3A_22, %eq3A_23 : i32
      %select_n3A_25 = arith.constant 0 : i32
      %select_n3A_26 = arith.select %eq3A_24, %select_n3A_25, %select_n3A_22 : i32
      %add3A_27 = arith.addi %select_n3A_26, %mul3A_6 : i32
      %add3A_28 = arith.constant 1 : i32
      %add3A_29 = arith.addi %select_n3A_26, %add3A_28 : i32
      %select_n3A_30 = arith.constant true
      %select_n3A_31 = arith.select %select_n3A_30, %add3A_29, %select_n3A_26 : i32
      %eq3A_32 = arith.constant 5 : i32
      %eq3A_33 = arith.cmpi eq, %select_n3A_31, %eq3A_32 : i32
      %select_n3A_34 = arith.constant 0 : i32
      %select_n3A_35 = arith.select %eq3A_33, %select_n3A_34, %select_n3A_31 : i32
      %add3A_36 = arith.addi %select_n3A_35, %mul3A_6 : i32
      "tpu.trace_start"() <{level = 10 : i32, message = "ep_initialize_0"}> : () -> ()
      %rem3A = arith.constant 0 : i32
      %rem3A_37 = arith.constant 2 : i32
      %rem3A_38 = arith.remui %rem3A, %rem3A_37 : i32
      %jit3A = arith.constant 2 : i32
      %div3A = arith.divsi %add3A_11, %jit3A : i32
      %sign3A = arith.constant 0 : i32
      %sign3A_39 = arith.cmpi sgt, %add3A_11, %sign3A : i32
      %sign3A_40 = arith.extui %sign3A_39 : i1 to i32
      %sign3A_41 = arith.constant 0 : i32
      %sign3A_42 = arith.cmpi slt, %add3A_11, %sign3A_41 : i32
      %sign3A_43 = arith.extui %sign3A_42 : i1 to i32
      %sign3A_44 = arith.subi %sign3A_40, %sign3A_43 : i32
      %sign3A_45 = arith.constant 0 : i32
      %sign3A_46 = arith.cmpi sgt, %jit3A, %sign3A_45 : i32
      %sign3A_47 = arith.extui %sign3A_46 : i1 to i32
      %sign3A_48 = arith.constant 0 : i32
      %sign3A_49 = arith.cmpi slt, %jit3A, %sign3A_48 : i32
      %sign3A_50 = arith.extui %sign3A_49 : i1 to i32
      %sign3A_51 = arith.subi %sign3A_47, %sign3A_50 : i32
      %ne3A = arith.cmpi ne, %sign3A_44, %sign3A_51 : i32
      %rem3A_52 = arith.remsi %add3A_11, %jit3A : i32
      %ne3A_53 = arith.constant 0 : i32
      %ne3A_54 = arith.cmpi ne, %rem3A_52, %ne3A_53 : i32
      %and3A = arith.andi %ne3A, %ne3A_54 : i1
      %sub3A = arith.constant 1 : i32
      %sub3A_55 = arith.subi %div3A, %sub3A : i32
      %select_n3A_56 = arith.select %and3A, %sub3A_55, %div3A : i32
      %mul3A_57 = arith.constant 128 : i32
      %mul3A_58 = arith.muli %mul3A_57, %select_n3A_56 : i32
      %dma_start3A = arith.constant 0 : i32
      %dma_start3A_59 = arith.constant 0 : i32
      %dma_start3A_60 = tpu.memref_slice %run_scoped3A[%rem3A_38, %dma_start3A, %dma_start3A_59] : memref<2x1x128xi32, #tpu.memory_space<vmem>> -> memref<1x1x128xi32, #tpu.memory_space<vmem>>
      %dma_start3A_61 = tpu.memref_squeeze %dma_start3A_60 : memref<1x1x128xi32, #tpu.memory_space<vmem>> -> memref<1x128xi32, #tpu.memory_space<vmem>>
      %dma_start3A_62 = arith.constant 0 : i32
      %dma_start3A_63 = tpu.memref_slice %arg3[%dma_start3A_62, %mul3A_58] : memref<1x10240xi32, #tpu.memory_space<hbm>> -> memref<1x128xi32, #tpu.memory_space<hbm>>
      %dma_start3A_64 = tpu.memref_slice %run_scoped3A_7[%rem3A_38] : memref<2x!tpu.dma_semaphore, #tpu.memory_space<semaphore_mem>> -> memref<1x!tpu.dma_semaphore, #tpu.memory_space<semaphore_mem>>
      %dma_start3A_65 = tpu.memref_squeeze %dma_start3A_64 : memref<1x!tpu.dma_semaphore, #tpu.memory_space<semaphore_mem>> -> memref<!tpu.dma_semaphore, #tpu.memory_space<semaphore_mem>>
      %dma_start3A_66 = arith.constant 0 : i32
      %dma_start3A_67 = arith.constant 0 : i32
      %dma_start3A_68 = tpu.memref_slice %run_scoped3A[%rem3A_38, %dma_start3A_66, %dma_start3A_67] : memref<2x1x128xi32, #tpu.memory_space<vmem>> -> memref<1x1x128xi32, #tpu.memory_space<vmem>>
      %dma_start3A_69 = tpu.memref_squeeze %dma_start3A_68 : memref<1x1x128xi32, #tpu.memory_space<vmem>> -> memref<1x128xi32, #tpu.memory_space<vmem>>
      %dma_start3A_70 = arith.constant 0 : i32
      %dma_start3A_71 = tpu.memref_slice %arg3[%dma_start3A_70, %mul3A_58] : memref<1x10240xi32, #tpu.memory_space<hbm>> -> memref<1x128xi32, #tpu.memory_space<hbm>>
      tpu.enqueue_dma source(%dma_start3A_71 : memref<1x128xi32, #tpu.memory_space<hbm>>) target(%dma_start3A_69 : memref<1x128xi32, #tpu.memory_space<vmem>>) target_semaphore(%dma_start3A_65 : memref<!tpu.dma_semaphore, #tpu.memory_space<semaphore_mem>>)
      %add3A_72 = arith.constant 0 : i32
      %add3A_73 = arith.constant 1 : i32
      %add3A_74 = arith.addi %add3A_72, %add3A_73 : i32
      %select_n3A_75 = arith.constant true
      %select_n3A_76 = arith.constant 0 : i32
      %select_n3A_77 = arith.select %select_n3A_75, %add3A_74, %select_n3A_76 : i32
      "tpu.trace_stop"() : () -> ()
      %scan3A = arith.constant 0 : i32
      %scan3A_78 = arith.constant 0 : i32
      %scan3A_79 = arith.constant 0 : i32
      %scan3A_80 = arith.constant 0 : i32
      %scan3A_81 = arith.constant 0 : i32
      %scan3A_82 = arith.constant 5 : i32
      %scan3A_83 = arith.addi %scan3A_81, %scan3A_82 : i32
      %scan3A_84 = arith.constant 1 : i32
      %scan3A_85:5 = scf.for %scan3A_140 = %scan3A_81 to %scan3A_83 step %scan3A_84 iter_args(%scan3A_141 = %select_n3A_77, %scan3A_142 = %scan3A, %scan3A_143 = %scan3A_78, %scan3A_144 = %scan3A_79, %scan3A_145 = %scan3A_80) -> (i32, i32, i32, i32, i32)  : i32 {
        %eq3A_146 = arith.constant 0 : i32
        %eq3A_147 = arith.cmpi eq, %scan3A_140, %eq3A_146 : i32
        %eq3A_148 = arith.constant 4 : i32
        %eq3A_149 = arith.cmpi eq, %scan3A_140, %eq3A_148 : i32
        %add3A_150 = arith.addi %scan3A_145, %mul3A_6 : i32
        %sub3A_151 = arith.constant 1 : i32
        %sub3A_152 = arith.subi %scan3A_145, %sub3A_151 : i32
        %select_n3A_153 = arith.constant true
        %select_n3A_154 = arith.select %select_n3A_153, %sub3A_152, %scan3A_145 : i32
        %eq3A_155 = arith.constant -1 : i32
        %eq3A_156 = arith.cmpi eq, %select_n3A_154, %eq3A_155 : i32
        %select_n3A_157 = arith.constant 4 : i32
        %select_n3A_158 = arith.select %eq3A_156, %select_n3A_157, %select_n3A_154 : i32
        %add3A_159 = arith.addi %select_n3A_158, %mul3A_6 : i32
        %add3A_160 = arith.constant 1 : i32
        %add3A_161 = arith.addi %scan3A_145, %add3A_160 : i32
        %select_n3A_162 = arith.constant true
        %select_n3A_163 = arith.select %select_n3A_162, %add3A_161, %scan3A_145 : i32
        %eq3A_164 = arith.constant 5 : i32
        %eq3A_165 = arith.cmpi eq, %select_n3A_163, %eq3A_164 : i32
        %select_n3A_166 = arith.constant 0 : i32
        %select_n3A_167 = arith.select %eq3A_165, %select_n3A_166, %select_n3A_163 : i32
        %add3A_168 = arith.addi %select_n3A_167, %mul3A_6 : i32
        %add3A_169 = arith.constant 1 : i32
        %add3A_170 = arith.addi %select_n3A_167, %add3A_169 : i32
        %select_n3A_171 = arith.constant true
        %select_n3A_172 = arith.select %select_n3A_171, %add3A_170, %select_n3A_167 : i32
        %eq3A_173 = arith.constant 5 : i32
        %eq3A_174 = arith.cmpi eq, %select_n3A_172, %eq3A_173 : i32
        %select_n3A_175 = arith.constant 0 : i32
        %select_n3A_176 = arith.select %eq3A_174, %select_n3A_175, %select_n3A_172 : i32
        %add3A_177 = arith.addi %select_n3A_176, %mul3A_6 : i32
        %jit3A_178 = arith.constant 2 : i32
        %div3A_179 = arith.divsi %add3A_150, %jit3A_178 : i32
        %sign3A_180 = arith.constant 0 : i32
        %sign3A_181 = arith.cmpi sgt, %add3A_150, %sign3A_180 : i32
        %sign3A_182 = arith.extui %sign3A_181 : i1 to i32
        %sign3A_183 = arith.constant 0 : i32
        %sign3A_184 = arith.cmpi slt, %add3A_150, %sign3A_183 : i32
        %sign3A_185 = arith.extui %sign3A_184 : i1 to i32
        %sign3A_186 = arith.subi %sign3A_182, %sign3A_185 : i32
        %sign3A_187 = arith.constant 0 : i32
        %sign3A_188 = arith.cmpi sgt, %jit3A_178, %sign3A_187 : i32
        %sign3A_189 = arith.extui %sign3A_188 : i1 to i32
        %sign3A_190 = arith.constant 0 : i32
        %sign3A_191 = arith.cmpi slt, %jit3A_178, %sign3A_190 : i32
        %sign3A_192 = arith.extui %sign3A_191 : i1 to i32
        %sign3A_193 = arith.subi %sign3A_189, %sign3A_192 : i32
        %ne3A_194 = arith.cmpi ne, %sign3A_186, %sign3A_193 : i32
        %rem3A_195 = arith.remsi %add3A_150, %jit3A_178 : i32
        %ne3A_196 = arith.constant 0 : i32
        %ne3A_197 = arith.cmpi ne, %rem3A_195, %ne3A_196 : i32
        %and3A_198 = arith.andi %ne3A_194, %ne3A_197 : i1
        %sub3A_199 = arith.constant 1 : i32
        %sub3A_200 = arith.subi %div3A_179, %sub3A_199 : i32
        %select_n3A_201 = arith.select %and3A_198, %sub3A_200, %div3A_179 : i32
        %jit3A_202 = arith.constant 2 : i32
        %div3A_203 = arith.divsi %add3A_168, %jit3A_202 : i32
        %sign3A_204 = arith.constant 0 : i32
        %sign3A_205 = arith.cmpi sgt, %add3A_168, %sign3A_204 : i32
        %sign3A_206 = arith.extui %sign3A_205 : i1 to i32
        %sign3A_207 = arith.constant 0 : i32
        %sign3A_208 = arith.cmpi slt, %add3A_168, %sign3A_207 : i32
        %sign3A_209 = arith.extui %sign3A_208 : i1 to i32
        %sign3A_210 = arith.subi %sign3A_206, %sign3A_209 : i32
        %sign3A_211 = arith.constant 0 : i32
        %sign3A_212 = arith.cmpi sgt, %jit3A_202, %sign3A_211 : i32
        %sign3A_213 = arith.extui %sign3A_212 : i1 to i32
        %sign3A_214 = arith.constant 0 : i32
        %sign3A_215 = arith.cmpi slt, %jit3A_202, %sign3A_214 : i32
        %sign3A_216 = arith.extui %sign3A_215 : i1 to i32
        %sign3A_217 = arith.subi %sign3A_213, %sign3A_216 : i32
        %ne3A_218 = arith.cmpi ne, %sign3A_210, %sign3A_217 : i32
        %rem3A_219 = arith.remsi %add3A_168, %jit3A_202 : i32
        %ne3A_220 = arith.constant 0 : i32
        %ne3A_221 = arith.cmpi ne, %rem3A_219, %ne3A_220 : i32
        %and3A_222 = arith.andi %ne3A_218, %ne3A_221 : i1
        %sub3A_223 = arith.constant 1 : i32
        %sub3A_224 = arith.subi %div3A_203, %sub3A_223 : i32
        %select_n3A_225 = arith.select %and3A_222, %sub3A_224, %div3A_203 : i32
        %ne3A_226 = arith.cmpi ne, %select_n3A_201, %select_n3A_225 : i32
        %or3A = arith.constant false
        %or3A_227 = arith.ori %or3A, %ne3A_226 : i1
        %ge3A = arith.constant 4 : i32
        %ge3A_228 = arith.cmpi sge, %scan3A_140, %ge3A : i32
        %not3A = arith.constant true
        %not3A_229 = arith.xori %ge3A_228, %not3A : i1
        %and3A_230 = arith.andi %or3A_227, %not3A_229 : i1
        %convert_element_type3A = arith.extui %and3A_230 : i1 to i32
        %cond3A = arith.constant 0 : i32
        %cond3A_231 = arith.cmpi ne, %convert_element_type3A, %cond3A : i32
        scf.if %cond3A_231 {
          "tpu.trace_start"() <{level = 10 : i32, message = "ep_copy_in"}> : () -> ()
          %rem3A_542 = arith.constant 2 : i32
          %rem3A_543 = arith.remui %scan3A_141, %rem3A_542 : i32
          %jit3A_544 = arith.constant 2 : i32
          %div3A_545 = arith.divsi %add3A_168, %jit3A_544 : i32
          %sign3A_546 = arith.constant 0 : i32
          %sign3A_547 = arith.cmpi sgt, %add3A_168, %sign3A_546 : i32
          %sign3A_548 = arith.extui %sign3A_547 : i1 to i32
          %sign3A_549 = arith.constant 0 : i32
          %sign3A_550 = arith.cmpi slt, %add3A_168, %sign3A_549 : i32
          %sign3A_551 = arith.extui %sign3A_550 : i1 to i32
          %sign3A_552 = arith.subi %sign3A_548, %sign3A_551 : i32
          %sign3A_553 = arith.constant 0 : i32
          %sign3A_554 = arith.cmpi sgt, %jit3A_544, %sign3A_553 : i32
          %sign3A_555 = arith.extui %sign3A_554 : i1 to i32
          %sign3A_556 = arith.constant 0 : i32
          %sign3A_557 = arith.cmpi slt, %jit3A_544, %sign3A_556 : i32
          %sign3A_558 = arith.extui %sign3A_557 : i1 to i32
          %sign3A_559 = arith.subi %sign3A_555, %sign3A_558 : i32
          %ne3A_560 = arith.cmpi ne, %sign3A_552, %sign3A_559 : i32
          %rem3A_561 = arith.remsi %add3A_168, %jit3A_544 : i32
          %ne3A_562 = arith.constant 0 : i32
          %ne3A_563 = arith.cmpi ne, %rem3A_561, %ne3A_562 : i32
          %and3A_564 = arith.andi %ne3A_560, %ne3A_563 : i1
          %sub3A_565 = arith.constant 1 : i32
          %sub3A_566 = arith.subi %div3A_545, %sub3A_565 : i32
          %select_n3A_567 = arith.select %and3A_564, %sub3A_566, %div3A_545 : i32
          %mul3A_568 = arith.constant 128 : i32
          %mul3A_569 = arith.muli %mul3A_568, %select_n3A_567 : i32
          %dma_start3A_570 = arith.constant 0 : i32
          %dma_start3A_571 = arith.constant 0 : i32
          %dma_start3A_572 = tpu.memref_slice %run_scoped3A[%rem3A_543, %dma_start3A_570, %dma_start3A_571] : memref<2x1x128xi32, #tpu.memory_space<vmem>> -> memref<1x1x128xi32, #tpu.memory_space<vmem>>
          %dma_start3A_573 = tpu.memref_squeeze %dma_start3A_572 : memref<1x1x128xi32, #tpu.memory_space<vmem>> -> memref<1x128xi32, #tpu.memory_space<vmem>>
          %dma_start3A_574 = arith.constant 0 : i32
          %dma_start3A_575 = tpu.memref_slice %arg3[%dma_start3A_574, %mul3A_569] : memref<1x10240xi32, #tpu.memory_space<hbm>> -> memref<1x128xi32, #tpu.memory_space<hbm>>
          %dma_start3A_576 = tpu.memref_slice %run_scoped3A_7[%rem3A_543] : memref<2x!tpu.dma_semaphore, #tpu.memory_space<semaphore_mem>> -> memref<1x!tpu.dma_semaphore, #tpu.memory_space<semaphore_mem>>
          %dma_start3A_577 = tpu.memref_squeeze %dma_start3A_576 : memref<1x!tpu.dma_semaphore, #tpu.memory_space<semaphore_mem>> -> memref<!tpu.dma_semaphore, #tpu.memory_space<semaphore_mem>>
          %dma_start3A_578 = arith.constant 0 : i32
          %dma_start3A_579 = arith.constant 0 : i32
          %dma_start3A_580 = tpu.memref_slice %run_scoped3A[%rem3A_543, %dma_start3A_578, %dma_start3A_579] : memref<2x1x128xi32, #tpu.memory_space<vmem>> -> memref<1x1x128xi32, #tpu.memory_space<vmem>>
          %dma_start3A_581 = tpu.memref_squeeze %dma_start3A_580 : memref<1x1x128xi32, #tpu.memory_space<vmem>> -> memref<1x128xi32, #tpu.memory_space<vmem>>
          %dma_start3A_582 = arith.constant 0 : i32
          %dma_start3A_583 = tpu.memref_slice %arg3[%dma_start3A_582, %mul3A_569] : memref<1x10240xi32, #tpu.memory_space<hbm>> -> memref<1x128xi32, #tpu.memory_space<hbm>>
          tpu.enqueue_dma source(%dma_start3A_583 : memref<1x128xi32, #tpu.memory_space<hbm>>) target(%dma_start3A_581 : memref<1x128xi32, #tpu.memory_space<vmem>>) target_semaphore(%dma_start3A_577 : memref<!tpu.dma_semaphore, #tpu.memory_space<semaphore_mem>>)
          "tpu.trace_stop"() : () -> ()
        } else {
        }
        %and3A_232 = arith.constant true
        %and3A_233 = arith.andi %and3A_230, %and3A_232 : i1
        %add3A_234 = arith.constant 1 : i32
        %add3A_235 = arith.addi %scan3A_141, %add3A_234 : i32
        %select_n3A_236 = arith.select %and3A_233, %add3A_235, %scan3A_141 : i32
        %ne3A_237 = arith.cmpi ne, %add3A_150, %add3A_168 : i32
        %or3A_238 = arith.constant false
        %or3A_239 = arith.ori %or3A_238, %ne3A_237 : i1
        %or3A_240 = arith.constant false
        %or3A_241 = arith.ori %or3A_239, %or3A_240 : i1
        %ge3A_242 = arith.constant 4 : i32
        %ge3A_243 = arith.cmpi sge, %scan3A_140, %ge3A_242 : i32
        %not3A_244 = arith.constant true
        %not3A_245 = arith.xori %ge3A_243, %not3A_244 : i1
        %and3A_246 = arith.andi %or3A_241, %not3A_245 : i1
        %jit3A_247 = arith.constant 2 : i32
        %div3A_248 = arith.divsi %add3A_150, %jit3A_247 : i32
        %sign3A_249 = arith.constant 0 : i32
        %sign3A_250 = arith.cmpi sgt, %add3A_150, %sign3A_249 : i32
        %sign3A_251 = arith.extui %sign3A_250 : i1 to i32
        %sign3A_252 = arith.constant 0 : i32
        %sign3A_253 = arith.cmpi slt, %add3A_150, %sign3A_252 : i32
        %sign3A_254 = arith.extui %sign3A_253 : i1 to i32
        %sign3A_255 = arith.subi %sign3A_251, %sign3A_254 : i32
        %sign3A_256 = arith.constant 0 : i32
        %sign3A_257 = arith.cmpi sgt, %jit3A_247, %sign3A_256 : i32
        %sign3A_258 = arith.extui %sign3A_257 : i1 to i32
        %sign3A_259 = arith.constant 0 : i32
        %sign3A_260 = arith.cmpi slt, %jit3A_247, %sign3A_259 : i32
        %sign3A_261 = arith.extui %sign3A_260 : i1 to i32
        %sign3A_262 = arith.subi %sign3A_258, %sign3A_261 : i32
        %ne3A_263 = arith.cmpi ne, %sign3A_255, %sign3A_262 : i32
        %rem3A_264 = arith.remsi %add3A_150, %jit3A_247 : i32
        %ne3A_265 = arith.constant 0 : i32
        %ne3A_266 = arith.cmpi ne, %rem3A_264, %ne3A_265 : i32
        %and3A_267 = arith.andi %ne3A_263, %ne3A_266 : i1
        %sub3A_268 = arith.constant 1 : i32
        %sub3A_269 = arith.subi %div3A_248, %sub3A_268 : i32
        %select_n3A_270 = arith.select %and3A_267, %sub3A_269, %div3A_248 : i32
        %jit3A_271 = arith.constant 2 : i32
        %div3A_272 = arith.divsi %add3A_159, %jit3A_271 : i32
        %sign3A_273 = arith.constant 0 : i32
        %sign3A_274 = arith.cmpi sgt, %add3A_159, %sign3A_273 : i32
        %sign3A_275 = arith.extui %sign3A_274 : i1 to i32
        %sign3A_276 = arith.constant 0 : i32
        %sign3A_277 = arith.cmpi slt, %add3A_159, %sign3A_276 : i32
        %sign3A_278 = arith.extui %sign3A_277 : i1 to i32
        %sign3A_279 = arith.subi %sign3A_275, %sign3A_278 : i32
        %sign3A_280 = arith.constant 0 : i32
        %sign3A_281 = arith.cmpi sgt, %jit3A_271, %sign3A_280 : i32
        %sign3A_282 = arith.extui %sign3A_281 : i1 to i32
        %sign3A_283 = arith.constant 0 : i32
        %sign3A_284 = arith.cmpi slt, %jit3A_271, %sign3A_283 : i32
        %sign3A_285 = arith.extui %sign3A_284 : i1 to i32
        %sign3A_286 = arith.subi %sign3A_282, %sign3A_285 : i32
        %ne3A_287 = arith.cmpi ne, %sign3A_279, %sign3A_286 : i32
        %rem3A_288 = arith.remsi %add3A_159, %jit3A_271 : i32
        %ne3A_289 = arith.constant 0 : i32
        %ne3A_290 = arith.cmpi ne, %rem3A_288, %ne3A_289 : i32
        %and3A_291 = arith.andi %ne3A_287, %ne3A_290 : i1
        %sub3A_292 = arith.constant 1 : i32
        %sub3A_293 = arith.subi %div3A_272, %sub3A_292 : i32
        %select_n3A_294 = arith.select %and3A_291, %sub3A_293, %div3A_272 : i32
        %ne3A_295 = arith.cmpi ne, %select_n3A_270, %select_n3A_294 : i32
        %or3A_296 = arith.constant false
        %or3A_297 = arith.ori %or3A_296, %ne3A_295 : i1
        %or3A_298 = arith.ori %or3A_297, %eq3A_147 : i1
        %convert_element_type3A_299 = arith.extui %or3A_298 : i1 to i32
        %cond3A_300 = arith.constant 0 : i32
        %cond3A_301 = arith.cmpi ne, %convert_element_type3A_299, %cond3A_300 : i32
        scf.if %cond3A_301 {
          %jit3A_542 = arith.constant 2 : i32
          "tpu.trace_start"() <{level = 10 : i32, message = "ep_wait_in"}> : () -> ()
          %div3A_543 = arith.divsi %add3A_150, %jit3A_542 : i32
          %sign3A_544 = arith.constant 0 : i32
          %sign3A_545 = arith.cmpi sgt, %add3A_150, %sign3A_544 : i32
          %sign3A_546 = arith.extui %sign3A_545 : i1 to i32
          %sign3A_547 = arith.constant 0 : i32
          %sign3A_548 = arith.cmpi slt, %add3A_150, %sign3A_547 : i32
          %sign3A_549 = arith.extui %sign3A_548 : i1 to i32
          %sign3A_550 = arith.subi %sign3A_546, %sign3A_549 : i32
          %sign3A_551 = arith.constant 0 : i32
          %sign3A_552 = arith.cmpi sgt, %jit3A_542, %sign3A_551 : i32
          %sign3A_553 = arith.extui %sign3A_552 : i1 to i32
          %sign3A_554 = arith.constant 0 : i32
          %sign3A_555 = arith.cmpi slt, %jit3A_542, %sign3A_554 : i32
          %sign3A_556 = arith.extui %sign3A_555 : i1 to i32
          %sign3A_557 = arith.subi %sign3A_553, %sign3A_556 : i32
          %ne3A_558 = arith.cmpi ne, %sign3A_550, %sign3A_557 : i32
          %rem3A_559 = arith.remsi %add3A_150, %jit3A_542 : i32
          %ne3A_560 = arith.constant 0 : i32
          %ne3A_561 = arith.cmpi ne, %rem3A_559, %ne3A_560 : i32
          %and3A_562 = arith.andi %ne3A_558, %ne3A_561 : i1
          %sub3A_563 = arith.constant 1 : i32
          %sub3A_564 = arith.subi %div3A_543, %sub3A_563 : i32
          %select_n3A_565 = arith.select %and3A_562, %sub3A_564, %div3A_543 : i32
          %mul3A_566 = arith.constant 128 : i32
          %mul3A_567 = arith.muli %mul3A_566, %select_n3A_565 : i32
          %rem3A_568 = arith.constant 2 : i32
          %rem3A_569 = arith.remui %scan3A_142, %rem3A_568 : i32
          %dma_wait3A_570 = arith.constant 0 : i32
          %dma_wait3A_571 = arith.constant 0 : i32
          %dma_wait3A_572 = tpu.memref_slice %run_scoped3A[%rem3A_569, %dma_wait3A_570, %dma_wait3A_571] : memref<2x1x128xi32, #tpu.memory_space<vmem>> -> memref<1x1x128xi32, #tpu.memory_space<vmem>>
          %dma_wait3A_573 = tpu.memref_squeeze %dma_wait3A_572 : memref<1x1x128xi32, #tpu.memory_space<vmem>> -> memref<1x128xi32, #tpu.memory_space<vmem>>
          %dma_wait3A_574 = arith.constant 0 : i32
          %dma_wait3A_575 = tpu.memref_slice %arg3[%dma_wait3A_574, %mul3A_567] : memref<1x10240xi32, #tpu.memory_space<hbm>> -> memref<1x128xi32, #tpu.memory_space<hbm>>
          %dma_wait3A_576 = tpu.memref_slice %run_scoped3A_7[%rem3A_569] : memref<2x!tpu.dma_semaphore, #tpu.memory_space<semaphore_mem>> -> memref<1x!tpu.dma_semaphore, #tpu.memory_space<semaphore_mem>>
          %dma_wait3A_577 = tpu.memref_squeeze %dma_wait3A_576 : memref<1x!tpu.dma_semaphore, #tpu.memory_space<semaphore_mem>> -> memref<!tpu.dma_semaphore, #tpu.memory_space<semaphore_mem>>
          %dma_wait3A_578 = arith.constant 0 : i32
          %dma_wait3A_579 = arith.constant 0 : i32
          %dma_wait3A_580 = tpu.memref_slice %run_scoped3A[%rem3A_569, %dma_wait3A_578, %dma_wait3A_579] : memref<2x1x128xi32, #tpu.memory_space<vmem>> -> memref<1x1x128xi32, #tpu.memory_space<vmem>>
          %dma_wait3A_581 = tpu.memref_squeeze %dma_wait3A_580 : memref<1x1x128xi32, #tpu.memory_space<vmem>> -> memref<1x128xi32, #tpu.memory_space<vmem>>
          %dma_wait3A_582 = arith.constant 0 : i32
          %dma_wait3A_583 = tpu.memref_slice %arg3[%dma_wait3A_582, %mul3A_567] : memref<1x10240xi32, #tpu.memory_space<hbm>> -> memref<1x128xi32, #tpu.memory_space<hbm>>
          tpu.wait_dma2 semaphore(%dma_wait3A_577 : memref<!tpu.dma_semaphore, #tpu.memory_space<semaphore_mem>>) src(%dma_wait3A_583 : memref<1x128xi32, #tpu.memory_space<hbm>>) dst(%dma_wait3A_581 : memref<1x128xi32, #tpu.memory_space<vmem>>)
          "tpu.trace_stop"() : () -> ()
        } else {
        }
        %ne3A_302 = arith.cmpi ne, %add3A_150, %add3A_159 : i32
        %or3A_303 = arith.constant false
        %or3A_304 = arith.ori %or3A_303, %ne3A_302 : i1
        %or3A_305 = arith.constant false
        %or3A_306 = arith.ori %or3A_304, %or3A_305 : i1
        %or3A_307 = arith.ori %or3A_306, %eq3A_147 : i1
        %convert_element_type3A_308 = arith.extui %or3A_307 : i1 to i32
        %cond3A_309 = arith.constant 0 : i32
        %cond3A_310 = arith.cmpi ne, %convert_element_type3A_308, %cond3A_309 : i32
        scf.if %cond3A_310 {
        } else {
        }
        %rem3A_311 = arith.constant 2 : i32
        %rem3A_312 = arith.remui %scan3A_142, %rem3A_311 : i32
        %rem3A_313 = arith.constant 2 : i32
        %rem3A_314 = arith.remui %scan3A_143, %rem3A_313 : i32
        %jit3A_315 = arith.constant 2 : i32
        "tpu.trace_start"() <{level = 10 : i32, message = "ep_run_kernel"}> : () -> ()
        %eq3A_316 = arith.constant 0 : i32
        %eq3A_317 = arith.cmpi eq, %jit3A_315, %eq3A_316 : i32
        %jit3A_318 = arith.constant 1 : i32
        %select_n3A_319 = arith.select %eq3A_317, %jit3A_318, %jit3A_315 : i32
        %rem3A_320 = arith.remsi %add3A_150, %select_n3A_319 : i32
        %ne3A_321 = arith.constant 0 : i32
        %ne3A_322 = arith.cmpi ne, %rem3A_320, %ne3A_321 : i32
        %lt3A = arith.constant 0 : i32
        %lt3A_323 = arith.cmpi slt, %rem3A_320, %lt3A : i32
        %lt3A_324 = arith.constant 0 : i32
        %lt3A_325 = arith.cmpi slt, %select_n3A_319, %lt3A_324 : i32
        %ne3A_326 = arith.xori %lt3A_323, %lt3A_325 : i1
        %and3A_327 = arith.andi %ne3A_326, %ne3A_322 : i1
        %add3A_328 = arith.addi %rem3A_320, %select_n3A_319 : i32
        %select_n3A_329 = arith.select %and3A_327, %add3A_328, %rem3A_320 : i32
        %mul3A_330 = arith.constant 64 : i32
        %mul3A_331 = arith.muli %select_n3A_329, %mul3A_330 : i32
        %run_scoped3A_332 = arith.constant 0 : i32
        "tpu.region"() ({
          %run_scoped3A_542 = tpu.sem_alloc : memref<!tpu.dma_semaphore, #tpu.memory_space<semaphore_mem>>
          %dma_start3A_543 = arith.constant 0 : i32
          %dma_start3A_544 = arith.constant 0 : i32
          %dma_start3A_545 = tpu.memref_slice %run_scoped3A_8[%rem3A_314, %dma_start3A_543, %dma_start3A_544] : memref<2x64x768xf32, #tpu.memory_space<vmem>> -> memref<1x64x768xf32, #tpu.memory_space<vmem>>
          %dma_start3A_546 = tpu.memref_squeeze %dma_start3A_545 : memref<1x64x768xf32, #tpu.memory_space<vmem>> -> memref<64x768xf32, #tpu.memory_space<vmem>>
          %dma_start3A_547 = arith.constant 0 : i32
          %dma_start3A_548 = arith.constant 0 : i32
          %dma_start3A_549 = tpu.memref_slice %run_scoped3A[%rem3A_312, %dma_start3A_547, %dma_start3A_548] : memref<2x1x128xi32, #tpu.memory_space<vmem>> -> memref<1x1x128xi32, #tpu.memory_space<vmem>>
          %dma_start3A_550 = tpu.memref_squeeze %dma_start3A_549 : memref<1x1x128xi32, #tpu.memory_space<vmem>> -> memref<1x128xi32, #tpu.memory_space<vmem>>
          %dma_start3A_551 = tpu.memref_slice %dma_start3A_550[%run_scoped3A_332, %mul3A_331] : memref<1x128xi32, #tpu.memory_space<vmem>> -> memref<1x64xi32, #tpu.memory_space<vmem>>
          %dma_start3A_552 = tpu.memref_squeeze %dma_start3A_551 : memref<1x64xi32, #tpu.memory_space<vmem>> -> memref<64xi32, #tpu.memory_space<vmem>>
          %dma_start3A_553 = arith.constant 0 : i32
          %dma_start3A_554 = arith.constant 0 : i32
          %dma_start3A_555 = tpu.memref_slice %arg2[%dma_start3A_553, %dma_start3A_554] : memref<30522x768xf32, #tpu.memory_space<hbm>> -> memref<30522x768xf32, #tpu.memory_space<hbm>>
          tpu.enqueue_indirect_dma source(%dma_start3A_555 : memref<30522x768xf32, #tpu.memory_space<hbm>>) target(%dma_start3A_546 : memref<64x768xf32, #tpu.memory_space<vmem>>) offsets(%dma_start3A_552 : memref<64xi32, #tpu.memory_space<vmem>>) semaphore(%run_scoped3A_542 : memref<!tpu.dma_semaphore, #tpu.memory_space<semaphore_mem>>)
          %dma_wait3A_556 = arith.constant 0 : i32
          %dma_wait3A_557 = arith.constant 0 : i32
          %dma_wait3A_558 = tpu.memref_slice %run_scoped3A_8[%rem3A_314, %dma_wait3A_556, %dma_wait3A_557] : memref<2x64x768xf32, #tpu.memory_space<vmem>> -> memref<1x64x768xf32, #tpu.memory_space<vmem>>
          %dma_wait3A_559 = tpu.memref_squeeze %dma_wait3A_558 : memref<1x64x768xf32, #tpu.memory_space<vmem>> -> memref<64x768xf32, #tpu.memory_space<vmem>>
          %dma_wait3A_560 = arith.constant 0 : i32
          %dma_wait3A_561 = arith.constant 0 : i32
          %dma_wait3A_562 = tpu.memref_slice %run_scoped3A[%rem3A_312, %dma_wait3A_560, %dma_wait3A_561] : memref<2x1x128xi32, #tpu.memory_space<vmem>> -> memref<1x1x128xi32, #tpu.memory_space<vmem>>
          %dma_wait3A_563 = tpu.memref_squeeze %dma_wait3A_562 : memref<1x1x128xi32, #tpu.memory_space<vmem>> -> memref<1x128xi32, #tpu.memory_space<vmem>>
          %dma_wait3A_564 = tpu.memref_slice %dma_wait3A_563[%run_scoped3A_332, %mul3A_331] : memref<1x128xi32, #tpu.memory_space<vmem>> -> memref<1x64xi32, #tpu.memory_space<vmem>>
          %dma_wait3A_565 = tpu.memref_squeeze %dma_wait3A_564 : memref<1x64xi32, #tpu.memory_space<vmem>> -> memref<64xi32, #tpu.memory_space<vmem>>
          %dma_wait3A_566 = arith.constant 0 : i32
          %dma_wait3A_567 = arith.constant 0 : i32
          %dma_wait3A_568 = tpu.memref_slice %arg2[%dma_wait3A_566, %dma_wait3A_567] : memref<30522x768xf32, #tpu.memory_space<hbm>> -> memref<30522x768xf32, #tpu.memory_space<hbm>>
          tpu.wait_indirect_dma semaphore(%run_scoped3A_542 : memref<!tpu.dma_semaphore, #tpu.memory_space<semaphore_mem>>) src(%dma_wait3A_568 : memref<30522x768xf32, #tpu.memory_space<hbm>>) dst(%dma_wait3A_559 : memref<64x768xf32, #tpu.memory_space<vmem>>)
          tpu.yield
        }) : () -> ()
        %jit3A_333 = arith.constant 2 : i32
        "tpu.trace_stop"() : () -> ()
        %div3A_334 = arith.divsi %add3A_150, %jit3A_333 : i32
        %sign3A_335 = arith.constant 0 : i32
        %sign3A_336 = arith.cmpi sgt, %add3A_150, %sign3A_335 : i32
        %sign3A_337 = arith.extui %sign3A_336 : i1 to i32
        %sign3A_338 = arith.constant 0 : i32
        %sign3A_339 = arith.cmpi slt, %add3A_150, %sign3A_338 : i32
        %sign3A_340 = arith.extui %sign3A_339 : i1 to i32
        %sign3A_341 = arith.subi %sign3A_337, %sign3A_340 : i32
        %sign3A_342 = arith.constant 0 : i32
        %sign3A_343 = arith.cmpi sgt, %jit3A_333, %sign3A_342 : i32
        %sign3A_344 = arith.extui %sign3A_343 : i1 to i32
        %sign3A_345 = arith.constant 0 : i32
        %sign3A_346 = arith.cmpi slt, %jit3A_333, %sign3A_345 : i32
        %sign3A_347 = arith.extui %sign3A_346 : i1 to i32
        %sign3A_348 = arith.subi %sign3A_344, %sign3A_347 : i32
        %ne3A_349 = arith.cmpi ne, %sign3A_341, %sign3A_348 : i32
        %rem3A_350 = arith.remsi %add3A_150, %jit3A_333 : i32
        %ne3A_351 = arith.constant 0 : i32
        %ne3A_352 = arith.cmpi ne, %rem3A_350, %ne3A_351 : i32
        %and3A_353 = arith.andi %ne3A_349, %ne3A_352 : i1
        %sub3A_354 = arith.constant 1 : i32
        %sub3A_355 = arith.subi %div3A_334, %sub3A_354 : i32
        %select_n3A_356 = arith.select %and3A_353, %sub3A_355, %div3A_334 : i32
        %jit3A_357 = arith.constant 2 : i32
        %div3A_358 = arith.divsi %add3A_168, %jit3A_357 : i32
        %sign3A_359 = arith.constant 0 : i32
        %sign3A_360 = arith.cmpi sgt, %add3A_168, %sign3A_359 : i32
        %sign3A_361 = arith.extui %sign3A_360 : i1 to i32
        %sign3A_362 = arith.constant 0 : i32
        %sign3A_363 = arith.cmpi slt, %add3A_168, %sign3A_362 : i32
        %sign3A_364 = arith.extui %sign3A_363 : i1 to i32
        %sign3A_365 = arith.subi %sign3A_361, %sign3A_364 : i32
        %sign3A_366 = arith.constant 0 : i32
        %sign3A_367 = arith.cmpi sgt, %jit3A_357, %sign3A_366 : i32
        %sign3A_368 = arith.extui %sign3A_367 : i1 to i32
        %sign3A_369 = arith.constant 0 : i32
        %sign3A_370 = arith.cmpi slt, %jit3A_357, %sign3A_369 : i32
        %sign3A_371 = arith.extui %sign3A_370 : i1 to i32
        %sign3A_372 = arith.subi %sign3A_368, %sign3A_371 : i32
        %ne3A_373 = arith.cmpi ne, %sign3A_365, %sign3A_372 : i32
        %rem3A_374 = arith.remsi %add3A_168, %jit3A_357 : i32
        %ne3A_375 = arith.constant 0 : i32
        %ne3A_376 = arith.cmpi ne, %rem3A_374, %ne3A_375 : i32
        %and3A_377 = arith.andi %ne3A_373, %ne3A_376 : i1
        %sub3A_378 = arith.constant 1 : i32
        %sub3A_379 = arith.subi %div3A_358, %sub3A_378 : i32
        %select_n3A_380 = arith.select %and3A_377, %sub3A_379, %div3A_358 : i32
        %ne3A_381 = arith.cmpi ne, %select_n3A_356, %select_n3A_380 : i32
        %or3A_382 = arith.constant false
        %or3A_383 = arith.ori %or3A_382, %ne3A_381 : i1
        %or3A_384 = arith.ori %or3A_383, %eq3A_149 : i1
        %convert_element_type3A_385 = arith.extui %or3A_384 : i1 to i32
        %cond3A_386 = arith.constant 0 : i32
        %cond3A_387 = arith.cmpi ne, %convert_element_type3A_385, %cond3A_386 : i32
        scf.if %cond3A_387 {
        } else {
        }
        %and3A_388 = arith.constant false
        %and3A_389 = arith.andi %or3A_384, %and3A_388 : i1
        %ne3A_390 = arith.cmpi ne, %add3A_150, %add3A_168 : i32
        %or3A_391 = arith.constant false
        %or3A_392 = arith.ori %or3A_391, %ne3A_390 : i1
        %or3A_393 = arith.constant false
        %or3A_394 = arith.ori %or3A_392, %or3A_393 : i1
        %or3A_395 = arith.ori %or3A_394, %eq3A_149 : i1
        %convert_element_type3A_396 = arith.extui %or3A_395 : i1 to i32
        %cond3A_397 = arith.constant 0 : i32
        %cond3A_398 = arith.cmpi ne, %convert_element_type3A_396, %cond3A_397 : i32
        scf.if %cond3A_398 {
          "tpu.trace_start"() <{level = 10 : i32, message = "ep_copy_out"}> : () -> ()
          %rem3A_542 = arith.constant 2 : i32
          %rem3A_543 = arith.remui %scan3A_143, %rem3A_542 : i32
          %mul3A_544 = arith.constant 64 : i32
          %mul3A_545 = arith.muli %mul3A_544, %add3A_150 : i32
          %dma_start3A_546 = arith.constant 0 : i32
          %dma_start3A_547 = arith.constant 0 : i32
          %dma_start3A_548 = tpu.memref_slice %run_scoped3A_8[%rem3A_543, %dma_start3A_546, %dma_start3A_547] : memref<2x64x768xf32, #tpu.memory_space<vmem>> -> memref<1x64x768xf32, #tpu.memory_space<vmem>>
          %dma_start3A_549 = tpu.memref_squeeze %dma_start3A_548 : memref<1x64x768xf32, #tpu.memory_space<vmem>> -> memref<64x768xf32, #tpu.memory_space<vmem>>
          %dma_start3A_550 = arith.constant 0 : i32
          %dma_start3A_551 = tpu.memref_slice %arg4[%mul3A_545, %dma_start3A_550] : memref<10240x768xf32, #tpu.memory_space<hbm>> -> memref<64x768xf32, #tpu.memory_space<hbm>>
          %dma_start3A_552 = tpu.memref_slice %run_scoped3A_9[%rem3A_543] : memref<2x!tpu.dma_semaphore, #tpu.memory_space<semaphore_mem>> -> memref<1x!tpu.dma_semaphore, #tpu.memory_space<semaphore_mem>>
          %dma_start3A_553 = tpu.memref_squeeze %dma_start3A_552 : memref<1x!tpu.dma_semaphore, #tpu.memory_space<semaphore_mem>> -> memref<!tpu.dma_semaphore, #tpu.memory_space<semaphore_mem>>
          %dma_start3A_554 = arith.constant 0 : i32
          %dma_start3A_555 = tpu.memref_slice %arg4[%mul3A_545, %dma_start3A_554] : memref<10240x768xf32, #tpu.memory_space<hbm>> -> memref<64x768xf32, #tpu.memory_space<hbm>>
          %dma_start3A_556 = arith.constant 0 : i32
          %dma_start3A_557 = arith.constant 0 : i32
          %dma_start3A_558 = tpu.memref_slice %run_scoped3A_8[%rem3A_543, %dma_start3A_556, %dma_start3A_557] : memref<2x64x768xf32, #tpu.memory_space<vmem>> -> memref<1x64x768xf32, #tpu.memory_space<vmem>>
          %dma_start3A_559 = tpu.memref_squeeze %dma_start3A_558 : memref<1x64x768xf32, #tpu.memory_space<vmem>> -> memref<64x768xf32, #tpu.memory_space<vmem>>
          tpu.enqueue_dma source(%dma_start3A_559 : memref<64x768xf32, #tpu.memory_space<vmem>>) target(%dma_start3A_555 : memref<64x768xf32, #tpu.memory_space<hbm>>) target_semaphore(%dma_start3A_553 : memref<!tpu.dma_semaphore, #tpu.memory_space<semaphore_mem>>)
          "tpu.trace_stop"() : () -> ()
        } else {
        }
        %and3A_399 = arith.constant true
        %and3A_400 = arith.andi %or3A_395, %and3A_399 : i1
        %add3A_401 = arith.constant 1 : i32
        %add3A_402 = arith.addi %scan3A_143, %add3A_401 : i32
        %select_n3A_403 = arith.select %and3A_400, %add3A_402, %scan3A_143 : i32
        %jit3A_404 = arith.constant 2 : i32
        %div3A_405 = arith.divsi %add3A_150, %jit3A_404 : i32
        %sign3A_406 = arith.constant 0 : i32
        %sign3A_407 = arith.cmpi sgt, %add3A_150, %sign3A_406 : i32
        %sign3A_408 = arith.extui %sign3A_407 : i1 to i32
        %sign3A_409 = arith.constant 0 : i32
        %sign3A_410 = arith.cmpi slt, %add3A_150, %sign3A_409 : i32
        %sign3A_411 = arith.extui %sign3A_410 : i1 to i32
        %sign3A_412 = arith.subi %sign3A_408, %sign3A_411 : i32
        %sign3A_413 = arith.constant 0 : i32
        %sign3A_414 = arith.cmpi sgt, %jit3A_404, %sign3A_413 : i32
        %sign3A_415 = arith.extui %sign3A_414 : i1 to i32
        %sign3A_416 = arith.constant 0 : i32
        %sign3A_417 = arith.cmpi slt, %jit3A_404, %sign3A_416 : i32
        %sign3A_418 = arith.extui %sign3A_417 : i1 to i32
        %sign3A_419 = arith.subi %sign3A_415, %sign3A_418 : i32
        %ne3A_420 = arith.cmpi ne, %sign3A_412, %sign3A_419 : i32
        %rem3A_421 = arith.remsi %add3A_150, %jit3A_404 : i32
        %ne3A_422 = arith.constant 0 : i32
        %ne3A_423 = arith.cmpi ne, %rem3A_421, %ne3A_422 : i32
        %and3A_424 = arith.andi %ne3A_420, %ne3A_423 : i1
        %sub3A_425 = arith.constant 1 : i32
        %sub3A_426 = arith.subi %div3A_405, %sub3A_425 : i32
        %select_n3A_427 = arith.select %and3A_424, %sub3A_426, %div3A_405 : i32
        %jit3A_428 = arith.constant 2 : i32
        %div3A_429 = arith.divsi %add3A_159, %jit3A_428 : i32
        %sign3A_430 = arith.constant 0 : i32
        %sign3A_431 = arith.cmpi sgt, %add3A_159, %sign3A_430 : i32
        %sign3A_432 = arith.extui %sign3A_431 : i1 to i32
        %sign3A_433 = arith.constant 0 : i32
        %sign3A_434 = arith.cmpi slt, %add3A_159, %sign3A_433 : i32
        %sign3A_435 = arith.extui %sign3A_434 : i1 to i32
        %sign3A_436 = arith.subi %sign3A_432, %sign3A_435 : i32
        %sign3A_437 = arith.constant 0 : i32
        %sign3A_438 = arith.cmpi sgt, %jit3A_428, %sign3A_437 : i32
        %sign3A_439 = arith.extui %sign3A_438 : i1 to i32
        %sign3A_440 = arith.constant 0 : i32
        %sign3A_441 = arith.cmpi slt, %jit3A_428, %sign3A_440 : i32
        %sign3A_442 = arith.extui %sign3A_441 : i1 to i32
        %sign3A_443 = arith.subi %sign3A_439, %sign3A_442 : i32
        %ne3A_444 = arith.cmpi ne, %sign3A_436, %sign3A_443 : i32
        %rem3A_445 = arith.remsi %add3A_159, %jit3A_428 : i32
        %ne3A_446 = arith.constant 0 : i32
        %ne3A_447 = arith.cmpi ne, %rem3A_445, %ne3A_446 : i32
        %and3A_448 = arith.andi %ne3A_444, %ne3A_447 : i1
        %sub3A_449 = arith.constant 1 : i32
        %sub3A_450 = arith.subi %div3A_429, %sub3A_449 : i32
        %select_n3A_451 = arith.select %and3A_448, %sub3A_450, %div3A_429 : i32
        %ne3A_452 = arith.cmpi ne, %select_n3A_427, %select_n3A_451 : i32
        %or3A_453 = arith.constant false
        %or3A_454 = arith.ori %or3A_453, %ne3A_452 : i1
        %not3A_455 = arith.constant true
        %not3A_456 = arith.xori %eq3A_147, %not3A_455 : i1
        %and3A_457 = arith.andi %or3A_454, %not3A_456 : i1
        %convert_element_type3A_458 = arith.extui %and3A_457 : i1 to i32
        %cond3A_459 = arith.constant 0 : i32
        %cond3A_460 = arith.cmpi ne, %convert_element_type3A_458, %cond3A_459 : i32
        scf.if %cond3A_460 {
        } else {
        }
        %and3A_461 = arith.constant false
        %and3A_462 = arith.andi %and3A_457, %and3A_461 : i1
        %ne3A_463 = arith.cmpi ne, %add3A_150, %add3A_159 : i32
        %or3A_464 = arith.constant false
        %or3A_465 = arith.ori %or3A_464, %ne3A_463 : i1
        %or3A_466 = arith.constant false
        %or3A_467 = arith.ori %or3A_465, %or3A_466 : i1
        %not3A_468 = arith.constant true
        %not3A_469 = arith.xori %eq3A_147, %not3A_468 : i1
        %and3A_470 = arith.andi %or3A_467, %not3A_469 : i1
        %convert_element_type3A_471 = arith.extui %and3A_470 : i1 to i32
        %cond3A_472 = arith.constant 0 : i32
        %cond3A_473 = arith.cmpi ne, %convert_element_type3A_471, %cond3A_472 : i32
        scf.if %cond3A_473 {
          "tpu.trace_start"() <{level = 10 : i32, message = "ep_wait_out"}> : () -> ()
          %rem3A_542 = arith.constant 2 : i32
          %rem3A_543 = arith.remui %scan3A_144, %rem3A_542 : i32
          %mul3A_544 = arith.constant 64 : i32
          %mul3A_545 = arith.muli %mul3A_544, %add3A_159 : i32
          %dma_wait3A_546 = arith.constant 0 : i32
          %dma_wait3A_547 = arith.constant 0 : i32
          %dma_wait3A_548 = tpu.memref_slice %run_scoped3A_8[%rem3A_543, %dma_wait3A_546, %dma_wait3A_547] : memref<2x64x768xf32, #tpu.memory_space<vmem>> -> memref<1x64x768xf32, #tpu.memory_space<vmem>>
          %dma_wait3A_549 = tpu.memref_squeeze %dma_wait3A_548 : memref<1x64x768xf32, #tpu.memory_space<vmem>> -> memref<64x768xf32, #tpu.memory_space<vmem>>
          %dma_wait3A_550 = arith.constant 0 : i32
          %dma_wait3A_551 = tpu.memref_slice %arg4[%mul3A_545, %dma_wait3A_550] : memref<10240x768xf32, #tpu.memory_space<hbm>> -> memref<64x768xf32, #tpu.memory_space<hbm>>
          %dma_wait3A_552 = tpu.memref_slice %run_scoped3A_9[%rem3A_543] : memref<2x!tpu.dma_semaphore, #tpu.memory_space<semaphore_mem>> -> memref<1x!tpu.dma_semaphore, #tpu.memory_space<semaphore_mem>>
          %dma_wait3A_553 = tpu.memref_squeeze %dma_wait3A_552 : memref<1x!tpu.dma_semaphore, #tpu.memory_space<semaphore_mem>> -> memref<!tpu.dma_semaphore, #tpu.memory_space<semaphore_mem>>
          %dma_wait3A_554 = arith.constant 0 : i32
          %dma_wait3A_555 = tpu.memref_slice %arg4[%mul3A_545, %dma_wait3A_554] : memref<10240x768xf32, #tpu.memory_space<hbm>> -> memref<64x768xf32, #tpu.memory_space<hbm>>
          %dma_wait3A_556 = arith.constant 0 : i32
          %dma_wait3A_557 = arith.constant 0 : i32
          %dma_wait3A_558 = tpu.memref_slice %run_scoped3A_8[%rem3A_543, %dma_wait3A_556, %dma_wait3A_557] : memref<2x64x768xf32, #tpu.memory_space<vmem>> -> memref<1x64x768xf32, #tpu.memory_space<vmem>>
          %dma_wait3A_559 = tpu.memref_squeeze %dma_wait3A_558 : memref<1x64x768xf32, #tpu.memory_space<vmem>> -> memref<64x768xf32, #tpu.memory_space<vmem>>
          tpu.wait_dma2 semaphore(%dma_wait3A_553 : memref<!tpu.dma_semaphore, #tpu.memory_space<semaphore_mem>>) src(%dma_wait3A_559 : memref<64x768xf32, #tpu.memory_space<vmem>>) dst(%dma_wait3A_555 : memref<64x768xf32, #tpu.memory_space<hbm>>)
          "tpu.trace_stop"() : () -> ()
        } else {
        }
        %and3A_474 = arith.constant true
        %and3A_475 = arith.andi %and3A_470, %and3A_474 : i1
        %add3A_476 = arith.constant 1 : i32
        %add3A_477 = arith.addi %scan3A_144, %add3A_476 : i32
        %select_n3A_478 = arith.select %and3A_475, %add3A_477, %scan3A_144 : i32
        %jit3A_479 = arith.constant 2 : i32
        %div3A_480 = arith.divsi %add3A_150, %jit3A_479 : i32
        %sign3A_481 = arith.constant 0 : i32
        %sign3A_482 = arith.cmpi sgt, %add3A_150, %sign3A_481 : i32
        %sign3A_483 = arith.extui %sign3A_482 : i1 to i32
        %sign3A_484 = arith.constant 0 : i32
        %sign3A_485 = arith.cmpi slt, %add3A_150, %sign3A_484 : i32
        %sign3A_486 = arith.extui %sign3A_485 : i1 to i32
        %sign3A_487 = arith.subi %sign3A_483, %sign3A_486 : i32
        %sign3A_488 = arith.constant 0 : i32
        %sign3A_489 = arith.cmpi sgt, %jit3A_479, %sign3A_488 : i32
        %sign3A_490 = arith.extui %sign3A_489 : i1 to i32
        %sign3A_491 = arith.constant 0 : i32
        %sign3A_492 = arith.cmpi slt, %jit3A_479, %sign3A_491 : i32
        %sign3A_493 = arith.extui %sign3A_492 : i1 to i32
        %sign3A_494 = arith.subi %sign3A_490, %sign3A_493 : i32
        %ne3A_495 = arith.cmpi ne, %sign3A_487, %sign3A_494 : i32
        %rem3A_496 = arith.remsi %add3A_150, %jit3A_479 : i32
        %ne3A_497 = arith.constant 0 : i32
        %ne3A_498 = arith.cmpi ne, %rem3A_496, %ne3A_497 : i32
        %and3A_499 = arith.andi %ne3A_495, %ne3A_498 : i1
        %sub3A_500 = arith.constant 1 : i32
        %sub3A_501 = arith.subi %div3A_480, %sub3A_500 : i32
        %select_n3A_502 = arith.select %and3A_499, %sub3A_501, %div3A_480 : i32
        %jit3A_503 = arith.constant 2 : i32
        %div3A_504 = arith.divsi %add3A_168, %jit3A_503 : i32
        %sign3A_505 = arith.constant 0 : i32
        %sign3A_506 = arith.cmpi sgt, %add3A_168, %sign3A_505 : i32
        %sign3A_507 = arith.extui %sign3A_506 : i1 to i32
        %sign3A_508 = arith.constant 0 : i32
        %sign3A_509 = arith.cmpi slt, %add3A_168, %sign3A_508 : i32
        %sign3A_510 = arith.extui %sign3A_509 : i1 to i32
        %sign3A_511 = arith.subi %sign3A_507, %sign3A_510 : i32
        %sign3A_512 = arith.constant 0 : i32
        %sign3A_513 = arith.cmpi sgt, %jit3A_503, %sign3A_512 : i32
        %sign3A_514 = arith.extui %sign3A_513 : i1 to i32
        %sign3A_515 = arith.constant 0 : i32
        %sign3A_516 = arith.cmpi slt, %jit3A_503, %sign3A_515 : i32
        %sign3A_517 = arith.extui %sign3A_516 : i1 to i32
        %sign3A_518 = arith.subi %sign3A_514, %sign3A_517 : i32
        %ne3A_519 = arith.cmpi ne, %sign3A_511, %sign3A_518 : i32
        %rem3A_520 = arith.remsi %add3A_168, %jit3A_503 : i32
        %ne3A_521 = arith.constant 0 : i32
        %ne3A_522 = arith.cmpi ne, %rem3A_520, %ne3A_521 : i32
        %and3A_523 = arith.andi %ne3A_519, %ne3A_522 : i1
        %sub3A_524 = arith.constant 1 : i32
        %sub3A_525 = arith.subi %div3A_504, %sub3A_524 : i32
        %select_n3A_526 = arith.select %and3A_523, %sub3A_525, %div3A_504 : i32
        %ne3A_527 = arith.cmpi ne, %select_n3A_502, %select_n3A_526 : i32
        %or3A_528 = arith.constant false
        %or3A_529 = arith.ori %or3A_528, %ne3A_527 : i1
        %or3A_530 = arith.ori %or3A_529, %eq3A_149 : i1
        %add3A_531 = arith.constant 1 : i32
        %add3A_532 = arith.addi %scan3A_142, %add3A_531 : i32
        %select_n3A_533 = arith.select %or3A_530, %add3A_532, %scan3A_142 : i32
        %add3A_534 = arith.constant 1 : i32
        %add3A_535 = arith.addi %scan3A_145, %add3A_534 : i32
        %select_n3A_536 = arith.constant true
        %select_n3A_537 = arith.select %select_n3A_536, %add3A_535, %scan3A_145 : i32
        %eq3A_538 = arith.constant 5 : i32
        %eq3A_539 = arith.cmpi eq, %select_n3A_537, %eq3A_538 : i32
        %select_n3A_540 = arith.constant 0 : i32
        %select_n3A_541 = arith.select %eq3A_539, %select_n3A_540, %select_n3A_537 : i32
        scf.yield %select_n3A_236, %select_n3A_533, %select_n3A_403, %select_n3A_478, %select_n3A_541 : i32, i32, i32, i32, i32
      }
      %scan3A_86 = arith.constant 5 : i32
      %sub3A_87 = arith.constant 1 : i32
      %sub3A_88 = arith.subi %scan3A_85#4, %sub3A_87 : i32
      %select_n3A_89 = arith.constant true
      %select_n3A_90 = arith.select %select_n3A_89, %sub3A_88, %scan3A_85#4 : i32
      %eq3A_91 = arith.constant -1 : i32
      %eq3A_92 = arith.cmpi eq, %select_n3A_90, %eq3A_91 : i32
      %select_n3A_93 = arith.constant 4 : i32
      %select_n3A_94 = arith.select %eq3A_92, %select_n3A_93, %select_n3A_90 : i32
      %add3A_95 = arith.addi %select_n3A_94, %mul3A_6 : i32
      %sub3A_96 = arith.constant 1 : i32
      %sub3A_97 = arith.subi %select_n3A_94, %sub3A_96 : i32
      %select_n3A_98 = arith.constant true
      %select_n3A_99 = arith.select %select_n3A_98, %sub3A_97, %select_n3A_94 : i32
      %eq3A_100 = arith.constant -1 : i32
      %eq3A_101 = arith.cmpi eq, %select_n3A_99, %eq3A_100 : i32
      %select_n3A_102 = arith.constant 4 : i32
      %select_n3A_103 = arith.select %eq3A_101, %select_n3A_102, %select_n3A_99 : i32
      %add3A_104 = arith.addi %select_n3A_103, %mul3A_6 : i32
      %add3A_105 = arith.constant 1 : i32
      %add3A_106 = arith.addi %select_n3A_94, %add3A_105 : i32
      %select_n3A_107 = arith.constant true
      %select_n3A_108 = arith.select %select_n3A_107, %add3A_106, %select_n3A_94 : i32
      %eq3A_109 = arith.constant 5 : i32
      %eq3A_110 = arith.cmpi eq, %select_n3A_108, %eq3A_109 : i32
      %select_n3A_111 = arith.constant 0 : i32
      %select_n3A_112 = arith.select %eq3A_110, %select_n3A_111, %select_n3A_108 : i32
      %add3A_113 = arith.addi %select_n3A_112, %mul3A_6 : i32
      %add3A_114 = arith.constant 1 : i32
      %add3A_115 = arith.addi %select_n3A_112, %add3A_114 : i32
      %select_n3A_116 = arith.constant true
      %select_n3A_117 = arith.select %select_n3A_116, %add3A_115, %select_n3A_112 : i32
      %eq3A_118 = arith.constant 5 : i32
      %eq3A_119 = arith.cmpi eq, %select_n3A_117, %eq3A_118 : i32
      %select_n3A_120 = arith.constant 0 : i32
      %select_n3A_121 = arith.select %eq3A_119, %select_n3A_120, %select_n3A_117 : i32
      %add3A_122 = arith.addi %select_n3A_121, %mul3A_6 : i32
      "tpu.trace_start"() <{level = 10 : i32, message = "ep_finalize"}> : () -> ()
      %rem3A_123 = arith.constant 2 : i32
      %rem3A_124 = arith.remui %scan3A_85#3, %rem3A_123 : i32
      %mul3A_125 = arith.constant 64 : i32
      %mul3A_126 = arith.muli %mul3A_125, %add3A_95 : i32
      %dma_wait3A = arith.constant 0 : i32
      %dma_wait3A_127 = arith.constant 0 : i32
      %dma_wait3A_128 = tpu.memref_slice %run_scoped3A_8[%rem3A_124, %dma_wait3A, %dma_wait3A_127] : memref<2x64x768xf32, #tpu.memory_space<vmem>> -> memref<1x64x768xf32, #tpu.memory_space<vmem>>
      %dma_wait3A_129 = tpu.memref_squeeze %dma_wait3A_128 : memref<1x64x768xf32, #tpu.memory_space<vmem>> -> memref<64x768xf32, #tpu.memory_space<vmem>>
      %dma_wait3A_130 = arith.constant 0 : i32
      %dma_wait3A_131 = tpu.memref_slice %arg4[%mul3A_126, %dma_wait3A_130] : memref<10240x768xf32, #tpu.memory_space<hbm>> -> memref<64x768xf32, #tpu.memory_space<hbm>>
      %dma_wait3A_132 = tpu.memref_slice %run_scoped3A_9[%rem3A_124] : memref<2x!tpu.dma_semaphore, #tpu.memory_space<semaphore_mem>> -> memref<1x!tpu.dma_semaphore, #tpu.memory_space<semaphore_mem>>
      %dma_wait3A_133 = tpu.memref_squeeze %dma_wait3A_132 : memref<1x!tpu.dma_semaphore, #tpu.memory_space<semaphore_mem>> -> memref<!tpu.dma_semaphore, #tpu.memory_space<semaphore_mem>>
      %dma_wait3A_134 = arith.constant 0 : i32
      %dma_wait3A_135 = tpu.memref_slice %arg4[%mul3A_126, %dma_wait3A_134] : memref<10240x768xf32, #tpu.memory_space<hbm>> -> memref<64x768xf32, #tpu.memory_space<hbm>>
      %dma_wait3A_136 = arith.constant 0 : i32
      %dma_wait3A_137 = arith.constant 0 : i32
      %dma_wait3A_138 = tpu.memref_slice %run_scoped3A_8[%rem3A_124, %dma_wait3A_136, %dma_wait3A_137] : memref<2x64x768xf32, #tpu.memory_space<vmem>> -> memref<1x64x768xf32, #tpu.memory_space<vmem>>
      %dma_wait3A_139 = tpu.memref_squeeze %dma_wait3A_138 : memref<1x64x768xf32, #tpu.memory_space<vmem>> -> memref<64x768xf32, #tpu.memory_space<vmem>>
      tpu.wait_dma2 semaphore(%dma_wait3A_133 : memref<!tpu.dma_semaphore, #tpu.memory_space<semaphore_mem>>) src(%dma_wait3A_139 : memref<64x768xf32, #tpu.memory_space<vmem>>) dst(%dma_wait3A_135 : memref<64x768xf32, #tpu.memory_space<hbm>>)
      "tpu.trace_stop"() : () -> ()
      tpu.yield
    }) : () -> ()
    return
  }
}

#map = affine_map<(d0, d1) -> (0, 0)>
module attributes {stable_mosaic.version = 14 : i64} {
  func.func @k(%arg0: i32, %arg1: i32, %arg2: memref<30522x768xf32, #tpu.memory_space<hbm>>, %arg3: memref<1x10240xi32, #tpu.memory_space<hbm>>, %arg4: memref<10240x768xf32, #tpu.memory_space<hbm>>) attributes {dimension_semantics = [#tpu.dimension_semantics<core_parallel>, #tpu.dimension_semantics<subcore_parallel>], iteration_bounds = array<i64: 2, 16>, scalar_prefetch = 0 : i64, scratch_operands = 0 : i64, tpu.core_type = #tpu.core_type<sc_vector_subcore>, window_params = [{transform_indices = #map}, {transform_indices = #map}, {transform_indices = #map}]} {
    %mul3A = arith.constant 1 : i32
    %mul3A_0 = arith.muli %arg1, %mul3A : i32
    %add3A = arith.constant 0 : i32
    %add3A_1 = arith.addi %add3A, %mul3A_0 : i32
    %mul3A_2 = arith.constant 16 : i32
    %mul3A_3 = arith.muli %arg0, %mul3A_2 : i32
    %add3A_4 = arith.addi %add3A_1, %mul3A_3 : i32
    %mul3A_5 = arith.constant 5 : i32
    %mul3A_6 = arith.muli %add3A_4, %mul3A_5 : i32
    "tpu.region"() ({
      %run_scoped3A = memref.alloca() : memref<2x1x128xi32, #tpu.memory_space<vmem>>
      %run_scoped3A_7 = tpu.sem_alloc : memref<2x!tpu.dma_semaphore, #tpu.memory_space<semaphore_mem>>
      %run_scoped3A_8 = memref.alloca() : memref<2x64x768xf32, #tpu.memory_space<vmem>>
      %run_scoped3A_9 = tpu.sem_alloc : memref<2x!tpu.dma_semaphore, #tpu.memory_space<semaphore_mem>>
      %add3A_10 = arith.constant 0 : i32
      %add3A_11 = arith.addi %add3A_10, %mul3A_6 : i32
      %select_n3A = arith.constant true
      %select_n3A_12 = arith.constant 0 : i32
      %select_n3A_13 = arith.constant -1 : i32
      %select_n3A_14 = arith.select %select_n3A, %select_n3A_13, %select_n3A_12 : i32
      %eq3A = arith.constant -1 : i32
      %eq3A_15 = arith.cmpi eq, %select_n3A_14, %eq3A : i32
      %select_n3A_16 = arith.constant 4 : i32
      %select_n3A_17 = arith.select %eq3A_15, %select_n3A_16, %select_n3A_14 : i32
      %add3A_18 = arith.addi %select_n3A_17, %mul3A_6 : i32
      %select_n3A_19 = arith.constant true
      %select_n3A_20 = arith.constant 0 : i32
      %select_n3A_21 = arith.constant 1 : i32
      %select_n3A_22 = arith.select %select_n3A_19, %select_n3A_21, %select_n3A_20 : i32
      %eq3A_23 = arith.constant 5 : i32
      %eq3A_24 = arith.cmpi eq, %select_n3A_22, %eq3A_23 : i32
      %select_n3A_25 = arith.constant 0 : i32
      %select_n3A_26 = arith.select %eq3A_24, %select_n3A_25, %select_n3A_22 : i32
      %add3A_27 = arith.addi %select_n3A_26, %mul3A_6 : i32
      %add3A_28 = arith.constant 1 : i32
      %add3A_29 = arith.addi %select_n3A_26, %add3A_28 : i32
      %select_n3A_30 = arith.constant true
      %select_n3A_31 = arith.select %select_n3A_30, %add3A_29, %select_n3A_26 : i32
      %eq3A_32 = arith.constant 5 : i32
      %eq3A_33 = arith.cmpi eq, %select_n3A_31, %eq3A_32 : i32
      %select_n3A_34 = arith.constant 0 : i32
      %select_n3A_35 = arith.select %eq3A_33, %select_n3A_34, %select_n3A_31 : i32
      %add3A_36 = arith.addi %select_n3A_35, %mul3A_6 : i32
      "tpu.trace_start"() <{level = 10 : i32, message = "ep_initialize_0"}> : () -> ()
      %rem3A = arith.constant 0 : i32
      %rem3A_37 = arith.constant 2 : i32
      %rem3A_38 = arith.remui %rem3A, %rem3A_37 : i32
      %jit3A = arith.constant 2 : i32
      %div3A = arith.divsi %add3A_11, %jit3A : i32
      %sign3A = arith.constant 0 : i32
      %sign3A_39 = arith.cmpi sgt, %add3A_11, %sign3A : i32
      %sign3A_40 = arith.extui %sign3A_39 : i1 to i32
      %sign3A_41 = arith.constant 0 : i32
      %sign3A_42 = arith.cmpi slt, %add3A_11, %sign3A_41 : i32
      %sign3A_43 = arith.extui %sign3A_42 : i1 to i32
      %sign3A_44 = arith.subi %sign3A_40, %sign3A_43 : i32
      %sign3A_45 = arith.constant 0 : i32
      %sign3A_46 = arith.cmpi sgt, %jit3A, %sign3A_45 : i32
      %sign3A_47 = arith.extui %sign3A_46 : i1 to i32
      %sign3A_48 = arith.constant 0 : i32
      %sign3A_49 = arith.cmpi slt, %jit3A, %sign3A_48 : i32
      %sign3A_50 = arith.extui %sign3A_49 : i1 to i32
      %sign3A_51 = arith.subi %sign3A_47, %sign3A_50 : i32
      %ne3A = arith.cmpi ne, %sign3A_44, %sign3A_51 : i32
      %rem3A_52 = arith.remsi %add3A_11, %jit3A : i32
      %ne3A_53 = arith.constant 0 : i32
      %ne3A_54 = arith.cmpi ne, %rem3A_52, %ne3A_53 : i32
      %and3A = arith.andi %ne3A, %ne3A_54 : i1
      %sub3A = arith.constant 1 : i32
      %sub3A_55 = arith.subi %div3A, %sub3A : i32
      %select_n3A_56 = arith.select %and3A, %sub3A_55, %div3A : i32
      %mul3A_57 = arith.constant 128 : i32
      %mul3A_58 = arith.muli %mul3A_57, %select_n3A_56 : i32
      %dma_start3A = arith.constant 0 : i32
      %dma_start3A_59 = arith.constant 0 : i32
      %dma_start3A_60 = tpu.memref_slice %run_scoped3A[%rem3A_38, %dma_start3A, %dma_start3A_59] : memref<2x1x128xi32, #tpu.memory_space<vmem>> -> memref<1x1x128xi32, #tpu.memory_space<vmem>>
      %dma_start3A_61 = tpu.memref_squeeze %dma_start3A_60 : memref<1x1x128xi32, #tpu.memory_space<vmem>> -> memref<1x128xi32, #tpu.memory_space<vmem>>
      %dma_start3A_62 = arith.constant 0 : i32
      %dma_start3A_63 = tpu.memref_slice %arg3[%dma_start3A_62, %mul3A_58] : memref<1x10240xi32, #tpu.memory_space<hbm>> -> memref<1x128xi32, #tpu.memory_space<hbm>>
      %dma_start3A_64 = tpu.memref_slice %run_scoped3A_7[%rem3A_38] : memref<2x!tpu.dma_semaphore, #tpu.memory_space<semaphore_mem>> -> memref<1x!tpu.dma_semaphore, #tpu.memory_space<semaphore_mem>>
      %dma_start3A_65 = tpu.memref_squeeze %dma_start3A_64 : memref<1x!tpu.dma_semaphore, #tpu.memory_space<semaphore_mem>> -> memref<!tpu.dma_semaphore, #tpu.memory_space<semaphore_mem>>
      %dma_start3A_66 = arith.constant 0 : i32
      %dma_start3A_67 = arith.constant 0 : i32
      %dma_start3A_68 = tpu.memref_slice %run_scoped3A[%rem3A_38, %dma_start3A_66, %dma_start3A_67] : memref<2x1x128xi32, #tpu.memory_space<vmem>> -> memref<1x1x128xi32, #tpu.memory_space<vmem>>
      %dma_start3A_69 = tpu.memref_squeeze %dma_start3A_68 : memref<1x1x128xi32, #tpu.memory_space<vmem>> -> memref<1x128xi32, #tpu.memory_space<vmem>>
      %dma_start3A_70 = arith.constant 0 : i32
      %dma_start3A_71 = tpu.memref_slice %arg3[%dma_start3A_70, %mul3A_58] : memref<1x10240xi32, #tpu.memory_space<hbm>> -> memref<1x128xi32, #tpu.memory_space<hbm>>
      tpu.enqueue_dma source(%dma_start3A_71 : memref<1x128xi32, #tpu.memory_space<hbm>>) target(%dma_start3A_69 : memref<1x128xi32, #tpu.memory_space<vmem>>) target_semaphore(%dma_start3A_65 : memref<!tpu.dma_semaphore, #tpu.memory_space<semaphore_mem>>)
      %add3A_72 = arith.constant 0 : i32
      %add3A_73 = arith.constant 1 : i32
      %add3A_74 = arith.addi %add3A_72, %add3A_73 : i32
      %select_n3A_75 = arith.constant true
      %select_n3A_76 = arith.constant 0 : i32
      %select_n3A_77 = arith.select %select_n3A_75, %add3A_74, %select_n3A_76 : i32
      "tpu.trace_stop"() : () -> ()
      %scan3A = arith.constant 0 : i32
      %scan3A_78 = arith.constant 0 : i32
      %scan3A_79 = arith.constant 0 : i32
      %scan3A_80 = arith.constant 0 : i32
      %scan3A_81 = arith.constant 0 : i32
      %scan3A_82 = arith.constant 5 : i32
      %scan3A_83 = arith.addi %scan3A_81, %scan3A_82 : i32
      %scan3A_84 = arith.constant 1 : i32
      %scan3A_85:5 = scf.for %scan3A_140 = %scan3A_81 to %scan3A_83 step %scan3A_84 iter_args(%scan3A_141 = %select_n3A_77, %scan3A_142 = %scan3A, %scan3A_143 = %scan3A_78, %scan3A_144 = %scan3A_79, %scan3A_145 = %scan3A_80) -> (i32, i32, i32, i32, i32)  : i32 {
        %eq3A_146 = arith.constant 0 : i32
        %eq3A_147 = arith.cmpi eq, %scan3A_140, %eq3A_146 : i32
        %eq3A_148 = arith.constant 4 : i32
        %eq3A_149 = arith.cmpi eq, %scan3A_140, %eq3A_148 : i32
        %add3A_150 = arith.addi %scan3A_145, %mul3A_6 : i32
        %sub3A_151 = arith.constant 1 : i32
        %sub3A_152 = arith.subi %scan3A_145, %sub3A_151 : i32
        %select_n3A_153 = arith.constant true
        %select_n3A_154 = arith.select %select_n3A_153, %sub3A_152, %scan3A_145 : i32
        %eq3A_155 = arith.constant -1 : i32
        %eq3A_156 = arith.cmpi eq, %select_n3A_154, %eq3A_155 : i32
        %select_n3A_157 = arith.constant 4 : i32
        %select_n3A_158 = arith.select %eq3A_156, %select_n3A_157, %select_n3A_154 : i32
        %add3A_159 = arith.addi %select_n3A_158, %mul3A_6 : i32
        %add3A_160 = arith.constant 1 : i32
        %add3A_161 = arith.addi %scan3A_145, %add3A_160 : i32
        %select_n3A_162 = arith.constant true
        %select_n3A_163 = arith.select %select_n3A_162, %add3A_161, %scan3A_145 : i32
        %eq3A_164 = arith.constant 5 : i32
        %eq3A_165 = arith.cmpi eq, %select_n3A_163, %eq3A_164 : i32
        %select_n3A_166 = arith.constant 0 : i32
        %select_n3A_167 = arith.select %eq3A_165, %select_n3A_166, %select_n3A_163 : i32
        %add3A_168 = arith.addi %select_n3A_167, %mul3A_6 : i32
        %add3A_169 = arith.constant 1 : i32
        %add3A_170 = arith.addi %select_n3A_167, %add3A_169 : i32
        %select_n3A_171 = arith.constant true
        %select_n3A_172 = arith.select %select_n3A_171, %add3A_170, %select_n3A_167 : i32
        %eq3A_173 = arith.constant 5 : i32
        %eq3A_174 = arith.cmpi eq, %select_n3A_172, %eq3A_173 : i32
        %select_n3A_175 = arith.constant 0 : i32
        %select_n3A_176 = arith.select %eq3A_174, %select_n3A_175, %select_n3A_172 : i32
        %add3A_177 = arith.addi %select_n3A_176, %mul3A_6 : i32
        %jit3A_178 = arith.constant 2 : i32
        %div3A_179 = arith.divsi %add3A_150, %jit3A_178 : i32
        %sign3A_180 = arith.constant 0 : i32
        %sign3A_181 = arith.cmpi sgt, %add3A_150, %sign3A_180 : i32
        %sign3A_182 = arith.extui %sign3A_181 : i1 to i32
        %sign3A_183 = arith.constant 0 : i32
        %sign3A_184 = arith.cmpi slt, %add3A_150, %sign3A_183 : i32
        %sign3A_185 = arith.extui %sign3A_184 : i1 to i32
        %sign3A_186 = arith.subi %sign3A_182, %sign3A_185 : i32
        %sign3A_187 = arith.constant 0 : i32
        %sign3A_188 = arith.cmpi sgt, %jit3A_178, %sign3A_187 : i32
        %sign3A_189 = arith.extui %sign3A_188 : i1 to i32
        %sign3A_190 = arith.constant 0 : i32
        %sign3A_191 = arith.cmpi slt, %jit3A_178, %sign3A_190 : i32
        %sign3A_192 = arith.extui %sign3A_191 : i1 to i32
        %sign3A_193 = arith.subi %sign3A_189, %sign3A_192 : i32
        %ne3A_194 = arith.cmpi ne, %sign3A_186, %sign3A_193 : i32
        %rem3A_195 = arith.remsi %add3A_150, %jit3A_178 : i32
        %ne3A_196 = arith.constant 0 : i32
        %ne3A_197 = arith.cmpi ne, %rem3A_195, %ne3A_196 : i32
        %and3A_198 = arith.andi %ne3A_194, %ne3A_197 : i1
        %sub3A_199 = arith.constant 1 : i32
        %sub3A_200 = arith.subi %div3A_179, %sub3A_199 : i32
        %select_n3A_201 = arith.select %and3A_198, %sub3A_200, %div3A_179 : i32
        %jit3A_202 = arith.constant 2 : i32
        %div3A_203 = arith.divsi %add3A_168, %jit3A_202 : i32
        %sign3A_204 = arith.constant 0 : i32
        %sign3A_205 = arith.cmpi sgt, %add3A_168, %sign3A_204 : i32
        %sign3A_206 = arith.extui %sign3A_205 : i1 to i32
        %sign3A_207 = arith.constant 0 : i32
        %sign3A_208 = arith.cmpi slt, %add3A_168, %sign3A_207 : i32
        %sign3A_209 = arith.extui %sign3A_208 : i1 to i32
        %sign3A_210 = arith.subi %sign3A_206, %sign3A_209 : i32
        %sign3A_211 = arith.constant 0 : i32
        %sign3A_212 = arith.cmpi sgt, %jit3A_202, %sign3A_211 : i32
        %sign3A_213 = arith.extui %sign3A_212 : i1 to i32
        %sign3A_214 = arith.constant 0 : i32
        %sign3A_215 = arith.cmpi slt, %jit3A_202, %sign3A_214 : i32
        %sign3A_216 = arith.extui %sign3A_215 : i1 to i32
        %sign3A_217 = arith.subi %sign3A_213, %sign3A_216 : i32
        %ne3A_218 = arith.cmpi ne, %sign3A_210, %sign3A_217 : i32
        %rem3A_219 = arith.remsi %add3A_168, %jit3A_202 : i32
        %ne3A_220 = arith.constant 0 : i32
        %ne3A_221 = arith.cmpi ne, %rem3A_219, %ne3A_220 : i32
        %and3A_222 = arith.andi %ne3A_218, %ne3A_221 : i1
        %sub3A_223 = arith.constant 1 : i32
        %sub3A_224 = arith.subi %div3A_203, %sub3A_223 : i32
        %select_n3A_225 = arith.select %and3A_222, %sub3A_224, %div3A_203 : i32
        %ne3A_226 = arith.cmpi ne, %select_n3A_201, %select_n3A_225 : i32
        %or3A = arith.constant false
        %or3A_227 = arith.ori %or3A, %ne3A_226 : i1
        %ge3A = arith.constant 4 : i32
        %ge3A_228 = arith.cmpi sge, %scan3A_140, %ge3A : i32
        %not3A = arith.constant true
        %not3A_229 = arith.xori %ge3A_228, %not3A : i1
        %and3A_230 = arith.andi %or3A_227, %not3A_229 : i1
        %convert_element_type3A = arith.extui %and3A_230 : i1 to i32
        %cond3A = arith.constant 0 : i32
        %cond3A_231 = arith.cmpi ne, %convert_element_type3A, %cond3A : i32
        scf.if %cond3A_231 {
          "tpu.trace_start"() <{level = 10 : i32, message = "ep_copy_in"}> : () -> ()
          %rem3A_542 = arith.constant 2 : i32
          %rem3A_543 = arith.remui %scan3A_141, %rem3A_542 : i32
          %jit3A_544 = arith.constant 2 : i32
          %div3A_545 = arith.divsi %add3A_168, %jit3A_544 : i32
          %sign3A_546 = arith.constant 0 : i32
          %sign3A_547 = arith.cmpi sgt, %add3A_168, %sign3A_546 : i32
          %sign3A_548 = arith.extui %sign3A_547 : i1 to i32
          %sign3A_549 = arith.constant 0 : i32
          %sign3A_550 = arith.cmpi slt, %add3A_168, %sign3A_549 : i32
          %sign3A_551 = arith.extui %sign3A_550 : i1 to i32
          %sign3A_552 = arith.subi %sign3A_548, %sign3A_551 : i32
          %sign3A_553 = arith.constant 0 : i32
          %sign3A_554 = arith.cmpi sgt, %jit3A_544, %sign3A_553 : i32
          %sign3A_555 = arith.extui %sign3A_554 : i1 to i32
          %sign3A_556 = arith.constant 0 : i32
          %sign3A_557 = arith.cmpi slt, %jit3A_544, %sign3A_556 : i32
          %sign3A_558 = arith.extui %sign3A_557 : i1 to i32
          %sign3A_559 = arith.subi %sign3A_555, %sign3A_558 : i32
          %ne3A_560 = arith.cmpi ne, %sign3A_552, %sign3A_559 : i32
          %rem3A_561 = arith.remsi %add3A_168, %jit3A_544 : i32
          %ne3A_562 = arith.constant 0 : i32
          %ne3A_563 = arith.cmpi ne, %rem3A_561, %ne3A_562 : i32
          %and3A_564 = arith.andi %ne3A_560, %ne3A_563 : i1
          %sub3A_565 = arith.constant 1 : i32
          %sub3A_566 = arith.subi %div3A_545, %sub3A_565 : i32
          %select_n3A_567 = arith.select %and3A_564, %sub3A_566, %div3A_545 : i32
          %mul3A_568 = arith.constant 128 : i32
          %mul3A_569 = arith.muli %mul3A_568, %select_n3A_567 : i32
          %dma_start3A_570 = arith.constant 0 : i32
          %dma_start3A_571 = arith.constant 0 : i32
          %dma_start3A_572 = tpu.memref_slice %run_scoped3A[%rem3A_543, %dma_start3A_570, %dma_start3A_571] : memref<2x1x128xi32, #tpu.memory_space<vmem>> -> memref<1x1x128xi32, #tpu.memory_space<vmem>>
          %dma_start3A_573 = tpu.memref_squeeze %dma_start3A_572 : memref<1x1x128xi32, #tpu.memory_space<vmem>> -> memref<1x128xi32, #tpu.memory_space<vmem>>
          %dma_start3A_574 = arith.constant 0 : i32
          %dma_start3A_575 = tpu.memref_slice %arg3[%dma_start3A_574, %mul3A_569] : memref<1x10240xi32, #tpu.memory_space<hbm>> -> memref<1x128xi32, #tpu.memory_space<hbm>>
          %dma_start3A_576 = tpu.memref_slice %run_scoped3A_7[%rem3A_543] : memref<2x!tpu.dma_semaphore, #tpu.memory_space<semaphore_mem>> -> memref<1x!tpu.dma_semaphore, #tpu.memory_space<semaphore_mem>>
          %dma_start3A_577 = tpu.memref_squeeze %dma_start3A_576 : memref<1x!tpu.dma_semaphore, #tpu.memory_space<semaphore_mem>> -> memref<!tpu.dma_semaphore, #tpu.memory_space<semaphore_mem>>
          %dma_start3A_578 = arith.constant 0 : i32
          %dma_start3A_579 = arith.constant 0 : i32
          %dma_start3A_580 = tpu.memref_slice %run_scoped3A[%rem3A_543, %dma_start3A_578, %dma_start3A_579] : memref<2x1x128xi32, #tpu.memory_space<vmem>> -> memref<1x1x128xi32, #tpu.memory_space<vmem>>
          %dma_start3A_581 = tpu.memref_squeeze %dma_start3A_580 : memref<1x1x128xi32, #tpu.memory_space<vmem>> -> memref<1x128xi32, #tpu.memory_space<vmem>>
          %dma_start3A_582 = arith.constant 0 : i32
          %dma_start3A_583 = tpu.memref_slice %arg3[%dma_start3A_582, %mul3A_569] : memref<1x10240xi32, #tpu.memory_space<hbm>> -> memref<1x128xi32, #tpu.memory_space<hbm>>
          tpu.enqueue_dma source(%dma_start3A_583 : memref<1x128xi32, #tpu.memory_space<hbm>>) target(%dma_start3A_581 : memref<1x128xi32, #tpu.memory_space<vmem>>) target_semaphore(%dma_start3A_577 : memref<!tpu.dma_semaphore, #tpu.memory_space<semaphore_mem>>)
          "tpu.trace_stop"() : () -> ()
        } else {
        }
        %and3A_232 = arith.constant true
        %and3A_233 = arith.andi %and3A_230, %and3A_232 : i1
        %add3A_234 = arith.constant 1 : i32
        %add3A_235 = arith.addi %scan3A_141, %add3A_234 : i32
        %select_n3A_236 = arith.select %and3A_233, %add3A_235, %scan3A_141 : i32
        %ne3A_237 = arith.cmpi ne, %add3A_150, %add3A_168 : i32
        %or3A_238 = arith.constant false
        %or3A_239 = arith.ori %or3A_238, %ne3A_237 : i1
        %or3A_240 = arith.constant false
        %or3A_241 = arith.ori %or3A_239, %or3A_240 : i1
        %ge3A_242 = arith.constant 4 : i32
        %ge3A_243 = arith.cmpi sge, %scan3A_140, %ge3A_242 : i32
        %not3A_244 = arith.constant true
        %not3A_245 = arith.xori %ge3A_243, %not3A_244 : i1
        %and3A_246 = arith.andi %or3A_241, %not3A_245 : i1
        %jit3A_247 = arith.constant 2 : i32
        %div3A_248 = arith.divsi %add3A_150, %jit3A_247 : i32
        %sign3A_249 = arith.constant 0 : i32
        %sign3A_250 = arith.cmpi sgt, %add3A_150, %sign3A_249 : i32
        %sign3A_251 = arith.extui %sign3A_250 : i1 to i32
        %sign3A_252 = arith.constant 0 : i32
        %sign3A_253 = arith.cmpi slt, %add3A_150, %sign3A_252 : i32
        %sign3A_254 = arith.extui %sign3A_253 : i1 to i32
        %sign3A_255 = arith.subi %sign3A_251, %sign3A_254 : i32
        %sign3A_256 = arith.constant 0 : i32
        %sign3A_257 = arith.cmpi sgt, %jit3A_247, %sign3A_256 : i32
        %sign3A_258 = arith.extui %sign3A_257 : i1 to i32
        %sign3A_259 = arith.constant 0 : i32
        %sign3A_260 = arith.cmpi slt, %jit3A_247, %sign3A_259 : i32
        %sign3A_261 = arith.extui %sign3A_260 : i1 to i32
        %sign3A_262 = arith.subi %sign3A_258, %sign3A_261 : i32
        %ne3A_263 = arith.cmpi ne, %sign3A_255, %sign3A_262 : i32
        %rem3A_264 = arith.remsi %add3A_150, %jit3A_247 : i32
        %ne3A_265 = arith.constant 0 : i32
        %ne3A_266 = arith.cmpi ne, %rem3A_264, %ne3A_265 : i32
        %and3A_267 = arith.andi %ne3A_263, %ne3A_266 : i1
        %sub3A_268 = arith.constant 1 : i32
        %sub3A_269 = arith.subi %div3A_248, %sub3A_268 : i32
        %select_n3A_270 = arith.select %and3A_267, %sub3A_269, %div3A_248 : i32
        %jit3A_271 = arith.constant 2 : i32
        %div3A_272 = arith.divsi %add3A_159, %jit3A_271 : i32
        %sign3A_273 = arith.constant 0 : i32
        %sign3A_274 = arith.cmpi sgt, %add3A_159, %sign3A_273 : i32
        %sign3A_275 = arith.extui %sign3A_274 : i1 to i32
        %sign3A_276 = arith.constant 0 : i32
        %sign3A_277 = arith.cmpi slt, %add3A_159, %sign3A_276 : i32
        %sign3A_278 = arith.extui %sign3A_277 : i1 to i32
        %sign3A_279 = arith.subi %sign3A_275, %sign3A_278 : i32
        %sign3A_280 = arith.constant 0 : i32
        %sign3A_281 = arith.cmpi sgt, %jit3A_271, %sign3A_280 : i32
        %sign3A_282 = arith.extui %sign3A_281 : i1 to i32
        %sign3A_283 = arith.constant 0 : i32
        %sign3A_284 = arith.cmpi slt, %jit3A_271, %sign3A_283 : i32
        %sign3A_285 = arith.extui %sign3A_284 : i1 to i32
        %sign3A_286 = arith.subi %sign3A_282, %sign3A_285 : i32
        %ne3A_287 = arith.cmpi ne, %sign3A_279, %sign3A_286 : i32
        %rem3A_288 = arith.remsi %add3A_159, %jit3A_271 : i32
        %ne3A_289 = arith.constant 0 : i32
        %ne3A_290 = arith.cmpi ne, %rem3A_288, %ne3A_289 : i32
        %and3A_291 = arith.andi %ne3A_287, %ne3A_290 : i1
        %sub3A_292 = arith.constant 1 : i32
        %sub3A_293 = arith.subi %div3A_272, %sub3A_292 : i32
        %select_n3A_294 = arith.select %and3A_291, %sub3A_293, %div3A_272 : i32
        %ne3A_295 = arith.cmpi ne, %select_n3A_270, %select_n3A_294 : i32
        %or3A_296 = arith.constant false
        %or3A_297 = arith.ori %or3A_296, %ne3A_295 : i1
        %or3A_298 = arith.ori %or3A_297, %eq3A_147 : i1
        %convert_element_type3A_299 = arith.extui %or3A_298 : i1 to i32
        %cond3A_300 = arith.constant 0 : i32
        %cond3A_301 = arith.cmpi ne, %convert_element_type3A_299, %cond3A_300 : i32
        scf.if %cond3A_301 {
          %jit3A_542 = arith.constant 2 : i32
          "tpu.trace_start"() <{level = 10 : i32, message = "ep_wait_in"}> : () -> ()
          %div3A_543 = arith.divsi %add3A_150, %jit3A_542 : i32
          %sign3A_544 = arith.constant 0 : i32
          %sign3A_545 = arith.cmpi sgt, %add3A_150, %sign3A_544 : i32
          %sign3A_546 = arith.extui %sign3A_545 : i1 to i32
          %sign3A_547 = arith.constant 0 : i32
          %sign3A_548 = arith.cmpi slt, %add3A_150, %sign3A_547 : i32
          %sign3A_549 = arith.extui %sign3A_548 : i1 to i32
          %sign3A_550 = arith.subi %sign3A_546, %sign3A_549 : i32
          %sign3A_551 = arith.constant 0 : i32
          %sign3A_552 = arith.cmpi sgt, %jit3A_542, %sign3A_551 : i32
          %sign3A_553 = arith.extui %sign3A_552 : i1 to i32
          %sign3A_554 = arith.constant 0 : i32
          %sign3A_555 = arith.cmpi slt, %jit3A_542, %sign3A_554 : i32
          %sign3A_556 = arith.extui %sign3A_555 : i1 to i32
          %sign3A_557 = arith.subi %sign3A_553, %sign3A_556 : i32
          %ne3A_558 = arith.cmpi ne, %sign3A_550, %sign3A_557 : i32
          %rem3A_559 = arith.remsi %add3A_150, %jit3A_542 : i32
          %ne3A_560 = arith.constant 0 : i32
          %ne3A_561 = arith.cmpi ne, %rem3A_559, %ne3A_560 : i32
          %and3A_562 = arith.andi %ne3A_558, %ne3A_561 : i1
          %sub3A_563 = arith.constant 1 : i32
          %sub3A_564 = arith.subi %div3A_543, %sub3A_563 : i32
          %select_n3A_565 = arith.select %and3A_562, %sub3A_564, %div3A_543 : i32
          %mul3A_566 = arith.constant 128 : i32
          %mul3A_567 = arith.muli %mul3A_566, %select_n3A_565 : i32
          %rem3A_568 = arith.constant 2 : i32
          %rem3A_569 = arith.remui %scan3A_142, %rem3A_568 : i32
          %dma_wait3A_570 = arith.constant 0 : i32
          %dma_wait3A_571 = arith.constant 0 : i32
          %dma_wait3A_572 = tpu.memref_slice %run_scoped3A[%rem3A_569, %dma_wait3A_570, %dma_wait3A_571] : memref<2x1x128xi32, #tpu.memory_space<vmem>> -> memref<1x1x128xi32, #tpu.memory_space<vmem>>
          %dma_wait3A_573 = tpu.memref_squeeze %dma_wait3A_572 : memref<1x1x128xi32, #tpu.memory_space<vmem>> -> memref<1x128xi32, #tpu.memory_space<vmem>>
          %dma_wait3A_574 = arith.constant 0 : i32
          %dma_wait3A_575 = tpu.memref_slice %arg3[%dma_wait3A_574, %mul3A_567] : memref<1x10240xi32, #tpu.memory_space<hbm>> -> memref<1x128xi32, #tpu.memory_space<hbm>>
          %dma_wait3A_576 = tpu.memref_slice %run_scoped3A_7[%rem3A_569] : memref<2x!tpu.dma_semaphore, #tpu.memory_space<semaphore_mem>> -> memref<1x!tpu.dma_semaphore, #tpu.memory_space<semaphore_mem>>
          %dma_wait3A_577 = tpu.memref_squeeze %dma_wait3A_576 : memref<1x!tpu.dma_semaphore, #tpu.memory_space<semaphore_mem>> -> memref<!tpu.dma_semaphore, #tpu.memory_space<semaphore_mem>>
          %dma_wait3A_578 = arith.constant 0 : i32
          %dma_wait3A_579 = arith.constant 0 : i32
          %dma_wait3A_580 = tpu.memref_slice %run_scoped3A[%rem3A_569, %dma_wait3A_578, %dma_wait3A_579] : memref<2x1x128xi32, #tpu.memory_space<vmem>> -> memref<1x1x128xi32, #tpu.memory_space<vmem>>
          %dma_wait3A_581 = tpu.memref_squeeze %dma_wait3A_580 : memref<1x1x128xi32, #tpu.memory_space<vmem>> -> memref<1x128xi32, #tpu.memory_space<vmem>>
          %dma_wait3A_582 = arith.constant 0 : i32
          %dma_wait3A_583 = tpu.memref_slice %arg3[%dma_wait3A_582, %mul3A_567] : memref<1x10240xi32, #tpu.memory_space<hbm>> -> memref<1x128xi32, #tpu.memory_space<hbm>>
          tpu.wait_dma2 semaphore(%dma_wait3A_577 : memref<!tpu.dma_semaphore, #tpu.memory_space<semaphore_mem>>) src(%dma_wait3A_583 : memref<1x128xi32, #tpu.memory_space<hbm>>) dst(%dma_wait3A_581 : memref<1x128xi32, #tpu.memory_space<vmem>>)
          "tpu.trace_stop"() : () -> ()
        } else {
        }
        %ne3A_302 = arith.cmpi ne, %add3A_150, %add3A_159 : i32
        %or3A_303 = arith.constant false
        %or3A_304 = arith.ori %or3A_303, %ne3A_302 : i1
        %or3A_305 = arith.constant false
        %or3A_306 = arith.ori %or3A_304, %or3A_305 : i1
        %or3A_307 = arith.ori %or3A_306, %eq3A_147 : i1
        %convert_element_type3A_308 = arith.extui %or3A_307 : i1 to i32
        %cond3A_309 = arith.constant 0 : i32
        %cond3A_310 = arith.cmpi ne, %convert_element_type3A_308, %cond3A_309 : i32
        scf.if %cond3A_310 {
        } else {
        }
        %rem3A_311 = arith.constant 2 : i32
        %rem3A_312 = arith.remui %scan3A_142, %rem3A_311 : i32
        %rem3A_313 = arith.constant 2 : i32
        %rem3A_314 = arith.remui %scan3A_143, %rem3A_313 : i32
        %jit3A_315 = arith.constant 2 : i32
        "tpu.trace_start"() <{level = 10 : i32, message = "ep_run_kernel"}> : () -> ()
        %eq3A_316 = arith.constant 0 : i32
        %eq3A_317 = arith.cmpi eq, %jit3A_315, %eq3A_316 : i32
        %jit3A_318 = arith.constant 1 : i32
        %select_n3A_319 = arith.select %eq3A_317, %jit3A_318, %jit3A_315 : i32
        %rem3A_320 = arith.remsi %add3A_150, %select_n3A_319 : i32
        %ne3A_321 = arith.constant 0 : i32
        %ne3A_322 = arith.cmpi ne, %rem3A_320, %ne3A_321 : i32
        %lt3A = arith.constant 0 : i32
        %lt3A_323 = arith.cmpi slt, %rem3A_320, %lt3A : i32
        %lt3A_324 = arith.constant 0 : i32
        %lt3A_325 = arith.cmpi slt, %select_n3A_319, %lt3A_324 : i32
        %ne3A_326 = arith.xori %lt3A_323, %lt3A_325 : i1
        %and3A_327 = arith.andi %ne3A_326, %ne3A_322 : i1
        %add3A_328 = arith.addi %rem3A_320, %select_n3A_319 : i32
        %select_n3A_329 = arith.select %and3A_327, %add3A_328, %rem3A_320 : i32
        %mul3A_330 = arith.constant 64 : i32
        %mul3A_331 = arith.muli %select_n3A_329, %mul3A_330 : i32
        %run_scoped3A_332 = arith.constant 0 : i32
        "tpu.region"() ({
          %run_scoped3A_542 = tpu.sem_alloc : memref<!tpu.dma_semaphore, #tpu.memory_space<semaphore_mem>>
          %dma_start3A_543 = arith.constant 0 : i32
          %dma_start3A_544 = arith.constant 0 : i32
          %dma_start3A_545 = tpu.memref_slice %run_scoped3A_8[%rem3A_314, %dma_start3A_543, %dma_start3A_544] : memref<2x64x768xf32, #tpu.memory_space<vmem>> -> memref<1x64x768xf32, #tpu.memory_space<vmem>>
          %dma_start3A_546 = tpu.memref_squeeze %dma_start3A_545 : memref<1x64x768xf32, #tpu.memory_space<vmem>> -> memref<64x768xf32, #tpu.memory_space<vmem>>
          %dma_start3A_547 = arith.constant 0 : i32
          %dma_start3A_548 = arith.constant 0 : i32
          %dma_start3A_549 = tpu.memref_slice %run_scoped3A[%rem3A_312, %dma_start3A_547, %dma_start3A_548] : memref<2x1x128xi32, #tpu.memory_space<vmem>> -> memref<1x1x128xi32, #tpu.memory_space<vmem>>
          %dma_start3A_550 = tpu.memref_squeeze %dma_start3A_549 : memref<1x1x128xi32, #tpu.memory_space<vmem>> -> memref<1x128xi32, #tpu.memory_space<vmem>>
          %dma_start3A_551 = tpu.memref_slice %dma_start3A_550[%run_scoped3A_332, %mul3A_331] : memref<1x128xi32, #tpu.memory_space<vmem>> -> memref<1x64xi32, #tpu.memory_space<vmem>>
          %dma_start3A_552 = tpu.memref_squeeze %dma_start3A_551 : memref<1x64xi32, #tpu.memory_space<vmem>> -> memref<64xi32, #tpu.memory_space<vmem>>
          %dma_start3A_553 = arith.constant 0 : i32
          %dma_start3A_554 = arith.constant 0 : i32
          %dma_start3A_555 = tpu.memref_slice %arg2[%dma_start3A_553, %dma_start3A_554] : memref<30522x768xf32, #tpu.memory_space<hbm>> -> memref<30522x768xf32, #tpu.memory_space<hbm>>
          tpu.enqueue_indirect_dma source(%dma_start3A_555 : memref<30522x768xf32, #tpu.memory_space<hbm>>) target(%dma_start3A_546 : memref<64x768xf32, #tpu.memory_space<vmem>>) offsets(%dma_start3A_552 : memref<64xi32, #tpu.memory_space<vmem>>) semaphore(%run_scoped3A_542 : memref<!tpu.dma_semaphore, #tpu.memory_space<semaphore_mem>>)
          %dma_wait3A_556 = arith.constant 0 : i32
          %dma_wait3A_557 = arith.constant 0 : i32
          %dma_wait3A_558 = tpu.memref_slice %run_scoped3A_8[%rem3A_314, %dma_wait3A_556, %dma_wait3A_557] : memref<2x64x768xf32, #tpu.memory_space<vmem>> -> memref<1x64x768xf32, #tpu.memory_space<vmem>>
          %dma_wait3A_559 = tpu.memref_squeeze %dma_wait3A_558 : memref<1x64x768xf32, #tpu.memory_space<vmem>> -> memref<64x768xf32, #tpu.memory_space<vmem>>
          %dma_wait3A_560 = arith.constant 0 : i32
          %dma_wait3A_561 = arith.constant 0 : i32
          %dma_wait3A_562 = tpu.memref_slice %run_scoped3A[%rem3A_312, %dma_wait3A_560, %dma_wait3A_561] : memref<2x1x128xi32, #tpu.memory_space<vmem>> -> memref<1x1x128xi32, #tpu.memory_space<vmem>>
          %dma_wait3A_563 = tpu.memref_squeeze %dma_wait3A_562 : memref<1x1x128xi32, #tpu.memory_space<vmem>> -> memref<1x128xi32, #tpu.memory_space<vmem>>
          %dma_wait3A_564 = tpu.memref_slice %dma_wait3A_563[%run_scoped3A_332, %mul3A_331] : memref<1x128xi32, #tpu.memory_space<vmem>> -> memref<1x64xi32, #tpu.memory_space<vmem>>
          %dma_wait3A_565 = tpu.memref_squeeze %dma_wait3A_564 : memref<1x64xi32, #tpu.memory_space<vmem>> -> memref<64xi32, #tpu.memory_space<vmem>>
          %dma_wait3A_566 = arith.constant 0 : i32
          %dma_wait3A_567 = arith.constant 0 : i32
          %dma_wait3A_568 = tpu.memref_slice %arg2[%dma_wait3A_566, %dma_wait3A_567] : memref<30522x768xf32, #tpu.memory_space<hbm>> -> memref<30522x768xf32, #tpu.memory_space<hbm>>
          tpu.wait_indirect_dma semaphore(%run_scoped3A_542 : memref<!tpu.dma_semaphore, #tpu.memory_space<semaphore_mem>>) src(%dma_wait3A_568 : memref<30522x768xf32, #tpu.memory_space<hbm>>) dst(%dma_wait3A_559 : memref<64x768xf32, #tpu.memory_space<vmem>>)
          tpu.yield
        }) : () -> ()
        %jit3A_333 = arith.constant 2 : i32
        "tpu.trace_stop"() : () -> ()
        %div3A_334 = arith.divsi %add3A_150, %jit3A_333 : i32
        %sign3A_335 = arith.constant 0 : i32
        %sign3A_336 = arith.cmpi sgt, %add3A_150, %sign3A_335 : i32
        %sign3A_337 = arith.extui %sign3A_336 : i1 to i32
        %sign3A_338 = arith.constant 0 : i32
        %sign3A_339 = arith.cmpi slt, %add3A_150, %sign3A_338 : i32
        %sign3A_340 = arith.extui %sign3A_339 : i1 to i32
        %sign3A_341 = arith.subi %sign3A_337, %sign3A_340 : i32
        %sign3A_342 = arith.constant 0 : i32
        %sign3A_343 = arith.cmpi sgt, %jit3A_333, %sign3A_342 : i32
        %sign3A_344 = arith.extui %sign3A_343 : i1 to i32
        %sign3A_345 = arith.constant 0 : i32
        %sign3A_346 = arith.cmpi slt, %jit3A_333, %sign3A_345 : i32
        %sign3A_347 = arith.extui %sign3A_346 : i1 to i32
        %sign3A_348 = arith.subi %sign3A_344, %sign3A_347 : i32
        %ne3A_349 = arith.cmpi ne, %sign3A_341, %sign3A_348 : i32
        %rem3A_350 = arith.remsi %add3A_150, %jit3A_333 : i32
        %ne3A_351 = arith.constant 0 : i32
        %ne3A_352 = arith.cmpi ne, %rem3A_350, %ne3A_351 : i32
        %and3A_353 = arith.andi %ne3A_349, %ne3A_352 : i1
        %sub3A_354 = arith.constant 1 : i32
        %sub3A_355 = arith.subi %div3A_334, %sub3A_354 : i32
        %select_n3A_356 = arith.select %and3A_353, %sub3A_355, %div3A_334 : i32
        %jit3A_357 = arith.constant 2 : i32
        %div3A_358 = arith.divsi %add3A_168, %jit3A_357 : i32
        %sign3A_359 = arith.constant 0 : i32
        %sign3A_360 = arith.cmpi sgt, %add3A_168, %sign3A_359 : i32
        %sign3A_361 = arith.extui %sign3A_360 : i1 to i32
        %sign3A_362 = arith.constant 0 : i32
        %sign3A_363 = arith.cmpi slt, %add3A_168, %sign3A_362 : i32
        %sign3A_364 = arith.extui %sign3A_363 : i1 to i32
        %sign3A_365 = arith.subi %sign3A_361, %sign3A_364 : i32
        %sign3A_366 = arith.constant 0 : i32
        %sign3A_367 = arith.cmpi sgt, %jit3A_357, %sign3A_366 : i32
        %sign3A_368 = arith.extui %sign3A_367 : i1 to i32
        %sign3A_369 = arith.constant 0 : i32
        %sign3A_370 = arith.cmpi slt, %jit3A_357, %sign3A_369 : i32
        %sign3A_371 = arith.extui %sign3A_370 : i1 to i32
        %sign3A_372 = arith.subi %sign3A_368, %sign3A_371 : i32
        %ne3A_373 = arith.cmpi ne, %sign3A_365, %sign3A_372 : i32
        %rem3A_374 = arith.remsi %add3A_168, %jit3A_357 : i32
        %ne3A_375 = arith.constant 0 : i32
        %ne3A_376 = arith.cmpi ne, %rem3A_374, %ne3A_375 : i32
        %and3A_377 = arith.andi %ne3A_373, %ne3A_376 : i1
        %sub3A_378 = arith.constant 1 : i32
        %sub3A_379 = arith.subi %div3A_358, %sub3A_378 : i32
        %select_n3A_380 = arith.select %and3A_377, %sub3A_379, %div3A_358 : i32
        %ne3A_381 = arith.cmpi ne, %select_n3A_356, %select_n3A_380 : i32
        %or3A_382 = arith.constant false
        %or3A_383 = arith.ori %or3A_382, %ne3A_381 : i1
        %or3A_384 = arith.ori %or3A_383, %eq3A_149 : i1
        %convert_element_type3A_385 = arith.extui %or3A_384 : i1 to i32
        %cond3A_386 = arith.constant 0 : i32
        %cond3A_387 = arith.cmpi ne, %convert_element_type3A_385, %cond3A_386 : i32
        scf.if %cond3A_387 {
        } else {
        }
        %and3A_388 = arith.constant false
        %and3A_389 = arith.andi %or3A_384, %and3A_388 : i1
        %ne3A_390 = arith.cmpi ne, %add3A_150, %add3A_168 : i32
        %or3A_391 = arith.constant false
        %or3A_392 = arith.ori %or3A_391, %ne3A_390 : i1
        %or3A_393 = arith.constant false
        %or3A_394 = arith.ori %or3A_392, %or3A_393 : i1
        %or3A_395 = arith.ori %or3A_394, %eq3A_149 : i1
        %convert_element_type3A_396 = arith.extui %or3A_395 : i1 to i32
        %cond3A_397 = arith.constant 0 : i32
        %cond3A_398 = arith.cmpi ne, %convert_element_type3A_396, %cond3A_397 : i32
        scf.if %cond3A_398 {
          "tpu.trace_start"() <{level = 10 : i32, message = "ep_copy_out"}> : () -> ()
          %rem3A_542 = arith.constant 2 : i32
          %rem3A_543 = arith.remui %scan3A_143, %rem3A_542 : i32
          %mul3A_544 = arith.constant 64 : i32
          %mul3A_545 = arith.muli %mul3A_544, %add3A_150 : i32
          %dma_start3A_546 = arith.constant 0 : i32
          %dma_start3A_547 = arith.constant 0 : i32
          %dma_start3A_548 = tpu.memref_slice %run_scoped3A_8[%rem3A_543, %dma_start3A_546, %dma_start3A_547] : memref<2x64x768xf32, #tpu.memory_space<vmem>> -> memref<1x64x768xf32, #tpu.memory_space<vmem>>
          %dma_start3A_549 = tpu.memref_squeeze %dma_start3A_548 : memref<1x64x768xf32, #tpu.memory_space<vmem>> -> memref<64x768xf32, #tpu.memory_space<vmem>>
          %dma_start3A_550 = arith.constant 0 : i32
          %dma_start3A_551 = tpu.memref_slice %arg4[%mul3A_545, %dma_start3A_550] : memref<10240x768xf32, #tpu.memory_space<hbm>> -> memref<64x768xf32, #tpu.memory_space<hbm>>
          %dma_start3A_552 = tpu.memref_slice %run_scoped3A_9[%rem3A_543] : memref<2x!tpu.dma_semaphore, #tpu.memory_space<semaphore_mem>> -> memref<1x!tpu.dma_semaphore, #tpu.memory_space<semaphore_mem>>
          %dma_start3A_553 = tpu.memref_squeeze %dma_start3A_552 : memref<1x!tpu.dma_semaphore, #tpu.memory_space<semaphore_mem>> -> memref<!tpu.dma_semaphore, #tpu.memory_space<semaphore_mem>>
          %dma_start3A_554 = arith.constant 0 : i32
          %dma_start3A_555 = tpu.memref_slice %arg4[%mul3A_545, %dma_start3A_554] : memref<10240x768xf32, #tpu.memory_space<hbm>> -> memref<64x768xf32, #tpu.memory_space<hbm>>
          %dma_start3A_556 = arith.constant 0 : i32
          %dma_start3A_557 = arith.constant 0 : i32
          %dma_start3A_558 = tpu.memref_slice %run_scoped3A_8[%rem3A_543, %dma_start3A_556, %dma_start3A_557] : memref<2x64x768xf32, #tpu.memory_space<vmem>> -> memref<1x64x768xf32, #tpu.memory_space<vmem>>
          %dma_start3A_559 = tpu.memref_squeeze %dma_start3A_558 : memref<1x64x768xf32, #tpu.memory_space<vmem>> -> memref<64x768xf32, #tpu.memory_space<vmem>>
          tpu.enqueue_dma source(%dma_start3A_559 : memref<64x768xf32, #tpu.memory_space<vmem>>) target(%dma_start3A_555 : memref<64x768xf32, #tpu.memory_space<hbm>>) target_semaphore(%dma_start3A_553 : memref<!tpu.dma_semaphore, #tpu.memory_space<semaphore_mem>>)
          "tpu.trace_stop"() : () -> ()
        } else {
        }
        %and3A_399 = arith.constant true
        %and3A_400 = arith.andi %or3A_395, %and3A_399 : i1
        %add3A_401 = arith.constant 1 : i32
        %add3A_402 = arith.addi %scan3A_143, %add3A_401 : i32
        %select_n3A_403 = arith.select %and3A_400, %add3A_402, %scan3A_143 : i32
        %jit3A_404 = arith.constant 2 : i32
        %div3A_405 = arith.divsi %add3A_150, %jit3A_404 : i32
        %sign3A_406 = arith.constant 0 : i32
        %sign3A_407 = arith.cmpi sgt, %add3A_150, %sign3A_406 : i32
        %sign3A_408 = arith.extui %sign3A_407 : i1 to i32
        %sign3A_409 = arith.constant 0 : i32
        %sign3A_410 = arith.cmpi slt, %add3A_150, %sign3A_409 : i32
        %sign3A_411 = arith.extui %sign3A_410 : i1 to i32
        %sign3A_412 = arith.subi %sign3A_408, %sign3A_411 : i32
        %sign3A_413 = arith.constant 0 : i32
        %sign3A_414 = arith.cmpi sgt, %jit3A_404, %sign3A_413 : i32
        %sign3A_415 = arith.extui %sign3A_414 : i1 to i32
        %sign3A_416 = arith.constant 0 : i32
        %sign3A_417 = arith.cmpi slt, %jit3A_404, %sign3A_416 : i32
        %sign3A_418 = arith.extui %sign3A_417 : i1 to i32
        %sign3A_419 = arith.subi %sign3A_415, %sign3A_418 : i32
        %ne3A_420 = arith.cmpi ne, %sign3A_412, %sign3A_419 : i32
        %rem3A_421 = arith.remsi %add3A_150, %jit3A_404 : i32
        %ne3A_422 = arith.constant 0 : i32
        %ne3A_423 = arith.cmpi ne, %rem3A_421, %ne3A_422 : i32
        %and3A_424 = arith.andi %ne3A_420, %ne3A_423 : i1
        %sub3A_425 = arith.constant 1 : i32
        %sub3A_426 = arith.subi %div3A_405, %sub3A_425 : i32
        %select_n3A_427 = arith.select %and3A_424, %sub3A_426, %div3A_405 : i32
        %jit3A_428 = arith.constant 2 : i32
        %div3A_429 = arith.divsi %add3A_159, %jit3A_428 : i32
        %sign3A_430 = arith.constant 0 : i32
        %sign3A_431 = arith.cmpi sgt, %add3A_159, %sign3A_430 : i32
        %sign3A_432 = arith.extui %sign3A_431 : i1 to i32
        %sign3A_433 = arith.constant 0 : i32
        %sign3A_434 = arith.cmpi slt, %add3A_159, %sign3A_433 : i32
        %sign3A_435 = arith.extui %sign3A_434 : i1 to i32
        %sign3A_436 = arith.subi %sign3A_432, %sign3A_435 : i32
        %sign3A_437 = arith.constant 0 : i32
        %sign3A_438 = arith.cmpi sgt, %jit3A_428, %sign3A_437 : i32
        %sign3A_439 = arith.extui %sign3A_438 : i1 to i32
        %sign3A_440 = arith.constant 0 : i32
        %sign3A_441 = arith.cmpi slt, %jit3A_428, %sign3A_440 : i32
        %sign3A_442 = arith.extui %sign3A_441 : i1 to i32
        %sign3A_443 = arith.subi %sign3A_439, %sign3A_442 : i32
        %ne3A_444 = arith.cmpi ne, %sign3A_436, %sign3A_443 : i32
        %rem3A_445 = arith.remsi %add3A_159, %jit3A_428 : i32
        %ne3A_446 = arith.constant 0 : i32
        %ne3A_447 = arith.cmpi ne, %rem3A_445, %ne3A_446 : i32
        %and3A_448 = arith.andi %ne3A_444, %ne3A_447 : i1
        %sub3A_449 = arith.constant 1 : i32
        %sub3A_450 = arith.subi %div3A_429, %sub3A_449 : i32
        %select_n3A_451 = arith.select %and3A_448, %sub3A_450, %div3A_429 : i32
        %ne3A_452 = arith.cmpi ne, %select_n3A_427, %select_n3A_451 : i32
        %or3A_453 = arith.constant false
        %or3A_454 = arith.ori %or3A_453, %ne3A_452 : i1
        %not3A_455 = arith.constant true
        %not3A_456 = arith.xori %eq3A_147, %not3A_455 : i1
        %and3A_457 = arith.andi %or3A_454, %not3A_456 : i1
        %convert_element_type3A_458 = arith.extui %and3A_457 : i1 to i32
        %cond3A_459 = arith.constant 0 : i32
        %cond3A_460 = arith.cmpi ne, %convert_element_type3A_458, %cond3A_459 : i32
        scf.if %cond3A_460 {
        } else {
        }
        %and3A_461 = arith.constant false
        %and3A_462 = arith.andi %and3A_457, %and3A_461 : i1
        %ne3A_463 = arith.cmpi ne, %add3A_150, %add3A_159 : i32
        %or3A_464 = arith.constant false
        %or3A_465 = arith.ori %or3A_464, %ne3A_463 : i1
        %or3A_466 = arith.constant false
        %or3A_467 = arith.ori %or3A_465, %or3A_466 : i1
        %not3A_468 = arith.constant true
        %not3A_469 = arith.xori %eq3A_147, %not3A_468 : i1
        %and3A_470 = arith.andi %or3A_467, %not3A_469 : i1
        %convert_element_type3A_471 = arith.extui %and3A_470 : i1 to i32
        %cond3A_472 = arith.constant 0 : i32
        %cond3A_473 = arith.cmpi ne, %convert_element_type3A_471, %cond3A_472 : i32
        scf.if %cond3A_473 {
          "tpu.trace_start"() <{level = 10 : i32, message = "ep_wait_out"}> : () -> ()
          %rem3A_542 = arith.constant 2 : i32
          %rem3A_543 = arith.remui %scan3A_144, %rem3A_542 : i32
          %mul3A_544 = arith.constant 64 : i32
          %mul3A_545 = arith.muli %mul3A_544, %add3A_159 : i32
          %dma_wait3A_546 = arith.constant 0 : i32
          %dma_wait3A_547 = arith.constant 0 : i32
          %dma_wait3A_548 = tpu.memref_slice %run_scoped3A_8[%rem3A_543, %dma_wait3A_546, %dma_wait3A_547] : memref<2x64x768xf32, #tpu.memory_space<vmem>> -> memref<1x64x768xf32, #tpu.memory_space<vmem>>
          %dma_wait3A_549 = tpu.memref_squeeze %dma_wait3A_548 : memref<1x64x768xf32, #tpu.memory_space<vmem>> -> memref<64x768xf32, #tpu.memory_space<vmem>>
          %dma_wait3A_550 = arith.constant 0 : i32
          %dma_wait3A_551 = tpu.memref_slice %arg4[%mul3A_545, %dma_wait3A_550] : memref<10240x768xf32, #tpu.memory_space<hbm>> -> memref<64x768xf32, #tpu.memory_space<hbm>>
          %dma_wait3A_552 = tpu.memref_slice %run_scoped3A_9[%rem3A_543] : memref<2x!tpu.dma_semaphore, #tpu.memory_space<semaphore_mem>> -> memref<1x!tpu.dma_semaphore, #tpu.memory_space<semaphore_mem>>
          %dma_wait3A_553 = tpu.memref_squeeze %dma_wait3A_552 : memref<1x!tpu.dma_semaphore, #tpu.memory_space<semaphore_mem>> -> memref<!tpu.dma_semaphore, #tpu.memory_space<semaphore_mem>>
          %dma_wait3A_554 = arith.constant 0 : i32
          %dma_wait3A_555 = tpu.memref_slice %arg4[%mul3A_545, %dma_wait3A_554] : memref<10240x768xf32, #tpu.memory_space<hbm>> -> memref<64x768xf32, #tpu.memory_space<hbm>>
          %dma_wait3A_556 = arith.constant 0 : i32
          %dma_wait3A_557 = arith.constant 0 : i32
          %dma_wait3A_558 = tpu.memref_slice %run_scoped3A_8[%rem3A_543, %dma_wait3A_556, %dma_wait3A_557] : memref<2x64x768xf32, #tpu.memory_space<vmem>> -> memref<1x64x768xf32, #tpu.memory_space<vmem>>
          %dma_wait3A_559 = tpu.memref_squeeze %dma_wait3A_558 : memref<1x64x768xf32, #tpu.memory_space<vmem>> -> memref<64x768xf32, #tpu.memory_space<vmem>>
          tpu.wait_dma2 semaphore(%dma_wait3A_553 : memref<!tpu.dma_semaphore, #tpu.memory_space<semaphore_mem>>) src(%dma_wait3A_559 : memref<64x768xf32, #tpu.memory_space<vmem>>) dst(%dma_wait3A_555 : memref<64x768xf32, #tpu.memory_space<hbm>>)
          "tpu.trace_stop"() : () -> ()
        } else {
        }
        %and3A_474 = arith.constant true
        %and3A_475 = arith.andi %and3A_470, %and3A_474 : i1
        %add3A_476 = arith.constant 1 : i32
        %add3A_477 = arith.addi %scan3A_144, %add3A_476 : i32
        %select_n3A_478 = arith.select %and3A_475, %add3A_477, %scan3A_144 : i32
        %jit3A_479 = arith.constant 2 : i32
        %div3A_480 = arith.divsi %add3A_150, %jit3A_479 : i32
        %sign3A_481 = arith.constant 0 : i32
        %sign3A_482 = arith.cmpi sgt, %add3A_150, %sign3A_481 : i32
        %sign3A_483 = arith.extui %sign3A_482 : i1 to i32
        %sign3A_484 = arith.constant 0 : i32
        %sign3A_485 = arith.cmpi slt, %add3A_150, %sign3A_484 : i32
        %sign3A_486 = arith.extui %sign3A_485 : i1 to i32
        %sign3A_487 = arith.subi %sign3A_483, %sign3A_486 : i32
        %sign3A_488 = arith.constant 0 : i32
        %sign3A_489 = arith.cmpi sgt, %jit3A_479, %sign3A_488 : i32
        %sign3A_490 = arith.extui %sign3A_489 : i1 to i32
        %sign3A_491 = arith.constant 0 : i32
        %sign3A_492 = arith.cmpi slt, %jit3A_479, %sign3A_491 : i32
        %sign3A_493 = arith.extui %sign3A_492 : i1 to i32
        %sign3A_494 = arith.subi %sign3A_490, %sign3A_493 : i32
        %ne3A_495 = arith.cmpi ne, %sign3A_487, %sign3A_494 : i32
        %rem3A_496 = arith.remsi %add3A_150, %jit3A_479 : i32
        %ne3A_497 = arith.constant 0 : i32
        %ne3A_498 = arith.cmpi ne, %rem3A_496, %ne3A_497 : i32
        %and3A_499 = arith.andi %ne3A_495, %ne3A_498 : i1
        %sub3A_500 = arith.constant 1 : i32
        %sub3A_501 = arith.subi %div3A_480, %sub3A_500 : i32
        %select_n3A_502 = arith.select %and3A_499, %sub3A_501, %div3A_480 : i32
        %jit3A_503 = arith.constant 2 : i32
        %div3A_504 = arith.divsi %add3A_168, %jit3A_503 : i32
        %sign3A_505 = arith.constant 0 : i32
        %sign3A_506 = arith.cmpi sgt, %add3A_168, %sign3A_505 : i32
        %sign3A_507 = arith.extui %sign3A_506 : i1 to i32
        %sign3A_508 = arith.constant 0 : i32
        %sign3A_509 = arith.cmpi slt, %add3A_168, %sign3A_508 : i32
        %sign3A_510 = arith.extui %sign3A_509 : i1 to i32
        %sign3A_511 = arith.subi %sign3A_507, %sign3A_510 : i32
        %sign3A_512 = arith.constant 0 : i32
        %sign3A_513 = arith.cmpi sgt, %jit3A_503, %sign3A_512 : i32
        %sign3A_514 = arith.extui %sign3A_513 : i1 to i32
        %sign3A_515 = arith.constant 0 : i32
        %sign3A_516 = arith.cmpi slt, %jit3A_503, %sign3A_515 : i32
        %sign3A_517 = arith.extui %sign3A_516 : i1 to i32
        %sign3A_518 = arith.subi %sign3A_514, %sign3A_517 : i32
        %ne3A_519 = arith.cmpi ne, %sign3A_511, %sign3A_518 : i32
        %rem3A_520 = arith.remsi %add3A_168, %jit3A_503 : i32
        %ne3A_521 = arith.constant 0 : i32
        %ne3A_522 = arith.cmpi ne, %rem3A_520, %ne3A_521 : i32
        %and3A_523 = arith.andi %ne3A_519, %ne3A_522 : i1
        %sub3A_524 = arith.constant 1 : i32
        %sub3A_525 = arith.subi %div3A_504, %sub3A_524 : i32
        %select_n3A_526 = arith.select %and3A_523, %sub3A_525, %div3A_504 : i32
        %ne3A_527 = arith.cmpi ne, %select_n3A_502, %select_n3A_526 : i32
        %or3A_528 = arith.constant false
        %or3A_529 = arith.ori %or3A_528, %ne3A_527 : i1
        %or3A_530 = arith.ori %or3A_529, %eq3A_149 : i1
        %add3A_531 = arith.constant 1 : i32
        %add3A_532 = arith.addi %scan3A_142, %add3A_531 : i32
        %select_n3A_533 = arith.select %or3A_530, %add3A_532, %scan3A_142 : i32
        %add3A_534 = arith.constant 1 : i32
        %add3A_535 = arith.addi %scan3A_145, %add3A_534 : i32
        %select_n3A_536 = arith.constant true
        %select_n3A_537 = arith.select %select_n3A_536, %add3A_535, %scan3A_145 : i32
        %eq3A_538 = arith.constant 5 : i32
        %eq3A_539 = arith.cmpi eq, %select_n3A_537, %eq3A_538 : i32
        %select_n3A_540 = arith.constant 0 : i32
        %select_n3A_541 = arith.select %eq3A_539, %select_n3A_540, %select_n3A_537 : i32
        scf.yield %select_n3A_236, %select_n3A_533, %select_n3A_403, %select_n3A_478, %select_n3A_541 : i32, i32, i32, i32, i32
      }
      %scan3A_86 = arith.constant 5 : i32
      %sub3A_87 = arith.constant 1 : i32
      %sub3A_88 = arith.subi %scan3A_85#4, %sub3A_87 : i32
      %select_n3A_89 = arith.constant true
      %select_n3A_90 = arith.select %select_n3A_89, %sub3A_88, %scan3A_85#4 : i32
      %eq3A_91 = arith.constant -1 : i32
      %eq3A_92 = arith.cmpi eq, %select_n3A_90, %eq3A_91 : i32
      %select_n3A_93 = arith.constant 4 : i32
      %select_n3A_94 = arith.select %eq3A_92, %select_n3A_93, %select_n3A_90 : i32
      %add3A_95 = arith.addi %select_n3A_94, %mul3A_6 : i32
      %sub3A_96 = arith.constant 1 : i32
      %sub3A_97 = arith.subi %select_n3A_94, %sub3A_96 : i32
      %select_n3A_98 = arith.constant true
      %select_n3A_99 = arith.select %select_n3A_98, %sub3A_97, %select_n3A_94 : i32
      %eq3A_100 = arith.constant -1 : i32
      %eq3A_101 = arith.cmpi eq, %select_n3A_99, %eq3A_100 : i32
      %select_n3A_102 = arith.constant 4 : i32
      %select_n3A_103 = arith.select %eq3A_101, %select_n3A_102, %select_n3A_99 : i32
      %add3A_104 = arith.addi %select_n3A_103, %mul3A_6 : i32
      %add3A_105 = arith.constant 1 : i32
      %add3A_106 = arith.addi %select_n3A_94, %add3A_105 : i32
      %select_n3A_107 = arith.constant true
      %select_n3A_108 = arith.select %select_n3A_107, %add3A_106, %select_n3A_94 : i32
      %eq3A_109 = arith.constant 5 : i32
      %eq3A_110 = arith.cmpi eq, %select_n3A_108, %eq3A_109 : i32
      %select_n3A_111 = arith.constant 0 : i32
      %select_n3A_112 = arith.select %eq3A_110, %select_n3A_111, %select_n3A_108 : i32
      %add3A_113 = arith.addi %select_n3A_112, %mul3A_6 : i32
      %add3A_114 = arith.constant 1 : i32
      %add3A_115 = arith.addi %select_n3A_112, %add3A_114 : i32
      %select_n3A_116 = arith.constant true
      %select_n3A_117 = arith.select %select_n3A_116, %add3A_115, %select_n3A_112 : i32
      %eq3A_118 = arith.constant 5 : i32
      %eq3A_119 = arith.cmpi eq, %select_n3A_117, %eq3A_118 : i32
      %select_n3A_120 = arith.constant 0 : i32
      %select_n3A_121 = arith.select %eq3A_119, %select_n3A_120, %select_n3A_117 : i32
      %add3A_122 = arith.addi %select_n3A_121, %mul3A_6 : i32
      "tpu.trace_start"() <{level = 10 : i32, message = "ep_finalize"}> : () -> ()
      %rem3A_123 = arith.constant 2 : i32
      %rem3A_124 = arith.remui %scan3A_85#3, %rem3A_123 : i32
      %mul3A_125 = arith.constant 64 : i32
      %mul3A_126 = arith.muli %mul3A_125, %add3A_95 : i32
      %dma_wait3A = arith.constant 0 : i32
      %dma_wait3A_127 = arith.constant 0 : i32
      %dma_wait3A_128 = tpu.memref_slice %run_scoped3A_8[%rem3A_124, %dma_wait3A, %dma_wait3A_127] : memref<2x64x768xf32, #tpu.memory_space<vmem>> -> memref<1x64x768xf32, #tpu.memory_space<vmem>>
      %dma_wait3A_129 = tpu.memref_squeeze %dma_wait3A_128 : memref<1x64x768xf32, #tpu.memory_space<vmem>> -> memref<64x768xf32, #tpu.memory_space<vmem>>
      %dma_wait3A_130 = arith.constant 0 : i32
      %dma_wait3A_131 = tpu.memref_slice %arg4[%mul3A_126, %dma_wait3A_130] : memref<10240x768xf32, #tpu.memory_space<hbm>> -> memref<64x768xf32, #tpu.memory_space<hbm>>
      %dma_wait3A_132 = tpu.memref_slice %run_scoped3A_9[%rem3A_124] : memref<2x!tpu.dma_semaphore, #tpu.memory_space<semaphore_mem>> -> memref<1x!tpu.dma_semaphore, #tpu.memory_space<semaphore_mem>>
      %dma_wait3A_133 = tpu.memref_squeeze %dma_wait3A_132 : memref<1x!tpu.dma_semaphore, #tpu.memory_space<semaphore_mem>> -> memref<!tpu.dma_semaphore, #tpu.memory_space<semaphore_mem>>
      %dma_wait3A_134 = arith.constant 0 : i32
      %dma_wait3A_135 = tpu.memref_slice %arg4[%mul3A_126, %dma_wait3A_134] : memref<10240x768xf32, #tpu.memory_space<hbm>> -> memref<64x768xf32, #tpu.memory_space<hbm>>
      %dma_wait3A_136 = arith.constant 0 : i32
      %dma_wait3A_137 = arith.constant 0 : i32
      %dma_wait3A_138 = tpu.memref_slice %run_scoped3A_8[%rem3A_124, %dma_wait3A_136, %dma_wait3A_137] : memref<2x64x768xf32, #tpu.memory_space<vmem>> -> memref<1x64x768xf32, #tpu.memory_space<vmem>>
      %dma_wait3A_139 = tpu.memref_squeeze %dma_wait3A_138 : memref<1x64x768xf32, #tpu.memory_space<vmem>> -> memref<64x768xf32, #tpu.memory_space<vmem>>
      tpu.wait_dma2 semaphore(%dma_wait3A_133 : memref<!tpu.dma_semaphore, #tpu.memory_space<semaphore_mem>>) src(%dma_wait3A_139 : memref<64x768xf32, #tpu.memory_space<vmem>>) dst(%dma_wait3A_135 : memref<64x768xf32, #tpu.memory_space<hbm>>)
      "tpu.trace_stop"() : () -> ()
      tpu.yield
    }) : () -> ()
    return
  }
}

module attributes {stable_mosaic.version = 14 : i64} {
  func.func @body(%arg0: i32, %arg1: memref<1024x768xf32, #tpu.memory_space<vmem>>, %arg2: memref<1x1x768xf32, #tpu.memory_space<vmem>>, %arg3: memref<1x768xf32, #tpu.memory_space<vmem>>, %arg4: memref<1x768xf32, #tpu.memory_space<vmem>>, %arg5: memref<1x1024x768xf32, #tpu.memory_space<vmem>>) attributes {dimension_semantics = [#tpu.dimension_semantics<arbitrary>], iteration_bounds = array<i64: 10>, scalar_prefetch = 0 : i64, scratch_operands = 0 : i64, tpu.core_type = #tpu.core_type<tc>, window_params = [{transform_indices = @transform_0, window_bounds = array<i64: 1024, 768>}, {transform_indices = @transform_1, window_bounds = array<i64: 1, 1, 768>}, {pipeline_mode = #tpu.pipeline_mode<synchronous>, transform_indices = @transform_2, window_bounds = array<i64: 1, 768>}, {pipeline_mode = #tpu.pipeline_mode<synchronous>, transform_indices = @transform_3, window_bounds = array<i64: 1, 768>}, {transform_indices = @transform_4, window_bounds = array<i64: 1, 1024, 768>}]} {
    %get3A = arith.constant 0 : index
    %get3A_0 = arith.constant 0 : index
    %get3A_1 = vector.load %arg1[%get3A, %get3A_0] : memref<1024x768xf32, #tpu.memory_space<vmem>>, vector<1024x768xf32>
    %get3A_2 = arith.constant 0 : index
    %get3A_3 = arith.constant 0 : index
    %get3A_4 = arith.constant 0 : index
    %get3A_5 = vector.load %arg2[%get3A_2, %get3A_3, %get3A_4] : memref<1x1x768xf32, #tpu.memory_space<vmem>>, vector<1x1x768xf32>
    %get3A_6 = vector.shape_cast %get3A_5 : vector<1x1x768xf32> to vector<1x768xf32>
    %add3A = vector.broadcast %get3A_6 : vector<1x768xf32> to vector<1024x768xf32>
    %add3A_7 = arith.addf %get3A_1, %add3A : vector<1024x768xf32>
    %reduce_sum3A = arith.constant dense<0.000000e+00> : vector<1024xf32>
    %reduce_sum3A_8 = vector.multi_reduction <add>, %add3A_7, %reduce_sum3A [1] : vector<1024x768xf32> to vector<1024xf32>
    %broadcast_in_dim3A = vector.shape_cast %reduce_sum3A_8 : vector<1024xf32> to vector<1024x1xf32>
    %mul3A = arith.mulf %add3A_7, %add3A_7 : vector<1024x768xf32>
    %reduce_sum3A_9 = arith.constant dense<0.000000e+00> : vector<1024xf32>
    %reduce_sum3A_10 = vector.multi_reduction <add>, %mul3A, %reduce_sum3A_9 [1] : vector<1024x768xf32> to vector<1024xf32>
    %broadcast_in_dim3A_11 = vector.shape_cast %reduce_sum3A_10 : vector<1024xf32> to vector<1024x1xf32>
    %mul3A_12 = arith.constant 0.00130208337 : f32
    %mul3A_13 = vector.broadcast %mul3A_12 : f32 to vector<1024x1xf32>
    %mul3A_14 = arith.mulf %broadcast_in_dim3A, %mul3A_13 : vector<1024x1xf32>
    %mul3A_15 = arith.constant 0.00130208337 : f32
    %mul3A_16 = vector.broadcast %mul3A_15 : f32 to vector<1024x1xf32>
    %mul3A_17 = arith.mulf %broadcast_in_dim3A_11, %mul3A_16 : vector<1024x1xf32>
    %mul3A_18 = arith.mulf %mul3A_14, %mul3A_14 : vector<1024x1xf32>
    %sub3A = arith.subf %mul3A_17, %mul3A_18 : vector<1024x1xf32>
    %add3A_19 = arith.constant 9.99999996E-13 : f32
    %add3A_20 = vector.broadcast %add3A_19 : f32 to vector<1024x1xf32>
    %add3A_21 = arith.addf %sub3A, %add3A_20 : vector<1024x1xf32>
    %rsqrt3A = math.rsqrt %add3A_21 : vector<1024x1xf32>
    %sub3A_22 = vector.broadcast %mul3A_14 : vector<1024x1xf32> to vector<1024x768xf32>
    %sub3A_23 = arith.subf %add3A_7, %sub3A_22 : vector<1024x768xf32>
    %mul3A_24 = vector.broadcast %rsqrt3A : vector<1024x1xf32> to vector<1024x768xf32>
    %mul3A_25 = arith.mulf %sub3A_23, %mul3A_24 : vector<1024x768xf32>
    %get3A_26 = arith.constant 0 : index
    %get3A_27 = arith.constant 0 : index
    %get3A_28 = vector.load %arg3[%get3A_26, %get3A_27] : memref<1x768xf32, #tpu.memory_space<vmem>>, vector<1x768xf32>
    %mul3A_29 = vector.broadcast %get3A_28 : vector<1x768xf32> to vector<1024x768xf32>
    %mul3A_30 = arith.mulf %mul3A_25, %mul3A_29 : vector<1024x768xf32>
    %get3A_31 = arith.constant 0 : index
    %get3A_32 = arith.constant 0 : index
    %get3A_33 = vector.load %arg4[%get3A_31, %get3A_32] : memref<1x768xf32, #tpu.memory_space<vmem>>, vector<1x768xf32>
    %add3A_34 = vector.broadcast %get3A_33 : vector<1x768xf32> to vector<1024x768xf32>
    %add3A_35 = arith.addf %mul3A_30, %add3A_34 : vector<1024x768xf32>
    %reshape3A = vector.shape_cast %add3A_35 : vector<1024x768xf32> to vector<1x1024x768xf32>
    %swap3A = arith.constant 0 : index
    %swap3A_36 = arith.constant 0 : index
    %swap3A_37 = arith.constant 0 : index
    %swap3A_38 = vector.load %arg5[%swap3A, %swap3A_36, %swap3A_37] : memref<1x1024x768xf32, #tpu.memory_space<vmem>>, vector<1x1024x768xf32>
    tpu.vector_store %arg5[%swap3A, %swap3A_36, %swap3A_37], %reshape3A {strides = array<i32>} : memref<1x1024x768xf32, #tpu.memory_space<vmem>>, vector<1x1024x768xf32>,
    return
  }
  func.func @transform_0(%arg0: i32) -> (i32, i32) {
    %c0_i32 = arith.constant 0 : i32
    %c0_i32_0 = arith.constant 0 : i32
    return %arg0, %c0_i32 : i32, i32
  }
  func.func @transform_1(%arg0: i32) -> (i32, i32, i32) {
    %jit3A = arith.constant 1 : i32
    %div3A = arith.divsi %arg0, %jit3A : i32
    %sign3A = arith.constant 0 : i32
    %sign3A_0 = arith.cmpi sgt, %arg0, %sign3A : i32
    %sign3A_1 = arith.extui %sign3A_0 : i1 to i32
    %sign3A_2 = arith.constant 0 : i32
    %sign3A_3 = arith.cmpi slt, %arg0, %sign3A_2 : i32
    %sign3A_4 = arith.extui %sign3A_3 : i1 to i32
    %sign3A_5 = arith.subi %sign3A_1, %sign3A_4 : i32
    %sign3A_6 = arith.constant 0 : i32
    %sign3A_7 = arith.cmpi sgt, %jit3A, %sign3A_6 : i32
    %sign3A_8 = arith.extui %sign3A_7 : i1 to i32
    %sign3A_9 = arith.constant 0 : i32
    %sign3A_10 = arith.cmpi slt, %jit3A, %sign3A_9 : i32
    %sign3A_11 = arith.extui %sign3A_10 : i1 to i32
    %sign3A_12 = arith.subi %sign3A_8, %sign3A_11 : i32
    %ne3A = arith.cmpi ne, %sign3A_5, %sign3A_12 : i32
    %rem3A = arith.remsi %arg0, %jit3A : i32
    %ne3A_13 = arith.constant 0 : i32
    %ne3A_14 = arith.cmpi ne, %rem3A, %ne3A_13 : i32
    %and3A = arith.andi %ne3A, %ne3A_14 : i1
    %sub3A = arith.constant 1 : i32
    %sub3A_15 = arith.subi %div3A, %sub3A : i32
    %select_n3A = arith.select %and3A, %sub3A_15, %div3A : i32
    %add3A = arith.constant 0 : i32
    %add3A_16 = arith.addi %add3A, %select_n3A : i32
    %c0_i32 = arith.constant 0 : i32
    %c0_i32_17 = arith.constant 0 : i32
    %c0_i32_18 = arith.constant 0 : i32
    return %add3A_16, %c0_i32, %c0_i32_17 : i32, i32, i32
  }
  func.func @transform_2(%arg0: i32) -> (i32, i32) {
    %c0_i32 = arith.constant 0 : i32
    %c0_i32_0 = arith.constant 0 : i32
    %c0_i32_1 = arith.constant 0 : i32
    return %c0_i32, %c0_i32_0 : i32, i32
  }
  func.func @transform_3(%arg0: i32) -> (i32, i32) {
    %c0_i32 = arith.constant 0 : i32
    %c0_i32_0 = arith.constant 0 : i32
    %c0_i32_1 = arith.constant 0 : i32
    return %c0_i32, %c0_i32_0 : i32, i32
  }
  func.func @transform_4(%arg0: i32) -> (i32, i32, i32) {
    %jit3A = arith.constant 1 : i32
    %div3A = arith.divsi %arg0, %jit3A : i32
    %sign3A = arith.constant 0 : i32
    %sign3A_0 = arith.cmpi sgt, %arg0, %sign3A : i32
    %sign3A_1 = arith.extui %sign3A_0 : i1 to i32
    %sign3A_2 = arith.constant 0 : i32
    %sign3A_3 = arith.cmpi slt, %arg0, %sign3A_2 : i32
    %sign3A_4 = arith.extui %sign3A_3 : i1 to i32
    %sign3A_5 = arith.subi %sign3A_1, %sign3A_4 : i32
    %sign3A_6 = arith.constant 0 : i32
    %sign3A_7 = arith.cmpi sgt, %jit3A, %sign3A_6 : i32
    %sign3A_8 = arith.extui %sign3A_7 : i1 to i32
    %sign3A_9 = arith.constant 0 : i32
    %sign3A_10 = arith.cmpi slt, %jit3A, %sign3A_9 : i32
    %sign3A_11 = arith.extui %sign3A_10 : i1 to i32
    %sign3A_12 = arith.subi %sign3A_8, %sign3A_11 : i32
    %ne3A = arith.cmpi ne, %sign3A_5, %sign3A_12 : i32
    %rem3A = arith.remsi %arg0, %jit3A : i32
    %ne3A_13 = arith.constant 0 : i32
    %ne3A_14 = arith.cmpi ne, %rem3A, %ne3A_13 : i32
    %and3A = arith.andi %ne3A, %ne3A_14 : i1
    %sub3A = arith.constant 1 : i32
    %sub3A_15 = arith.subi %div3A, %sub3A : i32
    %select_n3A = arith.select %and3A, %sub3A_15, %div3A : i32
    %add3A = arith.constant 0 : i32
    %add3A_16 = arith.addi %add3A, %select_n3A : i32
    %jit3A_17 = arith.constant 1 : i32
    %eq3A = arith.constant 0 : i32
    %eq3A_18 = arith.cmpi eq, %jit3A_17, %eq3A : i32
    %jit3A_19 = arith.constant 1 : i32
    %select_n3A_20 = arith.select %eq3A_18, %jit3A_19, %jit3A_17 : i32
    %rem3A_21 = arith.remsi %arg0, %select_n3A_20 : i32
    %ne3A_22 = arith.constant 0 : i32
    %ne3A_23 = arith.cmpi ne, %rem3A_21, %ne3A_22 : i32
    %lt3A = arith.constant 0 : i32
    %lt3A_24 = arith.cmpi slt, %rem3A_21, %lt3A : i32
    %lt3A_25 = arith.constant 0 : i32
    %lt3A_26 = arith.cmpi slt, %select_n3A_20, %lt3A_25 : i32
    %ne3A_27 = arith.xori %lt3A_24, %lt3A_26 : i1
    %and3A_28 = arith.andi %ne3A_27, %ne3A_23 : i1
    %add3A_29 = arith.addi %rem3A_21, %select_n3A_20 : i32
    %select_n3A_30 = arith.select %and3A_28, %add3A_29, %rem3A_21 : i32
    %c0_i32 = arith.constant 0 : i32
    %c0_i32_31 = arith.constant 0 : i32
    return %add3A_16, %select_n3A_30, %c0_i32 : i32, i32, i32
  }
}

module attributes {stable_mosaic.version = 14 : i64} {
  func.func @body(%arg0: i32, %arg1: memref<1024x768xf32, #tpu.memory_space<vmem>>, %arg2: memref<1x1x768xf32, #tpu.memory_space<vmem>>, %arg3: memref<1x768xf32, #tpu.memory_space<vmem>>, %arg4: memref<1x768xf32, #tpu.memory_space<vmem>>, %arg5: memref<50x1024x768xf32, #tpu.memory_space<hbm>>, %arg6: memref<1x1024x768xf32, #tpu.memory_space<vmem>>) attributes {dimension_semantics = [#tpu.dimension_semantics<arbitrary>], iteration_bounds = array<i64: 10>, scalar_prefetch = 0 : i64, scratch_operands = 0 : i64, tpu.core_type = #tpu.core_type<tc>, window_params = [{transform_indices = @transform_0, window_bounds = array<i64: 1024, 768>}, {transform_indices = @transform_1, window_bounds = array<i64: 1, 1, 768>}, {pipeline_mode = #tpu.pipeline_mode<synchronous>, transform_indices = @transform_2, window_bounds = array<i64: 1, 768>}, {pipeline_mode = #tpu.pipeline_mode<synchronous>, transform_indices = @transform_3, window_bounds = array<i64: 1, 768>}, {}, {transform_indices = @transform_5, window_bounds = array<i64: 1, 1024, 768>}]} {
    %get3A = arith.constant 0 : index
    %get3A_0 = arith.constant 0 : index
    %get3A_1 = vector.load %arg1[%get3A, %get3A_0] : memref<1024x768xf32, #tpu.memory_space<vmem>>, vector<1024x768xf32>
    %get3A_2 = arith.constant 0 : index
    %get3A_3 = arith.constant 0 : index
    %get3A_4 = arith.constant 0 : index
    %get3A_5 = vector.load %arg2[%get3A_2, %get3A_3, %get3A_4] : memref<1x1x768xf32, #tpu.memory_space<vmem>>, vector<1x1x768xf32>
    %get3A_6 = vector.shape_cast %get3A_5 : vector<1x1x768xf32> to vector<1x768xf32>
    %add3A = vector.broadcast %get3A_6 : vector<1x768xf32> to vector<1024x768xf32>
    %add3A_7 = arith.addf %get3A_1, %add3A : vector<1024x768xf32>
    %reduce_sum3A = arith.constant dense<0.000000e+00> : vector<1024xf32>
    %reduce_sum3A_8 = vector.multi_reduction <add>, %add3A_7, %reduce_sum3A [1] : vector<1024x768xf32> to vector<1024xf32>
    %broadcast_in_dim3A = vector.shape_cast %reduce_sum3A_8 : vector<1024xf32> to vector<1024x1xf32>
    %mul3A = arith.mulf %add3A_7, %add3A_7 : vector<1024x768xf32>
    %reduce_sum3A_9 = arith.constant dense<0.000000e+00> : vector<1024xf32>
    %reduce_sum3A_10 = vector.multi_reduction <add>, %mul3A, %reduce_sum3A_9 [1] : vector<1024x768xf32> to vector<1024xf32>
    %broadcast_in_dim3A_11 = vector.shape_cast %reduce_sum3A_10 : vector<1024xf32> to vector<1024x1xf32>
    %mul3A_12 = arith.constant 0.00130208337 : f32
    %mul3A_13 = vector.broadcast %mul3A_12 : f32 to vector<1024x1xf32>
    %mul3A_14 = arith.mulf %broadcast_in_dim3A, %mul3A_13 : vector<1024x1xf32>
    %mul3A_15 = arith.constant 0.00130208337 : f32
    %mul3A_16 = vector.broadcast %mul3A_15 : f32 to vector<1024x1xf32>
    %mul3A_17 = arith.mulf %broadcast_in_dim3A_11, %mul3A_16 : vector<1024x1xf32>
    %mul3A_18 = arith.mulf %mul3A_14, %mul3A_14 : vector<1024x1xf32>
    %sub3A = arith.subf %mul3A_17, %mul3A_18 : vector<1024x1xf32>
    %add3A_19 = arith.constant 9.99999996E-13 : f32
    %add3A_20 = vector.broadcast %add3A_19 : f32 to vector<1024x1xf32>
    %add3A_21 = arith.addf %sub3A, %add3A_20 : vector<1024x1xf32>
    %rsqrt3A = math.rsqrt %add3A_21 : vector<1024x1xf32>
    %sub3A_22 = vector.broadcast %mul3A_14 : vector<1024x1xf32> to vector<1024x768xf32>
    %sub3A_23 = arith.subf %add3A_7, %sub3A_22 : vector<1024x768xf32>
    %mul3A_24 = vector.broadcast %rsqrt3A : vector<1024x1xf32> to vector<1024x768xf32>
    %mul3A_25 = arith.mulf %sub3A_23, %mul3A_24 : vector<1024x768xf32>
    %get3A_26 = arith.constant 0 : index
    %get3A_27 = arith.constant 0 : index
    %get3A_28 = vector.load %arg3[%get3A_26, %get3A_27] : memref<1x768xf32, #tpu.memory_space<vmem>>, vector<1x768xf32>
    %mul3A_29 = vector.broadcast %get3A_28 : vector<1x768xf32> to vector<1024x768xf32>
    %mul3A_30 = arith.mulf %mul3A_25, %mul3A_29 : vector<1024x768xf32>
    %get3A_31 = arith.constant 0 : index
    %get3A_32 = arith.constant 0 : index
    %get3A_33 = vector.load %arg4[%get3A_31, %get3A_32] : memref<1x768xf32, #tpu.memory_space<vmem>>, vector<1x768xf32>
    %add3A_34 = vector.broadcast %get3A_33 : vector<1x768xf32> to vector<1024x768xf32>
    %add3A_35 = arith.addf %mul3A_30, %add3A_34 : vector<1024x768xf32>
    %reshape3A = vector.shape_cast %add3A_35 : vector<1024x768xf32> to vector<1x1024x768xf32>
    %swap3A = arith.constant 0 : index
    %swap3A_36 = arith.constant 0 : index
    %swap3A_37 = arith.constant 0 : index
    %swap3A_38 = vector.load %arg6[%swap3A, %swap3A_36, %swap3A_37] : memref<1x1024x768xf32, #tpu.memory_space<vmem>>, vector<1x1024x768xf32>
    tpu.vector_store %arg6[%swap3A, %swap3A_36, %swap3A_37], %reshape3A {strides = array<i32>} : memref<1x1024x768xf32, #tpu.memory_space<vmem>>, vector<1x1024x768xf32>,
    return
  }
  func.func @transform_0(%arg0: i32) -> (i32, i32) {
    %c0_i32 = arith.constant 0 : i32
    %c0_i32_0 = arith.constant 0 : i32
    return %arg0, %c0_i32 : i32, i32
  }
  func.func @transform_1(%arg0: i32) -> (i32, i32, i32) {
    %jit3A = arith.constant 1 : i32
    %div3A = arith.divsi %arg0, %jit3A : i32
    %sign3A = arith.constant 0 : i32
    %sign3A_0 = arith.cmpi sgt, %arg0, %sign3A : i32
    %sign3A_1 = arith.extui %sign3A_0 : i1 to i32
    %sign3A_2 = arith.constant 0 : i32
    %sign3A_3 = arith.cmpi slt, %arg0, %sign3A_2 : i32
    %sign3A_4 = arith.extui %sign3A_3 : i1 to i32
    %sign3A_5 = arith.subi %sign3A_1, %sign3A_4 : i32
    %sign3A_6 = arith.constant 0 : i32
    %sign3A_7 = arith.cmpi sgt, %jit3A, %sign3A_6 : i32
    %sign3A_8 = arith.extui %sign3A_7 : i1 to i32
    %sign3A_9 = arith.constant 0 : i32
    %sign3A_10 = arith.cmpi slt, %jit3A, %sign3A_9 : i32
    %sign3A_11 = arith.extui %sign3A_10 : i1 to i32
    %sign3A_12 = arith.subi %sign3A_8, %sign3A_11 : i32
    %ne3A = arith.cmpi ne, %sign3A_5, %sign3A_12 : i32
    %rem3A = arith.remsi %arg0, %jit3A : i32
    %ne3A_13 = arith.constant 0 : i32
    %ne3A_14 = arith.cmpi ne, %rem3A, %ne3A_13 : i32
    %and3A = arith.andi %ne3A, %ne3A_14 : i1
    %sub3A = arith.constant 1 : i32
    %sub3A_15 = arith.subi %div3A, %sub3A : i32
    %select_n3A = arith.select %and3A, %sub3A_15, %div3A : i32
    %add3A = arith.constant 10 : i32
    %add3A_16 = arith.addi %add3A, %select_n3A : i32
    %c0_i32 = arith.constant 0 : i32
    %c0_i32_17 = arith.constant 0 : i32
    %c0_i32_18 = arith.constant 0 : i32
    return %add3A_16, %c0_i32, %c0_i32_17 : i32, i32, i32
  }
  func.func @transform_2(%arg0: i32) -> (i32, i32) {
    %c0_i32 = arith.constant 0 : i32
    %c0_i32_0 = arith.constant 0 : i32
    %c0_i32_1 = arith.constant 0 : i32
    return %c0_i32, %c0_i32_0 : i32, i32
  }
  func.func @transform_3(%arg0: i32) -> (i32, i32) {
    %c0_i32 = arith.constant 0 : i32
    %c0_i32_0 = arith.constant 0 : i32
    %c0_i32_1 = arith.constant 0 : i32
    return %c0_i32, %c0_i32_0 : i32, i32
  }
  func.func @transform_5(%arg0: i32) -> (i32, i32, i32) {
    %jit3A = arith.constant 1 : i32
    %div3A = arith.divsi %arg0, %jit3A : i32
    %sign3A = arith.constant 0 : i32
    %sign3A_0 = arith.cmpi sgt, %arg0, %sign3A : i32
    %sign3A_1 = arith.extui %sign3A_0 : i1 to i32
    %sign3A_2 = arith.constant 0 : i32
    %sign3A_3 = arith.cmpi slt, %arg0, %sign3A_2 : i32
    %sign3A_4 = arith.extui %sign3A_3 : i1 to i32
    %sign3A_5 = arith.subi %sign3A_1, %sign3A_4 : i32
    %sign3A_6 = arith.constant 0 : i32
    %sign3A_7 = arith.cmpi sgt, %jit3A, %sign3A_6 : i32
    %sign3A_8 = arith.extui %sign3A_7 : i1 to i32
    %sign3A_9 = arith.constant 0 : i32
    %sign3A_10 = arith.cmpi slt, %jit3A, %sign3A_9 : i32
    %sign3A_11 = arith.extui %sign3A_10 : i1 to i32
    %sign3A_12 = arith.subi %sign3A_8, %sign3A_11 : i32
    %ne3A = arith.cmpi ne, %sign3A_5, %sign3A_12 : i32
    %rem3A = arith.remsi %arg0, %jit3A : i32
    %ne3A_13 = arith.constant 0 : i32
    %ne3A_14 = arith.cmpi ne, %rem3A, %ne3A_13 : i32
    %and3A = arith.andi %ne3A, %ne3A_14 : i1
    %sub3A = arith.constant 1 : i32
    %sub3A_15 = arith.subi %div3A, %sub3A : i32
    %select_n3A = arith.select %and3A, %sub3A_15, %div3A : i32
    %add3A = arith.constant 10 : i32
    %add3A_16 = arith.addi %add3A, %select_n3A : i32
    %jit3A_17 = arith.constant 1 : i32
    %eq3A = arith.constant 0 : i32
    %eq3A_18 = arith.cmpi eq, %jit3A_17, %eq3A : i32
    %jit3A_19 = arith.constant 1 : i32
    %select_n3A_20 = arith.select %eq3A_18, %jit3A_19, %jit3A_17 : i32
    %rem3A_21 = arith.remsi %arg0, %select_n3A_20 : i32
    %ne3A_22 = arith.constant 0 : i32
    %ne3A_23 = arith.cmpi ne, %rem3A_21, %ne3A_22 : i32
    %lt3A = arith.constant 0 : i32
    %lt3A_24 = arith.cmpi slt, %rem3A_21, %lt3A : i32
    %lt3A_25 = arith.constant 0 : i32
    %lt3A_26 = arith.cmpi slt, %select_n3A_20, %lt3A_25 : i32
    %ne3A_27 = arith.xori %lt3A_24, %lt3A_26 : i1
    %and3A_28 = arith.andi %ne3A_27, %ne3A_23 : i1
    %add3A_29 = arith.addi %rem3A_21, %select_n3A_20 : i32
    %select_n3A_30 = arith.select %and3A_28, %add3A_29, %rem3A_21 : i32
    %c0_i32 = arith.constant 0 : i32
    %c0_i32_31 = arith.constant 0 : i32
    return %add3A_16, %select_n3A_30, %c0_i32 : i32, i32, i32
  }
}

module attributes {stable_mosaic.version = 14 : i64} {
  func.func @body(%arg0: i32, %arg1: memref<1024x768xf32, #tpu.memory_space<vmem>>, %arg2: memref<1x1x768xf32, #tpu.memory_space<vmem>>, %arg3: memref<1x768xf32, #tpu.memory_space<vmem>>, %arg4: memref<1x768xf32, #tpu.memory_space<vmem>>, %arg5: memref<50x1024x768xf32, #tpu.memory_space<hbm>>, %arg6: memref<1x1024x768xf32, #tpu.memory_space<vmem>>) attributes {dimension_semantics = [#tpu.dimension_semantics<arbitrary>], iteration_bounds = array<i64: 10>, scalar_prefetch = 0 : i64, scratch_operands = 0 : i64, tpu.core_type = #tpu.core_type<tc>, window_params = [{transform_indices = @transform_0, window_bounds = array<i64: 1024, 768>}, {transform_indices = @transform_1, window_bounds = array<i64: 1, 1, 768>}, {pipeline_mode = #tpu.pipeline_mode<synchronous>, transform_indices = @transform_2, window_bounds = array<i64: 1, 768>}, {pipeline_mode = #tpu.pipeline_mode<synchronous>, transform_indices = @transform_3, window_bounds = array<i64: 1, 768>}, {}, {transform_indices = @transform_5, window_bounds = array<i64: 1, 1024, 768>}]} {
    %get3A = arith.constant 0 : index
    %get3A_0 = arith.constant 0 : index
    %get3A_1 = vector.load %arg1[%get3A, %get3A_0] : memref<1024x768xf32, #tpu.memory_space<vmem>>, vector<1024x768xf32>
    %get3A_2 = arith.constant 0 : index
    %get3A_3 = arith.constant 0 : index
    %get3A_4 = arith.constant 0 : index
    %get3A_5 = vector.load %arg2[%get3A_2, %get3A_3, %get3A_4] : memref<1x1x768xf32, #tpu.memory_space<vmem>>, vector<1x1x768xf32>
    %get3A_6 = vector.shape_cast %get3A_5 : vector<1x1x768xf32> to vector<1x768xf32>
    %add3A = vector.broadcast %get3A_6 : vector<1x768xf32> to vector<1024x768xf32>
    %add3A_7 = arith.addf %get3A_1, %add3A : vector<1024x768xf32>
    %reduce_sum3A = arith.constant dense<0.000000e+00> : vector<1024xf32>
    %reduce_sum3A_8 = vector.multi_reduction <add>, %add3A_7, %reduce_sum3A [1] : vector<1024x768xf32> to vector<1024xf32>
    %broadcast_in_dim3A = vector.shape_cast %reduce_sum3A_8 : vector<1024xf32> to vector<1024x1xf32>
    %mul3A = arith.mulf %add3A_7, %add3A_7 : vector<1024x768xf32>
    %reduce_sum3A_9 = arith.constant dense<0.000000e+00> : vector<1024xf32>
    %reduce_sum3A_10 = vector.multi_reduction <add>, %mul3A, %reduce_sum3A_9 [1] : vector<1024x768xf32> to vector<1024xf32>
    %broadcast_in_dim3A_11 = vector.shape_cast %reduce_sum3A_10 : vector<1024xf32> to vector<1024x1xf32>
    %mul3A_12 = arith.constant 0.00130208337 : f32
    %mul3A_13 = vector.broadcast %mul3A_12 : f32 to vector<1024x1xf32>
    %mul3A_14 = arith.mulf %broadcast_in_dim3A, %mul3A_13 : vector<1024x1xf32>
    %mul3A_15 = arith.constant 0.00130208337 : f32
    %mul3A_16 = vector.broadcast %mul3A_15 : f32 to vector<1024x1xf32>
    %mul3A_17 = arith.mulf %broadcast_in_dim3A_11, %mul3A_16 : vector<1024x1xf32>
    %mul3A_18 = arith.mulf %mul3A_14, %mul3A_14 : vector<1024x1xf32>
    %sub3A = arith.subf %mul3A_17, %mul3A_18 : vector<1024x1xf32>
    %add3A_19 = arith.constant 9.99999996E-13 : f32
    %add3A_20 = vector.broadcast %add3A_19 : f32 to vector<1024x1xf32>
    %add3A_21 = arith.addf %sub3A, %add3A_20 : vector<1024x1xf32>
    %rsqrt3A = math.rsqrt %add3A_21 : vector<1024x1xf32>
    %sub3A_22 = vector.broadcast %mul3A_14 : vector<1024x1xf32> to vector<1024x768xf32>
    %sub3A_23 = arith.subf %add3A_7, %sub3A_22 : vector<1024x768xf32>
    %mul3A_24 = vector.broadcast %rsqrt3A : vector<1024x1xf32> to vector<1024x768xf32>
    %mul3A_25 = arith.mulf %sub3A_23, %mul3A_24 : vector<1024x768xf32>
    %get3A_26 = arith.constant 0 : index
    %get3A_27 = arith.constant 0 : index
    %get3A_28 = vector.load %arg3[%get3A_26, %get3A_27] : memref<1x768xf32, #tpu.memory_space<vmem>>, vector<1x768xf32>
    %mul3A_29 = vector.broadcast %get3A_28 : vector<1x768xf32> to vector<1024x768xf32>
    %mul3A_30 = arith.mulf %mul3A_25, %mul3A_29 : vector<1024x768xf32>
    %get3A_31 = arith.constant 0 : index
    %get3A_32 = arith.constant 0 : index
    %get3A_33 = vector.load %arg4[%get3A_31, %get3A_32] : memref<1x768xf32, #tpu.memory_space<vmem>>, vector<1x768xf32>
    %add3A_34 = vector.broadcast %get3A_33 : vector<1x768xf32> to vector<1024x768xf32>
    %add3A_35 = arith.addf %mul3A_30, %add3A_34 : vector<1024x768xf32>
    %reshape3A = vector.shape_cast %add3A_35 : vector<1024x768xf32> to vector<1x1024x768xf32>
    %swap3A = arith.constant 0 : index
    %swap3A_36 = arith.constant 0 : index
    %swap3A_37 = arith.constant 0 : index
    %swap3A_38 = vector.load %arg6[%swap3A, %swap3A_36, %swap3A_37] : memref<1x1024x768xf32, #tpu.memory_space<vmem>>, vector<1x1024x768xf32>
    tpu.vector_store %arg6[%swap3A, %swap3A_36, %swap3A_37], %reshape3A {strides = array<i32>} : memref<1x1024x768xf32, #tpu.memory_space<vmem>>, vector<1x1024x768xf32>,
    return
  }
  func.func @transform_0(%arg0: i32) -> (i32, i32) {
    %c0_i32 = arith.constant 0 : i32
    %c0_i32_0 = arith.constant 0 : i32
    return %arg0, %c0_i32 : i32, i32
  }
  func.func @transform_1(%arg0: i32) -> (i32, i32, i32) {
    %jit3A = arith.constant 1 : i32
    %div3A = arith.divsi %arg0, %jit3A : i32
    %sign3A = arith.constant 0 : i32
    %sign3A_0 = arith.cmpi sgt, %arg0, %sign3A : i32
    %sign3A_1 = arith.extui %sign3A_0 : i1 to i32
    %sign3A_2 = arith.constant 0 : i32
    %sign3A_3 = arith.cmpi slt, %arg0, %sign3A_2 : i32
    %sign3A_4 = arith.extui %sign3A_3 : i1 to i32
    %sign3A_5 = arith.subi %sign3A_1, %sign3A_4 : i32
    %sign3A_6 = arith.constant 0 : i32
    %sign3A_7 = arith.cmpi sgt, %jit3A, %sign3A_6 : i32
    %sign3A_8 = arith.extui %sign3A_7 : i1 to i32
    %sign3A_9 = arith.constant 0 : i32
    %sign3A_10 = arith.cmpi slt, %jit3A, %sign3A_9 : i32
    %sign3A_11 = arith.extui %sign3A_10 : i1 to i32
    %sign3A_12 = arith.subi %sign3A_8, %sign3A_11 : i32
    %ne3A = arith.cmpi ne, %sign3A_5, %sign3A_12 : i32
    %rem3A = arith.remsi %arg0, %jit3A : i32
    %ne3A_13 = arith.constant 0 : i32
    %ne3A_14 = arith.cmpi ne, %rem3A, %ne3A_13 : i32
    %and3A = arith.andi %ne3A, %ne3A_14 : i1
    %sub3A = arith.constant 1 : i32
    %sub3A_15 = arith.subi %div3A, %sub3A : i32
    %select_n3A = arith.select %and3A, %sub3A_15, %div3A : i32
    %add3A = arith.constant 20 : i32
    %add3A_16 = arith.addi %add3A, %select_n3A : i32
    %c0_i32 = arith.constant 0 : i32
    %c0_i32_17 = arith.constant 0 : i32
    %c0_i32_18 = arith.constant 0 : i32
    return %add3A_16, %c0_i32, %c0_i32_17 : i32, i32, i32
  }
  func.func @transform_2(%arg0: i32) -> (i32, i32) {
    %c0_i32 = arith.constant 0 : i32
    %c0_i32_0 = arith.constant 0 : i32
    %c0_i32_1 = arith.constant 0 : i32
    return %c0_i32, %c0_i32_0 : i32, i32
  }
  func.func @transform_3(%arg0: i32) -> (i32, i32) {
    %c0_i32 = arith.constant 0 : i32
    %c0_i32_0 = arith.constant 0 : i32
    %c0_i32_1 = arith.constant 0 : i32
    return %c0_i32, %c0_i32_0 : i32, i32
  }
  func.func @transform_5(%arg0: i32) -> (i32, i32, i32) {
    %jit3A = arith.constant 1 : i32
    %div3A = arith.divsi %arg0, %jit3A : i32
    %sign3A = arith.constant 0 : i32
    %sign3A_0 = arith.cmpi sgt, %arg0, %sign3A : i32
    %sign3A_1 = arith.extui %sign3A_0 : i1 to i32
    %sign3A_2 = arith.constant 0 : i32
    %sign3A_3 = arith.cmpi slt, %arg0, %sign3A_2 : i32
    %sign3A_4 = arith.extui %sign3A_3 : i1 to i32
    %sign3A_5 = arith.subi %sign3A_1, %sign3A_4 : i32
    %sign3A_6 = arith.constant 0 : i32
    %sign3A_7 = arith.cmpi sgt, %jit3A, %sign3A_6 : i32
    %sign3A_8 = arith.extui %sign3A_7 : i1 to i32
    %sign3A_9 = arith.constant 0 : i32
    %sign3A_10 = arith.cmpi slt, %jit3A, %sign3A_9 : i32
    %sign3A_11 = arith.extui %sign3A_10 : i1 to i32
    %sign3A_12 = arith.subi %sign3A_8, %sign3A_11 : i32
    %ne3A = arith.cmpi ne, %sign3A_5, %sign3A_12 : i32
    %rem3A = arith.remsi %arg0, %jit3A : i32
    %ne3A_13 = arith.constant 0 : i32
    %ne3A_14 = arith.cmpi ne, %rem3A, %ne3A_13 : i32
    %and3A = arith.andi %ne3A, %ne3A_14 : i1
    %sub3A = arith.constant 1 : i32
    %sub3A_15 = arith.subi %div3A, %sub3A : i32
    %select_n3A = arith.select %and3A, %sub3A_15, %div3A : i32
    %add3A = arith.constant 20 : i32
    %add3A_16 = arith.addi %add3A, %select_n3A : i32
    %jit3A_17 = arith.constant 1 : i32
    %eq3A = arith.constant 0 : i32
    %eq3A_18 = arith.cmpi eq, %jit3A_17, %eq3A : i32
    %jit3A_19 = arith.constant 1 : i32
    %select_n3A_20 = arith.select %eq3A_18, %jit3A_19, %jit3A_17 : i32
    %rem3A_21 = arith.remsi %arg0, %select_n3A_20 : i32
    %ne3A_22 = arith.constant 0 : i32
    %ne3A_23 = arith.cmpi ne, %rem3A_21, %ne3A_22 : i32
    %lt3A = arith.constant 0 : i32
    %lt3A_24 = arith.cmpi slt, %rem3A_21, %lt3A : i32
    %lt3A_25 = arith.constant 0 : i32
    %lt3A_26 = arith.cmpi slt, %select_n3A_20, %lt3A_25 : i32
    %ne3A_27 = arith.xori %lt3A_24, %lt3A_26 : i1
    %and3A_28 = arith.andi %ne3A_27, %ne3A_23 : i1
    %add3A_29 = arith.addi %rem3A_21, %select_n3A_20 : i32
    %select_n3A_30 = arith.select %and3A_28, %add3A_29, %rem3A_21 : i32
    %c0_i32 = arith.constant 0 : i32
    %c0_i32_31 = arith.constant 0 : i32
    return %add3A_16, %select_n3A_30, %c0_i32 : i32, i32, i32
  }
}

module attributes {stable_mosaic.version = 14 : i64} {
  func.func @body(%arg0: i32, %arg1: memref<1024x768xf32, #tpu.memory_space<vmem>>, %arg2: memref<1x1x768xf32, #tpu.memory_space<vmem>>, %arg3: memref<1x768xf32, #tpu.memory_space<vmem>>, %arg4: memref<1x768xf32, #tpu.memory_space<vmem>>, %arg5: memref<50x1024x768xf32, #tpu.memory_space<hbm>>, %arg6: memref<1x1024x768xf32, #tpu.memory_space<vmem>>) attributes {dimension_semantics = [#tpu.dimension_semantics<arbitrary>], iteration_bounds = array<i64: 10>, scalar_prefetch = 0 : i64, scratch_operands = 0 : i64, tpu.core_type = #tpu.core_type<tc>, window_params = [{transform_indices = @transform_0, window_bounds = array<i64: 1024, 768>}, {transform_indices = @transform_1, window_bounds = array<i64: 1, 1, 768>}, {pipeline_mode = #tpu.pipeline_mode<synchronous>, transform_indices = @transform_2, window_bounds = array<i64: 1, 768>}, {pipeline_mode = #tpu.pipeline_mode<synchronous>, transform_indices = @transform_3, window_bounds = array<i64: 1, 768>}, {}, {transform_indices = @transform_5, window_bounds = array<i64: 1, 1024, 768>}]} {
    %get3A = arith.constant 0 : index
    %get3A_0 = arith.constant 0 : index
    %get3A_1 = vector.load %arg1[%get3A, %get3A_0] : memref<1024x768xf32, #tpu.memory_space<vmem>>, vector<1024x768xf32>
    %get3A_2 = arith.constant 0 : index
    %get3A_3 = arith.constant 0 : index
    %get3A_4 = arith.constant 0 : index
    %get3A_5 = vector.load %arg2[%get3A_2, %get3A_3, %get3A_4] : memref<1x1x768xf32, #tpu.memory_space<vmem>>, vector<1x1x768xf32>
    %get3A_6 = vector.shape_cast %get3A_5 : vector<1x1x768xf32> to vector<1x768xf32>
    %add3A = vector.broadcast %get3A_6 : vector<1x768xf32> to vector<1024x768xf32>
    %add3A_7 = arith.addf %get3A_1, %add3A : vector<1024x768xf32>
    %reduce_sum3A = arith.constant dense<0.000000e+00> : vector<1024xf32>
    %reduce_sum3A_8 = vector.multi_reduction <add>, %add3A_7, %reduce_sum3A [1] : vector<1024x768xf32> to vector<1024xf32>
    %broadcast_in_dim3A = vector.shape_cast %reduce_sum3A_8 : vector<1024xf32> to vector<1024x1xf32>
    %mul3A = arith.mulf %add3A_7, %add3A_7 : vector<1024x768xf32>
    %reduce_sum3A_9 = arith.constant dense<0.000000e+00> : vector<1024xf32>
    %reduce_sum3A_10 = vector.multi_reduction <add>, %mul3A, %reduce_sum3A_9 [1] : vector<1024x768xf32> to vector<1024xf32>
    %broadcast_in_dim3A_11 = vector.shape_cast %reduce_sum3A_10 : vector<1024xf32> to vector<1024x1xf32>
    %mul3A_12 = arith.constant 0.00130208337 : f32
    %mul3A_13 = vector.broadcast %mul3A_12 : f32 to vector<1024x1xf32>
    %mul3A_14 = arith.mulf %broadcast_in_dim3A, %mul3A_13 : vector<1024x1xf32>
    %mul3A_15 = arith.constant 0.00130208337 : f32
    %mul3A_16 = vector.broadcast %mul3A_15 : f32 to vector<1024x1xf32>
    %mul3A_17 = arith.mulf %broadcast_in_dim3A_11, %mul3A_16 : vector<1024x1xf32>
    %mul3A_18 = arith.mulf %mul3A_14, %mul3A_14 : vector<1024x1xf32>
    %sub3A = arith.subf %mul3A_17, %mul3A_18 : vector<1024x1xf32>
    %add3A_19 = arith.constant 9.99999996E-13 : f32
    %add3A_20 = vector.broadcast %add3A_19 : f32 to vector<1024x1xf32>
    %add3A_21 = arith.addf %sub3A, %add3A_20 : vector<1024x1xf32>
    %rsqrt3A = math.rsqrt %add3A_21 : vector<1024x1xf32>
    %sub3A_22 = vector.broadcast %mul3A_14 : vector<1024x1xf32> to vector<1024x768xf32>
    %sub3A_23 = arith.subf %add3A_7, %sub3A_22 : vector<1024x768xf32>
    %mul3A_24 = vector.broadcast %rsqrt3A : vector<1024x1xf32> to vector<1024x768xf32>
    %mul3A_25 = arith.mulf %sub3A_23, %mul3A_24 : vector<1024x768xf32>
    %get3A_26 = arith.constant 0 : index
    %get3A_27 = arith.constant 0 : index
    %get3A_28 = vector.load %arg3[%get3A_26, %get3A_27] : memref<1x768xf32, #tpu.memory_space<vmem>>, vector<1x768xf32>
    %mul3A_29 = vector.broadcast %get3A_28 : vector<1x768xf32> to vector<1024x768xf32>
    %mul3A_30 = arith.mulf %mul3A_25, %mul3A_29 : vector<1024x768xf32>
    %get3A_31 = arith.constant 0 : index
    %get3A_32 = arith.constant 0 : index
    %get3A_33 = vector.load %arg4[%get3A_31, %get3A_32] : memref<1x768xf32, #tpu.memory_space<vmem>>, vector<1x768xf32>
    %add3A_34 = vector.broadcast %get3A_33 : vector<1x768xf32> to vector<1024x768xf32>
    %add3A_35 = arith.addf %mul3A_30, %add3A_34 : vector<1024x768xf32>
    %reshape3A = vector.shape_cast %add3A_35 : vector<1024x768xf32> to vector<1x1024x768xf32>
    %swap3A = arith.constant 0 : index
    %swap3A_36 = arith.constant 0 : index
    %swap3A_37 = arith.constant 0 : index
    %swap3A_38 = vector.load %arg6[%swap3A, %swap3A_36, %swap3A_37] : memref<1x1024x768xf32, #tpu.memory_space<vmem>>, vector<1x1024x768xf32>
    tpu.vector_store %arg6[%swap3A, %swap3A_36, %swap3A_37], %reshape3A {strides = array<i32>} : memref<1x1024x768xf32, #tpu.memory_space<vmem>>, vector<1x1024x768xf32>,
    return
  }
  func.func @transform_0(%arg0: i32) -> (i32, i32) {
    %c0_i32 = arith.constant 0 : i32
    %c0_i32_0 = arith.constant 0 : i32
    return %arg0, %c0_i32 : i32, i32
  }
  func.func @transform_1(%arg0: i32) -> (i32, i32, i32) {
    %jit3A = arith.constant 1 : i32
    %div3A = arith.divsi %arg0, %jit3A : i32
    %sign3A = arith.constant 0 : i32
    %sign3A_0 = arith.cmpi sgt, %arg0, %sign3A : i32
    %sign3A_1 = arith.extui %sign3A_0 : i1 to i32
    %sign3A_2 = arith.constant 0 : i32
    %sign3A_3 = arith.cmpi slt, %arg0, %sign3A_2 : i32
    %sign3A_4 = arith.extui %sign3A_3 : i1 to i32
    %sign3A_5 = arith.subi %sign3A_1, %sign3A_4 : i32
    %sign3A_6 = arith.constant 0 : i32
    %sign3A_7 = arith.cmpi sgt, %jit3A, %sign3A_6 : i32
    %sign3A_8 = arith.extui %sign3A_7 : i1 to i32
    %sign3A_9 = arith.constant 0 : i32
    %sign3A_10 = arith.cmpi slt, %jit3A, %sign3A_9 : i32
    %sign3A_11 = arith.extui %sign3A_10 : i1 to i32
    %sign3A_12 = arith.subi %sign3A_8, %sign3A_11 : i32
    %ne3A = arith.cmpi ne, %sign3A_5, %sign3A_12 : i32
    %rem3A = arith.remsi %arg0, %jit3A : i32
    %ne3A_13 = arith.constant 0 : i32
    %ne3A_14 = arith.cmpi ne, %rem3A, %ne3A_13 : i32
    %and3A = arith.andi %ne3A, %ne3A_14 : i1
    %sub3A = arith.constant 1 : i32
    %sub3A_15 = arith.subi %div3A, %sub3A : i32
    %select_n3A = arith.select %and3A, %sub3A_15, %div3A : i32
    %add3A = arith.constant 30 : i32
    %add3A_16 = arith.addi %add3A, %select_n3A : i32
    %c0_i32 = arith.constant 0 : i32
    %c0_i32_17 = arith.constant 0 : i32
    %c0_i32_18 = arith.constant 0 : i32
    return %add3A_16, %c0_i32, %c0_i32_17 : i32, i32, i32
  }
  func.func @transform_2(%arg0: i32) -> (i32, i32) {
    %c0_i32 = arith.constant 0 : i32
    %c0_i32_0 = arith.constant 0 : i32
    %c0_i32_1 = arith.constant 0 : i32
    return %c0_i32, %c0_i32_0 : i32, i32
  }
  func.func @transform_3(%arg0: i32) -> (i32, i32) {
    %c0_i32 = arith.constant 0 : i32
    %c0_i32_0 = arith.constant 0 : i32
    %c0_i32_1 = arith.constant 0 : i32
    return %c0_i32, %c0_i32_0 : i32, i32
  }
  func.func @transform_5(%arg0: i32) -> (i32, i32, i32) {
    %jit3A = arith.constant 1 : i32
    %div3A = arith.divsi %arg0, %jit3A : i32
    %sign3A = arith.constant 0 : i32
    %sign3A_0 = arith.cmpi sgt, %arg0, %sign3A : i32
    %sign3A_1 = arith.extui %sign3A_0 : i1 to i32
    %sign3A_2 = arith.constant 0 : i32
    %sign3A_3 = arith.cmpi slt, %arg0, %sign3A_2 : i32
    %sign3A_4 = arith.extui %sign3A_3 : i1 to i32
    %sign3A_5 = arith.subi %sign3A_1, %sign3A_4 : i32
    %sign3A_6 = arith.constant 0 : i32
    %sign3A_7 = arith.cmpi sgt, %jit3A, %sign3A_6 : i32
    %sign3A_8 = arith.extui %sign3A_7 : i1 to i32
    %sign3A_9 = arith.constant 0 : i32
    %sign3A_10 = arith.cmpi slt, %jit3A, %sign3A_9 : i32
    %sign3A_11 = arith.extui %sign3A_10 : i1 to i32
    %sign3A_12 = arith.subi %sign3A_8, %sign3A_11 : i32
    %ne3A = arith.cmpi ne, %sign3A_5, %sign3A_12 : i32
    %rem3A = arith.remsi %arg0, %jit3A : i32
    %ne3A_13 = arith.constant 0 : i32
    %ne3A_14 = arith.cmpi ne, %rem3A, %ne3A_13 : i32
    %and3A = arith.andi %ne3A, %ne3A_14 : i1
    %sub3A = arith.constant 1 : i32
    %sub3A_15 = arith.subi %div3A, %sub3A : i32
    %select_n3A = arith.select %and3A, %sub3A_15, %div3A : i32
    %add3A = arith.constant 30 : i32
    %add3A_16 = arith.addi %add3A, %select_n3A : i32
    %jit3A_17 = arith.constant 1 : i32
    %eq3A = arith.constant 0 : i32
    %eq3A_18 = arith.cmpi eq, %jit3A_17, %eq3A : i32
    %jit3A_19 = arith.constant 1 : i32
    %select_n3A_20 = arith.select %eq3A_18, %jit3A_19, %jit3A_17 : i32
    %rem3A_21 = arith.remsi %arg0, %select_n3A_20 : i32
    %ne3A_22 = arith.constant 0 : i32
    %ne3A_23 = arith.cmpi ne, %rem3A_21, %ne3A_22 : i32
    %lt3A = arith.constant 0 : i32
    %lt3A_24 = arith.cmpi slt, %rem3A_21, %lt3A : i32
    %lt3A_25 = arith.constant 0 : i32
    %lt3A_26 = arith.cmpi slt, %select_n3A_20, %lt3A_25 : i32
    %ne3A_27 = arith.xori %lt3A_24, %lt3A_26 : i1
    %and3A_28 = arith.andi %ne3A_27, %ne3A_23 : i1
    %add3A_29 = arith.addi %rem3A_21, %select_n3A_20 : i32
    %select_n3A_30 = arith.select %and3A_28, %add3A_29, %rem3A_21 : i32
    %c0_i32 = arith.constant 0 : i32
    %c0_i32_31 = arith.constant 0 : i32
    return %add3A_16, %select_n3A_30, %c0_i32 : i32, i32, i32
  }
}

module attributes {stable_mosaic.version = 14 : i64} {
  func.func @body(%arg0: i32, %arg1: memref<1024x768xf32, #tpu.memory_space<vmem>>, %arg2: memref<1x1x768xf32, #tpu.memory_space<vmem>>, %arg3: memref<1x768xf32, #tpu.memory_space<vmem>>, %arg4: memref<1x768xf32, #tpu.memory_space<vmem>>, %arg5: memref<50x1024x768xf32, #tpu.memory_space<hbm>>, %arg6: memref<1x1024x768xf32, #tpu.memory_space<vmem>>) attributes {dimension_semantics = [#tpu.dimension_semantics<arbitrary>], iteration_bounds = array<i64: 10>, scalar_prefetch = 0 : i64, scratch_operands = 0 : i64, tpu.core_type = #tpu.core_type<tc>, window_params = [{transform_indices = @transform_0, window_bounds = array<i64: 1024, 768>}, {transform_indices = @transform_1, window_bounds = array<i64: 1, 1, 768>}, {pipeline_mode = #tpu.pipeline_mode<synchronous>, transform_indices = @transform_2, window_bounds = array<i64: 1, 768>}, {pipeline_mode = #tpu.pipeline_mode<synchronous>, transform_indices = @transform_3, window_bounds = array<i64: 1, 768>}, {}, {transform_indices = @transform_5, window_bounds = array<i64: 1, 1024, 768>}]} {
    %get3A = arith.constant 0 : index
    %get3A_0 = arith.constant 0 : index
    %get3A_1 = vector.load %arg1[%get3A, %get3A_0] : memref<1024x768xf32, #tpu.memory_space<vmem>>, vector<1024x768xf32>
    %get3A_2 = arith.constant 0 : index
    %get3A_3 = arith.constant 0 : index
    %get3A_4 = arith.constant 0 : index
    %get3A_5 = vector.load %arg2[%get3A_2, %get3A_3, %get3A_4] : memref<1x1x768xf32, #tpu.memory_space<vmem>>, vector<1x1x768xf32>
    %get3A_6 = vector.shape_cast %get3A_5 : vector<1x1x768xf32> to vector<1x768xf32>
    %add3A = vector.broadcast %get3A_6 : vector<1x768xf32> to vector<1024x768xf32>
    %add3A_7 = arith.addf %get3A_1, %add3A : vector<1024x768xf32>
    %reduce_sum3A = arith.constant dense<0.000000e+00> : vector<1024xf32>
    %reduce_sum3A_8 = vector.multi_reduction <add>, %add3A_7, %reduce_sum3A [1] : vector<1024x768xf32> to vector<1024xf32>
    %broadcast_in_dim3A = vector.shape_cast %reduce_sum3A_8 : vector<1024xf32> to vector<1024x1xf32>
    %mul3A = arith.mulf %add3A_7, %add3A_7 : vector<1024x768xf32>
    %reduce_sum3A_9 = arith.constant dense<0.000000e+00> : vector<1024xf32>
    %reduce_sum3A_10 = vector.multi_reduction <add>, %mul3A, %reduce_sum3A_9 [1] : vector<1024x768xf32> to vector<1024xf32>
    %broadcast_in_dim3A_11 = vector.shape_cast %reduce_sum3A_10 : vector<1024xf32> to vector<1024x1xf32>
    %mul3A_12 = arith.constant 0.00130208337 : f32
    %mul3A_13 = vector.broadcast %mul3A_12 : f32 to vector<1024x1xf32>
    %mul3A_14 = arith.mulf %broadcast_in_dim3A, %mul3A_13 : vector<1024x1xf32>
    %mul3A_15 = arith.constant 0.00130208337 : f32
    %mul3A_16 = vector.broadcast %mul3A_15 : f32 to vector<1024x1xf32>
    %mul3A_17 = arith.mulf %broadcast_in_dim3A_11, %mul3A_16 : vector<1024x1xf32>
    %mul3A_18 = arith.mulf %mul3A_14, %mul3A_14 : vector<1024x1xf32>
    %sub3A = arith.subf %mul3A_17, %mul3A_18 : vector<1024x1xf32>
    %add3A_19 = arith.constant 9.99999996E-13 : f32
    %add3A_20 = vector.broadcast %add3A_19 : f32 to vector<1024x1xf32>
    %add3A_21 = arith.addf %sub3A, %add3A_20 : vector<1024x1xf32>
    %rsqrt3A = math.rsqrt %add3A_21 : vector<1024x1xf32>
    %sub3A_22 = vector.broadcast %mul3A_14 : vector<1024x1xf32> to vector<1024x768xf32>
    %sub3A_23 = arith.subf %add3A_7, %sub3A_22 : vector<1024x768xf32>
    %mul3A_24 = vector.broadcast %rsqrt3A : vector<1024x1xf32> to vector<1024x768xf32>
    %mul3A_25 = arith.mulf %sub3A_23, %mul3A_24 : vector<1024x768xf32>
    %get3A_26 = arith.constant 0 : index
    %get3A_27 = arith.constant 0 : index
    %get3A_28 = vector.load %arg3[%get3A_26, %get3A_27] : memref<1x768xf32, #tpu.memory_space<vmem>>, vector<1x768xf32>
    %mul3A_29 = vector.broadcast %get3A_28 : vector<1x768xf32> to vector<1024x768xf32>
    %mul3A_30 = arith.mulf %mul3A_25, %mul3A_29 : vector<1024x768xf32>
    %get3A_31 = arith.constant 0 : index
    %get3A_32 = arith.constant 0 : index
    %get3A_33 = vector.load %arg4[%get3A_31, %get3A_32] : memref<1x768xf32, #tpu.memory_space<vmem>>, vector<1x768xf32>
    %add3A_34 = vector.broadcast %get3A_33 : vector<1x768xf32> to vector<1024x768xf32>
    %add3A_35 = arith.addf %mul3A_30, %add3A_34 : vector<1024x768xf32>
    %reshape3A = vector.shape_cast %add3A_35 : vector<1024x768xf32> to vector<1x1024x768xf32>
    %swap3A = arith.constant 0 : index
    %swap3A_36 = arith.constant 0 : index
    %swap3A_37 = arith.constant 0 : index
    %swap3A_38 = vector.load %arg6[%swap3A, %swap3A_36, %swap3A_37] : memref<1x1024x768xf32, #tpu.memory_space<vmem>>, vector<1x1024x768xf32>
    tpu.vector_store %arg6[%swap3A, %swap3A_36, %swap3A_37], %reshape3A {strides = array<i32>} : memref<1x1024x768xf32, #tpu.memory_space<vmem>>, vector<1x1024x768xf32>,
    return
  }
  func.func @transform_0(%arg0: i32) -> (i32, i32) {
    %c0_i32 = arith.constant 0 : i32
    %c0_i32_0 = arith.constant 0 : i32
    return %arg0, %c0_i32 : i32, i32
  }
  func.func @transform_1(%arg0: i32) -> (i32, i32, i32) {
    %jit3A = arith.constant 1 : i32
    %div3A = arith.divsi %arg0, %jit3A : i32
    %sign3A = arith.constant 0 : i32
    %sign3A_0 = arith.cmpi sgt, %arg0, %sign3A : i32
    %sign3A_1 = arith.extui %sign3A_0 : i1 to i32
    %sign3A_2 = arith.constant 0 : i32
    %sign3A_3 = arith.cmpi slt, %arg0, %sign3A_2 : i32
    %sign3A_4 = arith.extui %sign3A_3 : i1 to i32
    %sign3A_5 = arith.subi %sign3A_1, %sign3A_4 : i32
    %sign3A_6 = arith.constant 0 : i32
    %sign3A_7 = arith.cmpi sgt, %jit3A, %sign3A_6 : i32
    %sign3A_8 = arith.extui %sign3A_7 : i1 to i32
    %sign3A_9 = arith.constant 0 : i32
    %sign3A_10 = arith.cmpi slt, %jit3A, %sign3A_9 : i32
    %sign3A_11 = arith.extui %sign3A_10 : i1 to i32
    %sign3A_12 = arith.subi %sign3A_8, %sign3A_11 : i32
    %ne3A = arith.cmpi ne, %sign3A_5, %sign3A_12 : i32
    %rem3A = arith.remsi %arg0, %jit3A : i32
    %ne3A_13 = arith.constant 0 : i32
    %ne3A_14 = arith.cmpi ne, %rem3A, %ne3A_13 : i32
    %and3A = arith.andi %ne3A, %ne3A_14 : i1
    %sub3A = arith.constant 1 : i32
    %sub3A_15 = arith.subi %div3A, %sub3A : i32
    %select_n3A = arith.select %and3A, %sub3A_15, %div3A : i32
    %add3A = arith.constant 40 : i32
    %add3A_16 = arith.addi %add3A, %select_n3A : i32
    %c0_i32 = arith.constant 0 : i32
    %c0_i32_17 = arith.constant 0 : i32
    %c0_i32_18 = arith.constant 0 : i32
    return %add3A_16, %c0_i32, %c0_i32_17 : i32, i32, i32
  }
  func.func @transform_2(%arg0: i32) -> (i32, i32) {
    %c0_i32 = arith.constant 0 : i32
    %c0_i32_0 = arith.constant 0 : i32
    %c0_i32_1 = arith.constant 0 : i32
    return %c0_i32, %c0_i32_0 : i32, i32
  }
  func.func @transform_3(%arg0: i32) -> (i32, i32) {
    %c0_i32 = arith.constant 0 : i32
    %c0_i32_0 = arith.constant 0 : i32
    %c0_i32_1 = arith.constant 0 : i32
    return %c0_i32, %c0_i32_0 : i32, i32
  }
  func.func @transform_5(%arg0: i32) -> (i32, i32, i32) {
    %jit3A = arith.constant 1 : i32
    %div3A = arith.divsi %arg0, %jit3A : i32
    %sign3A = arith.constant 0 : i32
    %sign3A_0 = arith.cmpi sgt, %arg0, %sign3A : i32
    %sign3A_1 = arith.extui %sign3A_0 : i1 to i32
    %sign3A_2 = arith.constant 0 : i32
    %sign3A_3 = arith.cmpi slt, %arg0, %sign3A_2 : i32
    %sign3A_4 = arith.extui %sign3A_3 : i1 to i32
    %sign3A_5 = arith.subi %sign3A_1, %sign3A_4 : i32
    %sign3A_6 = arith.constant 0 : i32
    %sign3A_7 = arith.cmpi sgt, %jit3A, %sign3A_6 : i32
    %sign3A_8 = arith.extui %sign3A_7 : i1 to i32
    %sign3A_9 = arith.constant 0 : i32
    %sign3A_10 = arith.cmpi slt, %jit3A, %sign3A_9 : i32
    %sign3A_11 = arith.extui %sign3A_10 : i1 to i32
    %sign3A_12 = arith.subi %sign3A_8, %sign3A_11 : i32
    %ne3A = arith.cmpi ne, %sign3A_5, %sign3A_12 : i32
    %rem3A = arith.remsi %arg0, %jit3A : i32
    %ne3A_13 = arith.constant 0 : i32
    %ne3A_14 = arith.cmpi ne, %rem3A, %ne3A_13 : i32
    %and3A = arith.andi %ne3A, %ne3A_14 : i1
    %sub3A = arith.constant 1 : i32
    %sub3A_15 = arith.subi %div3A, %sub3A : i32
    %select_n3A = arith.select %and3A, %sub3A_15, %div3A : i32
    %add3A = arith.constant 40 : i32
    %add3A_16 = arith.addi %add3A, %select_n3A : i32
    %jit3A_17 = arith.constant 1 : i32
    %eq3A = arith.constant 0 : i32
    %eq3A_18 = arith.cmpi eq, %jit3A_17, %eq3A : i32
    %jit3A_19 = arith.constant 1 : i32
    %select_n3A_20 = arith.select %eq3A_18, %jit3A_19, %jit3A_17 : i32
    %rem3A_21 = arith.remsi %arg0, %select_n3A_20 : i32
    %ne3A_22 = arith.constant 0 : i32
    %ne3A_23 = arith.cmpi ne, %rem3A_21, %ne3A_22 : i32
    %lt3A = arith.constant 0 : i32
    %lt3A_24 = arith.cmpi slt, %rem3A_21, %lt3A : i32
    %lt3A_25 = arith.constant 0 : i32
    %lt3A_26 = arith.cmpi slt, %select_n3A_20, %lt3A_25 : i32
    %ne3A_27 = arith.xori %lt3A_24, %lt3A_26 : i1
    %and3A_28 = arith.andi %ne3A_27, %ne3A_23 : i1
    %add3A_29 = arith.addi %rem3A_21, %select_n3A_20 : i32
    %select_n3A_30 = arith.select %and3A_28, %add3A_29, %rem3A_21 : i32
    %c0_i32 = arith.constant 0 : i32
    %c0_i32_31 = arith.constant 0 : i32
    return %add3A_16, %select_n3A_30, %c0_i32 : i32, i32, i32
  }
}

</mosaic_0001>

<sc_bundles>
// kernel: kernel.12.cloned.1.call-start
scs
__scs_entry_jumppad:
0x0: {  	(pc) =	sbr.rel $0x88, $3  }
0x1: {  	(tag) =	ssettag $0x0;
	lr =	simm.s32 $0x1  }
0x2: {  	[smem:$0x3F9C] =	sst lr;
	_ =	strace $0xD0000000  }
0x3: {  	_ = 	snop  }
0x4: {  	_ = 	snop  }
0x5: {  	_ = 	snop  }
0x6: {  	_ = 	snop  }
0x7: {  	_ = 	snop  }
__scs_overlays_trampoline_lowered:
0x8: {  	[smem:$0x3FAB] =	sst s0  }
0x9: {  	[smem:$0x3FAC] =	sst s1  }
0xa: {  	[smem:$0x3FAD] =	sst s2  }
0xb: {  	[smem:$0x3FAE] =	sst s3  }
0xc: {  	[smem:$0x3FAF] =	sst s4  }
0xd: {  	[smem:$0x3FB0] =	sst s5  }
0xe: {  	[smem:$0x3FB1] =	sst s6  }
0xf: {  	[smem:$0x3FB2] =	sst s7  }
0x10: {  	[smem:$0x3FB3] =	sst s8  }
0x11: {  	[smem:$0x3FB4] =	sst s9;
	s0 =	simm.s32 @!p0 $0x0  }
0x12: {  	s1 =	sld [smem:$0x3F9A];
	s0 =	simm.s32 @p0 $0x1  }
0x13: {  	[smem:$0x3FB5] =	sst s0;
	s0 =	simm.s32 @!p1 $0x0  }
0x14: {  	s2 =	sld [smem:$0x3F99];
	s0 =	simm.s32 @p1 $0x1  }
0x15: {  	[smem:$0x3FB6] =	sst s0;
	s0 =	simm.s32 @!p2 $0x0  }
0x16: {  	s3 =	sld [smem:$0x3FDB];
	s0 =	simm.s32 @p2 $0x1  }
0x17: {  	s4 =	simm.s32 $0x1BF5;
	[smem:$0x3FB8] =	sst s0  }
0x18: {  	s0 =	sld [smem:$0x3F9B];
	_ =	swait.ge [sflag:s4], $0x0  }
0x19: {  	s7 =	sld [smem:$0x3F9C]  }
0x1a: {  	s8 =	sadd.s32 $0xFFFFE003, lr  }
0x1b: {  	s9 =	sadd.s32 $0xFFFFFEF7, lr;
	s5 =	simm.s32 $0xFFFFFFFF;
	p2 =	slt.u32 s8, $0xFFFFF086  }
0x1c: {  	p1 =	slt.u32 s9, $0xF7A;
	s5 =	simm.s32 @!p2 $0x0  }
0x1d: {  	s5 =	simm.s32 @p1 $0x1;
	p0 =	seq.s32 s7, s2  }
0x1e: {  	s7 =	smul.u32 @!p0 $0xF7A, s2;
	p2 =	seq.s32 @!p0 s5, $0x0  }
0x1f: {  	s9 =	smul.u32 $0xF7A, s1;
	s8 =	simm.s32 @!p0 $0x1BF5;
	p2 =	por !p2, p0  }
0x20: {  	[sflag:s8] =	ssyncset.s32 @!p0 $0xFFFFF086;
	s6 =	sadd.s32 @!p0 s3, s7;
	s7 =	simm.s32 @!p0 $0x108  }
0x21: {  	s3 =	sadd.s32 s3, s9;
	s6 =	sadd.s32 @!p0 $0x88, s6;
	s7 =	simm.s32 @p2 $0x1082  }
0x22: {  	[simem:s7], [sflag:s8] =	dma.local @!p0 [hbm:s6], $0xF7A  }
0x23: {  	s9 =	sor.u32 $0xD0000000, s2;
	s6 =	simm.s32 $0x108;
	_ =	swait.ge @!p0 [sflag:s8], $0x0  }
0x24: {  	s3 =	sadd.s32 $0x88, s3;
	s6 =	simm.s32 @!p1 $0x1082;
	[sflag:s4] =	ssyncset.s32 $0xFFFFF086  }
0x25: {  	[simem:s6], [sflag:s4] =	dma.local [hbm:s3], $0xF7A  }
0x26: {  	[smem:$0x3F9C] =	sst s1;
	(tag) =	ssettag s2;
	_ =	strace s9  }
0x27: {  	s1 =	sld [smem:$0x3FAC]  }
0x28: {  	s2 =	sld [smem:$0x3FAD]  }
0x29: {  	s4 =	sld [smem:$0x3FAF]  }
0x2a: {  	p0 =	seq.s32 s5, $0x0;
	s5 =	sld [smem:$0x3FB0]  }
0x2b: {  	s6 =	sld [smem:$0x3FB1]  }
0x2c: {  	s7 =	sld [smem:$0x3FB2]  }
0x2d: {  	s3 =	simm.s32 $0x108;
	s8 =	sld [smem:$0x3FB3]  }
0x2e: {  	s3 =	simm.s32 @!p0 $0x1082;
	s9 =	sld [smem:$0x3FB4]  }
0x2f: {  	lr =	sadd.s32 s0, s3;
	s0 =	sld [smem:$0x3FAB]  }
0x30: {  	s3 =	sld [smem:$0x3FAE]  }
0x31: {  	[smem:$0x3FB7] =	sst s10  }
0x32: {  	s10 =	sld [smem:$0x3FB5];
	_ =	sdelay $0x3  }
0x33: {  	p0 =	seq.s32 s10, $0x1;
	s10 =	sld [smem:$0x3FB7];
	_ =	sdelay $0x3  }
0x34: {  	[smem:$0x3FB7] =	sst s10  }
0x35: {  	s10 =	sld [smem:$0x3FB6];
	_ =	sdelay $0x3  }
0x36: {  	p1 =	seq.s32 s10, $0x1;
	s10 =	sld [smem:$0x3FB7];
	_ =	sdelay $0x3  }
0x37: {  	[smem:$0x3FB7] =	sst s10  }
0x38: {  	s10 =	sld [smem:$0x3FB8]  }
0x39: {  	_ = 	snop;
	(pc) =	sbr.ind lr, $3  }
0x3a: {  	_ = 	snop  }
0x3b: {  	_ = 	snop  }
0x3c: {  	p2 =	seq.s32 s10, $0x1;
	s10 =	sld [smem:$0x3FB7]  }
0x3d: {  	_ =	shalt  }
0x3e: {  	_ =	shalt  }
0x3f: {  	_ =	shalt  }
0x40: {  	_ =	shalt  }
0x41: {  	_ =	shalt  }
0x42: {  	_ =	shalt  }
0x43: {  	_ =	shalt  }
0x44: {  	_ =	shalt  }
0x45: {  	_ =	shalt  }
0x46: {  	_ =	shalt  }
0x47: {  	_ =	shalt  }
0x48: {  	_ =	shalt  }
0x49: {  	_ =	shalt  }
0x4a: {  	_ =	shalt  }
0x4b: {  	_ =	shalt  }
0x4c: {  	_ =	shalt  }
0x4d: {  	_ =	shalt  }
0x4e: {  	_ =	shalt  }
0x4f: {  	_ =	shalt  }
0x50: {  	_ =	shalt  }
0x51: {  	_ =	shalt  }
0x52: {  	_ =	shalt  }
0x53: {  	_ =	shalt  }
0x54: {  	_ =	shalt  }
0x55: {  	_ =	shalt  }
0x56: {  	_ =	shalt  }
0x57: {  	_ =	shalt  }
0x58: {  	_ =	shalt  }
0x59: {  	_ =	shalt  }
0x5a: {  	_ =	shalt  }
0x5b: {  	_ =	shalt  }
0x5c: {  	_ =	shalt  }
0x5d: {  	_ =	shalt  }
0x5e: {  	_ =	shalt  }
0x5f: {  	_ =	shalt  }
0x60: {  	_ =	shalt  }
0x61: {  	_ =	shalt  }
0x62: {  	_ =	shalt  }
0x63: {  	_ =	shalt  }
0x64: {  	_ =	shalt  }
0x65: {  	_ =	shalt  }
0x66: {  	_ =	shalt  }
0x67: {  	_ =	shalt  }
0x68: {  	_ =	shalt  }
0x69: {  	_ =	shalt  }
0x6a: {  	_ =	shalt  }
0x6b: {  	_ =	shalt  }
0x6c: {  	_ =	shalt  }
0x6d: {  	_ =	shalt  }
0x6e: {  	_ =	shalt  }
0x6f: {  	_ =	shalt  }
0x70: {  	_ =	shalt  }
0x71: {  	_ =	shalt  }
0x72: {  	_ =	shalt  }
0x73: {  	_ =	shalt  }
0x74: {  	_ =	shalt  }
0x75: {  	_ =	shalt  }
0x76: {  	_ =	shalt  }
0x77: {  	_ =	shalt  }
0x78: {  	_ =	shalt  }
0x79: {  	_ =	shalt  }
0x7a: {  	_ =	shalt  }
0x7b: {  	_ =	shalt  }
0x7c: {  	_ =	shalt  }
0x7d: {  	_ =	shalt  }
0x7e: {  	_ =	shalt  }
0x7f: {  	_ =	shalt  }
0x80: {  	_ =	shalt  }
0x81: {  	_ =	shalt  }
0x82: {  	_ =	shalt  }
0x83: {  	_ =	shalt  }
0x84: {  	_ =	shalt  }
0x85: {  	_ =	shalt  }
0x86: {  	_ =	shalt  }
0x87: {  	_ =	shalt  }
.Lfunc_end0:
.L_simem_size_0:
called_computation_lowered:
.L_overlay_start_0:
0x88: {  	s2 =	sld [smem:$0x3FD9]  }
0x89: {  	s3 =	sld [smem:$0x3FFE];
	_ =	sdelay $0x1  }
0x8a: {  	s1 =	srdreg.scid  }
0x8b: {  	s0 =	sand.u32 $0x1, s1  }
0x8c: {  	s17 =	sshll.u32 s0, $0xA;
	s2 =	sadd.s32 s3, s2  }
0x8d: {  	s2 =	sadd.s32 s2, s17  }
0x8e: {  	[smem:$0x3FC3] =	sst s2  }
0x8f: {  	_ = 	snop  }
0x90: {  	s2 =	sld [smem:$0x3FC8];
	(tm) =	ssettm $0x1  }
0x91: {  	s18 =	sld [smem:$0x3FFB];
	_ =	sdelay $0x3  }
0x92: {  	_ =	strace s18  }
0x93: {  	s3 =	sld [smem:$0x3FFC];
	_ =	sdelay $0x3  }
0x94: {  	_ =	strace s3  }
0x95: {  	s3 =	sld [smem:$0x3FFD];
	_ =	sdelay $0x3  }
0x96: {  	_ =	strace s3  }
0x97: {  	_ =	strace $0x8FFFFFFF  }
0x98: {  	s19 =	sld [smem:$0x3FDB];
	_ =	sdelay $0x1  }
0x99: {  	s4 =	simm.s32 $_scs_section_size  }
0x9a: {  	s5 =	simm.s32 $_size__tile_overlayer_lowered;
	s6 =	simm.s32 $_tile_overlayer_lowered  }
0x9b: {  	s22 =	simm.s32 $0x1BFF;
	s21 =	sshll.u32 s6, $0x1;
	s3 =	sadd.s32 s4, s19  }
0x9c: {  	s7 =	simm.s32 $0x0;
	s20 =	sshll.u32 s5, $0x1;
	s5 =	sadd.s32 s21, s3  }
0x9d: {  	[timem:s7], [sflag:s22] =	dma.local [hbm:s5], s20  }
0x9e: {  	_ =	swait.ge [sflag:s22], s20  }
0x9f: {  	s4 =	ssub.s32 $0x0, s20;
	[sflag:s22] =	ssyncset.done $0x0  }
0xa0: {  	[sflag:s22] =	ssyncadd.s32 s4;
	_ =	sdelay $0x1  }
0xa1: {  	s23 =	simm.s32 $0x1B8B  }
0xa2: {  	_ =	swait.ge [sflag:s23], $0x1  }
0xa3: {  	[sflag:s23] =	ssyncset.done $0x0  }
0xa4: {  	s25 =	simm.s32 $0x1B8E;
	s24 =	sld [smem:$0x3FFE];
	[sflag:s23] =	ssyncadd.s32 $0xFFFFFFFF  }
0xa5: {  	s26 =	simm.s32 $execute0_lowered;
	[smem:$0x3FD2] =	sst s25  }
0xa6: {  	s5 =	sshll.u32 s26, $0x1;
	_ =	strace $0x80000046;
	[dreg:$0x1] =	wrdreg $0xFFFFFFFF  }
0xa7: {  	s28 =	simm.s32 $_size_execute0_lowered;
	s3 =	sadd.s32 s3, s5;
	[dreg:$0x0] =	wrdreg $0x0  }
0xa8: {  	s5 =	sshll.u32 s28, $0x1;
	[dreg:$0x2] =	wrdreg s3  }
0xa9: {  	[dreg:$0x3] =	wrdreg s5  }
0xaa: {  	[dreg:$0x4] =	wrdreg $0xC0  }
0xab: {  	_ =	task [dreg:s7], $0x5FFFF  }
0xac: {  	[dreg:$0x1] =	wrdreg $0xFFFFFFFF  }
0xad: {  	[dreg:$0x0] =	wrdreg $0x60  }
0xae: {  	[dreg:$0x2] =	wrdreg s2  }
0xaf: {  	[dreg:$0x3] =	wrdreg s24  }
0xb0: {  	[dreg:$0x4] =	wrdreg $0x9  }
0xb1: {  	_ =	task.clear_ibuf [dreg:s7], $0x5FFFF;
	_ =	strace $0x90000046  }
0xb2: {  	s29 =	simm.s32 $0x9;
	_ =	strace $0x8000004F  }
0xb3: {  	_ =	swait.ge [sflag:s29], $0x1  }
0xb4: {  	[sflag:s29] =	ssyncadd.s32 $0xFFFFFFFF  }
0xb5: {  	_ =	strace $0x9000004F  }
0xb6: {  	_ =	sfence  }
0xb7: {  	s30 =	sld [smem:$0x0];
	_ =	sdelay $0x2  }
0xb8: {  	s31 =	sshll.u32 s1, $0xD;
	s1 =	sshrl.u32 s1, $0x2  }
0xb9: {  	s3 =	sand.u32 $0x4000, s31;
	s1 =	sadd.s32 s1, s30  }
0xba: {  	s0 =	sor.u32 s3, s0;
	s1 =	sshll.u32 s1, $0x11  }
0xbb: {  	s0 =	sor.u32 s1, s0  }
0xbc: {  	s0 =	sadd.s32 $0x8F2B, s0  }
0xbd: {  	[sflag:s0] =	ssyncadd.remote.s32 $0x1  }
0xbe: {  	_ =	sfence.sel $0xFFFF  }
0xbf: {  	[dreg:$0x0] =	wrdreg $0xFFFFFFFF;
	(pc) =	sbr.abs _section_cstart, $3  }
0xc0: {  	[dreg:$0x1] =	wrdreg $0xFFFFFFFF  }
0xc1: {  	_ =	task.clear_ibuf [dreg:s7], $0x2FFFF;
	_ =	strace $0x9FFFFFFF  }
0xc2: {  	(tm) =	ssettm $0x7FFFFFFF  }
0xc3: {  	_ =	shalt  }
tec
execute0_lowered:
.L_overlay_start_1:
0x0: {  	(tag) =	ssettag $0x1  }
0x1: {  	s0 =	srdreg.scid;
	s2 =	rddreg [dreg:$0x0]  }
0x2: {  	s6 =	rddreg [dreg:$0x1];
	s1 =	stileid.u32;
	s3 =	simm.s32 $0x0  }
0x3: {  	s11 =	simm.s32 $0x5;
	s12 =	simm.s32 $0x3;
	s5 =	sand.u32 $0x1, s0  }
0x4: {  	s13 =	simm.s32 $0x0;
	s0 =	rddreg [dreg:$0x2];
	s4 =	sshll.u32 s5, $0x4  }
0x5: {  	[smem:$0x7FF] =	sst s3;
	s9 =	ssub.s32 $0x2, s5;
	s7 =	sor.u32 s1, s4  }
0x6: {  	_ =	strace $0x80000047;
	s31 =	sshrl.u32 s9, $0x1;
	s8 =	smul.u32 $0x28, s7  }
0x7: {  	v2 =	vlaneseq.u32;
	s5 =	sadd.s32 $0x3800, s6;
	s4 =	sadd.s32 $0x3200, s6;
	s10 =	ssub.s32 s9, s31  }
0x8: {  	vm0 =	vmmov $0xffff;
	v1 =	vshrl.u32 v2, $0x3;
	s6 =	smul.u32 $0x5, s7;
	s9 =	sadd.s32 $0x200, s2;
	s8 =	sand.u32 $0x7F0, s8  }
0x9: {  	v0 =	vand.u32 $0x7, v2;
	v2 =	vor.u32 $0x8, v2;
	v1 =	vmul.u32 $0x8, v1;
	s10 =	smax.u32 s10, $0x1;
	s7 =	sadd.s32 s4, s8;
	s8 =	sadd.s32 $0x100, s2  }
.LBB2_1:
0xa: {  	_ =	strace $0x80000048;
	s14 =	simm.s32 $0x4  }
0xb: {  	s20 =	simm.s32 $0x0;
	s15 =	simm.s32 $0x0;
	s16 =	simm.s32 $0x0  }
0xc: {  	[tilespmem:s3], [sflag:$0x1] =	stream.linear.gather [hbm4b:s7+s3], $0x80, $0x200038;
	[tilespmem:$0x18100] =	vst v63  }
0xd: {  	s17 =	simm.s32 $0x0;
	s18 =	simm.s32 $0x1;
	_ =	strace $0x90000048  }
.LBB2_2:
0xe: {  	s21 =	sadd.s32 s6, s20;
	s19 =	sadd.s32 $0x1, s20  }
0xf: {  	s22 =	sshrl.u32 s21, $0x1F;
	p0 =	seq.s32 s19, $0x5  }
0x10: {  	p2 =	slt.s32 s21, $0x1;
	s23 =	sadd.s32 s22, s21;
	s19 =	simm.s32 @p0 $0x0  }
0x11: {  	s22 =	sand.u32 $0xFFFFFFFE, s23;
	s24 =	sadd.s32 s6, s19;
	s23 =	sshra.s32 s23, $0x1  }
0x12: {  	p1 =	sne.s32 s21, s22;
	s25 =	sand.u32 $0x1, s24;
	p3 =	slt.s32 s24, $0x1  }
0x13: {  	s26 =	sshrl.u32 s24, $0x1F;
	p0 =	por !p2, !p1;
	p2 =	seq.s32 s25, $0x1  }
0x14: {  	s25 =	simm.s32 $0x1;
	s24 =	sadd.s32 s26, s24;
	p1 =	por !p3, !p2  }
0x15: {  	s26 =	simm.s32 $0x1;
	p0 =	por !p0, !p0;
	p1 =	por !p1, !p1  }
0x16: {  	s24 =	sshra.s32 s24, $0x1;
	s25 =	simm.s32 @!p0 $0x0;
	s26 =	simm.s32 @!p1 $0x0  }
0x17: {  	s23 =	ssub.s32 s23, s25;
	s24 =	ssub.s32 s24, s26  }
0x18: {  	p4 =	sne.s32 s14, $0x0;
	p0 =	sne.s32 s23, s24  }
0x19: {  	p2 =	seq.s32 s20, $0x0;
	s25 =	sadd.s32 $0xFFFFFFFF, s20;
	p1 =	por !p4, !p0  }
0x1a: {  	s25 =	simm.s32 @p2 $0x4;
	p1 =	por !p1, !p1  }
0x1b: {  	s25 =	sadd.s32 s6, s25;
	s26 =	sand.u32 @p1 $0x1, s18;
	s24 =	sshll.u32 @p1 s24, $0x4  }
0x1c: {  	_ =	strace @p1 $0x80000049;
	s29 =	simm.s32 @p1 $0x0;
	s24 =	sand.u32 @p1 $0x1FFFFFF0, s24  }
0x1d: {  	s28 =	sshll.u32 @p1 s26, $0x7;
	s26 =	sadd.s32 @p1 $0x1, s26;
	s24 =	sadd.s32 @p1 s4, s24  }
0x1e: {  	[tilespmem:s28], [sflag:s26] =	stream.linear.gather @p1 [hbm4b:s24+s29], $0x80, $0x200038;
	[tilespmem:$0x18100] =	vst v63  }
0x1f: {  	s26 =	sand.u32 $0x1, s25  }
0x20: {  	p5 =	slt.s32 s25, $0x1;
	p3 =	seq.s32 s26, $0x1  }
0x21: {  	s28 =	sshrl.u32 s25, $0x1F;
	p2 =	por !p5, !p3  }
0x22: {  	s24 =	sadd.s32 s28, s25;
	s25 =	simm.s32 $0x1;
	p2 =	por !p2, !p2  }
0x23: {  	s24 =	sshra.s32 s24, $0x1;
	s25 =	simm.s32 @!p2 $0x0  }
0x24: {  	p2 =	seq.s32 s14, $0x4;
	s24 =	ssub.s32 s24, s25  }
0x25: {  	p3 =	seq.s32 @!p2 s23, s24  }
0x26: {  	p3 =	por p2, !p3  }
0x27: {  	_ =	strace @p1 $0x90000049;
	s23 =	sand.u32 @p3 $0x1, s17  }
0x28: {  	_ =	strace @p3 $0x8000004A;
	s23 =	sadd.s32 @p3 $0x1, s23  }
0x29: {  	_ =	swait.ge @p3 [sflag:s23], $0x80  }
0x2a: {  	s22 =	ssub.s32 s21, s22;
	[sflag:s23] =	ssyncset.done @p3 $0x0  }
0x2b: {  	s22 =	sshll.u32 s22, $0x6;
	s29 =	sshll.u32 s17, $0x7;
	[sflag:s23] =	ssyncadd.s32 @p3 $0xFFFFFF80  }
0x2c: {  	s22 =	sand.u32 $0x40, s22;
	s23 =	sand.u32 $0x80, s29;
	_ =	strace @p3 $0x9000004A  }
0x2d: {  	s25 =	sor.u32 s22, s23;
	_ =	strace $0x8000004B  }
0x2e: {  	v3 =	vld [tilespmem:s25+$0x0];
	_ =	sdelay $0x4  }
0x2f: {  	v4 =	vshrl.u32 v3, $0x3  }
0x30: {  	v4 =	vmul.u32 $0x30, v4  }
0x31: {  	v3 =	vand.u32 $0x7, v3  }
0x32: {  	v3 =	vor.u32 v3, v4  }
0x33: {  	v4 =	vperm.xlane v3, v0;
	_ =	sdelay $0x1  }
0x34: {  	s22 =	sand.u32 $0x1, s16;
	v4 =	vadd.s32 v1, v4  }
0x35: {  	s30 =	smul.u32 $0x30000, s22;
	_ =	sdelay $0x1  }
0x36: {  	s24 =	sshrl.u32 s30, $0x2  }
0x37: {  	s23 =	sor.u32 $0x100, s24;
	v3 =	vperm.xlane v3, v2  }
0x38: {  	[tilespmem:s23], [sflag:$0x5] =	stream.indirect_vreg.gather [hbm4b:s2+s3], $0x80, v4, vm0, $0x2000b8;
	[tilespmem:$0x18100] =	vst v63  }
0x39: {  	s31 =	sor.u32 $0x900, s24;
	v3 =	vadd.s32 v1, v3  }
0x3a: {  	[tilespmem:s31], [sflag:$0x5] =	stream.indirect_vreg.gather [hbm4b:s8+s3], $0x80, v4, vm0, $0x2000b8;
	[tilespmem:$0x18100] =	vst v63  }
0x3b: {  	s28 =	sor.u32 $0x1100, s24  }
0x3c: {  	[tilespmem:s28], [sflag:$0x5] =	stream.indirect_vreg.gather [hbm4b:s9+s3], $0x80, v4, vm0, $0x2000b8;
	[tilespmem:$0x18100] =	vst v63  }
0x3d: {  	s29 =	sor.u32 $0x1900, s24  }
0x3e: {  	[tilespmem:s29], [sflag:$0x5] =	stream.indirect_vreg.gather [hbm4b:s2+s3], $0x80, v3, vm0, $0x2000b8;
	[tilespmem:$0x18100] =	vst v63  }
0x3f: {  	s30 =	sor.u32 $0x2100, s24  }
0x40: {  	[tilespmem:s30], [sflag:$0x5] =	stream.indirect_vreg.gather [hbm4b:s8+s3], $0x80, v3, vm0, $0x2000b8;
	[tilespmem:$0x18100] =	vst v63  }
0x41: {  	s31 =	sor.u32 $0x2900, s24  }
0x42: {  	[tilespmem:s31], [sflag:$0x5] =	stream.indirect_vreg.gather [hbm4b:s9+s3], $0x80, v3, vm0, $0x2000b8;
	[tilespmem:$0x18100] =	vst v63  }
0x43: {  	v3 =	vld [tilespmem:s25+$0x10];
	_ =	sdelay $0x4  }
0x44: {  	v61 =	vshrl.u32 v3, $0x3  }
0x45: {  	v4 =	vmul.u32 $0x30, v61  }
0x46: {  	v3 =	vand.u32 $0x7, v3  }
0x47: {  	v3 =	vor.u32 v3, v4  }
0x48: {  	v4 =	vperm.xlane v3, v0;
	_ =	sdelay $0x1  }
0x49: {  	v4 =	vadd.s32 v1, v4;
	_ =	sdelay $0x3  }
0x4a: {  	s28 =	sor.u32 $0x3100, s24;
	v3 =	vperm.xlane v3, v2  }
0x4b: {  	[tilespmem:s28], [sflag:$0x5] =	stream.indirect_vreg.gather [hbm4b:s2+s3], $0x80, v4, vm0, $0x2000b8;
	[tilespmem:$0x18100] =	vst v63  }
0x4c: {  	s29 =	sor.u32 $0x3900, s24;
	v3 =	vadd.s32 v1, v3  }
0x4d: {  	[tilespmem:s29], [sflag:$0x5] =	stream.indirect_vreg.gather [hbm4b:s8+s3], $0x80, v4, vm0, $0x2000b8;
	[tilespmem:$0x18100] =	vst v63  }
0x4e: {  	s30 =	sadd.s32 $0x4100, s24  }
0x4f: {  	[tilespmem:s30], [sflag:$0x5] =	stream.indirect_vreg.gather [hbm4b:s9+s3], $0x80, v4, vm0, $0x2000b8;
	[tilespmem:$0x18100] =	vst v63  }
0x50: {  	s31 =	sadd.s32 $0x4900, s24  }
0x51: {  	[tilespmem:s31], [sflag:$0x5] =	stream.indirect_vreg.gather [hbm4b:s2+s3], $0x80, v3, vm0, $0x2000b8;
	[tilespmem:$0x18100] =	vst v63  }
0x52: {  	s28 =	sadd.s32 $0x5100, s24  }
0x53: {  	[tilespmem:s28], [sflag:$0x5] =	stream.indirect_vreg.gather [hbm4b:s8+s3], $0x80, v3, vm0, $0x2000b8;
	[tilespmem:$0x18100] =	vst v63  }
0x54: {  	s29 =	sadd.s32 $0x5900, s24  }
0x55: {  	[tilespmem:s29], [sflag:$0x5] =	stream.indirect_vreg.gather [hbm4b:s9+s3], $0x80, v3, vm0, $0x2000b8;
	[tilespmem:$0x18100] =	vst v63  }
0x56: {  	v3 =	vld [tilespmem:s25+$0x20];
	_ =	sdelay $0x4  }
0x57: {  	v62 =	vshrl.u32 v3, $0x3  }
0x58: {  	v4 =	vmul.u32 $0x30, v62  }
0x59: {  	v3 =	vand.u32 $0x7, v3  }
0x5a: {  	v3 =	vor.u32 v3, v4  }
0x5b: {  	v4 =	vperm.xlane v3, v0;
	_ =	sdelay $0x1  }
0x5c: {  	v4 =	vadd.s32 v1, v4;
	_ =	sdelay $0x3  }
0x5d: {  	s30 =	sadd.s32 $0x6100, s24;
	v3 =	vperm.xlane v3, v2  }
0x5e: {  	[tilespmem:s30], [sflag:$0x5] =	stream.indirect_vreg.gather [hbm4b:s2+s3], $0x80, v4, vm0, $0x2000b8;
	[tilespmem:$0x18100] =	vst v63  }
0x5f: {  	s31 =	sadd.s32 $0x6900, s24;
	v3 =	vadd.s32 v1, v3  }
0x60: {  	[tilespmem:s31], [sflag:$0x5] =	stream.indirect_vreg.gather [hbm4b:s8+s3], $0x80, v4, vm0, $0x2000b8;
	[tilespmem:$0x18100] =	vst v63  }
0x61: {  	s28 =	sadd.s32 $0x7100, s24  }
0x62: {  	[tilespmem:s28], [sflag:$0x5] =	stream.indirect_vreg.gather [hbm4b:s9+s3], $0x80, v4, vm0, $0x2000b8;
	[tilespmem:$0x18100] =	vst v63  }
0x63: {  	s29 =	sadd.s32 $0x7900, s24  }
0x64: {  	[tilespmem:s29], [sflag:$0x5] =	stream.indirect_vreg.gather [hbm4b:s2+s3], $0x80, v3, vm0, $0x2000b8;
	[tilespmem:$0x18100] =	vst v63  }
0x65: {  	s30 =	sadd.s32 $0x8100, s24  }
0x66: {  	[tilespmem:s30], [sflag:$0x5] =	stream.indirect_vreg.gather [hbm4b:s8+s3], $0x80, v3, vm0, $0x2000b8;
	[tilespmem:$0x18100] =	vst v63  }
0x67: {  	s31 =	sadd.s32 $0x8900, s24  }
0x68: {  	[tilespmem:s31], [sflag:$0x5] =	stream.indirect_vreg.gather [hbm4b:s9+s3], $0x80, v3, vm0, $0x2000b8;
	[tilespmem:$0x18100] =	vst v63  }
0x69: {  	v3 =	vld [tilespmem:s25+$0x30];
	_ =	sdelay $0x4  }
0x6a: {  	v63 =	vshrl.u32 v3, $0x3  }
0x6b: {  	v4 =	vmul.u32 $0x30, v63  }
0x6c: {  	v3 =	vand.u32 $0x7, v3  }
0x6d: {  	v3 =	vor.u32 v3, v4  }
0x6e: {  	v4 =	vperm.xlane v3, v0;
	_ =	sdelay $0x1  }
0x6f: {  	v4 =	vadd.s32 v1, v4;
	_ =	sdelay $0x3  }
0x70: {  	s26 =	sadd.s32 $0x9100, s24;
	v3 =	vperm.xlane v3, v2  }
0x71: {  	[tilespmem:s26], [sflag:$0x5] =	stream.indirect_vreg.gather [hbm4b:s2+s3], $0x80, v4, vm0, $0x2000b8;
	[tilespmem:$0x18100] =	vst v63  }
0x72: {  	s28 =	sadd.s32 $0x9900, s24;
	v3 =	vadd.s32 v1, v3  }
0x73: {  	[tilespmem:s28], [sflag:$0x5] =	stream.indirect_vreg.gather [hbm4b:s8+s3], $0x80, v4, vm0, $0x2000b8;
	[tilespmem:$0x18100] =	vst v63  }
0x74: {  	s29 =	sadd.s32 $0xA100, s24  }
0x75: {  	[tilespmem:s29], [sflag:$0x5] =	stream.indirect_vreg.gather [hbm4b:s9+s3], $0x80, v4, vm0, $0x2000b8;
	[tilespmem:$0x18100] =	vst v63  }
0x76: {  	s30 =	sadd.s32 $0xA900, s24  }
0x77: {  	[tilespmem:s30], [sflag:$0x5] =	stream.indirect_vreg.gather [hbm4b:s2+s3], $0x80, v3, vm0, $0x2000b8;
	[tilespmem:$0x18100] =	vst v63  }
0x78: {  	s31 =	sadd.s32 $0xB100, s24  }
0x79: {  	[tilespmem:s31], [sflag:$0x5] =	stream.indirect_vreg.gather [hbm4b:s8+s3], $0x80, v3, vm0, $0x2000b8;
	[tilespmem:$0x18100] =	vst v63  }
0x7a: {  	p6 =	seq.s32 s14, $0x0;
	p4 =	sne.s32 s20, s19;
	s24 =	sadd.s32 $0xB900, s24  }
0x7b: {  	[tilespmem:s24], [sflag:$0x5] =	stream.indirect_vreg.gather [hbm4b:s9+s3], $0x80, v3, vm0, $0x2000b8;
	[tilespmem:$0x18100] =	vst v63  }
0x7c: {  	p4 =	por p6, p4;
	_ =	swait.ge [sflag:s11], $0xC000  }
0x7d: {  	s20 =	smul.u32 @p4 $0x1800, s21;
	[sflag:s11] =	ssyncset.done $0x0  }
0x7e: {  	[sflag:s11] =	ssyncadd.s32 $0xFFFF4000  }
0x7f: {  	s20 =	sadd.s32 @p4 s5, s20;
	_ =	strace $0x9000004B  }
0x80: {  	s21 =	sadd.s32 @p4 $0x3, s22;
	s22 =	simm.s32 @p4 $0x0;
	_ =	strace @p4 $0x8000004C  }
0x81: {  	[hbm4b:s20+s22] =	stream.linear.scatter @p4 [tilespmem:s23], [sflag:s21], $0xC000, $0x200038;
	[tilespmem:$0x18100] =	vst v63  }
0x82: {  	s21 =	sand.u32 @!p2 $0x1, s15;
	_ =	strace @p4 $0x9000004C  }
0x83: {  	s21 =	sadd.s32 @!p2 $0x3, s21;
	_ =	strace @!p2 $0x8000004D  }
0x84: {  	p0 =	por p6, p0;
	s20 =	simm.s32 $0x1;
	_ =	swait.ge @!p2 [sflag:s21], $0xC000  }
0x85: {  	s20 =	simm.s32 @!p1 $0x0;
	p1 =	sne.s32 s14, $0x4;
	[sflag:s21] =	ssyncset.done @!p2 $0x0  }
0x86: {  	s14 =	sadd.s32 $0xFFFFFFFF, s14;
	[sflag:s21] =	ssyncadd.s32 @!p2 $0xFFFF4000;
	s21 =	simm.s32 $0x1  }
0x87: {  	s21 =	simm.s32 @!p0 $0x0;
	p0 =	sne.s32 s14, $0xFFFFFFFF  }
.Ltmp0:
0x88: {  	_ = 	snop;
	(pc) =	sbr.rel @p0 .LBB2_2-.Ltmp0, $4  }
0x89: {  	s22 =	simm.s32 $0x1;
	s18 =	sadd.s32 s20, s18;
	s20 =	simm.s32 $0x1  }
0x8a: {  	s22 =	simm.s32 @!p4 $0x0;
	s20 =	simm.s32 @!p1 $0x0  }
0x8b: {  	s16 =	sadd.s32 s22, s16;
	s15 =	sadd.s32 s20, s15  }
0x8c: {  	s20 =	smov.u32 s19;
	_ =	strace @!p2 $0x9000004D;
	s17 =	sadd.s32 s21, s17  }
0x8d: {  	s13 =	sadd.s32 $0x1, s13  }
0x8e: {  	p0 =	sne.s32 s13, s10  }
.Ltmp1:
0x8f: {  	_ =	strace $0x8000004E;
	(pc) =	sbr.rel @p0 .LBB2_1-.Ltmp1, $4  }
0x90: {  	_ =	swait.ge [sflag:s12], $0xC000  }
0x91: {  	[sflag:s12] =	ssyncset.done $0x0  }
0x92: {  	[sflag:s12] =	ssyncadd.s32 $0xFFFF4000  }
0x93: {  	_ =	strace $0x9000004E  }
0x94: {  	_ =	sfence.sel $0x180000  }
0x95: {  	[bflag:$0x0] =	sbarrier.arrive $0xFFFF  }
0x96: {  	p0 =	sne.s32 s1, $0x0;
	_ =	strace $0x90000047  }
0x97: {  	s0 =	sadd.s32 @!p0 $0x100000, s0;
	[bflag:$0x2] =	sbarrier.arrive $0xFFFF  }
0x98: {  	[sflag:s0] =	ssyncadd.tile.s32 @!p0 $0x1;
	_ =	shalt  }
.Lfunc_end2:
_tile_overlayer_lowered:
.L_overlay_start_2:
0x99: {  	(tag) =	ssettag $0x2  }
0x9a: {  	s0 =	rddreg [dreg:$0x0];
	s2 =	stileid.u32  }
0x9b: {  	s1 =	rddreg [dreg:$0x1];
	p0 =	sne.s32 s2, $0x0  }
0x9c: {  	s3 =	rddreg [dreg:$0x2];
	[bflag:$0x3] =	sbarrier.arrive $0xFFFF;
	s2 =	simm.s32 @!p0 $0x1C01  }
0x9d: {  	[timem:s3], [sflag:s2] =	dma.local @!p0 [hbm:s0], s1  }
0x9e: {  	s0 =	simm.s32 @!p0 $0x1  }
0x9f: {  	_ =	swait.ge @!p0 [sflag:s0], s1  }
0xa0: {  	s1 =	ssub.s32 @!p0 $0x0, s1;
	[sflag:s0] =	ssyncset.done @!p0 $0x0  }
0xa1: {  	[sflag:s0] =	ssyncadd.s32 @!p0 s1  }
0xa2: {  	[bflag:$0x3] =	sbarrier.arrive $0xFFFF  }
0xa3: {  	_ =	shalt  }

// kernel: kernel.15.cloned.1.call-start
scs
__scs_entry_jumppad:
0x0: {  	(pc) =	sbr.rel $0x88, $3  }
0x1: {  	(tag) =	ssettag $0x0;
	lr =	simm.s32 $0x1  }
0x2: {  	[smem:$0x3F9C] =	sst lr;
	_ =	strace $0xD0000000  }
0x3: {  	_ = 	snop  }
0x4: {  	_ = 	snop  }
0x5: {  	_ = 	snop  }
0x6: {  	_ = 	snop  }
0x7: {  	_ = 	snop  }
__scs_overlays_trampoline_lowered:
0x8: {  	[smem:$0x3FAB] =	sst s0  }
0x9: {  	[smem:$0x3FAC] =	sst s1  }
0xa: {  	[smem:$0x3FAD] =	sst s2  }
0xb: {  	[smem:$0x3FAE] =	sst s3  }
0xc: {  	[smem:$0x3FAF] =	sst s4  }
0xd: {  	[smem:$0x3FB0] =	sst s5  }
0xe: {  	[smem:$0x3FB1] =	sst s6  }
0xf: {  	[smem:$0x3FB2] =	sst s7  }
0x10: {  	[smem:$0x3FB3] =	sst s8  }
0x11: {  	[smem:$0x3FB4] =	sst s9;
	s0 =	simm.s32 @!p0 $0x0  }
0x12: {  	s1 =	sld [smem:$0x3F9A];
	s0 =	simm.s32 @p0 $0x1  }
0x13: {  	[smem:$0x3FB5] =	sst s0;
	s0 =	simm.s32 @!p1 $0x0  }
0x14: {  	s2 =	sld [smem:$0x3F99];
	s0 =	simm.s32 @p1 $0x1  }
0x15: {  	[smem:$0x3FB6] =	sst s0;
	s0 =	simm.s32 @!p2 $0x0  }
0x16: {  	s3 =	sld [smem:$0x3FDB];
	s0 =	simm.s32 @p2 $0x1  }
0x17: {  	s4 =	simm.s32 $0x1BF5;
	[smem:$0x3FB8] =	sst s0  }
0x18: {  	s0 =	sld [smem:$0x3F9B];
	_ =	swait.ge [sflag:s4], $0x0  }
0x19: {  	s7 =	sld [smem:$0x3F9C]  }
0x1a: {  	s8 =	sadd.s32 $0xFFFFE003, lr  }
0x1b: {  	s9 =	sadd.s32 $0xFFFFFEF7, lr;
	s5 =	simm.s32 $0xFFFFFFFF;
	p2 =	slt.u32 s8, $0xFFFFF086  }
0x1c: {  	p1 =	slt.u32 s9, $0xF7A;
	s5 =	simm.s32 @!p2 $0x0  }
0x1d: {  	s5 =	simm.s32 @p1 $0x1;
	p0 =	seq.s32 s7, s2  }
0x1e: {  	s7 =	smul.u32 @!p0 $0xF7A, s2;
	p2 =	seq.s32 @!p0 s5, $0x0  }
0x1f: {  	s9 =	smul.u32 $0xF7A, s1;
	s8 =	simm.s32 @!p0 $0x1BF5;
	p2 =	por !p2, p0  }
0x20: {  	[sflag:s8] =	ssyncset.s32 @!p0 $0xFFFFF086;
	s6 =	sadd.s32 @!p0 s3, s7;
	s7 =	simm.s32 @!p0 $0x108  }
0x21: {  	s3 =	sadd.s32 s3, s9;
	s6 =	sadd.s32 @!p0 $0x88, s6;
	s7 =	simm.s32 @p2 $0x1082  }
0x22: {  	[simem:s7], [sflag:s8] =	dma.local @!p0 [hbm:s6], $0xF7A  }
0x23: {  	s9 =	sor.u32 $0xD0000000, s2;
	s6 =	simm.s32 $0x108;
	_ =	swait.ge @!p0 [sflag:s8], $0x0  }
0x24: {  	s3 =	sadd.s32 $0x88, s3;
	s6 =	simm.s32 @!p1 $0x1082;
	[sflag:s4] =	ssyncset.s32 $0xFFFFF086  }
0x25: {  	[simem:s6], [sflag:s4] =	dma.local [hbm:s3], $0xF7A  }
0x26: {  	[smem:$0x3F9C] =	sst s1;
	(tag) =	ssettag s2;
	_ =	strace s9  }
0x27: {  	s1 =	sld [smem:$0x3FAC]  }
0x28: {  	s2 =	sld [smem:$0x3FAD]  }
0x29: {  	s4 =	sld [smem:$0x3FAF]  }
0x2a: {  	p0 =	seq.s32 s5, $0x0;
	s5 =	sld [smem:$0x3FB0]  }
0x2b: {  	s6 =	sld [smem:$0x3FB1]  }
0x2c: {  	s7 =	sld [smem:$0x3FB2]  }
0x2d: {  	s3 =	simm.s32 $0x108;
	s8 =	sld [smem:$0x3FB3]  }
0x2e: {  	s3 =	simm.s32 @!p0 $0x1082;
	s9 =	sld [smem:$0x3FB4]  }
0x2f: {  	lr =	sadd.s32 s0, s3;
	s0 =	sld [smem:$0x3FAB]  }
0x30: {  	s3 =	sld [smem:$0x3FAE]  }
0x31: {  	[smem:$0x3FB7] =	sst s10  }
0x32: {  	s10 =	sld [smem:$0x3FB5];
	_ =	sdelay $0x3  }
0x33: {  	p0 =	seq.s32 s10, $0x1;
	s10 =	sld [smem:$0x3FB7];
	_ =	sdelay $0x3  }
0x34: {  	[smem:$0x3FB7] =	sst s10  }
0x35: {  	s10 =	sld [smem:$0x3FB6];
	_ =	sdelay $0x3  }
0x36: {  	p1 =	seq.s32 s10, $0x1;
	s10 =	sld [smem:$0x3FB7];
	_ =	sdelay $0x3  }
0x37: {  	[smem:$0x3FB7] =	sst s10  }
0x38: {  	s10 =	sld [smem:$0x3FB8]  }
0x39: {  	_ = 	snop;
	(pc) =	sbr.ind lr, $3  }
0x3a: {  	_ = 	snop  }
0x3b: {  	_ = 	snop  }
0x3c: {  	p2 =	seq.s32 s10, $0x1;
	s10 =	sld [smem:$0x3FB7]  }
0x3d: {  	_ =	shalt  }
0x3e: {  	_ =	shalt  }
0x3f: {  	_ =	shalt  }
0x40: {  	_ =	shalt  }
0x41: {  	_ =	shalt  }
0x42: {  	_ =	shalt  }
0x43: {  	_ =	shalt  }
0x44: {  	_ =	shalt  }
0x45: {  	_ =	shalt  }
0x46: {  	_ =	shalt  }
0x47: {  	_ =	shalt  }
0x48: {  	_ =	shalt  }
0x49: {  	_ =	shalt  }
0x4a: {  	_ =	shalt  }
0x4b: {  	_ =	shalt  }
0x4c: {  	_ =	shalt  }
0x4d: {  	_ =	shalt  }
0x4e: {  	_ =	shalt  }
0x4f: {  	_ =	shalt  }
0x50: {  	_ =	shalt  }
0x51: {  	_ =	shalt  }
0x52: {  	_ =	shalt  }
0x53: {  	_ =	shalt  }
0x54: {  	_ =	shalt  }
0x55: {  	_ =	shalt  }
0x56: {  	_ =	shalt  }
0x57: {  	_ =	shalt  }
0x58: {  	_ =	shalt  }
0x59: {  	_ =	shalt  }
0x5a: {  	_ =	shalt  }
0x5b: {  	_ =	shalt  }
0x5c: {  	_ =	shalt  }
0x5d: {  	_ =	shalt  }
0x5e: {  	_ =	shalt  }
0x5f: {  	_ =	shalt  }
0x60: {  	_ =	shalt  }
0x61: {  	_ =	shalt  }
0x62: {  	_ =	shalt  }
0x63: {  	_ =	shalt  }
0x64: {  	_ =	shalt  }
0x65: {  	_ =	shalt  }
0x66: {  	_ =	shalt  }
0x67: {  	_ =	shalt  }
0x68: {  	_ =	shalt  }
0x69: {  	_ =	shalt  }
0x6a: {  	_ =	shalt  }
0x6b: {  	_ =	shalt  }
0x6c: {  	_ =	shalt  }
0x6d: {  	_ =	shalt  }
0x6e: {  	_ =	shalt  }
0x6f: {  	_ =	shalt  }
0x70: {  	_ =	shalt  }
0x71: {  	_ =	shalt  }
0x72: {  	_ =	shalt  }
0x73: {  	_ =	shalt  }
0x74: {  	_ =	shalt  }
0x75: {  	_ =	shalt  }
0x76: {  	_ =	shalt  }
0x77: {  	_ =	shalt  }
0x78: {  	_ =	shalt  }
0x79: {  	_ =	shalt  }
0x7a: {  	_ =	shalt  }
0x7b: {  	_ =	shalt  }
0x7c: {  	_ =	shalt  }
0x7d: {  	_ =	shalt  }
0x7e: {  	_ =	shalt  }
0x7f: {  	_ =	shalt  }
0x80: {  	_ =	shalt  }
0x81: {  	_ =	shalt  }
0x82: {  	_ =	shalt  }
0x83: {  	_ =	shalt  }
0x84: {  	_ =	shalt  }
0x85: {  	_ =	shalt  }
0x86: {  	_ =	shalt  }
0x87: {  	_ =	shalt  }
.Lfunc_end0:
.L_simem_size_0:
called_computation.1_lowered:
.L_overlay_start_0:
0x88: {  	s2 =	sld [smem:$0x3FD9]  }
0x89: {  	s3 =	sld [smem:$0x3FFE];
	_ =	sdelay $0x1  }
0x8a: {  	s1 =	srdreg.scid  }
0x8b: {  	s0 =	sand.u32 $0x1, s1  }
0x8c: {  	s17 =	sshll.u32 s0, $0xA;
	s2 =	sadd.s32 s3, s2  }
0x8d: {  	s2 =	sadd.s32 s2, s17  }
0x8e: {  	[smem:$0x3FC3] =	sst s2  }
0x8f: {  	_ = 	snop  }
0x90: {  	s18 =	sld [smem:$0x3FC8];
	(tm) =	ssettm $0x1  }
0x91: {  	s19 =	sld [smem:$0x3FFB];
	_ =	sdelay $0x3  }
0x92: {  	_ =	strace s19  }
0x93: {  	s2 =	sld [smem:$0x3FFC];
	_ =	sdelay $0x3  }
0x94: {  	_ =	strace s2  }
0x95: {  	s2 =	sld [smem:$0x3FFD];
	_ =	sdelay $0x3  }
0x96: {  	_ =	strace s2  }
0x97: {  	_ =	strace $0x8FFFFFFF  }
0x98: {  	s20 =	sld [smem:$0x3FDB];
	_ =	sdelay $0x1  }
0x99: {  	s4 =	simm.s32 $_scs_section_size  }
0x9a: {  	s5 =	simm.s32 $_size__tile_overlayer_lowered;
	s6 =	simm.s32 $_tile_overlayer_lowered  }
0x9b: {  	s7 =	simm.s32 $0x1BFF;
	s21 =	sshll.u32 s6, $0x1;
	s4 =	sadd.s32 s4, s20  }
0x9c: {  	s22 =	simm.s32 $0x0;
	s5 =	sshll.u32 s5, $0x1;
	s6 =	sadd.s32 s21, s4  }
0x9d: {  	[timem:s22], [sflag:s7] =	dma.local [hbm:s6], s5  }
0x9e: {  	_ =	swait.ge [sflag:s7], s5  }
0x9f: {  	s5 =	ssub.s32 $0x0, s5;
	[sflag:s7] =	ssyncset.done $0x0  }
0xa0: {  	[sflag:s7] =	ssyncadd.s32 s5;
	_ =	sdelay $0x1  }
0xa1: {  	s23 =	simm.s32 $0x1B8B  }
0xa2: {  	_ =	swait.ge [sflag:s23], $0x1  }
0xa3: {  	[sflag:s23] =	ssyncset.done $0x0  }
0xa4: {  	[sflag:s23] =	ssyncadd.s32 $0xFFFFFFFF  }
0xa5: {  	s5 =	sld [smem:$0x0]  }
0xa6: {  	s6 =	sand.u32 $0xFFFFFFFE, s1  }
0xa7: {  	p0 =	sne.s32 s1, s6  }
0xa8: {  	s6 =	sshll.u32 @p0 s6, $0xE  }
0xa9: {  	s6 =	sadd.s32 @p0 $0x11B8D, s6;
	s7 =	sshll.u32 @p0 s5, $0x11  }
0xaa: {  	s6 =	sor.u32 @p0 s7, s6  }
0xab: {  	[sflag:s6] =	ssyncadd.remote.s32 @p0 $0x1;
	_ =	sdelay $0x1  }
0xac: {  	s6 =	simm.s32 @p0 $0x1B8D  }
0xad: {  	_ =	swait.eq @p0 [sflag:s6], $0x1  }
0xae: {  	[sflag:s6] =	ssyncadd.s32 @p0 $0xFFFFFFFF  }
0xaf: {  	s7 =	sshll.u32 @!p0 s1, $0xE  }
0xb0: {  	s7 =	sor.u32 @!p0 $0x4000, s7;
	s6 =	simm.s32 @!p0 $0x1B8D  }
0xb1: {  	s5 =	sshll.u32 @!p0 s5, $0x11;
	s7 =	sadd.s32 @!p0 $0x11B8D, s7;
	_ =	swait.eq @!p0 [sflag:s6], $0x1  }
0xb2: {  	s5 =	sor.u32 @!p0 s5, s7;
	[sflag:s6] =	ssyncadd.s32 @!p0 $0xFFFFFFFF  }
0xb3: {  	s25 =	simm.s32 $0x1B8E;
	s24 =	sld [smem:$0x3FFE];
	[sflag:s5] =	ssyncadd.remote.s32 @!p0 $0x1  }
0xb4: {  	s26 =	simm.s32 $execute0_lowered;
	[smem:$0x3FD2] =	sst s25  }
0xb5: {  	s6 =	sshll.u32 s26, $0x1;
	_ =	strace $0x80000050;
	[dreg:$0x1] =	wrdreg $0xFFFFFFFF  }
0xb6: {  	s28 =	simm.s32 $_size_execute0_lowered;
	s4 =	sadd.s32 s4, s6;
	[dreg:$0x0] =	wrdreg $0x0  }
0xb7: {  	s6 =	sshll.u32 s28, $0x1;
	[dreg:$0x2] =	wrdreg s4  }
0xb8: {  	[dreg:$0x3] =	wrdreg s6  }
0xb9: {  	[dreg:$0x4] =	wrdreg $0xC0  }
0xba: {  	_ =	task [dreg:s22], $0x5FFFF  }
0xbb: {  	[dreg:$0x1] =	wrdreg $0xFFFFFFFF  }
0xbc: {  	[dreg:$0x0] =	wrdreg $0x60  }
0xbd: {  	[dreg:$0x2] =	wrdreg s18  }
0xbe: {  	[dreg:$0x3] =	wrdreg s24  }
0xbf: {  	[dreg:$0x4] =	wrdreg $0xA  }
0xc0: {  	_ =	task.clear_ibuf [dreg:s22], $0x5FFFF;
	_ =	strace $0x90000050  }
0xc1: {  	s29 =	simm.s32 $0xA;
	_ =	strace $0x80000059  }
0xc2: {  	_ =	swait.ge [sflag:s29], $0x1  }
0xc3: {  	[sflag:s29] =	ssyncadd.s32 $0xFFFFFFFF  }
0xc4: {  	_ =	strace $0x90000059  }
0xc5: {  	_ =	sfence  }
0xc6: {  	s30 =	sld [smem:$0x0];
	_ =	sdelay $0x2  }
0xc7: {  	s31 =	sshll.u32 s1, $0xD;
	s1 =	sshrl.u32 s1, $0x2  }
0xc8: {  	s4 =	sand.u32 $0x4000, s31;
	s1 =	sadd.s32 s1, s30  }
0xc9: {  	s0 =	sor.u32 s4, s0;
	s1 =	sshll.u32 s1, $0x11  }
0xca: {  	s0 =	sor.u32 s1, s0  }
0xcb: {  	s0 =	sadd.s32 $0x8F2B, s0  }
0xcc: {  	[sflag:s0] =	ssyncadd.remote.s32 $0x1  }
0xcd: {  	_ =	sfence.sel $0xFFFF  }
0xce: {  	[dreg:$0x0] =	wrdreg $0xFFFFFFFF;
	(pc) =	sbr.abs _section_cstart, $3  }
0xcf: {  	[dreg:$0x1] =	wrdreg $0xFFFFFFFF  }
0xd0: {  	_ =	task.clear_ibuf [dreg:s22], $0x2FFFF;
	_ =	strace $0x9FFFFFFF  }
0xd1: {  	(tm) =	ssettm $0x7FFFFFFF  }
tec
execute0_lowered:
.L_overlay_start_1:
0x0: {  	(tag) =	ssettag $0x1  }
0x1: {  	s0 =	srdreg.scid;
	s2 =	rddreg [dreg:$0x0]  }
0x2: {  	s6 =	rddreg [dreg:$0x1];
	s1 =	stileid.u32;
	s3 =	simm.s32 $0x0  }
0x3: {  	s11 =	simm.s32 $0x5;
	s12 =	simm.s32 $0x3;
	s5 =	sand.u32 $0x1, s0  }
0x4: {  	s13 =	simm.s32 $0x0;
	s0 =	rddreg [dreg:$0x2];
	s4 =	sshll.u32 s5, $0x4  }
0x5: {  	[smem:$0x7FF] =	sst s3;
	s9 =	ssub.s32 $0x2, s5;
	s7 =	sor.u32 s1, s4  }
0x6: {  	_ =	strace $0x80000051;
	s31 =	sshrl.u32 s9, $0x1;
	s8 =	smul.u32 $0x28, s7  }
0x7: {  	v2 =	vlaneseq.u32;
	s5 =	sadd.s32 $0xF3E00, s6;
	s4 =	sadd.s32 $0xF3800, s6;
	s10 =	ssub.s32 s9, s31  }
0x8: {  	vm0 =	vmmov $0xffff;
	v1 =	vshrl.u32 v2, $0x3;
	s6 =	smul.u32 $0x5, s7;
	s9 =	sadd.s32 $0x200, s2;
	s8 =	sand.u32 $0x7F0, s8  }
0x9: {  	v0 =	vand.u32 $0x7, v2;
	v2 =	vor.u32 $0x8, v2;
	v1 =	vmul.u32 $0x8, v1;
	s10 =	smax.u32 s10, $0x1;
	s7 =	sadd.s32 s4, s8;
	s8 =	sadd.s32 $0x100, s2  }
.LBB2_1:
0xa: {  	_ =	strace $0x80000052;
	s14 =	simm.s32 $0x4  }
0xb: {  	s20 =	simm.s32 $0x0;
	s15 =	simm.s32 $0x0;
	s16 =	simm.s32 $0x0  }
0xc: {  	[tilespmem:s3], [sflag:$0x1] =	stream.linear.gather [hbm4b:s7+s3], $0x80, $0x200038;
	[tilespmem:$0x18100] =	vst v63  }
0xd: {  	s17 =	simm.s32 $0x0;
	s18 =	simm.s32 $0x1;
	_ =	strace $0x90000052  }
.LBB2_2:
0xe: {  	s21 =	sadd.s32 s6, s20;
	s19 =	sadd.s32 $0x1, s20  }
0xf: {  	s22 =	sshrl.u32 s21, $0x1F;
	p0 =	seq.s32 s19, $0x5  }
0x10: {  	p2 =	slt.s32 s21, $0x1;
	s23 =	sadd.s32 s22, s21;
	s19 =	simm.s32 @p0 $0x0  }
0x11: {  	s22 =	sand.u32 $0xFFFFFFFE, s23;
	s24 =	sadd.s32 s6, s19;
	s23 =	sshra.s32 s23, $0x1  }
0x12: {  	p1 =	sne.s32 s21, s22;
	s25 =	sand.u32 $0x1, s24;
	p3 =	slt.s32 s24, $0x1  }
0x13: {  	s26 =	sshrl.u32 s24, $0x1F;
	p0 =	por !p2, !p1;
	p2 =	seq.s32 s25, $0x1  }
0x14: {  	s25 =	simm.s32 $0x1;
	s24 =	sadd.s32 s26, s24;
	p1 =	por !p3, !p2  }
0x15: {  	s26 =	simm.s32 $0x1;
	p0 =	por !p0, !p0;
	p1 =	por !p1, !p1  }
0x16: {  	s24 =	sshra.s32 s24, $0x1;
	s25 =	simm.s32 @!p0 $0x0;
	s26 =	simm.s32 @!p1 $0x0  }
0x17: {  	s23 =	ssub.s32 s23, s25;
	s24 =	ssub.s32 s24, s26  }
0x18: {  	p4 =	sne.s32 s14, $0x0;
	p0 =	sne.s32 s23, s24  }
0x19: {  	p2 =	seq.s32 s20, $0x0;
	s25 =	sadd.s32 $0xFFFFFFFF, s20;
	p1 =	por !p4, !p0  }
0x1a: {  	s25 =	simm.s32 @p2 $0x4;
	p1 =	por !p1, !p1  }
0x1b: {  	s25 =	sadd.s32 s6, s25;
	s26 =	sand.u32 @p1 $0x1, s18;
	s24 =	sshll.u32 @p1 s24, $0x4  }
0x1c: {  	_ =	strace @p1 $0x80000053;
	s29 =	simm.s32 @p1 $0x0;
	s24 =	sand.u32 @p1 $0x1FFFFFF0, s24  }
0x1d: {  	s28 =	sshll.u32 @p1 s26, $0x7;
	s26 =	sadd.s32 @p1 $0x1, s26;
	s24 =	sadd.s32 @p1 s4, s24  }
0x1e: {  	[tilespmem:s28], [sflag:s26] =	stream.linear.gather @p1 [hbm4b:s24+s29], $0x80, $0x200038;
	[tilespmem:$0x18100] =	vst v63  }
0x1f: {  	s26 =	sand.u32 $0x1, s25  }
0x20: {  	p5 =	slt.s32 s25, $0x1;
	p3 =	seq.s32 s26, $0x1  }
0x21: {  	s28 =	sshrl.u32 s25, $0x1F;
	p2 =	por !p5, !p3  }
0x22: {  	s24 =	sadd.s32 s28, s25;
	s25 =	simm.s32 $0x1;
	p2 =	por !p2, !p2  }
0x23: {  	s24 =	sshra.s32 s24, $0x1;
	s25 =	simm.s32 @!p2 $0x0  }
0x24: {  	p2 =	seq.s32 s14, $0x4;
	s24 =	ssub.s32 s24, s25  }
0x25: {  	p3 =	seq.s32 @!p2 s23, s24  }
0x26: {  	p3 =	por p2, !p3  }
0x27: {  	_ =	strace @p1 $0x90000053;
	s23 =	sand.u32 @p3 $0x1, s17  }
0x28: {  	_ =	strace @p3 $0x80000054;
	s23 =	sadd.s32 @p3 $0x1, s23  }
0x29: {  	_ =	swait.ge @p3 [sflag:s23], $0x80  }
0x2a: {  	s22 =	ssub.s32 s21, s22;
	[sflag:s23] =	ssyncset.done @p3 $0x0  }
0x2b: {  	s22 =	sshll.u32 s22, $0x6;
	s29 =	sshll.u32 s17, $0x7;
	[sflag:s23] =	ssyncadd.s32 @p3 $0xFFFFFF80  }
0x2c: {  	s22 =	sand.u32 $0x40, s22;
	s23 =	sand.u32 $0x80, s29;
	_ =	strace @p3 $0x90000054  }
0x2d: {  	s25 =	sor.u32 s22, s23;
	_ =	strace $0x80000055  }
0x2e: {  	v3 =	vld [tilespmem:s25+$0x0];
	_ =	sdelay $0x4  }
0x2f: {  	v4 =	vshrl.u32 v3, $0x3  }
0x30: {  	v4 =	vmul.u32 $0x30, v4  }
0x31: {  	v3 =	vand.u32 $0x7, v3  }
0x32: {  	v3 =	vor.u32 v3, v4  }
0x33: {  	v4 =	vperm.xlane v3, v0;
	_ =	sdelay $0x1  }
0x34: {  	s22 =	sand.u32 $0x1, s16;
	v4 =	vadd.s32 v1, v4  }
0x35: {  	s30 =	smul.u32 $0x30000, s22;
	_ =	sdelay $0x1  }
0x36: {  	s24 =	sshrl.u32 s30, $0x2  }
0x37: {  	s23 =	sor.u32 $0x100, s24;
	v3 =	vperm.xlane v3, v2  }
0x38: {  	[tilespmem:s23], [sflag:$0x5] =	stream.indirect_vreg.gather [hbm4b:s2+s3], $0x80, v4, vm0, $0x2000b8;
	[tilespmem:$0x18100] =	vst v63  }
0x39: {  	s31 =	sor.u32 $0x900, s24;
	v3 =	vadd.s32 v1, v3  }
0x3a: {  	[tilespmem:s31], [sflag:$0x5] =	stream.indirect_vreg.gather [hbm4b:s8+s3], $0x80, v4, vm0, $0x2000b8;
	[tilespmem:$0x18100] =	vst v63  }
0x3b: {  	s28 =	sor.u32 $0x1100, s24  }
0x3c: {  	[tilespmem:s28], [sflag:$0x5] =	stream.indirect_vreg.gather [hbm4b:s9+s3], $0x80, v4, vm0, $0x2000b8;
	[tilespmem:$0x18100] =	vst v63  }
0x3d: {  	s29 =	sor.u32 $0x1900, s24  }
0x3e: {  	[tilespmem:s29], [sflag:$0x5] =	stream.indirect_vreg.gather [hbm4b:s2+s3], $0x80, v3, vm0, $0x2000b8;
	[tilespmem:$0x18100] =	vst v63  }
0x3f: {  	s30 =	sor.u32 $0x2100, s24  }
0x40: {  	[tilespmem:s30], [sflag:$0x5] =	stream.indirect_vreg.gather [hbm4b:s8+s3], $0x80, v3, vm0, $0x2000b8;
	[tilespmem:$0x18100] =	vst v63  }
0x41: {  	s31 =	sor.u32 $0x2900, s24  }
0x42: {  	[tilespmem:s31], [sflag:$0x5] =	stream.indirect_vreg.gather [hbm4b:s9+s3], $0x80, v3, vm0, $0x2000b8;
	[tilespmem:$0x18100] =	vst v63  }
0x43: {  	v3 =	vld [tilespmem:s25+$0x10];
	_ =	sdelay $0x4  }
0x44: {  	v61 =	vshrl.u32 v3, $0x3  }
0x45: {  	v4 =	vmul.u32 $0x30, v61  }
0x46: {  	v3 =	vand.u32 $0x7, v3  }
0x47: {  	v3 =	vor.u32 v3, v4  }
0x48: {  	v4 =	vperm.xlane v3, v0;
	_ =	sdelay $0x1  }
0x49: {  	v4 =	vadd.s32 v1, v4;
	_ =	sdelay $0x3  }
0x4a: {  	s28 =	sor.u32 $0x3100, s24;
	v3 =	vperm.xlane v3, v2  }
0x4b: {  	[tilespmem:s28], [sflag:$0x5] =	stream.indirect_vreg.gather [hbm4b:s2+s3], $0x80, v4, vm0, $0x2000b8;
	[tilespmem:$0x18100] =	vst v63  }
0x4c: {  	s29 =	sor.u32 $0x3900, s24;
	v3 =	vadd.s32 v1, v3  }
0x4d: {  	[tilespmem:s29], [sflag:$0x5] =	stream.indirect_vreg.gather [hbm4b:s8+s3], $0x80, v4, vm0, $0x2000b8;
	[tilespmem:$0x18100] =	vst v63  }
0x4e: {  	s30 =	sadd.s32 $0x4100, s24  }
0x4f: {  	[tilespmem:s30], [sflag:$0x5] =	stream.indirect_vreg.gather [hbm4b:s9+s3], $0x80, v4, vm0, $0x2000b8;
	[tilespmem:$0x18100] =	vst v63  }
0x50: {  	s31 =	sadd.s32 $0x4900, s24  }
0x51: {  	[tilespmem:s31], [sflag:$0x5] =	stream.indirect_vreg.gather [hbm4b:s2+s3], $0x80, v3, vm0, $0x2000b8;
	[tilespmem:$0x18100] =	vst v63  }
0x52: {  	s28 =	sadd.s32 $0x5100, s24  }
0x53: {  	[tilespmem:s28], [sflag:$0x5] =	stream.indirect_vreg.gather [hbm4b:s8+s3], $0x80, v3, vm0, $0x2000b8;
	[tilespmem:$0x18100] =	vst v63  }
0x54: {  	s29 =	sadd.s32 $0x5900, s24  }
0x55: {  	[tilespmem:s29], [sflag:$0x5] =	stream.indirect_vreg.gather [hbm4b:s9+s3], $0x80, v3, vm0, $0x2000b8;
	[tilespmem:$0x18100] =	vst v63  }
0x56: {  	v3 =	vld [tilespmem:s25+$0x20];
	_ =	sdelay $0x4  }
0x57: {  	v62 =	vshrl.u32 v3, $0x3  }
0x58: {  	v4 =	vmul.u32 $0x30, v62  }
0x59: {  	v3 =	vand.u32 $0x7, v3  }
0x5a: {  	v3 =	vor.u32 v3, v4  }
0x5b: {  	v4 =	vperm.xlane v3, v0;
	_ =	sdelay $0x1  }
0x5c: {  	v4 =	vadd.s32 v1, v4;
	_ =	sdelay $0x3  }
0x5d: {  	s30 =	sadd.s32 $0x6100, s24;
	v3 =	vperm.xlane v3, v2  }
0x5e: {  	[tilespmem:s30], [sflag:$0x5] =	stream.indirect_vreg.gather [hbm4b:s2+s3], $0x80, v4, vm0, $0x2000b8;
	[tilespmem:$0x18100] =	vst v63  }
0x5f: {  	s31 =	sadd.s32 $0x6900, s24;
	v3 =	vadd.s32 v1, v3  }
0x60: {  	[tilespmem:s31], [sflag:$0x5] =	stream.indirect_vreg.gather [hbm4b:s8+s3], $0x80, v4, vm0, $0x2000b8;
	[tilespmem:$0x18100] =	vst v63  }
0x61: {  	s28 =	sadd.s32 $0x7100, s24  }
0x62: {  	[tilespmem:s28], [sflag:$0x5] =	stream.indirect_vreg.gather [hbm4b:s9+s3], $0x80, v4, vm0, $0x2000b8;
	[tilespmem:$0x18100] =	vst v63  }
0x63: {  	s29 =	sadd.s32 $0x7900, s24  }
0x64: {  	[tilespmem:s29], [sflag:$0x5] =	stream.indirect_vreg.gather [hbm4b:s2+s3], $0x80, v3, vm0, $0x2000b8;
	[tilespmem:$0x18100] =	vst v63  }
0x65: {  	s30 =	sadd.s32 $0x8100, s24  }
0x66: {  	[tilespmem:s30], [sflag:$0x5] =	stream.indirect_vreg.gather [hbm4b:s8+s3], $0x80, v3, vm0, $0x2000b8;
	[tilespmem:$0x18100] =	vst v63  }
0x67: {  	s31 =	sadd.s32 $0x8900, s24  }
0x68: {  	[tilespmem:s31], [sflag:$0x5] =	stream.indirect_vreg.gather [hbm4b:s9+s3], $0x80, v3, vm0, $0x2000b8;
	[tilespmem:$0x18100] =	vst v63  }
0x69: {  	v3 =	vld [tilespmem:s25+$0x30];
	_ =	sdelay $0x4  }
0x6a: {  	v63 =	vshrl.u32 v3, $0x3  }
0x6b: {  	v4 =	vmul.u32 $0x30, v63  }
0x6c: {  	v3 =	vand.u32 $0x7, v3  }
0x6d: {  	v3 =	vor.u32 v3, v4  }
0x6e: {  	v4 =	vperm.xlane v3, v0;
	_ =	sdelay $0x1  }
0x6f: {  	v4 =	vadd.s32 v1, v4;
	_ =	sdelay $0x3  }
0x70: {  	s26 =	sadd.s32 $0x9100, s24;
	v3 =	vperm.xlane v3, v2  }
0x71: {  	[tilespmem:s26], [sflag:$0x5] =	stream.indirect_vreg.gather [hbm4b:s2+s3], $0x80, v4, vm0, $0x2000b8;
	[tilespmem:$0x18100] =	vst v63  }
0x72: {  	s28 =	sadd.s32 $0x9900, s24;
	v3 =	vadd.s32 v1, v3  }
0x73: {  	[tilespmem:s28], [sflag:$0x5] =	stream.indirect_vreg.gather [hbm4b:s8+s3], $0x80, v4, vm0, $0x2000b8;
	[tilespmem:$0x18100] =	vst v63  }
0x74: {  	s29 =	sadd.s32 $0xA100, s24  }
0x75: {  	[tilespmem:s29], [sflag:$0x5] =	stream.indirect_vreg.gather [hbm4b:s9+s3], $0x80, v4, vm0, $0x2000b8;
	[tilespmem:$0x18100] =	vst v63  }
0x76: {  	s30 =	sadd.s32 $0xA900, s24  }
0x77: {  	[tilespmem:s30], [sflag:$0x5] =	stream.indirect_vreg.gather [hbm4b:s2+s3], $0x80, v3, vm0, $0x2000b8;
	[tilespmem:$0x18100] =	vst v63  }
0x78: {  	s31 =	sadd.s32 $0xB100, s24  }
0x79: {  	[tilespmem:s31], [sflag:$0x5] =	stream.indirect_vreg.gather [hbm4b:s8+s3], $0x80, v3, vm0, $0x2000b8;
	[tilespmem:$0x18100] =	vst v63  }
0x7a: {  	p6 =	seq.s32 s14, $0x0;
	p4 =	sne.s32 s20, s19;
	s24 =	sadd.s32 $0xB900, s24  }
0x7b: {  	[tilespmem:s24], [sflag:$0x5] =	stream.indirect_vreg.gather [hbm4b:s9+s3], $0x80, v3, vm0, $0x2000b8;
	[tilespmem:$0x18100] =	vst v63  }
0x7c: {  	p4 =	por p6, p4;
	_ =	swait.ge [sflag:s11], $0xC000  }
0x7d: {  	s20 =	smul.u32 @p4 $0x1800, s21;
	[sflag:s11] =	ssyncset.done $0x0  }
0x7e: {  	[sflag:s11] =	ssyncadd.s32 $0xFFFF4000  }
0x7f: {  	s20 =	sadd.s32 @p4 s5, s20;
	_ =	strace $0x90000055  }
0x80: {  	s21 =	sadd.s32 @p4 $0x3, s22;
	s22 =	simm.s32 @p4 $0x0;
	_ =	strace @p4 $0x80000056  }
0x81: {  	[hbm4b:s20+s22] =	stream.linear.scatter @p4 [tilespmem:s23], [sflag:s21], $0xC000, $0x200038;
	[tilespmem:$0x18100] =	vst v63  }
0x82: {  	s21 =	sand.u32 @!p2 $0x1, s15;
	_ =	strace @p4 $0x90000056  }
0x83: {  	s21 =	sadd.s32 @!p2 $0x3, s21;
	_ =	strace @!p2 $0x80000057  }
0x84: {  	p0 =	por p6, p0;
	s20 =	simm.s32 $0x1;
	_ =	swait.ge @!p2 [sflag:s21], $0xC000  }
0x85: {  	s20 =	simm.s32 @!p1 $0x0;
	p1 =	sne.s32 s14, $0x4;
	[sflag:s21] =	ssyncset.done @!p2 $0x0  }
0x86: {  	s14 =	sadd.s32 $0xFFFFFFFF, s14;
	[sflag:s21] =	ssyncadd.s32 @!p2 $0xFFFF4000;
	s21 =	simm.s32 $0x1  }
0x87: {  	s21 =	simm.s32 @!p0 $0x0;
	p0 =	sne.s32 s14, $0xFFFFFFFF  }
.Ltmp0:
0x88: {  	_ = 	snop;
	(pc) =	sbr.rel @p0 .LBB2_2-.Ltmp0, $4  }
0x89: {  	s22 =	simm.s32 $0x1;
	s18 =	sadd.s32 s20, s18;
	s20 =	simm.s32 $0x1  }
0x8a: {  	s22 =	simm.s32 @!p4 $0x0;
	s20 =	simm.s32 @!p1 $0x0  }
0x8b: {  	s16 =	sadd.s32 s22, s16;
	s15 =	sadd.s32 s20, s15  }
0x8c: {  	s20 =	smov.u32 s19;
	_ =	strace @!p2 $0x90000057;
	s17 =	sadd.s32 s21, s17  }
0x8d: {  	s13 =	sadd.s32 $0x1, s13  }
0x8e: {  	p0 =	sne.s32 s13, s10  }
.Ltmp1:
0x8f: {  	_ =	strace $0x80000058;
	(pc) =	sbr.rel @p0 .LBB2_1-.Ltmp1, $4  }
0x90: {  	_ =	swait.ge [sflag:s12], $0xC000  }
0x91: {  	[sflag:s12] =	ssyncset.done $0x0  }
0x92: {  	[sflag:s12] =	ssyncadd.s32 $0xFFFF4000  }
0x93: {  	_ =	strace $0x90000058  }
0x94: {  	_ =	sfence.sel $0x180000  }
0x95: {  	[bflag:$0x0] =	sbarrier.arrive $0xFFFF  }
0x96: {  	p0 =	sne.s32 s1, $0x0;
	_ =	strace $0x90000051  }
0x97: {  	s0 =	sadd.s32 @!p0 $0x100000, s0;
	[bflag:$0x2] =	sbarrier.arrive $0xFFFF  }
0x98: {  	[sflag:s0] =	ssyncadd.tile.s32 @!p0 $0x1;
	_ =	shalt  }
.Lfunc_end2:
_tile_overlayer_lowered:
.L_overlay_start_2:
0x99: {  	(tag) =	ssettag $0x2  }
0x9a: {  	s0 =	rddreg [dreg:$0x0];
	s2 =	stileid.u32  }
0x9b: {  	s1 =	rddreg [dreg:$0x1];
	p0 =	sne.s32 s2, $0x0  }
0x9c: {  	s3 =	rddreg [dreg:$0x2];
	[bflag:$0x3] =	sbarrier.arrive $0xFFFF;
	s2 =	simm.s32 @!p0 $0x1C01  }
0x9d: {  	[timem:s3], [sflag:s2] =	dma.local @!p0 [hbm:s0], s1  }
0x9e: {  	s0 =	simm.s32 @!p0 $0x1  }
0x9f: {  	_ =	swait.ge @!p0 [sflag:s0], s1  }
0xa0: {  	s1 =	ssub.s32 @!p0 $0x0, s1;
	[sflag:s0] =	ssyncset.done @!p0 $0x0  }
0xa1: {  	[sflag:s0] =	ssyncadd.s32 @!p0 s1  }
0xa2: {  	[bflag:$0x3] =	sbarrier.arrive $0xFFFF  }
0xa3: {  	_ =	shalt  }

// kernel: kernel.18.cloned.1.call-start
scs
__scs_entry_jumppad:
0x0: {  	(pc) =	sbr.rel $0x88, $3  }
0x1: {  	(tag) =	ssettag $0x0;
	lr =	simm.s32 $0x1  }
0x2: {  	[smem:$0x3F9C] =	sst lr;
	_ =	strace $0xD0000000  }
0x3: {  	_ = 	snop  }
0x4: {  	_ = 	snop  }
0x5: {  	_ = 	snop  }
0x6: {  	_ = 	snop  }
0x7: {  	_ = 	snop  }
__scs_overlays_trampoline_lowered:
0x8: {  	[smem:$0x3FAB] =	sst s0  }
0x9: {  	[smem:$0x3FAC] =	sst s1  }
0xa: {  	[smem:$0x3FAD] =	sst s2  }
0xb: {  	[smem:$0x3FAE] =	sst s3  }
0xc: {  	[smem:$0x3FAF] =	sst s4  }
0xd: {  	[smem:$0x3FB0] =	sst s5  }
0xe: {  	[smem:$0x3FB1] =	sst s6  }
0xf: {  	[smem:$0x3FB2] =	sst s7  }
0x10: {  	[smem:$0x3FB3] =	sst s8  }
0x11: {  	[smem:$0x3FB4] =	sst s9;
	s0 =	simm.s32 @!p0 $0x0  }
0x12: {  	s1 =	sld [smem:$0x3F9A];
	s0 =	simm.s32 @p0 $0x1  }
0x13: {  	[smem:$0x3FB5] =	sst s0;
	s0 =	simm.s32 @!p1 $0x0  }
0x14: {  	s2 =	sld [smem:$0x3F99];
	s0 =	simm.s32 @p1 $0x1  }
0x15: {  	[smem:$0x3FB6] =	sst s0;
	s0 =	simm.s32 @!p2 $0x0  }
0x16: {  	s3 =	sld [smem:$0x3FDB];
	s0 =	simm.s32 @p2 $0x1  }
0x17: {  	s4 =	simm.s32 $0x1BF5;
	[smem:$0x3FB8] =	sst s0  }
0x18: {  	s0 =	sld [smem:$0x3F9B];
	_ =	swait.ge [sflag:s4], $0x0  }
0x19: {  	s7 =	sld [smem:$0x3F9C]  }
0x1a: {  	s8 =	sadd.s32 $0xFFFFE003, lr  }
0x1b: {  	s9 =	sadd.s32 $0xFFFFFEF7, lr;
	s5 =	simm.s32 $0xFFFFFFFF;
	p2 =	slt.u32 s8, $0xFFFFF086  }
0x1c: {  	p1 =	slt.u32 s9, $0xF7A;
	s5 =	simm.s32 @!p2 $0x0  }
0x1d: {  	s5 =	simm.s32 @p1 $0x1;
	p0 =	seq.s32 s7, s2  }
0x1e: {  	s7 =	smul.u32 @!p0 $0xF7A, s2;
	p2 =	seq.s32 @!p0 s5, $0x0  }
0x1f: {  	s9 =	smul.u32 $0xF7A, s1;
	s8 =	simm.s32 @!p0 $0x1BF5;
	p2 =	por !p2, p0  }
0x20: {  	[sflag:s8] =	ssyncset.s32 @!p0 $0xFFFFF086;
	s6 =	sadd.s32 @!p0 s3, s7;
	s7 =	simm.s32 @!p0 $0x108  }
0x21: {  	s3 =	sadd.s32 s3, s9;
	s6 =	sadd.s32 @!p0 $0x88, s6;
	s7 =	simm.s32 @p2 $0x1082  }
0x22: {  	[simem:s7], [sflag:s8] =	dma.local @!p0 [hbm:s6], $0xF7A  }
0x23: {  	s9 =	sor.u32 $0xD0000000, s2;
	s6 =	simm.s32 $0x108;
	_ =	swait.ge @!p0 [sflag:s8], $0x0  }
0x24: {  	s3 =	sadd.s32 $0x88, s3;
	s6 =	simm.s32 @!p1 $0x1082;
	[sflag:s4] =	ssyncset.s32 $0xFFFFF086  }
0x25: {  	[simem:s6], [sflag:s4] =	dma.local [hbm:s3], $0xF7A  }
0x26: {  	[smem:$0x3F9C] =	sst s1;
	(tag) =	ssettag s2;
	_ =	strace s9  }
0x27: {  	s1 =	sld [smem:$0x3FAC]  }
0x28: {  	s2 =	sld [smem:$0x3FAD]  }
0x29: {  	s4 =	sld [smem:$0x3FAF]  }
0x2a: {  	p0 =	seq.s32 s5, $0x0;
	s5 =	sld [smem:$0x3FB0]  }
0x2b: {  	s6 =	sld [smem:$0x3FB1]  }
0x2c: {  	s7 =	sld [smem:$0x3FB2]  }
0x2d: {  	s3 =	simm.s32 $0x108;
	s8 =	sld [smem:$0x3FB3]  }
0x2e: {  	s3 =	simm.s32 @!p0 $0x1082;
	s9 =	sld [smem:$0x3FB4]  }
0x2f: {  	lr =	sadd.s32 s0, s3;
	s0 =	sld [smem:$0x3FAB]  }
0x30: {  	s3 =	sld [smem:$0x3FAE]  }
0x31: {  	[smem:$0x3FB7] =	sst s10  }
0x32: {  	s10 =	sld [smem:$0x3FB5];
	_ =	sdelay $0x3  }
0x33: {  	p0 =	seq.s32 s10, $0x1;
	s10 =	sld [smem:$0x3FB7];
	_ =	sdelay $0x3  }
0x34: {  	[smem:$0x3FB7] =	sst s10  }
0x35: {  	s10 =	sld [smem:$0x3FB6];
	_ =	sdelay $0x3  }
0x36: {  	p1 =	seq.s32 s10, $0x1;
	s10 =	sld [smem:$0x3FB7];
	_ =	sdelay $0x3  }
0x37: {  	[smem:$0x3FB7] =	sst s10  }
0x38: {  	s10 =	sld [smem:$0x3FB8]  }
0x39: {  	_ = 	snop;
	(pc) =	sbr.ind lr, $3  }
0x3a: {  	_ = 	snop  }
0x3b: {  	_ = 	snop  }
0x3c: {  	p2 =	seq.s32 s10, $0x1;
	s10 =	sld [smem:$0x3FB7]  }
0x3d: {  	_ =	shalt  }
0x3e: {  	_ =	shalt  }
0x3f: {  	_ =	shalt  }
0x40: {  	_ =	shalt  }
0x41: {  	_ =	shalt  }
0x42: {  	_ =	shalt  }
0x43: {  	_ =	shalt  }
0x44: {  	_ =	shalt  }
0x45: {  	_ =	shalt  }
0x46: {  	_ =	shalt  }
0x47: {  	_ =	shalt  }
0x48: {  	_ =	shalt  }
0x49: {  	_ =	shalt  }
0x4a: {  	_ =	shalt  }
0x4b: {  	_ =	shalt  }
0x4c: {  	_ =	shalt  }
0x4d: {  	_ =	shalt  }
0x4e: {  	_ =	shalt  }
0x4f: {  	_ =	shalt  }
0x50: {  	_ =	shalt  }
0x51: {  	_ =	shalt  }
0x52: {  	_ =	shalt  }
0x53: {  	_ =	shalt  }
0x54: {  	_ =	shalt  }
0x55: {  	_ =	shalt  }
0x56: {  	_ =	shalt  }
0x57: {  	_ =	shalt  }
0x58: {  	_ =	shalt  }
0x59: {  	_ =	shalt  }
0x5a: {  	_ =	shalt  }
0x5b: {  	_ =	shalt  }
0x5c: {  	_ =	shalt  }
0x5d: {  	_ =	shalt  }
0x5e: {  	_ =	shalt  }
0x5f: {  	_ =	shalt  }
0x60: {  	_ =	shalt  }
0x61: {  	_ =	shalt  }
0x62: {  	_ =	shalt  }
0x63: {  	_ =	shalt  }
0x64: {  	_ =	shalt  }
0x65: {  	_ =	shalt  }
0x66: {  	_ =	shalt  }
0x67: {  	_ =	shalt  }
0x68: {  	_ =	shalt  }
0x69: {  	_ =	shalt  }
0x6a: {  	_ =	shalt  }
0x6b: {  	_ =	shalt  }
0x6c: {  	_ =	shalt  }
0x6d: {  	_ =	shalt  }
0x6e: {  	_ =	shalt  }
0x6f: {  	_ =	shalt  }
0x70: {  	_ =	shalt  }
0x71: {  	_ =	shalt  }
0x72: {  	_ =	shalt  }
0x73: {  	_ =	shalt  }
0x74: {  	_ =	shalt  }
0x75: {  	_ =	shalt  }
0x76: {  	_ =	shalt  }
0x77: {  	_ =	shalt  }
0x78: {  	_ =	shalt  }
0x79: {  	_ =	shalt  }
0x7a: {  	_ =	shalt  }
0x7b: {  	_ =	shalt  }
0x7c: {  	_ =	shalt  }
0x7d: {  	_ =	shalt  }
0x7e: {  	_ =	shalt  }
0x7f: {  	_ =	shalt  }
0x80: {  	_ =	shalt  }
0x81: {  	_ =	shalt  }
0x82: {  	_ =	shalt  }
0x83: {  	_ =	shalt  }
0x84: {  	_ =	shalt  }
0x85: {  	_ =	shalt  }
0x86: {  	_ =	shalt  }
0x87: {  	_ =	shalt  }
.Lfunc_end0:
.L_simem_size_0:
called_computation.2_lowered:
.L_overlay_start_0:
0x88: {  	s2 =	sld [smem:$0x3FD9]  }
0x89: {  	s3 =	sld [smem:$0x3FFE];
	_ =	sdelay $0x1  }
0x8a: {  	s1 =	srdreg.scid  }
0x8b: {  	s0 =	sand.u32 $0x1, s1  }
0x8c: {  	s17 =	sshll.u32 s0, $0xA;
	s2 =	sadd.s32 s3, s2  }
0x8d: {  	s2 =	sadd.s32 s2, s17  }
0x8e: {  	[smem:$0x3FC3] =	sst s2  }
0x8f: {  	_ = 	snop  }
0x90: {  	s18 =	sld [smem:$0x3FC8];
	(tm) =	ssettm $0x1  }
0x91: {  	s19 =	sld [smem:$0x3FFB];
	_ =	sdelay $0x3  }
0x92: {  	_ =	strace s19  }
0x93: {  	s2 =	sld [smem:$0x3FFC];
	_ =	sdelay $0x3  }
0x94: {  	_ =	strace s2  }
0x95: {  	s2 =	sld [smem:$0x3FFD];
	_ =	sdelay $0x3  }
0x96: {  	_ =	strace s2  }
0x97: {  	_ =	strace $0x8FFFFFFF  }
0x98: {  	s20 =	sld [smem:$0x3FDB];
	_ =	sdelay $0x1  }
0x99: {  	s4 =	simm.s32 $_scs_section_size  }
0x9a: {  	s5 =	simm.s32 $_size__tile_overlayer_lowered;
	s6 =	simm.s32 $_tile_overlayer_lowered  }
0x9b: {  	s7 =	simm.s32 $0x1BFF;
	s21 =	sshll.u32 s6, $0x1;
	s4 =	sadd.s32 s4, s20  }
0x9c: {  	s22 =	simm.s32 $0x0;
	s5 =	sshll.u32 s5, $0x1;
	s6 =	sadd.s32 s21, s4  }
0x9d: {  	[timem:s22], [sflag:s7] =	dma.local [hbm:s6], s5  }
0x9e: {  	_ =	swait.ge [sflag:s7], s5  }
0x9f: {  	s5 =	ssub.s32 $0x0, s5;
	[sflag:s7] =	ssyncset.done $0x0  }
0xa0: {  	[sflag:s7] =	ssyncadd.s32 s5;
	_ =	sdelay $0x1  }
0xa1: {  	s23 =	simm.s32 $0x1B8B  }
0xa2: {  	_ =	swait.ge [sflag:s23], $0x1  }
0xa3: {  	[sflag:s23] =	ssyncset.done $0x0  }
0xa4: {  	[sflag:s23] =	ssyncadd.s32 $0xFFFFFFFF  }
0xa5: {  	s5 =	sld [smem:$0x0]  }
0xa6: {  	s6 =	sand.u32 $0xFFFFFFFE, s1  }
0xa7: {  	p0 =	sne.s32 s1, s6  }
0xa8: {  	s6 =	sshll.u32 @p0 s6, $0xE  }
0xa9: {  	s6 =	sadd.s32 @p0 $0x11B8D, s6;
	s7 =	sshll.u32 @p0 s5, $0x11  }
0xaa: {  	s6 =	sor.u32 @p0 s7, s6  }
0xab: {  	[sflag:s6] =	ssyncadd.remote.s32 @p0 $0x1;
	_ =	sdelay $0x1  }
0xac: {  	s6 =	simm.s32 @p0 $0x1B8D  }
0xad: {  	_ =	swait.eq @p0 [sflag:s6], $0x1  }
0xae: {  	[sflag:s6] =	ssyncadd.s32 @p0 $0xFFFFFFFF  }
0xaf: {  	s7 =	sshll.u32 @!p0 s1, $0xE  }
0xb0: {  	s7 =	sor.u32 @!p0 $0x4000, s7;
	s6 =	simm.s32 @!p0 $0x1B8D  }
0xb1: {  	s5 =	sshll.u32 @!p0 s5, $0x11;
	s7 =	sadd.s32 @!p0 $0x11B8D, s7;
	_ =	swait.eq @!p0 [sflag:s6], $0x1  }
0xb2: {  	s5 =	sor.u32 @!p0 s5, s7;
	[sflag:s6] =	ssyncadd.s32 @!p0 $0xFFFFFFFF  }
0xb3: {  	s25 =	simm.s32 $0x1B8E;
	s24 =	sld [smem:$0x3FFE];
	[sflag:s5] =	ssyncadd.remote.s32 @!p0 $0x1  }
0xb4: {  	s26 =	simm.s32 $execute0_lowered;
	[smem:$0x3FD2] =	sst s25  }
0xb5: {  	s6 =	sshll.u32 s26, $0x1;
	_ =	strace $0x8000005A;
	[dreg:$0x1] =	wrdreg $0xFFFFFFFF  }
0xb6: {  	s28 =	simm.s32 $_size_execute0_lowered;
	s4 =	sadd.s32 s4, s6;
	[dreg:$0x0] =	wrdreg $0x0  }
0xb7: {  	s6 =	sshll.u32 s28, $0x1;
	[dreg:$0x2] =	wrdreg s4  }
0xb8: {  	[dreg:$0x3] =	wrdreg s6  }
0xb9: {  	[dreg:$0x4] =	wrdreg $0xC0  }
0xba: {  	_ =	task [dreg:s22], $0x5FFFF  }
0xbb: {  	[dreg:$0x1] =	wrdreg $0xFFFFFFFF  }
0xbc: {  	[dreg:$0x0] =	wrdreg $0x60  }
0xbd: {  	[dreg:$0x2] =	wrdreg s18  }
0xbe: {  	[dreg:$0x3] =	wrdreg s24  }
0xbf: {  	[dreg:$0x4] =	wrdreg $0xB  }
0xc0: {  	_ =	task.clear_ibuf [dreg:s22], $0x5FFFF;
	_ =	strace $0x9000005A  }
0xc1: {  	s29 =	simm.s32 $0xB;
	_ =	strace $0x80000063  }
0xc2: {  	_ =	swait.ge [sflag:s29], $0x1  }
0xc3: {  	[sflag:s29] =	ssyncadd.s32 $0xFFFFFFFF  }
0xc4: {  	_ =	strace $0x90000063  }
0xc5: {  	_ =	sfence  }
0xc6: {  	s30 =	sld [smem:$0x0];
	_ =	sdelay $0x2  }
0xc7: {  	s31 =	sshll.u32 s1, $0xD;
	s1 =	sshrl.u32 s1, $0x2  }
0xc8: {  	s4 =	sand.u32 $0x4000, s31;
	s1 =	sadd.s32 s1, s30  }
0xc9: {  	s0 =	sor.u32 s4, s0;
	s1 =	sshll.u32 s1, $0x11  }
0xca: {  	s0 =	sor.u32 s1, s0  }
0xcb: {  	s0 =	sadd.s32 $0x8F2B, s0  }
0xcc: {  	[sflag:s0] =	ssyncadd.remote.s32 $0x1  }
0xcd: {  	_ =	sfence.sel $0xFFFF  }
0xce: {  	[dreg:$0x0] =	wrdreg $0xFFFFFFFF;
	(pc) =	sbr.abs _section_cstart, $3  }
0xcf: {  	[dreg:$0x1] =	wrdreg $0xFFFFFFFF  }
0xd0: {  	_ =	task.clear_ibuf [dreg:s22], $0x2FFFF;
	_ =	strace $0x9FFFFFFF  }
0xd1: {  	(tm) =	ssettm $0x7FFFFFFF  }
tec
execute0_lowered:
.L_overlay_start_1:
0x0: {  	(tag) =	ssettag $0x1  }
0x1: {  	s0 =	srdreg.scid;
	s2 =	rddreg [dreg:$0x0]  }
0x2: {  	s6 =	rddreg [dreg:$0x1];
	s1 =	stileid.u32;
	s3 =	simm.s32 $0x0  }
0x3: {  	s11 =	simm.s32 $0x5;
	s12 =	simm.s32 $0x3;
	s5 =	sand.u32 $0x1, s0  }
0x4: {  	s13 =	simm.s32 $0x0;
	s0 =	rddreg [dreg:$0x2];
	s4 =	sshll.u32 s5, $0x4  }
0x5: {  	[smem:$0x7FF] =	sst s3;
	s9 =	ssub.s32 $0x2, s5;
	s7 =	sor.u32 s1, s4  }
0x6: {  	_ =	strace $0x8000005B;
	s31 =	sshrl.u32 s9, $0x1;
	s8 =	smul.u32 $0x28, s7  }
0x7: {  	v2 =	vlaneseq.u32;
	s5 =	sadd.s32 $0x1E4400, s6;
	s4 =	sadd.s32 $0x1E3E00, s6;
	s10 =	ssub.s32 s9, s31  }
0x8: {  	vm0 =	vmmov $0xffff;
	v1 =	vshrl.u32 v2, $0x3;
	s6 =	smul.u32 $0x5, s7;
	s9 =	sadd.s32 $0x200, s2;
	s8 =	sand.u32 $0x7F0, s8  }
0x9: {  	v0 =	vand.u32 $0x7, v2;
	v2 =	vor.u32 $0x8, v2;
	v1 =	vmul.u32 $0x8, v1;
	s10 =	smax.u32 s10, $0x1;
	s7 =	sadd.s32 s4, s8;
	s8 =	sadd.s32 $0x100, s2  }
.LBB2_1:
0xa: {  	_ =	strace $0x8000005C;
	s14 =	simm.s32 $0x4  }
0xb: {  	s20 =	simm.s32 $0x0;
	s15 =	simm.s32 $0x0;
	s16 =	simm.s32 $0x0  }
0xc: {  	[tilespmem:s3], [sflag:$0x1] =	stream.linear.gather [hbm4b:s7+s3], $0x80, $0x200038;
	[tilespmem:$0x18100] =	vst v63  }
0xd: {  	s17 =	simm.s32 $0x0;
	s18 =	simm.s32 $0x1;
	_ =	strace $0x9000005C  }
.LBB2_2:
0xe: {  	s21 =	sadd.s32 s6, s20;
	s19 =	sadd.s32 $0x1, s20  }
0xf: {  	s22 =	sshrl.u32 s21, $0x1F;
	p0 =	seq.s32 s19, $0x5  }
0x10: {  	p2 =	slt.s32 s21, $0x1;
	s23 =	sadd.s32 s22, s21;
	s19 =	simm.s32 @p0 $0x0  }
0x11: {  	s22 =	sand.u32 $0xFFFFFFFE, s23;
	s24 =	sadd.s32 s6, s19;
	s23 =	sshra.s32 s23, $0x1  }
0x12: {  	p1 =	sne.s32 s21, s22;
	s25 =	sand.u32 $0x1, s24;
	p3 =	slt.s32 s24, $0x1  }
0x13: {  	s26 =	sshrl.u32 s24, $0x1F;
	p0 =	por !p2, !p1;
	p2 =	seq.s32 s25, $0x1  }
0x14: {  	s25 =	simm.s32 $0x1;
	s24 =	sadd.s32 s26, s24;
	p1 =	por !p3, !p2  }
0x15: {  	s26 =	simm.s32 $0x1;
	p0 =	por !p0, !p0;
	p1 =	por !p1, !p1  }
0x16: {  	s24 =	sshra.s32 s24, $0x1;
	s25 =	simm.s32 @!p0 $0x0;
	s26 =	simm.s32 @!p1 $0x0  }
0x17: {  	s23 =	ssub.s32 s23, s25;
	s24 =	ssub.s32 s24, s26  }
0x18: {  	p4 =	sne.s32 s14, $0x0;
	p0 =	sne.s32 s23, s24  }
0x19: {  	p2 =	seq.s32 s20, $0x0;
	s25 =	sadd.s32 $0xFFFFFFFF, s20;
	p1 =	por !p4, !p0  }
0x1a: {  	s25 =	simm.s32 @p2 $0x4;
	p1 =	por !p1, !p1  }
0x1b: {  	s25 =	sadd.s32 s6, s25;
	s26 =	sand.u32 @p1 $0x1, s18;
	s24 =	sshll.u32 @p1 s24, $0x4  }
0x1c: {  	_ =	strace @p1 $0x8000005D;
	s29 =	simm.s32 @p1 $0x0;
	s24 =	sand.u32 @p1 $0x1FFFFFF0, s24  }
0x1d: {  	s28 =	sshll.u32 @p1 s26, $0x7;
	s26 =	sadd.s32 @p1 $0x1, s26;
	s24 =	sadd.s32 @p1 s4, s24  }
0x1e: {  	[tilespmem:s28], [sflag:s26] =	stream.linear.gather @p1 [hbm4b:s24+s29], $0x80, $0x200038;
	[tilespmem:$0x18100] =	vst v63  }
0x1f: {  	s26 =	sand.u32 $0x1, s25  }
0x20: {  	p5 =	slt.s32 s25, $0x1;
	p3 =	seq.s32 s26, $0x1  }
0x21: {  	s28 =	sshrl.u32 s25, $0x1F;
	p2 =	por !p5, !p3  }
0x22: {  	s24 =	sadd.s32 s28, s25;
	s25 =	simm.s32 $0x1;
	p2 =	por !p2, !p2  }
0x23: {  	s24 =	sshra.s32 s24, $0x1;
	s25 =	simm.s32 @!p2 $0x0  }
0x24: {  	p2 =	seq.s32 s14, $0x4;
	s24 =	ssub.s32 s24, s25  }
0x25: {  	p3 =	seq.s32 @!p2 s23, s24  }
0x26: {  	p3 =	por p2, !p3  }
0x27: {  	_ =	strace @p1 $0x9000005D;
	s23 =	sand.u32 @p3 $0x1, s17  }
0x28: {  	_ =	strace @p3 $0x8000005E;
	s23 =	sadd.s32 @p3 $0x1, s23  }
0x29: {  	_ =	swait.ge @p3 [sflag:s23], $0x80  }
0x2a: {  	s22 =	ssub.s32 s21, s22;
	[sflag:s23] =	ssyncset.done @p3 $0x0  }
0x2b: {  	s22 =	sshll.u32 s22, $0x6;
	s29 =	sshll.u32 s17, $0x7;
	[sflag:s23] =	ssyncadd.s32 @p3 $0xFFFFFF80  }
0x2c: {  	s22 =	sand.u32 $0x40, s22;
	s23 =	sand.u32 $0x80, s29;
	_ =	strace @p3 $0x9000005E  }
0x2d: {  	s25 =	sor.u32 s22, s23;
	_ =	strace $0x8000005F  }
0x2e: {  	v3 =	vld [tilespmem:s25+$0x0];
	_ =	sdelay $0x4  }
0x2f: {  	v4 =	vshrl.u32 v3, $0x3  }
0x30: {  	v4 =	vmul.u32 $0x30, v4  }
0x31: {  	v3 =	vand.u32 $0x7, v3  }
0x32: {  	v3 =	vor.u32 v3, v4  }
0x33: {  	v4 =	vperm.xlane v3, v0;
	_ =	sdelay $0x1  }
0x34: {  	s22 =	sand.u32 $0x1, s16;
	v4 =	vadd.s32 v1, v4  }
0x35: {  	s30 =	smul.u32 $0x30000, s22;
	_ =	sdelay $0x1  }
0x36: {  	s24 =	sshrl.u32 s30, $0x2  }
0x37: {  	s23 =	sor.u32 $0x100, s24;
	v3 =	vperm.xlane v3, v2  }
0x38: {  	[tilespmem:s23], [sflag:$0x5] =	stream.indirect_vreg.gather [hbm4b:s2+s3], $0x80, v4, vm0, $0x2000b8;
	[tilespmem:$0x18100] =	vst v63  }
0x39: {  	s31 =	sor.u32 $0x900, s24;
	v3 =	vadd.s32 v1, v3  }
0x3a: {  	[tilespmem:s31], [sflag:$0x5] =	stream.indirect_vreg.gather [hbm4b:s8+s3], $0x80, v4, vm0, $0x2000b8;
	[tilespmem:$0x18100] =	vst v63  }
0x3b: {  	s28 =	sor.u32 $0x1100, s24  }
0x3c: {  	[tilespmem:s28], [sflag:$0x5] =	stream.indirect_vreg.gather [hbm4b:s9+s3], $0x80, v4, vm0, $0x2000b8;
	[tilespmem:$0x18100] =	vst v63  }
0x3d: {  	s29 =	sor.u32 $0x1900, s24  }
0x3e: {  	[tilespmem:s29], [sflag:$0x5] =	stream.indirect_vreg.gather [hbm4b:s2+s3], $0x80, v3, vm0, $0x2000b8;
	[tilespmem:$0x18100] =	vst v63  }
0x3f: {  	s30 =	sor.u32 $0x2100, s24  }
0x40: {  	[tilespmem:s30], [sflag:$0x5] =	stream.indirect_vreg.gather [hbm4b:s8+s3], $0x80, v3, vm0, $0x2000b8;
	[tilespmem:$0x18100] =	vst v63  }
0x41: {  	s31 =	sor.u32 $0x2900, s24  }
0x42: {  	[tilespmem:s31], [sflag:$0x5] =	stream.indirect_vreg.gather [hbm4b:s9+s3], $0x80, v3, vm0, $0x2000b8;
	[tilespmem:$0x18100] =	vst v63  }
0x43: {  	v3 =	vld [tilespmem:s25+$0x10];
	_ =	sdelay $0x4  }
0x44: {  	v61 =	vshrl.u32 v3, $0x3  }
0x45: {  	v4 =	vmul.u32 $0x30, v61  }
0x46: {  	v3 =	vand.u32 $0x7, v3  }
0x47: {  	v3 =	vor.u32 v3, v4  }
0x48: {  	v4 =	vperm.xlane v3, v0;
	_ =	sdelay $0x1  }
0x49: {  	v4 =	vadd.s32 v1, v4;
	_ =	sdelay $0x3  }
0x4a: {  	s28 =	sor.u32 $0x3100, s24;
	v3 =	vperm.xlane v3, v2  }
0x4b: {  	[tilespmem:s28], [sflag:$0x5] =	stream.indirect_vreg.gather [hbm4b:s2+s3], $0x80, v4, vm0, $0x2000b8;
	[tilespmem:$0x18100] =	vst v63  }
0x4c: {  	s29 =	sor.u32 $0x3900, s24;
	v3 =	vadd.s32 v1, v3  }
0x4d: {  	[tilespmem:s29], [sflag:$0x5] =	stream.indirect_vreg.gather [hbm4b:s8+s3], $0x80, v4, vm0, $0x2000b8;
	[tilespmem:$0x18100] =	vst v63  }
0x4e: {  	s30 =	sadd.s32 $0x4100, s24  }
0x4f: {  	[tilespmem:s30], [sflag:$0x5] =	stream.indirect_vreg.gather [hbm4b:s9+s3], $0x80, v4, vm0, $0x2000b8;
	[tilespmem:$0x18100] =	vst v63  }
0x50: {  	s31 =	sadd.s32 $0x4900, s24  }
0x51: {  	[tilespmem:s31], [sflag:$0x5] =	stream.indirect_vreg.gather [hbm4b:s2+s3], $0x80, v3, vm0, $0x2000b8;
	[tilespmem:$0x18100] =	vst v63  }
0x52: {  	s28 =	sadd.s32 $0x5100, s24  }
0x53: {  	[tilespmem:s28], [sflag:$0x5] =	stream.indirect_vreg.gather [hbm4b:s8+s3], $0x80, v3, vm0, $0x2000b8;
	[tilespmem:$0x18100] =	vst v63  }
0x54: {  	s29 =	sadd.s32 $0x5900, s24  }
0x55: {  	[tilespmem:s29], [sflag:$0x5] =	stream.indirect_vreg.gather [hbm4b:s9+s3], $0x80, v3, vm0, $0x2000b8;
	[tilespmem:$0x18100] =	vst v63  }
0x56: {  	v3 =	vld [tilespmem:s25+$0x20];
	_ =	sdelay $0x4  }
0x57: {  	v62 =	vshrl.u32 v3, $0x3  }
0x58: {  	v4 =	vmul.u32 $0x30, v62  }
0x59: {  	v3 =	vand.u32 $0x7, v3  }
0x5a: {  	v3 =	vor.u32 v3, v4  }
0x5b: {  	v4 =	vperm.xlane v3, v0;
	_ =	sdelay $0x1  }
0x5c: {  	v4 =	vadd.s32 v1, v4;
	_ =	sdelay $0x3  }
0x5d: {  	s30 =	sadd.s32 $0x6100, s24;
	v3 =	vperm.xlane v3, v2  }
0x5e: {  	[tilespmem:s30], [sflag:$0x5] =	stream.indirect_vreg.gather [hbm4b:s2+s3], $0x80, v4, vm0, $0x2000b8;
	[tilespmem:$0x18100] =	vst v63  }
0x5f: {  	s31 =	sadd.s32 $0x6900, s24;
	v3 =	vadd.s32 v1, v3  }
0x60: {  	[tilespmem:s31], [sflag:$0x5] =	stream.indirect_vreg.gather [hbm4b:s8+s3], $0x80, v4, vm0, $0x2000b8;
	[tilespmem:$0x18100] =	vst v63  }
0x61: {  	s28 =	sadd.s32 $0x7100, s24  }
0x62: {  	[tilespmem:s28], [sflag:$0x5] =	stream.indirect_vreg.gather [hbm4b:s9+s3], $0x80, v4, vm0, $0x2000b8;
	[tilespmem:$0x18100] =	vst v63  }
0x63: {  	s29 =	sadd.s32 $0x7900, s24  }
0x64: {  	[tilespmem:s29], [sflag:$0x5] =	stream.indirect_vreg.gather [hbm4b:s2+s3], $0x80, v3, vm0, $0x2000b8;
	[tilespmem:$0x18100] =	vst v63  }
0x65: {  	s30 =	sadd.s32 $0x8100, s24  }
0x66: {  	[tilespmem:s30], [sflag:$0x5] =	stream.indirect_vreg.gather [hbm4b:s8+s3], $0x80, v3, vm0, $0x2000b8;
	[tilespmem:$0x18100] =	vst v63  }
0x67: {  	s31 =	sadd.s32 $0x8900, s24  }
0x68: {  	[tilespmem:s31], [sflag:$0x5] =	stream.indirect_vreg.gather [hbm4b:s9+s3], $0x80, v3, vm0, $0x2000b8;
	[tilespmem:$0x18100] =	vst v63  }
0x69: {  	v3 =	vld [tilespmem:s25+$0x30];
	_ =	sdelay $0x4  }
0x6a: {  	v63 =	vshrl.u32 v3, $0x3  }
0x6b: {  	v4 =	vmul.u32 $0x30, v63  }
0x6c: {  	v3 =	vand.u32 $0x7, v3  }
0x6d: {  	v3 =	vor.u32 v3, v4  }
0x6e: {  	v4 =	vperm.xlane v3, v0;
	_ =	sdelay $0x1  }
0x6f: {  	v4 =	vadd.s32 v1, v4;
	_ =	sdelay $0x3  }
0x70: {  	s26 =	sadd.s32 $0x9100, s24;
	v3 =	vperm.xlane v3, v2  }
0x71: {  	[tilespmem:s26], [sflag:$0x5] =	stream.indirect_vreg.gather [hbm4b:s2+s3], $0x80, v4, vm0, $0x2000b8;
	[tilespmem:$0x18100] =	vst v63  }
0x72: {  	s28 =	sadd.s32 $0x9900, s24;
	v3 =	vadd.s32 v1, v3  }
0x73: {  	[tilespmem:s28], [sflag:$0x5] =	stream.indirect_vreg.gather [hbm4b:s8+s3], $0x80, v4, vm0, $0x2000b8;
	[tilespmem:$0x18100] =	vst v63  }
0x74: {  	s29 =	sadd.s32 $0xA100, s24  }
0x75: {  	[tilespmem:s29], [sflag:$0x5] =	stream.indirect_vreg.gather [hbm4b:s9+s3], $0x80, v4, vm0, $0x2000b8;
	[tilespmem:$0x18100] =	vst v63  }
0x76: {  	s30 =	sadd.s32 $0xA900, s24  }
0x77: {  	[tilespmem:s30], [sflag:$0x5] =	stream.indirect_vreg.gather [hbm4b:s2+s3], $0x80, v3, vm0, $0x2000b8;
	[tilespmem:$0x18100] =	vst v63  }
0x78: {  	s31 =	sadd.s32 $0xB100, s24  }
0x79: {  	[tilespmem:s31], [sflag:$0x5] =	stream.indirect_vreg.gather [hbm4b:s8+s3], $0x80, v3, vm0, $0x2000b8;
	[tilespmem:$0x18100] =	vst v63  }
0x7a: {  	p6 =	seq.s32 s14, $0x0;
	p4 =	sne.s32 s20, s19;
	s24 =	sadd.s32 $0xB900, s24  }
0x7b: {  	[tilespmem:s24], [sflag:$0x5] =	stream.indirect_vreg.gather [hbm4b:s9+s3], $0x80, v3, vm0, $0x2000b8;
	[tilespmem:$0x18100] =	vst v63  }
0x7c: {  	p4 =	por p6, p4;
	_ =	swait.ge [sflag:s11], $0xC000  }
0x7d: {  	s20 =	smul.u32 @p4 $0x1800, s21;
	[sflag:s11] =	ssyncset.done $0x0  }
0x7e: {  	[sflag:s11] =	ssyncadd.s32 $0xFFFF4000  }
0x7f: {  	s20 =	sadd.s32 @p4 s5, s20;
	_ =	strace $0x9000005F  }
0x80: {  	s21 =	sadd.s32 @p4 $0x3, s22;
	s22 =	simm.s32 @p4 $0x0;
	_ =	strace @p4 $0x80000060  }
0x81: {  	[hbm4b:s20+s22] =	stream.linear.scatter @p4 [tilespmem:s23], [sflag:s21], $0xC000, $0x200038;
	[tilespmem:$0x18100] =	vst v63  }
0x82: {  	s21 =	sand.u32 @!p2 $0x1, s15;
	_ =	strace @p4 $0x90000060  }
0x83: {  	s21 =	sadd.s32 @!p2 $0x3, s21;
	_ =	strace @!p2 $0x80000061  }
0x84: {  	p0 =	por p6, p0;
	s20 =	simm.s32 $0x1;
	_ =	swait.ge @!p2 [sflag:s21], $0xC000  }
0x85: {  	s20 =	simm.s32 @!p1 $0x0;
	p1 =	sne.s32 s14, $0x4;
	[sflag:s21] =	ssyncset.done @!p2 $0x0  }
0x86: {  	s14 =	sadd.s32 $0xFFFFFFFF, s14;
	[sflag:s21] =	ssyncadd.s32 @!p2 $0xFFFF4000;
	s21 =	simm.s32 $0x1  }
0x87: {  	s21 =	simm.s32 @!p0 $0x0;
	p0 =	sne.s32 s14, $0xFFFFFFFF  }
.Ltmp0:
0x88: {  	_ = 	snop;
	(pc) =	sbr.rel @p0 .LBB2_2-.Ltmp0, $4  }
0x89: {  	s22 =	simm.s32 $0x1;
	s18 =	sadd.s32 s20, s18;
	s20 =	simm.s32 $0x1  }
0x8a: {  	s22 =	simm.s32 @!p4 $0x0;
	s20 =	simm.s32 @!p1 $0x0  }
0x8b: {  	s16 =	sadd.s32 s22, s16;
	s15 =	sadd.s32 s20, s15  }
0x8c: {  	s20 =	smov.u32 s19;
	_ =	strace @!p2 $0x90000061;
	s17 =	sadd.s32 s21, s17  }
0x8d: {  	s13 =	sadd.s32 $0x1, s13  }
0x8e: {  	p0 =	sne.s32 s13, s10  }
.Ltmp1:
0x8f: {  	_ =	strace $0x80000062;
	(pc) =	sbr.rel @p0 .LBB2_1-.Ltmp1, $4  }
0x90: {  	_ =	swait.ge [sflag:s12], $0xC000  }
0x91: {  	[sflag:s12] =	ssyncset.done $0x0  }
0x92: {  	[sflag:s12] =	ssyncadd.s32 $0xFFFF4000  }
0x93: {  	_ =	strace $0x90000062  }
0x94: {  	_ =	sfence.sel $0x180000  }
0x95: {  	[bflag:$0x0] =	sbarrier.arrive $0xFFFF  }
0x96: {  	p0 =	sne.s32 s1, $0x0;
	_ =	strace $0x9000005B  }
0x97: {  	s0 =	sadd.s32 @!p0 $0x100000, s0;
	[bflag:$0x2] =	sbarrier.arrive $0xFFFF  }
0x98: {  	[sflag:s0] =	ssyncadd.tile.s32 @!p0 $0x1;
	_ =	shalt  }
.Lfunc_end2:
_tile_overlayer_lowered:
.L_overlay_start_2:
0x99: {  	(tag) =	ssettag $0x2  }
0x9a: {  	s0 =	rddreg [dreg:$0x0];
	s2 =	stileid.u32  }
0x9b: {  	s1 =	rddreg [dreg:$0x1];
	p0 =	sne.s32 s2, $0x0  }
0x9c: {  	s3 =	rddreg [dreg:$0x2];
	[bflag:$0x3] =	sbarrier.arrive $0xFFFF;
	s2 =	simm.s32 @!p0 $0x1C01  }
0x9d: {  	[timem:s3], [sflag:s2] =	dma.local @!p0 [hbm:s0], s1  }
0x9e: {  	s0 =	simm.s32 @!p0 $0x1  }
0x9f: {  	_ =	swait.ge @!p0 [sflag:s0], s1  }
0xa0: {  	s1 =	ssub.s32 @!p0 $0x0, s1;
	[sflag:s0] =	ssyncset.done @!p0 $0x0  }
0xa1: {  	[sflag:s0] =	ssyncadd.s32 @!p0 s1  }
0xa2: {  	[bflag:$0x3] =	sbarrier.arrive $0xFFFF  }
0xa3: {  	_ =	shalt  }

// kernel: kernel.21.cloned.1.call-start
scs
__scs_entry_jumppad:
0x0: {  	(pc) =	sbr.rel $0x88, $3  }
0x1: {  	(tag) =	ssettag $0x0;
	lr =	simm.s32 $0x1  }
0x2: {  	[smem:$0x3F9C] =	sst lr;
	_ =	strace $0xD0000000  }
0x3: {  	_ = 	snop  }
0x4: {  	_ = 	snop  }
0x5: {  	_ = 	snop  }
0x6: {  	_ = 	snop  }
0x7: {  	_ = 	snop  }
__scs_overlays_trampoline_lowered:
0x8: {  	[smem:$0x3FAB] =	sst s0  }
0x9: {  	[smem:$0x3FAC] =	sst s1  }
0xa: {  	[smem:$0x3FAD] =	sst s2  }
0xb: {  	[smem:$0x3FAE] =	sst s3  }
0xc: {  	[smem:$0x3FAF] =	sst s4  }
0xd: {  	[smem:$0x3FB0] =	sst s5  }
0xe: {  	[smem:$0x3FB1] =	sst s6  }
0xf: {  	[smem:$0x3FB2] =	sst s7  }
0x10: {  	[smem:$0x3FB3] =	sst s8  }
0x11: {  	[smem:$0x3FB4] =	sst s9;
	s0 =	simm.s32 @!p0 $0x0  }
0x12: {  	s1 =	sld [smem:$0x3F9A];
	s0 =	simm.s32 @p0 $0x1  }
0x13: {  	[smem:$0x3FB5] =	sst s0;
	s0 =	simm.s32 @!p1 $0x0  }
0x14: {  	s2 =	sld [smem:$0x3F99];
	s0 =	simm.s32 @p1 $0x1  }
0x15: {  	[smem:$0x3FB6] =	sst s0;
	s0 =	simm.s32 @!p2 $0x0  }
0x16: {  	s3 =	sld [smem:$0x3FDB];
	s0 =	simm.s32 @p2 $0x1  }
0x17: {  	s4 =	simm.s32 $0x1BF5;
	[smem:$0x3FB8] =	sst s0  }
0x18: {  	s0 =	sld [smem:$0x3F9B];
	_ =	swait.ge [sflag:s4], $0x0  }
0x19: {  	s7 =	sld [smem:$0x3F9C]  }
0x1a: {  	s8 =	sadd.s32 $0xFFFFE003, lr  }
0x1b: {  	s9 =	sadd.s32 $0xFFFFFEF7, lr;
	s5 =	simm.s32 $0xFFFFFFFF;
	p2 =	slt.u32 s8, $0xFFFFF086  }
0x1c: {  	p1 =	slt.u32 s9, $0xF7A;
	s5 =	simm.s32 @!p2 $0x0  }
0x1d: {  	s5 =	simm.s32 @p1 $0x1;
	p0 =	seq.s32 s7, s2  }
0x1e: {  	s7 =	smul.u32 @!p0 $0xF7A, s2;
	p2 =	seq.s32 @!p0 s5, $0x0  }
0x1f: {  	s9 =	smul.u32 $0xF7A, s1;
	s8 =	simm.s32 @!p0 $0x1BF5;
	p2 =	por !p2, p0  }
0x20: {  	[sflag:s8] =	ssyncset.s32 @!p0 $0xFFFFF086;
	s6 =	sadd.s32 @!p0 s3, s7;
	s7 =	simm.s32 @!p0 $0x108  }
0x21: {  	s3 =	sadd.s32 s3, s9;
	s6 =	sadd.s32 @!p0 $0x88, s6;
	s7 =	simm.s32 @p2 $0x1082  }
0x22: {  	[simem:s7], [sflag:s8] =	dma.local @!p0 [hbm:s6], $0xF7A  }
0x23: {  	s9 =	sor.u32 $0xD0000000, s2;
	s6 =	simm.s32 $0x108;
	_ =	swait.ge @!p0 [sflag:s8], $0x0  }
0x24: {  	s3 =	sadd.s32 $0x88, s3;
	s6 =	simm.s32 @!p1 $0x1082;
	[sflag:s4] =	ssyncset.s32 $0xFFFFF086  }
0x25: {  	[simem:s6], [sflag:s4] =	dma.local [hbm:s3], $0xF7A  }
0x26: {  	[smem:$0x3F9C] =	sst s1;
	(tag) =	ssettag s2;
	_ =	strace s9  }
0x27: {  	s1 =	sld [smem:$0x3FAC]  }
0x28: {  	s2 =	sld [smem:$0x3FAD]  }
0x29: {  	s4 =	sld [smem:$0x3FAF]  }
0x2a: {  	p0 =	seq.s32 s5, $0x0;
	s5 =	sld [smem:$0x3FB0]  }
0x2b: {  	s6 =	sld [smem:$0x3FB1]  }
0x2c: {  	s7 =	sld [smem:$0x3FB2]  }
0x2d: {  	s3 =	simm.s32 $0x108;
	s8 =	sld [smem:$0x3FB3]  }
0x2e: {  	s3 =	simm.s32 @!p0 $0x1082;
	s9 =	sld [smem:$0x3FB4]  }
0x2f: {  	lr =	sadd.s32 s0, s3;
	s0 =	sld [smem:$0x3FAB]  }
0x30: {  	s3 =	sld [smem:$0x3FAE]  }
0x31: {  	[smem:$0x3FB7] =	sst s10  }
0x32: {  	s10 =	sld [smem:$0x3FB5];
	_ =	sdelay $0x3  }
0x33: {  	p0 =	seq.s32 s10, $0x1;
	s10 =	sld [smem:$0x3FB7];
	_ =	sdelay $0x3  }
0x34: {  	[smem:$0x3FB7] =	sst s10  }
0x35: {  	s10 =	sld [smem:$0x3FB6];
	_ =	sdelay $0x3  }
0x36: {  	p1 =	seq.s32 s10, $0x1;
	s10 =	sld [smem:$0x3FB7];
	_ =	sdelay $0x3  }
0x37: {  	[smem:$0x3FB7] =	sst s10  }
0x38: {  	s10 =	sld [smem:$0x3FB8]  }
0x39: {  	_ = 	snop;
	(pc) =	sbr.ind lr, $3  }
0x3a: {  	_ = 	snop  }
0x3b: {  	_ = 	snop  }
0x3c: {  	p2 =	seq.s32 s10, $0x1;
	s10 =	sld [smem:$0x3FB7]  }
0x3d: {  	_ =	shalt  }
0x3e: {  	_ =	shalt  }
0x3f: {  	_ =	shalt  }
0x40: {  	_ =	shalt  }
0x41: {  	_ =	shalt  }
0x42: {  	_ =	shalt  }
0x43: {  	_ =	shalt  }
0x44: {  	_ =	shalt  }
0x45: {  	_ =	shalt  }
0x46: {  	_ =	shalt  }
0x47: {  	_ =	shalt  }
0x48: {  	_ =	shalt  }
0x49: {  	_ =	shalt  }
0x4a: {  	_ =	shalt  }
0x4b: {  	_ =	shalt  }
0x4c: {  	_ =	shalt  }
0x4d: {  	_ =	shalt  }
0x4e: {  	_ =	shalt  }
0x4f: {  	_ =	shalt  }
0x50: {  	_ =	shalt  }
0x51: {  	_ =	shalt  }
0x52: {  	_ =	shalt  }
0x53: {  	_ =	shalt  }
0x54: {  	_ =	shalt  }
0x55: {  	_ =	shalt  }
0x56: {  	_ =	shalt  }
0x57: {  	_ =	shalt  }
0x58: {  	_ =	shalt  }
0x59: {  	_ =	shalt  }
0x5a: {  	_ =	shalt  }
0x5b: {  	_ =	shalt  }
0x5c: {  	_ =	shalt  }
0x5d: {  	_ =	shalt  }
0x5e: {  	_ =	shalt  }
0x5f: {  	_ =	shalt  }
0x60: {  	_ =	shalt  }
0x61: {  	_ =	shalt  }
0x62: {  	_ =	shalt  }
0x63: {  	_ =	shalt  }
0x64: {  	_ =	shalt  }
0x65: {  	_ =	shalt  }
0x66: {  	_ =	shalt  }
0x67: {  	_ =	shalt  }
0x68: {  	_ =	shalt  }
0x69: {  	_ =	shalt  }
0x6a: {  	_ =	shalt  }
0x6b: {  	_ =	shalt  }
0x6c: {  	_ =	shalt  }
0x6d: {  	_ =	shalt  }
0x6e: {  	_ =	shalt  }
0x6f: {  	_ =	shalt  }
0x70: {  	_ =	shalt  }
0x71: {  	_ =	shalt  }
0x72: {  	_ =	shalt  }
0x73: {  	_ =	shalt  }
0x74: {  	_ =	shalt  }
0x75: {  	_ =	shalt  }
0x76: {  	_ =	shalt  }
0x77: {  	_ =	shalt  }
0x78: {  	_ =	shalt  }
0x79: {  	_ =	shalt  }
0x7a: {  	_ =	shalt  }
0x7b: {  	_ =	shalt  }
0x7c: {  	_ =	shalt  }
0x7d: {  	_ =	shalt  }
0x7e: {  	_ =	shalt  }
0x7f: {  	_ =	shalt  }
0x80: {  	_ =	shalt  }
0x81: {  	_ =	shalt  }
0x82: {  	_ =	shalt  }
0x83: {  	_ =	shalt  }
0x84: {  	_ =	shalt  }
0x85: {  	_ =	shalt  }
0x86: {  	_ =	shalt  }
0x87: {  	_ =	shalt  }
.Lfunc_end0:
.L_simem_size_0:
called_computation.3_lowered:
.L_overlay_start_0:
0x88: {  	s2 =	sld [smem:$0x3FD9]  }
0x89: {  	s3 =	sld [smem:$0x3FFE];
	_ =	sdelay $0x1  }
0x8a: {  	s1 =	srdreg.scid  }
0x8b: {  	s0 =	sand.u32 $0x1, s1  }
0x8c: {  	s17 =	sshll.u32 s0, $0xA;
	s2 =	sadd.s32 s3, s2  }
0x8d: {  	s2 =	sadd.s32 s2, s17  }
0x8e: {  	[smem:$0x3FC3] =	sst s2  }
0x8f: {  	_ = 	snop  }
0x90: {  	s18 =	sld [smem:$0x3FC8];
	(tm) =	ssettm $0x1  }
0x91: {  	s19 =	sld [smem:$0x3FFB];
	_ =	sdelay $0x3  }
0x92: {  	_ =	strace s19  }
0x93: {  	s2 =	sld [smem:$0x3FFC];
	_ =	sdelay $0x3  }
0x94: {  	_ =	strace s2  }
0x95: {  	s2 =	sld [smem:$0x3FFD];
	_ =	sdelay $0x3  }
0x96: {  	_ =	strace s2  }
0x97: {  	_ =	strace $0x8FFFFFFF  }
0x98: {  	s20 =	sld [smem:$0x3FDB];
	_ =	sdelay $0x1  }
0x99: {  	s4 =	simm.s32 $_scs_section_size  }
0x9a: {  	s5 =	simm.s32 $_size__tile_overlayer_lowered;
	s6 =	simm.s32 $_tile_overlayer_lowered  }
0x9b: {  	s7 =	simm.s32 $0x1BFF;
	s21 =	sshll.u32 s6, $0x1;
	s4 =	sadd.s32 s4, s20  }
0x9c: {  	s22 =	simm.s32 $0x0;
	s5 =	sshll.u32 s5, $0x1;
	s6 =	sadd.s32 s21, s4  }
0x9d: {  	[timem:s22], [sflag:s7] =	dma.local [hbm:s6], s5  }
0x9e: {  	_ =	swait.ge [sflag:s7], s5  }
0x9f: {  	s5 =	ssub.s32 $0x0, s5;
	[sflag:s7] =	ssyncset.done $0x0  }
0xa0: {  	[sflag:s7] =	ssyncadd.s32 s5;
	_ =	sdelay $0x1  }
0xa1: {  	s23 =	simm.s32 $0x1B8B  }
0xa2: {  	_ =	swait.ge [sflag:s23], $0x1  }
0xa3: {  	[sflag:s23] =	ssyncset.done $0x0  }
0xa4: {  	[sflag:s23] =	ssyncadd.s32 $0xFFFFFFFF  }
0xa5: {  	s5 =	sld [smem:$0x0]  }
0xa6: {  	s6 =	sand.u32 $0xFFFFFFFE, s1  }
0xa7: {  	p0 =	sne.s32 s1, s6  }
0xa8: {  	s6 =	sshll.u32 @p0 s6, $0xE  }
0xa9: {  	s6 =	sadd.s32 @p0 $0x11B8D, s6;
	s7 =	sshll.u32 @p0 s5, $0x11  }
0xaa: {  	s6 =	sor.u32 @p0 s7, s6  }
0xab: {  	[sflag:s6] =	ssyncadd.remote.s32 @p0 $0x1;
	_ =	sdelay $0x1  }
0xac: {  	s6 =	simm.s32 @p0 $0x1B8D  }
0xad: {  	_ =	swait.eq @p0 [sflag:s6], $0x1  }
0xae: {  	[sflag:s6] =	ssyncadd.s32 @p0 $0xFFFFFFFF  }
0xaf: {  	s7 =	sshll.u32 @!p0 s1, $0xE  }
0xb0: {  	s7 =	sor.u32 @!p0 $0x4000, s7;
	s6 =	simm.s32 @!p0 $0x1B8D  }
0xb1: {  	s5 =	sshll.u32 @!p0 s5, $0x11;
	s7 =	sadd.s32 @!p0 $0x11B8D, s7;
	_ =	swait.eq @!p0 [sflag:s6], $0x1  }
0xb2: {  	s5 =	sor.u32 @!p0 s5, s7;
	[sflag:s6] =	ssyncadd.s32 @!p0 $0xFFFFFFFF  }
0xb3: {  	s25 =	simm.s32 $0x1B8E;
	s24 =	sld [smem:$0x3FFE];
	[sflag:s5] =	ssyncadd.remote.s32 @!p0 $0x1  }
0xb4: {  	s26 =	simm.s32 $execute0_lowered;
	[smem:$0x3FD2] =	sst s25  }
0xb5: {  	s6 =	sshll.u32 s26, $0x1;
	_ =	strace $0x80000064;
	[dreg:$0x1] =	wrdreg $0xFFFFFFFF  }
0xb6: {  	s28 =	simm.s32 $_size_execute0_lowered;
	s4 =	sadd.s32 s4, s6;
	[dreg:$0x0] =	wrdreg $0x0  }
0xb7: {  	s6 =	sshll.u32 s28, $0x1;
	[dreg:$0x2] =	wrdreg s4  }
0xb8: {  	[dreg:$0x3] =	wrdreg s6  }
0xb9: {  	[dreg:$0x4] =	wrdreg $0xC0  }
0xba: {  	_ =	task [dreg:s22], $0x5FFFF  }
0xbb: {  	[dreg:$0x1] =	wrdreg $0xFFFFFFFF  }
0xbc: {  	[dreg:$0x0] =	wrdreg $0x60  }
0xbd: {  	[dreg:$0x2] =	wrdreg s18  }
0xbe: {  	[dreg:$0x3] =	wrdreg s24  }
0xbf: {  	[dreg:$0x4] =	wrdreg $0xC  }
0xc0: {  	_ =	task.clear_ibuf [dreg:s22], $0x5FFFF;
	_ =	strace $0x90000064  }
0xc1: {  	s29 =	simm.s32 $0xC;
	_ =	strace $0x8000006D  }
0xc2: {  	_ =	swait.ge [sflag:s29], $0x1  }
0xc3: {  	[sflag:s29] =	ssyncadd.s32 $0xFFFFFFFF  }
0xc4: {  	_ =	strace $0x9000006D  }
0xc5: {  	_ =	sfence  }
0xc6: {  	s30 =	sld [smem:$0x0];
	_ =	sdelay $0x2  }
0xc7: {  	s31 =	sshll.u32 s1, $0xD;
	s1 =	sshrl.u32 s1, $0x2  }
0xc8: {  	s4 =	sand.u32 $0x4000, s31;
	s1 =	sadd.s32 s1, s30  }
0xc9: {  	s0 =	sor.u32 s4, s0;
	s1 =	sshll.u32 s1, $0x11  }
0xca: {  	s0 =	sor.u32 s1, s0  }
0xcb: {  	s0 =	sadd.s32 $0x8F2B, s0  }
0xcc: {  	[sflag:s0] =	ssyncadd.remote.s32 $0x1  }
0xcd: {  	_ =	sfence.sel $0xFFFF  }
0xce: {  	[dreg:$0x0] =	wrdreg $0xFFFFFFFF;
	(pc) =	sbr.abs _section_cstart, $3  }
0xcf: {  	[dreg:$0x1] =	wrdreg $0xFFFFFFFF  }
0xd0: {  	_ =	task.clear_ibuf [dreg:s22], $0x2FFFF;
	_ =	strace $0x9FFFFFFF  }
0xd1: {  	(tm) =	ssettm $0x7FFFFFFF  }
tec
execute0_lowered:
.L_overlay_start_1:
0x0: {  	(tag) =	ssettag $0x1  }
0x1: {  	s0 =	srdreg.scid;
	s2 =	rddreg [dreg:$0x0]  }
0x2: {  	s6 =	rddreg [dreg:$0x1];
	s1 =	stileid.u32;
	s3 =	simm.s32 $0x0  }
0x3: {  	s11 =	simm.s32 $0x5;
	s12 =	simm.s32 $0x3;
	s5 =	sand.u32 $0x1, s0  }
0x4: {  	s13 =	simm.s32 $0x0;
	s0 =	rddreg [dreg:$0x2];
	s4 =	sshll.u32 s5, $0x4  }
0x5: {  	[smem:$0x7FF] =	sst s3;
	s9 =	ssub.s32 $0x2, s5;
	s7 =	sor.u32 s1, s4  }
0x6: {  	_ =	strace $0x80000065;
	s31 =	sshrl.u32 s9, $0x1;
	s8 =	smul.u32 $0x28, s7  }
0x7: {  	v2 =	vlaneseq.u32;
	s5 =	sadd.s32 $0x2D4400, s6;
	s4 =	sadd.s32 $0x2200, s6;
	s10 =	ssub.s32 s9, s31  }
0x8: {  	vm0 =	vmmov $0xffff;
	v1 =	vshrl.u32 v2, $0x3;
	s6 =	smul.u32 $0x5, s7;
	s9 =	sadd.s32 $0x200, s2;
	s8 =	sand.u32 $0x7F0, s8  }
0x9: {  	v0 =	vand.u32 $0x7, v2;
	v2 =	vor.u32 $0x8, v2;
	v1 =	vmul.u32 $0x8, v1;
	s10 =	smax.u32 s10, $0x1;
	s7 =	sadd.s32 s4, s8;
	s8 =	sadd.s32 $0x100, s2  }
.LBB2_1:
0xa: {  	_ =	strace $0x80000066;
	s14 =	simm.s32 $0x4  }
0xb: {  	s20 =	simm.s32 $0x0;
	s15 =	simm.s32 $0x0;
	s16 =	simm.s32 $0x0  }
0xc: {  	[tilespmem:s3], [sflag:$0x1] =	stream.linear.gather [hbm4b:s7+s3], $0x80, $0x200038;
	[tilespmem:$0x18100] =	vst v63  }
0xd: {  	s17 =	simm.s32 $0x0;
	s18 =	simm.s32 $0x1;
	_ =	strace $0x90000066  }
.LBB2_2:
0xe: {  	s21 =	sadd.s32 s6, s20;
	s19 =	sadd.s32 $0x1, s20  }
0xf: {  	s22 =	sshrl.u32 s21, $0x1F;
	p0 =	seq.s32 s19, $0x5  }
0x10: {  	p2 =	slt.s32 s21, $0x1;
	s23 =	sadd.s32 s22, s21;
	s19 =	simm.s32 @p0 $0x0  }
0x11: {  	s22 =	sand.u32 $0xFFFFFFFE, s23;
	s24 =	sadd.s32 s6, s19;
	s23 =	sshra.s32 s23, $0x1  }
0x12: {  	p1 =	sne.s32 s21, s22;
	s25 =	sand.u32 $0x1, s24;
	p3 =	slt.s32 s24, $0x1  }
0x13: {  	s26 =	sshrl.u32 s24, $0x1F;
	p0 =	por !p2, !p1;
	p2 =	seq.s32 s25, $0x1  }
0x14: {  	s25 =	simm.s32 $0x1;
	s24 =	sadd.s32 s26, s24;
	p1 =	por !p3, !p2  }
0x15: {  	s26 =	simm.s32 $0x1;
	p0 =	por !p0, !p0;
	p1 =	por !p1, !p1  }
0x16: {  	s24 =	sshra.s32 s24, $0x1;
	s25 =	simm.s32 @!p0 $0x0;
	s26 =	simm.s32 @!p1 $0x0  }
0x17: {  	s23 =	ssub.s32 s23, s25;
	s24 =	ssub.s32 s24, s26  }
0x18: {  	p4 =	sne.s32 s14, $0x0;
	p0 =	sne.s32 s23, s24  }
0x19: {  	p2 =	seq.s32 s20, $0x0;
	s25 =	sadd.s32 $0xFFFFFFFF, s20;
	p1 =	por !p4, !p0  }
0x1a: {  	s25 =	simm.s32 @p2 $0x4;
	p1 =	por !p1, !p1  }
0x1b: {  	s25 =	sadd.s32 s6, s25;
	s26 =	sand.u32 @p1 $0x1, s18;
	s24 =	sshll.u32 @p1 s24, $0x4  }
0x1c: {  	_ =	strace @p1 $0x80000067;
	s29 =	simm.s32 @p1 $0x0;
	s24 =	sand.u32 @p1 $0x1FFFFFF0, s24  }
0x1d: {  	s28 =	sshll.u32 @p1 s26, $0x7;
	s26 =	sadd.s32 @p1 $0x1, s26;
	s24 =	sadd.s32 @p1 s4, s24  }
0x1e: {  	[tilespmem:s28], [sflag:s26] =	stream.linear.gather @p1 [hbm4b:s24+s29], $0x80, $0x200038;
	[tilespmem:$0x18100] =	vst v63  }
0x1f: {  	s26 =	sand.u32 $0x1, s25  }
0x20: {  	p5 =	slt.s32 s25, $0x1;
	p3 =	seq.s32 s26, $0x1  }
0x21: {  	s28 =	sshrl.u32 s25, $0x1F;
	p2 =	por !p5, !p3  }
0x22: {  	s24 =	sadd.s32 s28, s25;
	s25 =	simm.s32 $0x1;
	p2 =	por !p2, !p2  }
0x23: {  	s24 =	sshra.s32 s24, $0x1;
	s25 =	simm.s32 @!p2 $0x0  }
0x24: {  	p2 =	seq.s32 s14, $0x4;
	s24 =	ssub.s32 s24, s25  }
0x25: {  	p3 =	seq.s32 @!p2 s23, s24  }
0x26: {  	p3 =	por p2, !p3  }
0x27: {  	_ =	strace @p1 $0x90000067;
	s23 =	sand.u32 @p3 $0x1, s17  }
0x28: {  	_ =	strace @p3 $0x80000068;
	s23 =	sadd.s32 @p3 $0x1, s23  }
0x29: {  	_ =	swait.ge @p3 [sflag:s23], $0x80  }
0x2a: {  	s22 =	ssub.s32 s21, s22;
	[sflag:s23] =	ssyncset.done @p3 $0x0  }
0x2b: {  	s22 =	sshll.u32 s22, $0x6;
	s29 =	sshll.u32 s17, $0x7;
	[sflag:s23] =	ssyncadd.s32 @p3 $0xFFFFFF80  }
0x2c: {  	s22 =	sand.u32 $0x40, s22;
	s23 =	sand.u32 $0x80, s29;
	_ =	strace @p3 $0x90000068  }
0x2d: {  	s25 =	sor.u32 s22, s23;
	_ =	strace $0x80000069  }
0x2e: {  	v3 =	vld [tilespmem:s25+$0x0];
	_ =	sdelay $0x4  }
0x2f: {  	v4 =	vshrl.u32 v3, $0x3  }
0x30: {  	v4 =	vmul.u32 $0x30, v4  }
0x31: {  	v3 =	vand.u32 $0x7, v3  }
0x32: {  	v3 =	vor.u32 v3, v4  }
0x33: {  	v4 =	vperm.xlane v3, v0;
	_ =	sdelay $0x1  }
0x34: {  	s22 =	sand.u32 $0x1, s16;
	v4 =	vadd.s32 v1, v4  }
0x35: {  	s30 =	smul.u32 $0x30000, s22;
	_ =	sdelay $0x1  }
0x36: {  	s24 =	sshrl.u32 s30, $0x2  }
0x37: {  	s23 =	sor.u32 $0x100, s24;
	v3 =	vperm.xlane v3, v2  }
0x38: {  	[tilespmem:s23], [sflag:$0x5] =	stream.indirect_vreg.gather [hbm4b:s2+s3], $0x80, v4, vm0, $0x2000b8;
	[tilespmem:$0x18100] =	vst v63  }
0x39: {  	s31 =	sor.u32 $0x900, s24;
	v3 =	vadd.s32 v1, v3  }
0x3a: {  	[tilespmem:s31], [sflag:$0x5] =	stream.indirect_vreg.gather [hbm4b:s8+s3], $0x80, v4, vm0, $0x2000b8;
	[tilespmem:$0x18100] =	vst v63  }
0x3b: {  	s28 =	sor.u32 $0x1100, s24  }
0x3c: {  	[tilespmem:s28], [sflag:$0x5] =	stream.indirect_vreg.gather [hbm4b:s9+s3], $0x80, v4, vm0, $0x2000b8;
	[tilespmem:$0x18100] =	vst v63  }
0x3d: {  	s29 =	sor.u32 $0x1900, s24  }
0x3e: {  	[tilespmem:s29], [sflag:$0x5] =	stream.indirect_vreg.gather [hbm4b:s2+s3], $0x80, v3, vm0, $0x2000b8;
	[tilespmem:$0x18100] =	vst v63  }
0x3f: {  	s30 =	sor.u32 $0x2100, s24  }
0x40: {  	[tilespmem:s30], [sflag:$0x5] =	stream.indirect_vreg.gather [hbm4b:s8+s3], $0x80, v3, vm0, $0x2000b8;
	[tilespmem:$0x18100] =	vst v63  }
0x41: {  	s31 =	sor.u32 $0x2900, s24  }
0x42: {  	[tilespmem:s31], [sflag:$0x5] =	stream.indirect_vreg.gather [hbm4b:s9+s3], $0x80, v3, vm0, $0x2000b8;
	[tilespmem:$0x18100] =	vst v63  }
0x43: {  	v3 =	vld [tilespmem:s25+$0x10];
	_ =	sdelay $0x4  }
0x44: {  	v61 =	vshrl.u32 v3, $0x3  }
0x45: {  	v4 =	vmul.u32 $0x30, v61  }
0x46: {  	v3 =	vand.u32 $0x7, v3  }
0x47: {  	v3 =	vor.u32 v3, v4  }
0x48: {  	v4 =	vperm.xlane v3, v0;
	_ =	sdelay $0x1  }
0x49: {  	v4 =	vadd.s32 v1, v4;
	_ =	sdelay $0x3  }
0x4a: {  	s28 =	sor.u32 $0x3100, s24;
	v3 =	vperm.xlane v3, v2  }
0x4b: {  	[tilespmem:s28], [sflag:$0x5] =	stream.indirect_vreg.gather [hbm4b:s2+s3], $0x80, v4, vm0, $0x2000b8;
	[tilespmem:$0x18100] =	vst v63  }
0x4c: {  	s29 =	sor.u32 $0x3900, s24;
	v3 =	vadd.s32 v1, v3  }
0x4d: {  	[tilespmem:s29], [sflag:$0x5] =	stream.indirect_vreg.gather [hbm4b:s8+s3], $0x80, v4, vm0, $0x2000b8;
	[tilespmem:$0x18100] =	vst v63  }
0x4e: {  	s30 =	sadd.s32 $0x4100, s24  }
0x4f: {  	[tilespmem:s30], [sflag:$0x5] =	stream.indirect_vreg.gather [hbm4b:s9+s3], $0x80, v4, vm0, $0x2000b8;
	[tilespmem:$0x18100] =	vst v63  }
0x50: {  	s31 =	sadd.s32 $0x4900, s24  }
0x51: {  	[tilespmem:s31], [sflag:$0x5] =	stream.indirect_vreg.gather [hbm4b:s2+s3], $0x80, v3, vm0, $0x2000b8;
	[tilespmem:$0x18100] =	vst v63  }
0x52: {  	s28 =	sadd.s32 $0x5100, s24  }
0x53: {  	[tilespmem:s28], [sflag:$0x5] =	stream.indirect_vreg.gather [hbm4b:s8+s3], $0x80, v3, vm0, $0x2000b8;
	[tilespmem:$0x18100] =	vst v63  }
0x54: {  	s29 =	sadd.s32 $0x5900, s24  }
0x55: {  	[tilespmem:s29], [sflag:$0x5] =	stream.indirect_vreg.gather [hbm4b:s9+s3], $0x80, v3, vm0, $0x2000b8;
	[tilespmem:$0x18100] =	vst v63  }
0x56: {  	v3 =	vld [tilespmem:s25+$0x20];
	_ =	sdelay $0x4  }
0x57: {  	v62 =	vshrl.u32 v3, $0x3  }
0x58: {  	v4 =	vmul.u32 $0x30, v62  }
0x59: {  	v3 =	vand.u32 $0x7, v3  }
0x5a: {  	v3 =	vor.u32 v3, v4  }
0x5b: {  	v4 =	vperm.xlane v3, v0;
	_ =	sdelay $0x1  }
0x5c: {  	v4 =	vadd.s32 v1, v4;
	_ =	sdelay $0x3  }
0x5d: {  	s30 =	sadd.s32 $0x6100, s24;
	v3 =	vperm.xlane v3, v2  }
0x5e: {  	[tilespmem:s30], [sflag:$0x5] =	stream.indirect_vreg.gather [hbm4b:s2+s3], $0x80, v4, vm0, $0x2000b8;
	[tilespmem:$0x18100] =	vst v63  }
0x5f: {  	s31 =	sadd.s32 $0x6900, s24;
	v3 =	vadd.s32 v1, v3  }
0x60: {  	[tilespmem:s31], [sflag:$0x5] =	stream.indirect_vreg.gather [hbm4b:s8+s3], $0x80, v4, vm0, $0x2000b8;
	[tilespmem:$0x18100] =	vst v63  }
0x61: {  	s28 =	sadd.s32 $0x7100, s24  }
0x62: {  	[tilespmem:s28], [sflag:$0x5] =	stream.indirect_vreg.gather [hbm4b:s9+s3], $0x80, v4, vm0, $0x2000b8;
	[tilespmem:$0x18100] =	vst v63  }
0x63: {  	s29 =	sadd.s32 $0x7900, s24  }
0x64: {  	[tilespmem:s29], [sflag:$0x5] =	stream.indirect_vreg.gather [hbm4b:s2+s3], $0x80, v3, vm0, $0x2000b8;
	[tilespmem:$0x18100] =	vst v63  }
0x65: {  	s30 =	sadd.s32 $0x8100, s24  }
0x66: {  	[tilespmem:s30], [sflag:$0x5] =	stream.indirect_vreg.gather [hbm4b:s8+s3], $0x80, v3, vm0, $0x2000b8;
	[tilespmem:$0x18100] =	vst v63  }
0x67: {  	s31 =	sadd.s32 $0x8900, s24  }
0x68: {  	[tilespmem:s31], [sflag:$0x5] =	stream.indirect_vreg.gather [hbm4b:s9+s3], $0x80, v3, vm0, $0x2000b8;
	[tilespmem:$0x18100] =	vst v63  }
0x69: {  	v3 =	vld [tilespmem:s25+$0x30];
	_ =	sdelay $0x4  }
0x6a: {  	v63 =	vshrl.u32 v3, $0x3  }
0x6b: {  	v4 =	vmul.u32 $0x30, v63  }
0x6c: {  	v3 =	vand.u32 $0x7, v3  }
0x6d: {  	v3 =	vor.u32 v3, v4  }
0x6e: {  	v4 =	vperm.xlane v3, v0;
	_ =	sdelay $0x1  }
0x6f: {  	v4 =	vadd.s32 v1, v4;
	_ =	sdelay $0x3  }
0x70: {  	s26 =	sadd.s32 $0x9100, s24;
	v3 =	vperm.xlane v3, v2  }
0x71: {  	[tilespmem:s26], [sflag:$0x5] =	stream.indirect_vreg.gather [hbm4b:s2+s3], $0x80, v4, vm0, $0x2000b8;
	[tilespmem:$0x18100] =	vst v63  }
0x72: {  	s28 =	sadd.s32 $0x9900, s24;
	v3 =	vadd.s32 v1, v3  }
0x73: {  	[tilespmem:s28], [sflag:$0x5] =	stream.indirect_vreg.gather [hbm4b:s8+s3], $0x80, v4, vm0, $0x2000b8;
	[tilespmem:$0x18100] =	vst v63  }
0x74: {  	s29 =	sadd.s32 $0xA100, s24  }
0x75: {  	[tilespmem:s29], [sflag:$0x5] =	stream.indirect_vreg.gather [hbm4b:s9+s3], $0x80, v4, vm0, $0x2000b8;
	[tilespmem:$0x18100] =	vst v63  }
0x76: {  	s30 =	sadd.s32 $0xA900, s24  }
0x77: {  	[tilespmem:s30], [sflag:$0x5] =	stream.indirect_vreg.gather [hbm4b:s2+s3], $0x80, v3, vm0, $0x2000b8;
	[tilespmem:$0x18100] =	vst v63  }
0x78: {  	s31 =	sadd.s32 $0xB100, s24  }
0x79: {  	[tilespmem:s31], [sflag:$0x5] =	stream.indirect_vreg.gather [hbm4b:s8+s3], $0x80, v3, vm0, $0x2000b8;
	[tilespmem:$0x18100] =	vst v63  }
0x7a: {  	p6 =	seq.s32 s14, $0x0;
	p4 =	sne.s32 s20, s19;
	s24 =	sadd.s32 $0xB900, s24  }
0x7b: {  	[tilespmem:s24], [sflag:$0x5] =	stream.indirect_vreg.gather [hbm4b:s9+s3], $0x80, v3, vm0, $0x2000b8;
	[tilespmem:$0x18100] =	vst v63  }
0x7c: {  	p4 =	por p6, p4;
	_ =	swait.ge [sflag:s11], $0xC000  }
0x7d: {  	s20 =	smul.u32 @p4 $0x1800, s21;
	[sflag:s11] =	ssyncset.done $0x0  }
0x7e: {  	[sflag:s11] =	ssyncadd.s32 $0xFFFF4000  }
0x7f: {  	s20 =	sadd.s32 @p4 s5, s20;
	_ =	strace $0x90000069  }
0x80: {  	s21 =	sadd.s32 @p4 $0x3, s22;
	s22 =	simm.s32 @p4 $0x0;
	_ =	strace @p4 $0x8000006A  }
0x81: {  	[hbm4b:s20+s22] =	stream.linear.scatter @p4 [tilespmem:s23], [sflag:s21], $0xC000, $0x200038;
	[tilespmem:$0x18100] =	vst v63  }
0x82: {  	s21 =	sand.u32 @!p2 $0x1, s15;
	_ =	strace @p4 $0x9000006A  }
0x83: {  	s21 =	sadd.s32 @!p2 $0x3, s21;
	_ =	strace @!p2 $0x8000006B  }
0x84: {  	p0 =	por p6, p0;
	s20 =	simm.s32 $0x1;
	_ =	swait.ge @!p2 [sflag:s21], $0xC000  }
0x85: {  	s20 =	simm.s32 @!p1 $0x0;
	p1 =	sne.s32 s14, $0x4;
	[sflag:s21] =	ssyncset.done @!p2 $0x0  }
0x86: {  	s14 =	sadd.s32 $0xFFFFFFFF, s14;
	[sflag:s21] =	ssyncadd.s32 @!p2 $0xFFFF4000;
	s21 =	simm.s32 $0x1  }
0x87: {  	s21 =	simm.s32 @!p0 $0x0;
	p0 =	sne.s32 s14, $0xFFFFFFFF  }
.Ltmp0:
0x88: {  	_ = 	snop;
	(pc) =	sbr.rel @p0 .LBB2_2-.Ltmp0, $4  }
0x89: {  	s22 =	simm.s32 $0x1;
	s18 =	sadd.s32 s20, s18;
	s20 =	simm.s32 $0x1  }
0x8a: {  	s22 =	simm.s32 @!p4 $0x0;
	s20 =	simm.s32 @!p1 $0x0  }
0x8b: {  	s16 =	sadd.s32 s22, s16;
	s15 =	sadd.s32 s20, s15  }
0x8c: {  	s20 =	smov.u32 s19;
	_ =	strace @!p2 $0x9000006B;
	s17 =	sadd.s32 s21, s17  }
0x8d: {  	s13 =	sadd.s32 $0x1, s13  }
0x8e: {  	p0 =	sne.s32 s13, s10  }
.Ltmp1:
0x8f: {  	_ =	strace $0x8000006C;
	(pc) =	sbr.rel @p0 .LBB2_1-.Ltmp1, $4  }
0x90: {  	_ =	swait.ge [sflag:s12], $0xC000  }
0x91: {  	[sflag:s12] =	ssyncset.done $0x0  }
0x92: {  	[sflag:s12] =	ssyncadd.s32 $0xFFFF4000  }
0x93: {  	_ =	strace $0x9000006C  }
0x94: {  	_ =	sfence.sel $0x180000  }
0x95: {  	[bflag:$0x0] =	sbarrier.arrive $0xFFFF  }
0x96: {  	p0 =	sne.s32 s1, $0x0;
	_ =	strace $0x90000065  }
0x97: {  	s0 =	sadd.s32 @!p0 $0x100000, s0;
	[bflag:$0x2] =	sbarrier.arrive $0xFFFF  }
0x98: {  	[sflag:s0] =	ssyncadd.tile.s32 @!p0 $0x1;
	_ =	shalt  }
.Lfunc_end2:
_tile_overlayer_lowered:
.L_overlay_start_2:
0x99: {  	(tag) =	ssettag $0x2  }
0x9a: {  	s0 =	rddreg [dreg:$0x0];
	s2 =	stileid.u32  }
0x9b: {  	s1 =	rddreg [dreg:$0x1];
	p0 =	sne.s32 s2, $0x0  }
0x9c: {  	s3 =	rddreg [dreg:$0x2];
	[bflag:$0x3] =	sbarrier.arrive $0xFFFF;
	s2 =	simm.s32 @!p0 $0x1C01  }
0x9d: {  	[timem:s3], [sflag:s2] =	dma.local @!p0 [hbm:s0], s1  }
0x9e: {  	s0 =	simm.s32 @!p0 $0x1  }
0x9f: {  	_ =	swait.ge @!p0 [sflag:s0], s1  }
0xa0: {  	s1 =	ssub.s32 @!p0 $0x0, s1;
	[sflag:s0] =	ssyncset.done @!p0 $0x0  }
0xa1: {  	[sflag:s0] =	ssyncadd.s32 @!p0 s1  }
0xa2: {  	[bflag:$0x3] =	sbarrier.arrive $0xFFFF  }
0xa3: {  	_ =	shalt  }

// kernel: kernel.24.cloned.1.call-start
scs
__scs_entry_jumppad:
0x0: {  	(pc) =	sbr.rel $0x88, $3  }
0x1: {  	(tag) =	ssettag $0x0;
	lr =	simm.s32 $0x1  }
0x2: {  	[smem:$0x3F9C] =	sst lr;
	_ =	strace $0xD0000000  }
0x3: {  	_ = 	snop  }
0x4: {  	_ = 	snop  }
0x5: {  	_ = 	snop  }
0x6: {  	_ = 	snop  }
0x7: {  	_ = 	snop  }
__scs_overlays_trampoline_lowered:
0x8: {  	[smem:$0x3FAB] =	sst s0  }
0x9: {  	[smem:$0x3FAC] =	sst s1  }
0xa: {  	[smem:$0x3FAD] =	sst s2  }
0xb: {  	[smem:$0x3FAE] =	sst s3  }
0xc: {  	[smem:$0x3FAF] =	sst s4  }
0xd: {  	[smem:$0x3FB0] =	sst s5  }
0xe: {  	[smem:$0x3FB1] =	sst s6  }
0xf: {  	[smem:$0x3FB2] =	sst s7  }
0x10: {  	[smem:$0x3FB3] =	sst s8  }
0x11: {  	[smem:$0x3FB4] =	sst s9;
	s0 =	simm.s32 @!p0 $0x0  }
0x12: {  	s1 =	sld [smem:$0x3F9A];
	s0 =	simm.s32 @p0 $0x1  }
0x13: {  	[smem:$0x3FB5] =	sst s0;
	s0 =	simm.s32 @!p1 $0x0  }
0x14: {  	s2 =	sld [smem:$0x3F99];
	s0 =	simm.s32 @p1 $0x1  }
0x15: {  	[smem:$0x3FB6] =	sst s0;
	s0 =	simm.s32 @!p2 $0x0  }
0x16: {  	s3 =	sld [smem:$0x3FDB];
	s0 =	simm.s32 @p2 $0x1  }
0x17: {  	s4 =	simm.s32 $0x1BF5;
	[smem:$0x3FB8] =	sst s0  }
0x18: {  	s0 =	sld [smem:$0x3F9B];
	_ =	swait.ge [sflag:s4], $0x0  }
0x19: {  	s7 =	sld [smem:$0x3F9C]  }
0x1a: {  	s8 =	sadd.s32 $0xFFFFE003, lr  }
0x1b: {  	s9 =	sadd.s32 $0xFFFFFEF7, lr;
	s5 =	simm.s32 $0xFFFFFFFF;
	p2 =	slt.u32 s8, $0xFFFFF086  }
0x1c: {  	p1 =	slt.u32 s9, $0xF7A;
	s5 =	simm.s32 @!p2 $0x0  }
0x1d: {  	s5 =	simm.s32 @p1 $0x1;
	p0 =	seq.s32 s7, s2  }
0x1e: {  	s7 =	smul.u32 @!p0 $0xF7A, s2;
	p2 =	seq.s32 @!p0 s5, $0x0  }
0x1f: {  	s9 =	smul.u32 $0xF7A, s1;
	s8 =	simm.s32 @!p0 $0x1BF5;
	p2 =	por !p2, p0  }
0x20: {  	[sflag:s8] =	ssyncset.s32 @!p0 $0xFFFFF086;
	s6 =	sadd.s32 @!p0 s3, s7;
	s7 =	simm.s32 @!p0 $0x108  }
0x21: {  	s3 =	sadd.s32 s3, s9;
	s6 =	sadd.s32 @!p0 $0x88, s6;
	s7 =	simm.s32 @p2 $0x1082  }
0x22: {  	[simem:s7], [sflag:s8] =	dma.local @!p0 [hbm:s6], $0xF7A  }
0x23: {  	s9 =	sor.u32 $0xD0000000, s2;
	s6 =	simm.s32 $0x108;
	_ =	swait.ge @!p0 [sflag:s8], $0x0  }
0x24: {  	s3 =	sadd.s32 $0x88, s3;
	s6 =	simm.s32 @!p1 $0x1082;
	[sflag:s4] =	ssyncset.s32 $0xFFFFF086  }
0x25: {  	[simem:s6], [sflag:s4] =	dma.local [hbm:s3], $0xF7A  }
0x26: {  	[smem:$0x3F9C] =	sst s1;
	(tag) =	ssettag s2;
	_ =	strace s9  }
0x27: {  	s1 =	sld [smem:$0x3FAC]  }
0x28: {  	s2 =	sld [smem:$0x3FAD]  }
0x29: {  	s4 =	sld [smem:$0x3FAF]  }
0x2a: {  	p0 =	seq.s32 s5, $0x0;
	s5 =	sld [smem:$0x3FB0]  }
0x2b: {  	s6 =	sld [smem:$0x3FB1]  }
0x2c: {  	s7 =	sld [smem:$0x3FB2]  }
0x2d: {  	s3 =	simm.s32 $0x108;
	s8 =	sld [smem:$0x3FB3]  }
0x2e: {  	s3 =	simm.s32 @!p0 $0x1082;
	s9 =	sld [smem:$0x3FB4]  }
0x2f: {  	lr =	sadd.s32 s0, s3;
	s0 =	sld [smem:$0x3FAB]  }
0x30: {  	s3 =	sld [smem:$0x3FAE]  }
0x31: {  	[smem:$0x3FB7] =	sst s10  }
0x32: {  	s10 =	sld [smem:$0x3FB5];
	_ =	sdelay $0x3  }
0x33: {  	p0 =	seq.s32 s10, $0x1;
	s10 =	sld [smem:$0x3FB7];
	_ =	sdelay $0x3  }
0x34: {  	[smem:$0x3FB7] =	sst s10  }
0x35: {  	s10 =	sld [smem:$0x3FB6];
	_ =	sdelay $0x3  }
0x36: {  	p1 =	seq.s32 s10, $0x1;
	s10 =	sld [smem:$0x3FB7];
	_ =	sdelay $0x3  }
0x37: {  	[smem:$0x3FB7] =	sst s10  }
0x38: {  	s10 =	sld [smem:$0x3FB8]  }
0x39: {  	_ = 	snop;
	(pc) =	sbr.ind lr, $3  }
0x3a: {  	_ = 	snop  }
0x3b: {  	_ = 	snop  }
0x3c: {  	p2 =	seq.s32 s10, $0x1;
	s10 =	sld [smem:$0x3FB7]  }
0x3d: {  	_ =	shalt  }
0x3e: {  	_ =	shalt  }
0x3f: {  	_ =	shalt  }
0x40: {  	_ =	shalt  }
0x41: {  	_ =	shalt  }
0x42: {  	_ =	shalt  }
0x43: {  	_ =	shalt  }
0x44: {  	_ =	shalt  }
0x45: {  	_ =	shalt  }
0x46: {  	_ =	shalt  }
0x47: {  	_ =	shalt  }
0x48: {  	_ =	shalt  }
0x49: {  	_ =	shalt  }
0x4a: {  	_ =	shalt  }
0x4b: {  	_ =	shalt  }
0x4c: {  	_ =	shalt  }
0x4d: {  	_ =	shalt  }
0x4e: {  	_ =	shalt  }
0x4f: {  	_ =	shalt  }
0x50: {  	_ =	shalt  }
0x51: {  	_ =	shalt  }
0x52: {  	_ =	shalt  }
0x53: {  	_ =	shalt  }
0x54: {  	_ =	shalt  }
0x55: {  	_ =	shalt  }
0x56: {  	_ =	shalt  }
0x57: {  	_ =	shalt  }
0x58: {  	_ =	shalt  }
0x59: {  	_ =	shalt  }
0x5a: {  	_ =	shalt  }
0x5b: {  	_ =	shalt  }
0x5c: {  	_ =	shalt  }
0x5d: {  	_ =	shalt  }
0x5e: {  	_ =	shalt  }
0x5f: {  	_ =	shalt  }
0x60: {  	_ =	shalt  }
0x61: {  	_ =	shalt  }
0x62: {  	_ =	shalt  }
0x63: {  	_ =	shalt  }
0x64: {  	_ =	shalt  }
0x65: {  	_ =	shalt  }
0x66: {  	_ =	shalt  }
0x67: {  	_ =	shalt  }
0x68: {  	_ =	shalt  }
0x69: {  	_ =	shalt  }
0x6a: {  	_ =	shalt  }
0x6b: {  	_ =	shalt  }
0x6c: {  	_ =	shalt  }
0x6d: {  	_ =	shalt  }
0x6e: {  	_ =	shalt  }
0x6f: {  	_ =	shalt  }
0x70: {  	_ =	shalt  }
0x71: {  	_ =	shalt  }
0x72: {  	_ =	shalt  }
0x73: {  	_ =	shalt  }
0x74: {  	_ =	shalt  }
0x75: {  	_ =	shalt  }
0x76: {  	_ =	shalt  }
0x77: {  	_ =	shalt  }
0x78: {  	_ =	shalt  }
0x79: {  	_ =	shalt  }
0x7a: {  	_ =	shalt  }
0x7b: {  	_ =	shalt  }
0x7c: {  	_ =	shalt  }
0x7d: {  	_ =	shalt  }
0x7e: {  	_ =	shalt  }
0x7f: {  	_ =	shalt  }
0x80: {  	_ =	shalt  }
0x81: {  	_ =	shalt  }
0x82: {  	_ =	shalt  }
0x83: {  	_ =	shalt  }
0x84: {  	_ =	shalt  }
0x85: {  	_ =	shalt  }
0x86: {  	_ =	shalt  }
0x87: {  	_ =	shalt  }
.Lfunc_end0:
.L_simem_size_0:
called_computation.4_lowered:
.L_overlay_start_0:
0x88: {  	s2 =	sld [smem:$0x3FD9]  }
0x89: {  	s3 =	sld [smem:$0x3FFE];
	_ =	sdelay $0x1  }
0x8a: {  	s1 =	srdreg.scid  }
0x8b: {  	s0 =	sand.u32 $0x1, s1  }
0x8c: {  	s17 =	sshll.u32 s0, $0xA;
	s2 =	sadd.s32 s3, s2  }
0x8d: {  	s2 =	sadd.s32 s2, s17  }
0x8e: {  	[smem:$0x3FC3] =	sst s2  }
0x8f: {  	_ = 	snop  }
0x90: {  	s18 =	sld [smem:$0x3FC8];
	(tm) =	ssettm $0x1  }
0x91: {  	s19 =	sld [smem:$0x3FFB];
	_ =	sdelay $0x3  }
0x92: {  	_ =	strace s19  }
0x93: {  	s2 =	sld [smem:$0x3FFC];
	_ =	sdelay $0x3  }
0x94: {  	_ =	strace s2  }
0x95: {  	s2 =	sld [smem:$0x3FFD];
	_ =	sdelay $0x3  }
0x96: {  	_ =	strace s2  }
0x97: {  	_ =	strace $0x8FFFFFFF  }
0x98: {  	s20 =	sld [smem:$0x3FDB];
	_ =	sdelay $0x1  }
0x99: {  	s4 =	simm.s32 $_scs_section_size  }
0x9a: {  	s5 =	simm.s32 $_size__tile_overlayer_lowered;
	s6 =	simm.s32 $_tile_overlayer_lowered  }
0x9b: {  	s7 =	simm.s32 $0x1BFF;
	s21 =	sshll.u32 s6, $0x1;
	s4 =	sadd.s32 s4, s20  }
0x9c: {  	s22 =	simm.s32 $0x0;
	s5 =	sshll.u32 s5, $0x1;
	s6 =	sadd.s32 s21, s4  }
0x9d: {  	[timem:s22], [sflag:s7] =	dma.local [hbm:s6], s5  }
0x9e: {  	_ =	swait.ge [sflag:s7], s5  }
0x9f: {  	s5 =	ssub.s32 $0x0, s5;
	[sflag:s7] =	ssyncset.done $0x0  }
0xa0: {  	[sflag:s7] =	ssyncadd.s32 s5;
	_ =	sdelay $0x1  }
0xa1: {  	s23 =	simm.s32 $0x1B8B  }
0xa2: {  	_ =	swait.ge [sflag:s23], $0x1  }
0xa3: {  	[sflag:s23] =	ssyncset.done $0x0  }
0xa4: {  	[sflag:s23] =	ssyncadd.s32 $0xFFFFFFFF  }
0xa5: {  	s5 =	sld [smem:$0x0]  }
0xa6: {  	s6 =	sand.u32 $0xFFFFFFFE, s1  }
0xa7: {  	p0 =	sne.s32 s1, s6  }
0xa8: {  	s6 =	sshll.u32 @p0 s6, $0xE  }
0xa9: {  	s6 =	sadd.s32 @p0 $0x11B8D, s6;
	s7 =	sshll.u32 @p0 s5, $0x11  }
0xaa: {  	s6 =	sor.u32 @p0 s7, s6  }
0xab: {  	[sflag:s6] =	ssyncadd.remote.s32 @p0 $0x1;
	_ =	sdelay $0x1  }
0xac: {  	s6 =	simm.s32 @p0 $0x1B8D  }
0xad: {  	_ =	swait.eq @p0 [sflag:s6], $0x1  }
0xae: {  	[sflag:s6] =	ssyncadd.s32 @p0 $0xFFFFFFFF  }
0xaf: {  	s7 =	sshll.u32 @!p0 s1, $0xE  }
0xb0: {  	s7 =	sor.u32 @!p0 $0x4000, s7;
	s6 =	simm.s32 @!p0 $0x1B8D  }
0xb1: {  	s5 =	sshll.u32 @!p0 s5, $0x11;
	s7 =	sadd.s32 @!p0 $0x11B8D, s7;
	_ =	swait.eq @!p0 [sflag:s6], $0x1  }
0xb2: {  	s5 =	sor.u32 @!p0 s5, s7;
	[sflag:s6] =	ssyncadd.s32 @!p0 $0xFFFFFFFF  }
0xb3: {  	s25 =	simm.s32 $0x1B8E;
	s24 =	sld [smem:$0x3FFE];
	[sflag:s5] =	ssyncadd.remote.s32 @!p0 $0x1  }
0xb4: {  	s26 =	simm.s32 $execute0_lowered;
	[smem:$0x3FD2] =	sst s25  }
0xb5: {  	s6 =	sshll.u32 s26, $0x1;
	_ =	strace $0x8000006E;
	[dreg:$0x1] =	wrdreg $0xFFFFFFFF  }
0xb6: {  	s28 =	simm.s32 $_size_execute0_lowered;
	s4 =	sadd.s32 s4, s6;
	[dreg:$0x0] =	wrdreg $0x0  }
0xb7: {  	s6 =	sshll.u32 s28, $0x1;
	[dreg:$0x2] =	wrdreg s4  }
0xb8: {  	[dreg:$0x3] =	wrdreg s6  }
0xb9: {  	[dreg:$0x4] =	wrdreg $0xC0  }
0xba: {  	_ =	task [dreg:s22], $0x5FFFF  }
0xbb: {  	[dreg:$0x1] =	wrdreg $0xFFFFFFFF  }
0xbc: {  	[dreg:$0x0] =	wrdreg $0x60  }
0xbd: {  	[dreg:$0x2] =	wrdreg s18  }
0xbe: {  	[dreg:$0x3] =	wrdreg s24  }
0xbf: {  	[dreg:$0x4] =	wrdreg $0xD  }
0xc0: {  	_ =	task.clear_ibuf [dreg:s22], $0x5FFFF;
	_ =	strace $0x9000006E  }
0xc1: {  	s29 =	simm.s32 $0xD;
	_ =	strace $0x80000077  }
0xc2: {  	_ =	swait.ge [sflag:s29], $0x1  }
0xc3: {  	[sflag:s29] =	ssyncadd.s32 $0xFFFFFFFF  }
0xc4: {  	_ =	strace $0x90000077  }
0xc5: {  	_ =	sfence  }
0xc6: {  	s30 =	sld [smem:$0x0];
	_ =	sdelay $0x2  }
0xc7: {  	s31 =	sshll.u32 s1, $0xD;
	s1 =	sshrl.u32 s1, $0x2  }
0xc8: {  	s4 =	sand.u32 $0x4000, s31;
	s1 =	sadd.s32 s1, s30  }
0xc9: {  	s0 =	sor.u32 s4, s0;
	s1 =	sshll.u32 s1, $0x11  }
0xca: {  	s0 =	sor.u32 s1, s0  }
0xcb: {  	s0 =	sadd.s32 $0x8F2B, s0  }
0xcc: {  	[sflag:s0] =	ssyncadd.remote.s32 $0x1  }
0xcd: {  	_ =	sfence.sel $0xFFFF  }
0xce: {  	[dreg:$0x0] =	wrdreg $0xFFFFFFFF;
	(pc) =	sbr.abs _section_cstart, $3  }
0xcf: {  	[dreg:$0x1] =	wrdreg $0xFFFFFFFF  }
0xd0: {  	_ =	task.clear_ibuf [dreg:s22], $0x2FFFF;
	_ =	strace $0x9FFFFFFF  }
0xd1: {  	(tm) =	ssettm $0x7FFFFFFF  }
tec
execute0_lowered:
.L_overlay_start_1:
0x0: {  	(tag) =	ssettag $0x1  }
0x1: {  	s0 =	srdreg.scid;
	s2 =	rddreg [dreg:$0x0]  }
0x2: {  	s6 =	rddreg [dreg:$0x1];
	s1 =	stileid.u32;
	s3 =	simm.s32 $0x0  }
0x3: {  	s11 =	simm.s32 $0x5;
	s12 =	simm.s32 $0x3;
	s5 =	sand.u32 $0x1, s0  }
0x4: {  	s13 =	simm.s32 $0x0;
	s0 =	rddreg [dreg:$0x2];
	s4 =	sshll.u32 s5, $0x4  }
0x5: {  	[smem:$0x7FF] =	sst s3;
	s9 =	ssub.s32 $0x2, s5;
	s7 =	sor.u32 s1, s4  }
0x6: {  	_ =	strace $0x8000006F;
	s31 =	sshrl.u32 s9, $0x1;
	s8 =	smul.u32 $0x28, s7  }
0x7: {  	v2 =	vlaneseq.u32;
	s5 =	sadd.s32 $0x3C4400, s6;
	s4 =	sadd.s32 $0x2800, s6;
	s10 =	ssub.s32 s9, s31  }
0x8: {  	vm0 =	vmmov $0xffff;
	v1 =	vshrl.u32 v2, $0x3;
	s6 =	smul.u32 $0x5, s7;
	s9 =	sadd.s32 $0x200, s2;
	s8 =	sand.u32 $0x7F0, s8  }
0x9: {  	v0 =	vand.u32 $0x7, v2;
	v2 =	vor.u32 $0x8, v2;
	v1 =	vmul.u32 $0x8, v1;
	s10 =	smax.u32 s10, $0x1;
	s7 =	sadd.s32 s4, s8;
	s8 =	sadd.s32 $0x100, s2  }
.LBB2_1:
0xa: {  	_ =	strace $0x80000070;
	s14 =	simm.s32 $0x4  }
0xb: {  	s20 =	simm.s32 $0x0;
	s15 =	simm.s32 $0x0;
	s16 =	simm.s32 $0x0  }
0xc: {  	[tilespmem:s3], [sflag:$0x1] =	stream.linear.gather [hbm4b:s7+s3], $0x80, $0x200038;
	[tilespmem:$0x18100] =	vst v63  }
0xd: {  	s17 =	simm.s32 $0x0;
	s18 =	simm.s32 $0x1;
	_ =	strace $0x90000070  }
.LBB2_2:
0xe: {  	s21 =	sadd.s32 s6, s20;
	s19 =	sadd.s32 $0x1, s20  }
0xf: {  	s22 =	sshrl.u32 s21, $0x1F;
	p0 =	seq.s32 s19, $0x5  }
0x10: {  	p2 =	slt.s32 s21, $0x1;
	s23 =	sadd.s32 s22, s21;
	s19 =	simm.s32 @p0 $0x0  }
0x11: {  	s22 =	sand.u32 $0xFFFFFFFE, s23;
	s24 =	sadd.s32 s6, s19;
	s23 =	sshra.s32 s23, $0x1  }
0x12: {  	p1 =	sne.s32 s21, s22;
	s25 =	sand.u32 $0x1, s24;
	p3 =	slt.s32 s24, $0x1  }
0x13: {  	s26 =	sshrl.u32 s24, $0x1F;
	p0 =	por !p2, !p1;
	p2 =	seq.s32 s25, $0x1  }
0x14: {  	s25 =	simm.s32 $0x1;
	s24 =	sadd.s32 s26, s24;
	p1 =	por !p3, !p2  }
0x15: {  	s26 =	simm.s32 $0x1;
	p0 =	por !p0, !p0;
	p1 =	por !p1, !p1  }
0x16: {  	s24 =	sshra.s32 s24, $0x1;
	s25 =	simm.s32 @!p0 $0x0;
	s26 =	simm.s32 @!p1 $0x0  }
0x17: {  	s23 =	ssub.s32 s23, s25;
	s24 =	ssub.s32 s24, s26  }
0x18: {  	p4 =	sne.s32 s14, $0x0;
	p0 =	sne.s32 s23, s24  }
0x19: {  	p2 =	seq.s32 s20, $0x0;
	s25 =	sadd.s32 $0xFFFFFFFF, s20;
	p1 =	por !p4, !p0  }
0x1a: {  	s25 =	simm.s32 @p2 $0x4;
	p1 =	por !p1, !p1  }
0x1b: {  	s25 =	sadd.s32 s6, s25;
	s26 =	sand.u32 @p1 $0x1, s18;
	s24 =	sshll.u32 @p1 s24, $0x4  }
0x1c: {  	_ =	strace @p1 $0x80000071;
	s29 =	simm.s32 @p1 $0x0;
	s24 =	sand.u32 @p1 $0x1FFFFFF0, s24  }
0x1d: {  	s28 =	sshll.u32 @p1 s26, $0x7;
	s26 =	sadd.s32 @p1 $0x1, s26;
	s24 =	sadd.s32 @p1 s4, s24  }
0x1e: {  	[tilespmem:s28], [sflag:s26] =	stream.linear.gather @p1 [hbm4b:s24+s29], $0x80, $0x200038;
	[tilespmem:$0x18100] =	vst v63  }
0x1f: {  	s26 =	sand.u32 $0x1, s25  }
0x20: {  	p5 =	slt.s32 s25, $0x1;
	p3 =	seq.s32 s26, $0x1  }
0x21: {  	s28 =	sshrl.u32 s25, $0x1F;
	p2 =	por !p5, !p3  }
0x22: {  	s24 =	sadd.s32 s28, s25;
	s25 =	simm.s32 $0x1;
	p2 =	por !p2, !p2  }
0x23: {  	s24 =	sshra.s32 s24, $0x1;
	s25 =	simm.s32 @!p2 $0x0  }
0x24: {  	p2 =	seq.s32 s14, $0x4;
	s24 =	ssub.s32 s24, s25  }
0x25: {  	p3 =	seq.s32 @!p2 s23, s24  }
0x26: {  	p3 =	por p2, !p3  }
0x27: {  	_ =	strace @p1 $0x90000071;
	s23 =	sand.u32 @p3 $0x1, s17  }
0x28: {  	_ =	strace @p3 $0x80000072;
	s23 =	sadd.s32 @p3 $0x1, s23  }
0x29: {  	_ =	swait.ge @p3 [sflag:s23], $0x80  }
0x2a: {  	s22 =	ssub.s32 s21, s22;
	[sflag:s23] =	ssyncset.done @p3 $0x0  }
0x2b: {  	s22 =	sshll.u32 s22, $0x6;
	s29 =	sshll.u32 s17, $0x7;
	[sflag:s23] =	ssyncadd.s32 @p3 $0xFFFFFF80  }
0x2c: {  	s22 =	sand.u32 $0x40, s22;
	s23 =	sand.u32 $0x80, s29;
	_ =	strace @p3 $0x90000072  }
0x2d: {  	s25 =	sor.u32 s22, s23;
	_ =	strace $0x80000073  }
0x2e: {  	v3 =	vld [tilespmem:s25+$0x0];
	_ =	sdelay $0x4  }
0x2f: {  	v4 =	vshrl.u32 v3, $0x3  }
0x30: {  	v4 =	vmul.u32 $0x30, v4  }
0x31: {  	v3 =	vand.u32 $0x7, v3  }
0x32: {  	v3 =	vor.u32 v3, v4  }
0x33: {  	v4 =	vperm.xlane v3, v0;
	_ =	sdelay $0x1  }
0x34: {  	s22 =	sand.u32 $0x1, s16;
	v4 =	vadd.s32 v1, v4  }
0x35: {  	s30 =	smul.u32 $0x30000, s22;
	_ =	sdelay $0x1  }
0x36: {  	s24 =	sshrl.u32 s30, $0x2  }
0x37: {  	s23 =	sor.u32 $0x100, s24;
	v3 =	vperm.xlane v3, v2  }
0x38: {  	[tilespmem:s23], [sflag:$0x5] =	stream.indirect_vreg.gather [hbm4b:s2+s3], $0x80, v4, vm0, $0x2000b8;
	[tilespmem:$0x18100] =	vst v63  }
0x39: {  	s31 =	sor.u32 $0x900, s24;
	v3 =	vadd.s32 v1, v3  }
0x3a: {  	[tilespmem:s31], [sflag:$0x5] =	stream.indirect_vreg.gather [hbm4b:s8+s3], $0x80, v4, vm0, $0x2000b8;
	[tilespmem:$0x18100] =	vst v63  }
0x3b: {  	s28 =	sor.u32 $0x1100, s24  }
0x3c: {  	[tilespmem:s28], [sflag:$0x5] =	stream.indirect_vreg.gather [hbm4b:s9+s3], $0x80, v4, vm0, $0x2000b8;
	[tilespmem:$0x18100] =	vst v63  }
0x3d: {  	s29 =	sor.u32 $0x1900, s24  }
0x3e: {  	[tilespmem:s29], [sflag:$0x5] =	stream.indirect_vreg.gather [hbm4b:s2+s3], $0x80, v3, vm0, $0x2000b8;
	[tilespmem:$0x18100] =	vst v63  }
0x3f: {  	s30 =	sor.u32 $0x2100, s24  }
0x40: {  	[tilespmem:s30], [sflag:$0x5] =	stream.indirect_vreg.gather [hbm4b:s8+s3], $0x80, v3, vm0, $0x2000b8;
	[tilespmem:$0x18100] =	vst v63  }
0x41: {  	s31 =	sor.u32 $0x2900, s24  }
0x42: {  	[tilespmem:s31], [sflag:$0x5] =	stream.indirect_vreg.gather [hbm4b:s9+s3], $0x80, v3, vm0, $0x2000b8;
	[tilespmem:$0x18100] =	vst v63  }
0x43: {  	v3 =	vld [tilespmem:s25+$0x10];
	_ =	sdelay $0x4  }
0x44: {  	v61 =	vshrl.u32 v3, $0x3  }
0x45: {  	v4 =	vmul.u32 $0x30, v61  }
0x46: {  	v3 =	vand.u32 $0x7, v3  }
0x47: {  	v3 =	vor.u32 v3, v4  }
0x48: {  	v4 =	vperm.xlane v3, v0;
	_ =	sdelay $0x1  }
0x49: {  	v4 =	vadd.s32 v1, v4;
	_ =	sdelay $0x3  }
0x4a: {  	s28 =	sor.u32 $0x3100, s24;
	v3 =	vperm.xlane v3, v2  }
0x4b: {  	[tilespmem:s28], [sflag:$0x5] =	stream.indirect_vreg.gather [hbm4b:s2+s3], $0x80, v4, vm0, $0x2000b8;
	[tilespmem:$0x18100] =	vst v63  }
0x4c: {  	s29 =	sor.u32 $0x3900, s24;
	v3 =	vadd.s32 v1, v3  }
0x4d: {  	[tilespmem:s29], [sflag:$0x5] =	stream.indirect_vreg.gather [hbm4b:s8+s3], $0x80, v4, vm0, $0x2000b8;
	[tilespmem:$0x18100] =	vst v63  }
0x4e: {  	s30 =	sadd.s32 $0x4100, s24  }
0x4f: {  	[tilespmem:s30], [sflag:$0x5] =	stream.indirect_vreg.gather [hbm4b:s9+s3], $0x80, v4, vm0, $0x2000b8;
	[tilespmem:$0x18100] =	vst v63  }
0x50: {  	s31 =	sadd.s32 $0x4900, s24  }
0x51: {  	[tilespmem:s31], [sflag:$0x5] =	stream.indirect_vreg.gather [hbm4b:s2+s3], $0x80, v3, vm0, $0x2000b8;
	[tilespmem:$0x18100] =	vst v63  }
0x52: {  	s28 =	sadd.s32 $0x5100, s24  }
0x53: {  	[tilespmem:s28], [sflag:$0x5] =	stream.indirect_vreg.gather [hbm4b:s8+s3], $0x80, v3, vm0, $0x2000b8;
	[tilespmem:$0x18100] =	vst v63  }
0x54: {  	s29 =	sadd.s32 $0x5900, s24  }
0x55: {  	[tilespmem:s29], [sflag:$0x5] =	stream.indirect_vreg.gather [hbm4b:s9+s3], $0x80, v3, vm0, $0x2000b8;
	[tilespmem:$0x18100] =	vst v63  }
0x56: {  	v3 =	vld [tilespmem:s25+$0x20];
	_ =	sdelay $0x4  }
0x57: {  	v62 =	vshrl.u32 v3, $0x3  }
0x58: {  	v4 =	vmul.u32 $0x30, v62  }
0x59: {  	v3 =	vand.u32 $0x7, v3  }
0x5a: {  	v3 =	vor.u32 v3, v4  }
0x5b: {  	v4 =	vperm.xlane v3, v0;
	_ =	sdelay $0x1  }
0x5c: {  	v4 =	vadd.s32 v1, v4;
	_ =	sdelay $0x3  }
0x5d: {  	s30 =	sadd.s32 $0x6100, s24;
	v3 =	vperm.xlane v3, v2  }
0x5e: {  	[tilespmem:s30], [sflag:$0x5] =	stream.indirect_vreg.gather [hbm4b:s2+s3], $0x80, v4, vm0, $0x2000b8;
	[tilespmem:$0x18100] =	vst v63  }
0x5f: {  	s31 =	sadd.s32 $0x6900, s24;
	v3 =	vadd.s32 v1, v3  }
0x60: {  	[tilespmem:s31], [sflag:$0x5] =	stream.indirect_vreg.gather [hbm4b:s8+s3], $0x80, v4, vm0, $0x2000b8;
	[tilespmem:$0x18100] =	vst v63  }
0x61: {  	s28 =	sadd.s32 $0x7100, s24  }
0x62: {  	[tilespmem:s28], [sflag:$0x5] =	stream.indirect_vreg.gather [hbm4b:s9+s3], $0x80, v4, vm0, $0x2000b8;
	[tilespmem:$0x18100] =	vst v63  }
0x63: {  	s29 =	sadd.s32 $0x7900, s24  }
0x64: {  	[tilespmem:s29], [sflag:$0x5] =	stream.indirect_vreg.gather [hbm4b:s2+s3], $0x80, v3, vm0, $0x2000b8;
	[tilespmem:$0x18100] =	vst v63  }
0x65: {  	s30 =	sadd.s32 $0x8100, s24  }
0x66: {  	[tilespmem:s30], [sflag:$0x5] =	stream.indirect_vreg.gather [hbm4b:s8+s3], $0x80, v3, vm0, $0x2000b8;
	[tilespmem:$0x18100] =	vst v63  }
0x67: {  	s31 =	sadd.s32 $0x8900, s24  }
0x68: {  	[tilespmem:s31], [sflag:$0x5] =	stream.indirect_vreg.gather [hbm4b:s9+s3], $0x80, v3, vm0, $0x2000b8;
	[tilespmem:$0x18100] =	vst v63  }
0x69: {  	v3 =	vld [tilespmem:s25+$0x30];
	_ =	sdelay $0x4  }
0x6a: {  	v63 =	vshrl.u32 v3, $0x3  }
0x6b: {  	v4 =	vmul.u32 $0x30, v63  }
0x6c: {  	v3 =	vand.u32 $0x7, v3  }
0x6d: {  	v3 =	vor.u32 v3, v4  }
0x6e: {  	v4 =	vperm.xlane v3, v0;
	_ =	sdelay $0x1  }
0x6f: {  	v4 =	vadd.s32 v1, v4;
	_ =	sdelay $0x3  }
0x70: {  	s26 =	sadd.s32 $0x9100, s24;
	v3 =	vperm.xlane v3, v2  }
0x71: {  	[tilespmem:s26], [sflag:$0x5] =	stream.indirect_vreg.gather [hbm4b:s2+s3], $0x80, v4, vm0, $0x2000b8;
	[tilespmem:$0x18100] =	vst v63  }
0x72: {  	s28 =	sadd.s32 $0x9900, s24;
	v3 =	vadd.s32 v1, v3  }
0x73: {  	[tilespmem:s28], [sflag:$0x5] =	stream.indirect_vreg.gather [hbm4b:s8+s3], $0x80, v4, vm0, $0x2000b8;
	[tilespmem:$0x18100] =	vst v63  }
0x74: {  	s29 =	sadd.s32 $0xA100, s24  }
0x75: {  	[tilespmem:s29], [sflag:$0x5] =	stream.indirect_vreg.gather [hbm4b:s9+s3], $0x80, v4, vm0, $0x2000b8;
	[tilespmem:$0x18100] =	vst v63  }
0x76: {  	s30 =	sadd.s32 $0xA900, s24  }
0x77: {  	[tilespmem:s30], [sflag:$0x5] =	stream.indirect_vreg.gather [hbm4b:s2+s3], $0x80, v3, vm0, $0x2000b8;
	[tilespmem:$0x18100] =	vst v63  }
0x78: {  	s31 =	sadd.s32 $0xB100, s24  }
0x79: {  	[tilespmem:s31], [sflag:$0x5] =	stream.indirect_vreg.gather [hbm4b:s8+s3], $0x80, v3, vm0, $0x2000b8;
	[tilespmem:$0x18100] =	vst v63  }
0x7a: {  	p6 =	seq.s32 s14, $0x0;
	p4 =	sne.s32 s20, s19;
	s24 =	sadd.s32 $0xB900, s24  }
0x7b: {  	[tilespmem:s24], [sflag:$0x5] =	stream.indirect_vreg.gather [hbm4b:s9+s3], $0x80, v3, vm0, $0x2000b8;
	[tilespmem:$0x18100] =	vst v63  }
0x7c: {  	p4 =	por p6, p4;
	_ =	swait.ge [sflag:s11], $0xC000  }
0x7d: {  	s20 =	smul.u32 @p4 $0x1800, s21;
	[sflag:s11] =	ssyncset.done $0x0  }
0x7e: {  	[sflag:s11] =	ssyncadd.s32 $0xFFFF4000  }
0x7f: {  	s20 =	sadd.s32 @p4 s5, s20;
	_ =	strace $0x90000073  }
0x80: {  	s21 =	sadd.s32 @p4 $0x3, s22;
	s22 =	simm.s32 @p4 $0x0;
	_ =	strace @p4 $0x80000074  }
0x81: {  	[hbm4b:s20+s22] =	stream.linear.scatter @p4 [tilespmem:s23], [sflag:s21], $0xC000, $0x200038;
	[tilespmem:$0x18100] =	vst v63  }
0x82: {  	s21 =	sand.u32 @!p2 $0x1, s15;
	_ =	strace @p4 $0x90000074  }
0x83: {  	s21 =	sadd.s32 @!p2 $0x3, s21;
	_ =	strace @!p2 $0x80000075  }
0x84: {  	p0 =	por p6, p0;
	s20 =	simm.s32 $0x1;
	_ =	swait.ge @!p2 [sflag:s21], $0xC000  }
0x85: {  	s20 =	simm.s32 @!p1 $0x0;
	p1 =	sne.s32 s14, $0x4;
	[sflag:s21] =	ssyncset.done @!p2 $0x0  }
0x86: {  	s14 =	sadd.s32 $0xFFFFFFFF, s14;
	[sflag:s21] =	ssyncadd.s32 @!p2 $0xFFFF4000;
	s21 =	simm.s32 $0x1  }
0x87: {  	s21 =	simm.s32 @!p0 $0x0;
	p0 =	sne.s32 s14, $0xFFFFFFFF  }
.Ltmp0:
0x88: {  	_ = 	snop;
	(pc) =	sbr.rel @p0 .LBB2_2-.Ltmp0, $4  }
0x89: {  	s22 =	simm.s32 $0x1;
	s18 =	sadd.s32 s20, s18;
	s20 =	simm.s32 $0x1  }
0x8a: {  	s22 =	simm.s32 @!p4 $0x0;
	s20 =	simm.s32 @!p1 $0x0  }
0x8b: {  	s16 =	sadd.s32 s22, s16;
	s15 =	sadd.s32 s20, s15  }
0x8c: {  	s20 =	smov.u32 s19;
	_ =	strace @!p2 $0x90000075;
	s17 =	sadd.s32 s21, s17  }
0x8d: {  	s13 =	sadd.s32 $0x1, s13  }
0x8e: {  	p0 =	sne.s32 s13, s10  }
.Ltmp1:
0x8f: {  	_ =	strace $0x80000076;
	(pc) =	sbr.rel @p0 .LBB2_1-.Ltmp1, $4  }
0x90: {  	_ =	swait.ge [sflag:s12], $0xC000  }
0x91: {  	[sflag:s12] =	ssyncset.done $0x0  }
0x92: {  	[sflag:s12] =	ssyncadd.s32 $0xFFFF4000  }
0x93: {  	_ =	strace $0x90000076  }
0x94: {  	_ =	sfence.sel $0x180000  }
0x95: {  	[bflag:$0x0] =	sbarrier.arrive $0xFFFF  }
0x96: {  	p0 =	sne.s32 s1, $0x0;
	_ =	strace $0x9000006F  }
0x97: {  	s0 =	sadd.s32 @!p0 $0x100000, s0;
	[bflag:$0x2] =	sbarrier.arrive $0xFFFF  }
0x98: {  	[sflag:s0] =	ssyncadd.tile.s32 @!p0 $0x1;
	_ =	shalt  }
.Lfunc_end2:
_tile_overlayer_lowered:
.L_overlay_start_2:
0x99: {  	(tag) =	ssettag $0x2  }
0x9a: {  	s0 =	rddreg [dreg:$0x0];
	s2 =	stileid.u32  }
0x9b: {  	s1 =	rddreg [dreg:$0x1];
	p0 =	sne.s32 s2, $0x0  }
0x9c: {  	s3 =	rddreg [dreg:$0x2];
	[bflag:$0x3] =	sbarrier.arrive $0xFFFF;
	s2 =	simm.s32 @!p0 $0x1C01  }
0x9d: {  	[timem:s3], [sflag:s2] =	dma.local @!p0 [hbm:s0], s1  }
0x9e: {  	s0 =	simm.s32 @!p0 $0x1  }
0x9f: {  	_ =	swait.ge @!p0 [sflag:s0], s1  }
0xa0: {  	s1 =	ssub.s32 @!p0 $0x0, s1;
	[sflag:s0] =	ssyncset.done @!p0 $0x0  }
0xa1: {  	[sflag:s0] =	ssyncadd.s32 @!p0 s1  }
0xa2: {  	[bflag:$0x3] =	sbarrier.arrive $0xFFFF  }
0xa3: {  	_ =	shalt  }

</sc_bundles>
